<compile_context>
chip_gen: v7x
topology: tpu7x:2x2x1
jax: 0.10.2.dev20260603
libtpu: 0.0.44.dev20260713+nightly
codegen_flags: <defaults>
</compile_context>

<pallas_src>
import functools

import jax
import jax.numpy as jnp
from jax import lax
from jax.experimental import pallas as pl
from jax.experimental.pallas import tpu as pltpu
from jax.experimental.pallas import tpu_sc as plsc

NN = 10000
NP = 10240
EE = 320000
EROWS = 2560
EPAD = EROWS * 128
EMB_D = 64
HID = 128
NG = 16
NCLS = 32
NSC = 2
VOC = 100000


def _sc_deg_emb_body(col_hbm, x_hbm, emb2_hbm, deg_out, h_out,
                     deg_sh, cidx, ones_v, stage_v, xidx, rows_v, rows_v2, sem, sem2):
    c = lax.axis_index("c")
    s = lax.axis_index("s")

    @pl.when(c == 0)
    def _():
        z16 = jnp.zeros((16,), jnp.float32)
        o16 = jnp.ones((16,), jnp.float32)

        def zb(i, carry):
            stage_v[pl.ds(i * 16, 16)] = z16
            return carry

        lax.fori_loop(0, 40, zb, 0)

        def ob(i, carry):
            ones_v[pl.ds(i * 16, 16)] = o16
            return carry

        lax.fori_loop(0, 8, ob, 0)
        pltpu.sync_copy(stage_v, deg_sh.at[pl.ds(s * 640, 640)])

    plsc.subcore_barrier()

    @pl.when(c == 0)
    def _():
        pltpu.sync_copy(col_hbm.at[pl.ds(s * 160, 160)], cidx)

        def body(j, carry):
            pltpu.sync_copy(ones_v, deg_sh.at[cidx.at[j]], add=True)
            return carry

        lax.fori_loop(0, 160, body, 0)

    @pl.when(c == 1)
    def _():
        pltpu.sync_copy(x_hbm.at[pl.ds(s * 8, 8)], xidx)
        pltpu.async_copy(emb2_hbm.at[xidx.at[0]], rows_v, sem)
        pltpu.async_copy(emb2_hbm.at[xidx.at[1]], rows_v2, sem2)

        def body(i, carry):
            j2 = i * 2
            pltpu.make_async_copy(emb2_hbm.at[pl.ds(0, 80)], rows_v, sem).wait()
            pltpu.sync_copy(rows_v, h_out.at[pl.ds(s * 640 + j2 * 80, 80)])

            @pl.when(j2 + 2 < 8)
            def _():
                pltpu.async_copy(emb2_hbm.at[xidx.at[j2 + 2]], rows_v, sem)

            pltpu.make_async_copy(emb2_hbm.at[pl.ds(0, 80)], rows_v2, sem2).wait()
            pltpu.sync_copy(rows_v2, h_out.at[pl.ds(s * 640 + (j2 + 1) * 80, 80)])

            @pl.when(j2 + 3 < 8)
            def _():
                pltpu.async_copy(emb2_hbm.at[xidx.at[j2 + 3]], rows_v2, sem2)

            return carry

        lax.fori_loop(0, 4, body, 0)

    plsc.subcore_barrier()

    @pl.when(c == 0)
    def _():
        pltpu.sync_copy(deg_sh.at[pl.ds(s * 640, 640)], stage_v)
        pltpu.sync_copy(stage_v, deg_out.at[pl.ds(s * 640, 640)])


def _sc_scatter_body(xs_hbm, row_hbm, col_hbm, z_hbm, out_hbm, acc_sh,
                     ridx, cidx, m0, m1, m2, m3,
                     g0, g1, g2, g3, s0, s1, s2, s3):
    c = lax.axis_index("c")
    s = lax.axis_index("s")
    bufs = (m0, m1, m2, m3)
    gsem = (g0, g1, g2, g3)
    ssem = (s0, s1, s2, s3)

    pltpu.sync_copy(z_hbm, acc_sh.at[pl.ds(s * 640, 640)])

    base = (c * 16 + s) * 160
    plsc.subcore_barrier()

    def gissue(j, b):
        pltpu.async_copy(xs_hbm.at[ridx.at[j]], bufs[b], gsem[b])

    def gwait(b):
        pltpu.make_async_copy(xs_hbm.at[pl.ds(0, 64)], bufs[b], gsem[b]).wait()

    def sissue(j, b):
        pltpu.async_copy(bufs[b], acc_sh.at[cidx.at[j]], ssem[b], add=True)

    def swait(b):
        pltpu.make_async_copy(bufs[b], acc_sh.at[pl.ds(0, 64)], ssem[b]).wait()

    for qtr in range(4):
        hb = base + qtr * 40
        pltpu.sync_copy(row_hbm.at[pl.ds(hb, 40)], ridx)
        pltpu.sync_copy(col_hbm.at[pl.ds(hb, 40)], cidx)
        for t in range(4):
            gissue(t, t)

        def body(k, carry):
            j0 = k * 4
            for t in range(4):
                gwait(t)
                sissue(j0 + t, t)
            for t in range(4):
                swait(t)
                gissue(j0 + 4 + t, t)
            return carry

        lax.fori_loop(0, 9, body, 0)

        for t in range(4):
            gwait(t)
            sissue(36 + t, t)
        for t in range(4):
            swait(t)

    plsc.subcore_barrier()
    pltpu.sync_copy(acc_sh.at[pl.ds(s * 640, 640)],
                    out_hbm.at[pl.ds((c * 16 + s) * 640, 640)])


@functools.cache
def _sc_kernels():
    mesh = plsc.VectorSubcoreMesh(core_axis_name="c", subcore_axis_name="s")
    deg_emb = pl.kernel(
        _sc_deg_emb_body,
        mesh=mesh,
        out_type=(
            jax.ShapeDtypeStruct((NP,), jnp.float32),
            jax.ShapeDtypeStruct((NP, 128), jnp.float32),
        ),
        scratch_types=[
            pltpu.VMEM_SHARED((NP,), jnp.float32),
            pltpu.VMEM((160, 128), jnp.int32),
            pltpu.VMEM((128,), jnp.float32),
            pltpu.VMEM((640,), jnp.float32),
            pltpu.VMEM((8, 80), jnp.int32),
            pltpu.VMEM((80, 128), jnp.float32),
            pltpu.VMEM((80, 128), jnp.float32),
            pltpu.SemaphoreType.DMA,
            pltpu.SemaphoreType.DMA,
        ],
    )
    scatter = pl.kernel(
        _sc_scatter_body,
        mesh=mesh,
        out_type=jax.ShapeDtypeStruct((NSC * NP, HID), jnp.float32),
        scratch_types=[
            pltpu.VMEM_SHARED((NP, HID), jnp.float32),
            pltpu.VMEM((40, 64), jnp.int32),
            pltpu.VMEM((40, 64), jnp.int32),
        ]
        + [pltpu.VMEM((64, HID), jnp.float32) for _ in range(4)]
        + [pltpu.SemaphoreType.DMA for _ in range(8)],
    )
    return deg_emb, scatter



_GRID = 8
_RB = NP // _GRID


def _tc_lin1_body(g, par, deg, w2x, xs_o, dinv_o):
    lane = lax.broadcasted_iota(jnp.int32, (_RB, 128), 1)
    keep = jnp.where((lane < EMB_D) == (par[...] == 0), 1.0, 0.0)
    dinv = lax.rsqrt(deg[...] + 1.0)
    xs_o[...] = jnp.dot(g[...] * keep, w2x[...],
                        preferred_element_type=jnp.float32) * dinv
    dinv_o[...] = dinv


def _tc_lin1(g, par, deg, w2x):
    return pl.pallas_call(
        _tc_lin1_body,
        grid=(_GRID,),
        in_specs=[
            pl.BlockSpec((_RB, 128), lambda i: (i, 0)),
            pl.BlockSpec((_RB, 1), lambda i: (i, 0)),
            pl.BlockSpec((_RB, 1), lambda i: (i, 0)),
            pl.BlockSpec((2 * EMB_D, HID), lambda i: (0, 0)),
        ],
        out_specs=[
            pl.BlockSpec((_RB, HID), lambda i: (i, 0)),
            pl.BlockSpec((_RB, 1), lambda i: (i, 0)),
        ],
        out_shape=[
            jax.ShapeDtypeStruct((NP, HID), jnp.float32),
            jax.ShapeDtypeStruct((NP, 1), jnp.float32),
        ],
    )(g, par, deg, w2x)


def _tc_mid_body(p, xs, dinv, w, b, xs2_o):
    h1 = jnp.maximum((p[0] + p[1] + xs[...]) * dinv[...] + b[...], 0.0)
    xs2_o[...] = jnp.dot(h1, w[...], preferred_element_type=jnp.float32) * dinv[...]


def _tc_mid(p, xs, dinv, w, b):
    return pl.pallas_call(
        _tc_mid_body,
        grid=(_GRID,),
        in_specs=[
            pl.BlockSpec((NSC, _RB, HID), lambda i: (0, i, 0)),
            pl.BlockSpec((_RB, HID), lambda i: (i, 0)),
            pl.BlockSpec((_RB, 1), lambda i: (i, 0)),
            pl.BlockSpec((HID, HID), lambda i: (0, 0)),
            pl.BlockSpec((1, HID), lambda i: (0, 0)),
        ],
        out_specs=pl.BlockSpec((_RB, HID), lambda i: (i, 0)),
        out_shape=jax.ShapeDtypeStruct((NP, HID), jnp.float32),
    )(p, xs, dinv, w, b)


def _tc_fin_body(p, xs, dinv, b, bat, wl, bl_, o):
    h2 = jnp.maximum((p[0] + p[1] + xs[...]) * dinv[...] + b[...], 0.0)
    gids = lax.broadcasted_iota(jnp.int32, (NG, NP), 0)
    onehot = (bat[...] == gids).astype(jnp.float32)
    sums = jnp.dot(onehot, h2, preferred_element_type=jnp.float32)
    cnt = jnp.sum(onehot, axis=1, keepdims=True)
    pooled = sums / jnp.maximum(cnt, 1.0)
    o[...] = jnp.dot(pooled, wl[...], preferred_element_type=jnp.float32) + bl_[...]


def _tc_fin(p, xs, dinv, b, bat, wl, bl_):
    return pl.pallas_call(
        _tc_fin_body,
        out_shape=jax.ShapeDtypeStruct((NG, NCLS), jnp.float32),
    )(p, xs, dinv, b, bat, wl, bl_)


def kernel(x, edge_index, batch, emb, W1, b1, W2, b2, Wl, bl):
    x = x.astype(jnp.int32)
    ei = edge_index.astype(jnp.int32)
    row = jnp.concatenate([ei[0], jnp.zeros((EPAD - EE,), jnp.int32)])
    pad_dst = NN + (jnp.arange(EPAD - EE, dtype=jnp.int32) % (NP - NN))
    col = jnp.concatenate([ei[1], pad_dst])
    row2d = row.reshape(EROWS, 128)
    col2d = col.reshape(EROWS, 128)
    row64 = row.reshape(EROWS * 2, 64)
    col64 = col.reshape(EROWS * 2, 64)
    xp = jnp.concatenate([x, jnp.zeros((NP - NN,), jnp.int32)])
    xpair = (xp >> 1).reshape(NP // 80, 80)
    xpar = (xp & 1).reshape(NP, 1)
    batp = jnp.concatenate(
        [batch.astype(jnp.int32), jnp.full((NP - NN,), NG, jnp.int32)]
    ).reshape(1, NP)
    emb2 = emb.reshape(VOC // 2, 128)
    w2x = jnp.concatenate([W1, W1], axis=0)

    zeros640 = jnp.zeros((640, HID), jnp.float32)
    _sc_deg_emb, _sc_scatter = _sc_kernels()
    deg, g = _sc_deg_emb(col2d, xpair, emb2)
    deg = deg.reshape(NP, 1)
    xs1, dinv = _tc_lin1(g, xpar, deg, w2x)
    p1 = _sc_scatter(xs1, row64, col64, zeros640).reshape(NSC, NP, HID)
    xs2 = _tc_mid(p1, xs1, dinv, W2, b1.reshape(1, HID))
    p2 = _sc_scatter(xs2, row64, col64, zeros640).reshape(NSC, NP, HID)
    return _tc_fin(p2, xs2, dinv, b2.reshape(1, HID), batp, Wl, bl.reshape(1, NCLS))

# --- scband reference (transcript-rebuilt; emitter-appended) ---
"""Pipeline reference for scband-gcn-88648124990133 (READ-ONLY COPY).

The authoritative reference and input builder live on the scoring server;
editing this copy changes nothing except your own understanding.
"""

import jax, jax.numpy as jnp
import numpy as np

N = 10000
E = 320000
VOCAB = 100000
EMB_DIM = 64
HID = 128
CLASSES = 32
NUM_GRAPHS = 16


def setup_inputs(seed: int = 0) -> dict:
    key = jax.random.key(seed)
    ks = jax.random.split(key, 10)
    x = jax.random.randint(ks[0], (N,), 0, VOCAB)
    edge_index = jax.random.randint(ks[1], (2, E), 0, N)
    batch = jnp.sort(jax.random.randint(ks[2], (N,), 0, NUM_GRAPHS))
    emb = jax.random.normal(ks[3], (VOCAB, EMB_DIM), jnp.float32) * 0.05
    W1 = jax.random.normal(ks[4], (EMB_DIM, HID), jnp.float32) * (1.0 / np.sqrt(EMB_DIM))
    b1 = jnp.zeros((HID,), jnp.float32)
    W2 = jax.random.normal(ks[5], (HID, HID), jnp.float32) * (1.0 / np.sqrt(HID))
    b2 = jnp.zeros((HID,), jnp.float32)
    Wl = jax.random.normal(ks[6], (HID, CLASSES), jnp.float32) * (1.0 / np.sqrt(HID))
    bl = jnp.zeros((CLASSES,), jnp.float32)
    return {"x": x, "edge_index": edge_index, "batch": batch, "emb": emb,
            "W1": W1, "b1": b1, "W2": W2, "b2": b2, "Wl": Wl, "bl": bl}


def gcn_conv(x, edge_index, W, b, num_nodes):
    # PyG GCNConv: linear transform, add self-loops, symmetric normalization, sum-aggregate at dst
    x = x @ W
    loop = jnp.arange(num_nodes, dtype=edge_index.dtype)
    row = jnp.concatenate([edge_index[0], loop])  # src
    col = jnp.concatenate([edge_index[1], loop])  # dst
    ones = jnp.ones(row.shape[0], x.dtype)
    deg = jax.ops.segment_sum(ones, col, num_segments=num_nodes)
    dinv = jnp.where(deg > 0, jax.lax.rsqrt(jnp.maximum(deg, 1e-12)), 0.0)
    norm = dinv[row] * dinv[col]
    msg = x[row] * norm[:, None]
    out = jax.ops.segment_sum(msg, col, num_segments=num_nodes)
    return out + b


def reference(x, edge_index, batch, emb, W1, b1, W2, b2, Wl, bl):
    h = jnp.take(emb, x, axis=0)
    h = jax.nn.relu(gcn_conv(h, edge_index, W1, b1, N))
    # dropout is identity in eval mode
    h = jax.nn.relu(gcn_conv(h, edge_index, W2, b2, N))
    # global mean pool over batch segments
    sums = jax.ops.segment_sum(h, batch, num_segments=NUM_GRAPHS)
    cnt = jax.ops.segment_sum(jnp.ones((N, 1), h.dtype), batch, num_segments=NUM_GRAPHS)
    pooled = sums / jnp.maximum(cnt, 1.0)
    return pooled @ Wl + bl

if __name__ == "__main__":
    import jax
    _d = setup_inputs()
    print(jax.jit(kernel)(*tuple(_d.values())))

</pallas_src>

<mosaic_0001>
#map = affine_map<(d0, d1) -> (0, 0)>
module attributes {stable_mosaic.version = 14 : i64} {
  func.func @_sc_scatter_body(%arg0: i32, %arg1: i32, %arg2: memref<10240x128xf32, #tpu.memory_space<hbm>>, %arg3: memref<5120x64xi32, #tpu.memory_space<hbm>>, %arg4: memref<5120x64xi32, #tpu.memory_space<hbm>>, %arg5: memref<640x128xf32, #tpu.memory_space<hbm>>, %arg6: memref<20480x128xf32, #tpu.memory_space<hbm>>, %arg7: memref<10240x128xf32, #tpu.memory_space<vmem_shared>>, %arg8: memref<40x64xi32, #tpu.memory_space<vmem>>, %arg9: memref<40x64xi32, #tpu.memory_space<vmem>>, %arg10: memref<64x128xf32, #tpu.memory_space<vmem>>, %arg11: memref<64x128xf32, #tpu.memory_space<vmem>>, %arg12: memref<64x128xf32, #tpu.memory_space<vmem>>, %arg13: memref<64x128xf32, #tpu.memory_space<vmem>>, %arg14: memref<!tpu.dma_semaphore, #tpu.memory_space<semaphore_mem>>, %arg15: memref<!tpu.dma_semaphore, #tpu.memory_space<semaphore_mem>>, %arg16: memref<!tpu.dma_semaphore, #tpu.memory_space<semaphore_mem>>, %arg17: memref<!tpu.dma_semaphore, #tpu.memory_space<semaphore_mem>>, %arg18: memref<!tpu.dma_semaphore, #tpu.memory_space<semaphore_mem>>, %arg19: memref<!tpu.dma_semaphore, #tpu.memory_space<semaphore_mem>>, %arg20: memref<!tpu.dma_semaphore, #tpu.memory_space<semaphore_mem>>, %arg21: memref<!tpu.dma_semaphore, #tpu.memory_space<semaphore_mem>>) attributes {dimension_semantics = [#tpu.dimension_semantics<core_parallel>, #tpu.dimension_semantics<subcore_parallel>], iteration_bounds = array<i64: 2, 16>, scalar_prefetch = 0 : i64, scratch_operands = 15 : i64, tpu.core_type = #tpu.core_type<sc_vector_subcore>, window_params = [{transform_indices = #map}, {transform_indices = #map}, {transform_indices = #map}, {transform_indices = #map}, {transform_indices = #map}]} {
    %mul3A = arith.constant 640 : i32
    %mul3A_0 = arith.muli %arg1, %mul3A : i32
    "tpu.region"() ({
      %run_scoped3A = tpu.sem_alloc : memref<!tpu.dma_semaphore, #tpu.memory_space<semaphore_mem>>
      %dma_start3A_458 = arith.constant 0 : i32
      %dma_start3A_459 = tpu.memref_slice %arg7[%mul3A_0, %dma_start3A_458] : memref<10240x128xf32, #tpu.memory_space<vmem_shared>> -> memref<640x128xf32, #tpu.memory_space<vmem_shared>>
      tpu.enqueue_dma source(%arg5 : memref<640x128xf32, #tpu.memory_space<hbm>>) target(%dma_start3A_459 : memref<640x128xf32, #tpu.memory_space<vmem_shared>>) target_semaphore(%run_scoped3A : memref<!tpu.dma_semaphore, #tpu.memory_space<semaphore_mem>>)
      %dma_wait3A_460 = arith.constant 0 : i32
      %dma_wait3A_461 = tpu.memref_slice %arg7[%mul3A_0, %dma_wait3A_460] : memref<10240x128xf32, #tpu.memory_space<vmem_shared>> -> memref<640x128xf32, #tpu.memory_space<vmem_shared>>
      tpu.wait_dma2 semaphore(%run_scoped3A : memref<!tpu.dma_semaphore, #tpu.memory_space<semaphore_mem>>) src(%arg5 : memref<640x128xf32, #tpu.memory_space<hbm>>) dst(%dma_wait3A_461 : memref<640x128xf32, #tpu.memory_space<vmem_shared>>)
      tpu.yield
    }) : () -> ()
    %mul3A_1 = arith.constant 16 : i32
    %mul3A_2 = arith.muli %arg0, %mul3A_1 : i32
    %add3A = arith.addi %mul3A_2, %arg1 : i32
    %mul3A_3 = arith.constant 160 : i32
    %mul3A_4 = arith.muli %add3A, %mul3A_3 : i32
    %barrier3A = arith.constant 0 : index
    tpu.barrier barrier_id(%barrier3A)
    %add3A_5 = arith.constant 0 : i32
    %add3A_6 = arith.addi %mul3A_4, %add3A_5 : i32
    "tpu.region"() ({
      %run_scoped3A = tpu.sem_alloc : memref<!tpu.dma_semaphore, #tpu.memory_space<semaphore_mem>>
      %dma_start3A_458 = arith.constant 0 : i32
      %dma_start3A_459 = tpu.memref_slice %arg3[%add3A_6, %dma_start3A_458] : memref<5120x64xi32, #tpu.memory_space<hbm>> -> memref<40x64xi32, #tpu.memory_space<hbm>>
      %dma_start3A_460 = arith.constant 0 : i32
      %dma_start3A_461 = tpu.memref_slice %arg3[%add3A_6, %dma_start3A_460] : memref<5120x64xi32, #tpu.memory_space<hbm>> -> memref<40x64xi32, #tpu.memory_space<hbm>>
      tpu.enqueue_dma source(%dma_start3A_461 : memref<40x64xi32, #tpu.memory_space<hbm>>) target(%arg8 : memref<40x64xi32, #tpu.memory_space<vmem>>) target_semaphore(%run_scoped3A : memref<!tpu.dma_semaphore, #tpu.memory_space<semaphore_mem>>)
      %dma_wait3A_462 = arith.constant 0 : i32
      %dma_wait3A_463 = tpu.memref_slice %arg3[%add3A_6, %dma_wait3A_462] : memref<5120x64xi32, #tpu.memory_space<hbm>> -> memref<40x64xi32, #tpu.memory_space<hbm>>
      %dma_wait3A_464 = arith.constant 0 : i32
      %dma_wait3A_465 = tpu.memref_slice %arg3[%add3A_6, %dma_wait3A_464] : memref<5120x64xi32, #tpu.memory_space<hbm>> -> memref<40x64xi32, #tpu.memory_space<hbm>>
      tpu.wait_dma2 semaphore(%run_scoped3A : memref<!tpu.dma_semaphore, #tpu.memory_space<semaphore_mem>>) src(%dma_wait3A_465 : memref<40x64xi32, #tpu.memory_space<hbm>>) dst(%arg8 : memref<40x64xi32, #tpu.memory_space<vmem>>)
      tpu.yield
    }) : () -> ()
    "tpu.region"() ({
      %run_scoped3A = tpu.sem_alloc : memref<!tpu.dma_semaphore, #tpu.memory_space<semaphore_mem>>
      %dma_start3A_458 = arith.constant 0 : i32
      %dma_start3A_459 = tpu.memref_slice %arg4[%add3A_6, %dma_start3A_458] : memref<5120x64xi32, #tpu.memory_space<hbm>> -> memref<40x64xi32, #tpu.memory_space<hbm>>
      %dma_start3A_460 = arith.constant 0 : i32
      %dma_start3A_461 = tpu.memref_slice %arg4[%add3A_6, %dma_start3A_460] : memref<5120x64xi32, #tpu.memory_space<hbm>> -> memref<40x64xi32, #tpu.memory_space<hbm>>
      tpu.enqueue_dma source(%dma_start3A_461 : memref<40x64xi32, #tpu.memory_space<hbm>>) target(%arg9 : memref<40x64xi32, #tpu.memory_space<vmem>>) target_semaphore(%run_scoped3A : memref<!tpu.dma_semaphore, #tpu.memory_space<semaphore_mem>>)
      %dma_wait3A_462 = arith.constant 0 : i32
      %dma_wait3A_463 = tpu.memref_slice %arg4[%add3A_6, %dma_wait3A_462] : memref<5120x64xi32, #tpu.memory_space<hbm>> -> memref<40x64xi32, #tpu.memory_space<hbm>>
      %dma_wait3A_464 = arith.constant 0 : i32
      %dma_wait3A_465 = tpu.memref_slice %arg4[%add3A_6, %dma_wait3A_464] : memref<5120x64xi32, #tpu.memory_space<hbm>> -> memref<40x64xi32, #tpu.memory_space<hbm>>
      tpu.wait_dma2 semaphore(%run_scoped3A : memref<!tpu.dma_semaphore, #tpu.memory_space<semaphore_mem>>) src(%dma_wait3A_465 : memref<40x64xi32, #tpu.memory_space<hbm>>) dst(%arg9 : memref<40x64xi32, #tpu.memory_space<vmem>>)
      tpu.yield
    }) : () -> ()
    %dma_start3A = arith.constant 0 : i32
    %dma_start3A_7 = arith.constant 0 : i32
    %dma_start3A_8 = tpu.memref_slice %arg8[%dma_start3A, %dma_start3A_7] : memref<40x64xi32, #tpu.memory_space<vmem>> -> memref<1x64xi32, #tpu.memory_space<vmem>>
    %dma_start3A_9 = tpu.memref_squeeze %dma_start3A_8 : memref<1x64xi32, #tpu.memory_space<vmem>> -> memref<64xi32, #tpu.memory_space<vmem>>
    %dma_start3A_10 = arith.constant 0 : i32
    %dma_start3A_11 = arith.constant 0 : i32
    %dma_start3A_12 = tpu.memref_slice %arg2[%dma_start3A_10, %dma_start3A_11] : memref<10240x128xf32, #tpu.memory_space<hbm>> -> memref<10240x128xf32, #tpu.memory_space<hbm>>
    tpu.enqueue_indirect_dma source(%dma_start3A_12 : memref<10240x128xf32, #tpu.memory_space<hbm>>) target(%arg10 : memref<64x128xf32, #tpu.memory_space<vmem>>) offsets(%dma_start3A_9 : memref<64xi32, #tpu.memory_space<vmem>>) semaphore(%arg14 : memref<!tpu.dma_semaphore, #tpu.memory_space<semaphore_mem>>)
    %dma_start3A_13 = arith.constant 1 : i32
    %dma_start3A_14 = arith.constant 0 : i32
    %dma_start3A_15 = tpu.memref_slice %arg8[%dma_start3A_13, %dma_start3A_14] : memref<40x64xi32, #tpu.memory_space<vmem>> -> memref<1x64xi32, #tpu.memory_space<vmem>>
    %dma_start3A_16 = tpu.memref_squeeze %dma_start3A_15 : memref<1x64xi32, #tpu.memory_space<vmem>> -> memref<64xi32, #tpu.memory_space<vmem>>
    %dma_start3A_17 = arith.constant 0 : i32
    %dma_start3A_18 = arith.constant 0 : i32
    %dma_start3A_19 = tpu.memref_slice %arg2[%dma_start3A_17, %dma_start3A_18] : memref<10240x128xf32, #tpu.memory_space<hbm>> -> memref<10240x128xf32, #tpu.memory_space<hbm>>
    tpu.enqueue_indirect_dma source(%dma_start3A_19 : memref<10240x128xf32, #tpu.memory_space<hbm>>) target(%arg11 : memref<64x128xf32, #tpu.memory_space<vmem>>) offsets(%dma_start3A_16 : memref<64xi32, #tpu.memory_space<vmem>>) semaphore(%arg15 : memref<!tpu.dma_semaphore, #tpu.memory_space<semaphore_mem>>)
    %dma_start3A_20 = arith.constant 2 : i32
    %dma_start3A_21 = arith.constant 0 : i32
    %dma_start3A_22 = tpu.memref_slice %arg8[%dma_start3A_20, %dma_start3A_21] : memref<40x64xi32, #tpu.memory_space<vmem>> -> memref<1x64xi32, #tpu.memory_space<vmem>>
    %dma_start3A_23 = tpu.memref_squeeze %dma_start3A_22 : memref<1x64xi32, #tpu.memory_space<vmem>> -> memref<64xi32, #tpu.memory_space<vmem>>
    %dma_start3A_24 = arith.constant 0 : i32
    %dma_start3A_25 = arith.constant 0 : i32
    %dma_start3A_26 = tpu.memref_slice %arg2[%dma_start3A_24, %dma_start3A_25] : memref<10240x128xf32, #tpu.memory_space<hbm>> -> memref<10240x128xf32, #tpu.memory_space<hbm>>
    tpu.enqueue_indirect_dma source(%dma_start3A_26 : memref<10240x128xf32, #tpu.memory_space<hbm>>) target(%arg12 : memref<64x128xf32, #tpu.memory_space<vmem>>) offsets(%dma_start3A_23 : memref<64xi32, #tpu.memory_space<vmem>>) semaphore(%arg16 : memref<!tpu.dma_semaphore, #tpu.memory_space<semaphore_mem>>)
    %dma_start3A_27 = arith.constant 3 : i32
    %dma_start3A_28 = arith.constant 0 : i32
    %dma_start3A_29 = tpu.memref_slice %arg8[%dma_start3A_27, %dma_start3A_28] : memref<40x64xi32, #tpu.memory_space<vmem>> -> memref<1x64xi32, #tpu.memory_space<vmem>>
    %dma_start3A_30 = tpu.memref_squeeze %dma_start3A_29 : memref<1x64xi32, #tpu.memory_space<vmem>> -> memref<64xi32, #tpu.memory_space<vmem>>
    %dma_start3A_31 = arith.constant 0 : i32
    %dma_start3A_32 = arith.constant 0 : i32
    %dma_start3A_33 = tpu.memref_slice %arg2[%dma_start3A_31, %dma_start3A_32] : memref<10240x128xf32, #tpu.memory_space<hbm>> -> memref<10240x128xf32, #tpu.memory_space<hbm>>
    tpu.enqueue_indirect_dma source(%dma_start3A_33 : memref<10240x128xf32, #tpu.memory_space<hbm>>) target(%arg13 : memref<64x128xf32, #tpu.memory_space<vmem>>) offsets(%dma_start3A_30 : memref<64xi32, #tpu.memory_space<vmem>>) semaphore(%arg17 : memref<!tpu.dma_semaphore, #tpu.memory_space<semaphore_mem>>)
    %scan3A = arith.constant 0 : i32
    %scan3A_34 = arith.constant 0 : i32
    %scan3A_35 = arith.constant 9 : i32
    %scan3A_36 = arith.addi %scan3A_34, %scan3A_35 : i32
    %scan3A_37 = arith.constant 1 : i32
    scf.for %scan3A_458 = %scan3A_34 to %scan3A_36 step %scan3A_37  : i32 {
      %mul3A_459 = arith.constant 4 : i32
      %mul3A_460 = arith.muli %scan3A_458, %mul3A_459 : i32
      %dma_wait3A_461 = arith.constant 0 : i32
      %dma_wait3A_462 = arith.constant 0 : i32
      %dma_wait3A_463 = tpu.memref_slice %arg2[%dma_wait3A_461, %dma_wait3A_462] : memref<10240x128xf32, #tpu.memory_space<hbm>> -> memref<64x128xf32, #tpu.memory_space<hbm>>
      %dma_wait3A_464 = arith.constant 0 : i32
      %dma_wait3A_465 = arith.constant 0 : i32
      %dma_wait3A_466 = tpu.memref_slice %arg2[%dma_wait3A_464, %dma_wait3A_465] : memref<10240x128xf32, #tpu.memory_space<hbm>> -> memref<64x128xf32, #tpu.memory_space<hbm>>
      tpu.wait_dma2 semaphore(%arg14 : memref<!tpu.dma_semaphore, #tpu.memory_space<semaphore_mem>>) src(%dma_wait3A_466 : memref<64x128xf32, #tpu.memory_space<hbm>>) dst(%arg10 : memref<64x128xf32, #tpu.memory_space<vmem>>)
      %add3A_467 = arith.constant 0 : i32
      %add3A_468 = arith.addi %mul3A_460, %add3A_467 : i32
      %dma_start3A_469 = arith.constant 0 : i32
      %dma_start3A_470 = tpu.memref_slice %arg9[%add3A_468, %dma_start3A_469] : memref<40x64xi32, #tpu.memory_space<vmem>> -> memref<1x64xi32, #tpu.memory_space<vmem>>
      %dma_start3A_471 = tpu.memref_squeeze %dma_start3A_470 : memref<1x64xi32, #tpu.memory_space<vmem>> -> memref<64xi32, #tpu.memory_space<vmem>>
      %dma_start3A_472 = arith.constant 0 : i32
      %dma_start3A_473 = arith.constant 0 : i32
      %dma_start3A_474 = tpu.memref_slice %arg7[%dma_start3A_472, %dma_start3A_473] : memref<10240x128xf32, #tpu.memory_space<vmem_shared>> -> memref<10240x128xf32, #tpu.memory_space<vmem_shared>>
      tpu.enqueue_indirect_dma source(%arg10 : memref<64x128xf32, #tpu.memory_space<vmem>>) target(%dma_start3A_474 : memref<10240x128xf32, #tpu.memory_space<vmem_shared>>) offsets(%dma_start3A_471 : memref<64xi32, #tpu.memory_space<vmem>>) semaphore(%arg18 : memref<!tpu.dma_semaphore, #tpu.memory_space<semaphore_mem>>) {add = true}
      %dma_wait3A_475 = arith.constant 0 : i32
      %dma_wait3A_476 = arith.constant 0 : i32
      %dma_wait3A_477 = tpu.memref_slice %arg2[%dma_wait3A_475, %dma_wait3A_476] : memref<10240x128xf32, #tpu.memory_space<hbm>> -> memref<64x128xf32, #tpu.memory_space<hbm>>
      %dma_wait3A_478 = arith.constant 0 : i32
      %dma_wait3A_479 = arith.constant 0 : i32
      %dma_wait3A_480 = tpu.memref_slice %arg2[%dma_wait3A_478, %dma_wait3A_479] : memref<10240x128xf32, #tpu.memory_space<hbm>> -> memref<64x128xf32, #tpu.memory_space<hbm>>
      tpu.wait_dma2 semaphore(%arg15 : memref<!tpu.dma_semaphore, #tpu.memory_space<semaphore_mem>>) src(%dma_wait3A_480 : memref<64x128xf32, #tpu.memory_space<hbm>>) dst(%arg11 : memref<64x128xf32, #tpu.memory_space<vmem>>)
      %add3A_481 = arith.constant 1 : i32
      %add3A_482 = arith.addi %mul3A_460, %add3A_481 : i32
      %dma_start3A_483 = arith.constant 0 : i32
      %dma_start3A_484 = tpu.memref_slice %arg9[%add3A_482, %dma_start3A_483] : memref<40x64xi32, #tpu.memory_space<vmem>> -> memref<1x64xi32, #tpu.memory_space<vmem>>
      %dma_start3A_485 = tpu.memref_squeeze %dma_start3A_484 : memref<1x64xi32, #tpu.memory_space<vmem>> -> memref<64xi32, #tpu.memory_space<vmem>>
      %dma_start3A_486 = arith.constant 0 : i32
      %dma_start3A_487 = arith.constant 0 : i32
      %dma_start3A_488 = tpu.memref_slice %arg7[%dma_start3A_486, %dma_start3A_487] : memref<10240x128xf32, #tpu.memory_space<vmem_shared>> -> memref<10240x128xf32, #tpu.memory_space<vmem_shared>>
      tpu.enqueue_indirect_dma source(%arg11 : memref<64x128xf32, #tpu.memory_space<vmem>>) target(%dma_start3A_488 : memref<10240x128xf32, #tpu.memory_space<vmem_shared>>) offsets(%dma_start3A_485 : memref<64xi32, #tpu.memory_space<vmem>>) semaphore(%arg19 : memref<!tpu.dma_semaphore, #tpu.memory_space<semaphore_mem>>) {add = true}
      %dma_wait3A_489 = arith.constant 0 : i32
      %dma_wait3A_490 = arith.constant 0 : i32
      %dma_wait3A_491 = tpu.memref_slice %arg2[%dma_wait3A_489, %dma_wait3A_490] : memref<10240x128xf32, #tpu.memory_space<hbm>> -> memref<64x128xf32, #tpu.memory_space<hbm>>
      %dma_wait3A_492 = arith.constant 0 : i32
      %dma_wait3A_493 = arith.constant 0 : i32
      %dma_wait3A_494 = tpu.memref_slice %arg2[%dma_wait3A_492, %dma_wait3A_493] : memref<10240x128xf32, #tpu.memory_space<hbm>> -> memref<64x128xf32, #tpu.memory_space<hbm>>
      tpu.wait_dma2 semaphore(%arg16 : memref<!tpu.dma_semaphore, #tpu.memory_space<semaphore_mem>>) src(%dma_wait3A_494 : memref<64x128xf32, #tpu.memory_space<hbm>>) dst(%arg12 : memref<64x128xf32, #tpu.memory_space<vmem>>)
      %add3A_495 = arith.constant 2 : i32
      %add3A_496 = arith.addi %mul3A_460, %add3A_495 : i32
      %dma_start3A_497 = arith.constant 0 : i32
      %dma_start3A_498 = tpu.memref_slice %arg9[%add3A_496, %dma_start3A_497] : memref<40x64xi32, #tpu.memory_space<vmem>> -> memref<1x64xi32, #tpu.memory_space<vmem>>
      %dma_start3A_499 = tpu.memref_squeeze %dma_start3A_498 : memref<1x64xi32, #tpu.memory_space<vmem>> -> memref<64xi32, #tpu.memory_space<vmem>>
      %dma_start3A_500 = arith.constant 0 : i32
      %dma_start3A_501 = arith.constant 0 : i32
      %dma_start3A_502 = tpu.memref_slice %arg7[%dma_start3A_500, %dma_start3A_501] : memref<10240x128xf32, #tpu.memory_space<vmem_shared>> -> memref<10240x128xf32, #tpu.memory_space<vmem_shared>>
      tpu.enqueue_indirect_dma source(%arg12 : memref<64x128xf32, #tpu.memory_space<vmem>>) target(%dma_start3A_502 : memref<10240x128xf32, #tpu.memory_space<vmem_shared>>) offsets(%dma_start3A_499 : memref<64xi32, #tpu.memory_space<vmem>>) semaphore(%arg20 : memref<!tpu.dma_semaphore, #tpu.memory_space<semaphore_mem>>) {add = true}
      %dma_wait3A_503 = arith.constant 0 : i32
      %dma_wait3A_504 = arith.constant 0 : i32
      %dma_wait3A_505 = tpu.memref_slice %arg2[%dma_wait3A_503, %dma_wait3A_504] : memref<10240x128xf32, #tpu.memory_space<hbm>> -> memref<64x128xf32, #tpu.memory_space<hbm>>
      %dma_wait3A_506 = arith.constant 0 : i32
      %dma_wait3A_507 = arith.constant 0 : i32
      %dma_wait3A_508 = tpu.memref_slice %arg2[%dma_wait3A_506, %dma_wait3A_507] : memref<10240x128xf32, #tpu.memory_space<hbm>> -> memref<64x128xf32, #tpu.memory_space<hbm>>
      tpu.wait_dma2 semaphore(%arg17 : memref<!tpu.dma_semaphore, #tpu.memory_space<semaphore_mem>>) src(%dma_wait3A_508 : memref<64x128xf32, #tpu.memory_space<hbm>>) dst(%arg13 : memref<64x128xf32, #tpu.memory_space<vmem>>)
      %add3A_509 = arith.constant 3 : i32
      %add3A_510 = arith.addi %mul3A_460, %add3A_509 : i32
      %dma_start3A_511 = arith.constant 0 : i32
      %dma_start3A_512 = tpu.memref_slice %arg9[%add3A_510, %dma_start3A_511] : memref<40x64xi32, #tpu.memory_space<vmem>> -> memref<1x64xi32, #tpu.memory_space<vmem>>
      %dma_start3A_513 = tpu.memref_squeeze %dma_start3A_512 : memref<1x64xi32, #tpu.memory_space<vmem>> -> memref<64xi32, #tpu.memory_space<vmem>>
      %dma_start3A_514 = arith.constant 0 : i32
      %dma_start3A_515 = arith.constant 0 : i32
      %dma_start3A_516 = tpu.memref_slice %arg7[%dma_start3A_514, %dma_start3A_515] : memref<10240x128xf32, #tpu.memory_space<vmem_shared>> -> memref<10240x128xf32, #tpu.memory_space<vmem_shared>>
      tpu.enqueue_indirect_dma source(%arg13 : memref<64x128xf32, #tpu.memory_space<vmem>>) target(%dma_start3A_516 : memref<10240x128xf32, #tpu.memory_space<vmem_shared>>) offsets(%dma_start3A_513 : memref<64xi32, #tpu.memory_space<vmem>>) semaphore(%arg21 : memref<!tpu.dma_semaphore, #tpu.memory_space<semaphore_mem>>) {add = true}
      %dma_wait3A_517 = arith.constant 0 : i32
      %dma_wait3A_518 = arith.constant 0 : i32
      %dma_wait3A_519 = tpu.memref_slice %arg7[%dma_wait3A_517, %dma_wait3A_518] : memref<10240x128xf32, #tpu.memory_space<vmem_shared>> -> memref<64x128xf32, #tpu.memory_space<vmem_shared>>
      %dma_wait3A_520 = arith.constant 0 : i32
      %dma_wait3A_521 = arith.constant 0 : i32
      %dma_wait3A_522 = tpu.memref_slice %arg7[%dma_wait3A_520, %dma_wait3A_521] : memref<10240x128xf32, #tpu.memory_space<vmem_shared>> -> memref<64x128xf32, #tpu.memory_space<vmem_shared>>
      tpu.wait_dma2 semaphore(%arg18 : memref<!tpu.dma_semaphore, #tpu.memory_space<semaphore_mem>>) src(%arg10 : memref<64x128xf32, #tpu.memory_space<vmem>>) dst(%dma_wait3A_522 : memref<64x128xf32, #tpu.memory_space<vmem_shared>>)
      %add3A_523 = arith.constant 4 : i32
      %add3A_524 = arith.addi %mul3A_460, %add3A_523 : i32
      %add3A_525 = arith.constant 0 : i32
      %add3A_526 = arith.addi %add3A_524, %add3A_525 : i32
      %dma_start3A_527 = arith.constant 0 : i32
      %dma_start3A_528 = tpu.memref_slice %arg8[%add3A_526, %dma_start3A_527] : memref<40x64xi32, #tpu.memory_space<vmem>> -> memref<1x64xi32, #tpu.memory_space<vmem>>
      %dma_start3A_529 = tpu.memref_squeeze %dma_start3A_528 : memref<1x64xi32, #tpu.memory_space<vmem>> -> memref<64xi32, #tpu.memory_space<vmem>>
      %dma_start3A_530 = arith.constant 0 : i32
      %dma_start3A_531 = arith.constant 0 : i32
      %dma_start3A_532 = tpu.memref_slice %arg2[%dma_start3A_530, %dma_start3A_531] : memref<10240x128xf32, #tpu.memory_space<hbm>> -> memref<10240x128xf32, #tpu.memory_space<hbm>>
      tpu.enqueue_indirect_dma source(%dma_start3A_532 : memref<10240x128xf32, #tpu.memory_space<hbm>>) target(%arg10 : memref<64x128xf32, #tpu.memory_space<vmem>>) offsets(%dma_start3A_529 : memref<64xi32, #tpu.memory_space<vmem>>) semaphore(%arg14 : memref<!tpu.dma_semaphore, #tpu.memory_space<semaphore_mem>>)
      %dma_wait3A_533 = arith.constant 0 : i32
      %dma_wait3A_534 = arith.constant 0 : i32
      %dma_wait3A_535 = tpu.memref_slice %arg7[%dma_wait3A_533, %dma_wait3A_534] : memref<10240x128xf32, #tpu.memory_space<vmem_shared>> -> memref<64x128xf32, #tpu.memory_space<vmem_shared>>
      %dma_wait3A_536 = arith.constant 0 : i32
      %dma_wait3A_537 = arith.constant 0 : i32
      %dma_wait3A_538 = tpu.memref_slice %arg7[%dma_wait3A_536, %dma_wait3A_537] : memref<10240x128xf32, #tpu.memory_space<vmem_shared>> -> memref<64x128xf32, #tpu.memory_space<vmem_shared>>
      tpu.wait_dma2 semaphore(%arg19 : memref<!tpu.dma_semaphore, #tpu.memory_space<semaphore_mem>>) src(%arg11 : memref<64x128xf32, #tpu.memory_space<vmem>>) dst(%dma_wait3A_538 : memref<64x128xf32, #tpu.memory_space<vmem_shared>>)
      %add3A_539 = arith.constant 4 : i32
      %add3A_540 = arith.addi %mul3A_460, %add3A_539 : i32
      %add3A_541 = arith.constant 1 : i32
      %add3A_542 = arith.addi %add3A_540, %add3A_541 : i32
      %dma_start3A_543 = arith.constant 0 : i32
      %dma_start3A_544 = tpu.memref_slice %arg8[%add3A_542, %dma_start3A_543] : memref<40x64xi32, #tpu.memory_space<vmem>> -> memref<1x64xi32, #tpu.memory_space<vmem>>
      %dma_start3A_545 = tpu.memref_squeeze %dma_start3A_544 : memref<1x64xi32, #tpu.memory_space<vmem>> -> memref<64xi32, #tpu.memory_space<vmem>>
      %dma_start3A_546 = arith.constant 0 : i32
      %dma_start3A_547 = arith.constant 0 : i32
      %dma_start3A_548 = tpu.memref_slice %arg2[%dma_start3A_546, %dma_start3A_547] : memref<10240x128xf32, #tpu.memory_space<hbm>> -> memref<10240x128xf32, #tpu.memory_space<hbm>>
      tpu.enqueue_indirect_dma source(%dma_start3A_548 : memref<10240x128xf32, #tpu.memory_space<hbm>>) target(%arg11 : memref<64x128xf32, #tpu.memory_space<vmem>>) offsets(%dma_start3A_545 : memref<64xi32, #tpu.memory_space<vmem>>) semaphore(%arg15 : memref<!tpu.dma_semaphore, #tpu.memory_space<semaphore_mem>>)
      %dma_wait3A_549 = arith.constant 0 : i32
      %dma_wait3A_550 = arith.constant 0 : i32
      %dma_wait3A_551 = tpu.memref_slice %arg7[%dma_wait3A_549, %dma_wait3A_550] : memref<10240x128xf32, #tpu.memory_space<vmem_shared>> -> memref<64x128xf32, #tpu.memory_space<vmem_shared>>
      %dma_wait3A_552 = arith.constant 0 : i32
      %dma_wait3A_553 = arith.constant 0 : i32
      %dma_wait3A_554 = tpu.memref_slice %arg7[%dma_wait3A_552, %dma_wait3A_553] : memref<10240x128xf32, #tpu.memory_space<vmem_shared>> -> memref<64x128xf32, #tpu.memory_space<vmem_shared>>
      tpu.wait_dma2 semaphore(%arg20 : memref<!tpu.dma_semaphore, #tpu.memory_space<semaphore_mem>>) src(%arg12 : memref<64x128xf32, #tpu.memory_space<vmem>>) dst(%dma_wait3A_554 : memref<64x128xf32, #tpu.memory_space<vmem_shared>>)
      %add3A_555 = arith.constant 4 : i32
      %add3A_556 = arith.addi %mul3A_460, %add3A_555 : i32
      %add3A_557 = arith.constant 2 : i32
      %add3A_558 = arith.addi %add3A_556, %add3A_557 : i32
      %dma_start3A_559 = arith.constant 0 : i32
      %dma_start3A_560 = tpu.memref_slice %arg8[%add3A_558, %dma_start3A_559] : memref<40x64xi32, #tpu.memory_space<vmem>> -> memref<1x64xi32, #tpu.memory_space<vmem>>
      %dma_start3A_561 = tpu.memref_squeeze %dma_start3A_560 : memref<1x64xi32, #tpu.memory_space<vmem>> -> memref<64xi32, #tpu.memory_space<vmem>>
      %dma_start3A_562 = arith.constant 0 : i32
      %dma_start3A_563 = arith.constant 0 : i32
      %dma_start3A_564 = tpu.memref_slice %arg2[%dma_start3A_562, %dma_start3A_563] : memref<10240x128xf32, #tpu.memory_space<hbm>> -> memref<10240x128xf32, #tpu.memory_space<hbm>>
      tpu.enqueue_indirect_dma source(%dma_start3A_564 : memref<10240x128xf32, #tpu.memory_space<hbm>>) target(%arg12 : memref<64x128xf32, #tpu.memory_space<vmem>>) offsets(%dma_start3A_561 : memref<64xi32, #tpu.memory_space<vmem>>) semaphore(%arg16 : memref<!tpu.dma_semaphore, #tpu.memory_space<semaphore_mem>>)
      %dma_wait3A_565 = arith.constant 0 : i32
      %dma_wait3A_566 = arith.constant 0 : i32
      %dma_wait3A_567 = tpu.memref_slice %arg7[%dma_wait3A_565, %dma_wait3A_566] : memref<10240x128xf32, #tpu.memory_space<vmem_shared>> -> memref<64x128xf32, #tpu.memory_space<vmem_shared>>
      %dma_wait3A_568 = arith.constant 0 : i32
      %dma_wait3A_569 = arith.constant 0 : i32
      %dma_wait3A_570 = tpu.memref_slice %arg7[%dma_wait3A_568, %dma_wait3A_569] : memref<10240x128xf32, #tpu.memory_space<vmem_shared>> -> memref<64x128xf32, #tpu.memory_space<vmem_shared>>
      tpu.wait_dma2 semaphore(%arg21 : memref<!tpu.dma_semaphore, #tpu.memory_space<semaphore_mem>>) src(%arg13 : memref<64x128xf32, #tpu.memory_space<vmem>>) dst(%dma_wait3A_570 : memref<64x128xf32, #tpu.memory_space<vmem_shared>>)
      %add3A_571 = arith.constant 4 : i32
      %add3A_572 = arith.addi %mul3A_460, %add3A_571 : i32
      %add3A_573 = arith.constant 3 : i32
      %add3A_574 = arith.addi %add3A_572, %add3A_573 : i32
      %dma_start3A_575 = arith.constant 0 : i32
      %dma_start3A_576 = tpu.memref_slice %arg8[%add3A_574, %dma_start3A_575] : memref<40x64xi32, #tpu.memory_space<vmem>> -> memref<1x64xi32, #tpu.memory_space<vmem>>
      %dma_start3A_577 = tpu.memref_squeeze %dma_start3A_576 : memref<1x64xi32, #tpu.memory_space<vmem>> -> memref<64xi32, #tpu.memory_space<vmem>>
      %dma_start3A_578 = arith.constant 0 : i32
      %dma_start3A_579 = arith.constant 0 : i32
      %dma_start3A_580 = tpu.memref_slice %arg2[%dma_start3A_578, %dma_start3A_579] : memref<10240x128xf32, #tpu.memory_space<hbm>> -> memref<10240x128xf32, #tpu.memory_space<hbm>>
      tpu.enqueue_indirect_dma source(%dma_start3A_580 : memref<10240x128xf32, #tpu.memory_space<hbm>>) target(%arg13 : memref<64x128xf32, #tpu.memory_space<vmem>>) offsets(%dma_start3A_577 : memref<64xi32, #tpu.memory_space<vmem>>) semaphore(%arg17 : memref<!tpu.dma_semaphore, #tpu.memory_space<semaphore_mem>>)
    }
    %scan3A_38 = arith.constant 9 : i32
    %dma_wait3A = arith.constant 0 : i32
    %dma_wait3A_39 = arith.constant 0 : i32
    %dma_wait3A_40 = tpu.memref_slice %arg2[%dma_wait3A, %dma_wait3A_39] : memref<10240x128xf32, #tpu.memory_space<hbm>> -> memref<64x128xf32, #tpu.memory_space<hbm>>
    %dma_wait3A_41 = arith.constant 0 : i32
    %dma_wait3A_42 = arith.constant 0 : i32
    %dma_wait3A_43 = tpu.memref_slice %arg2[%dma_wait3A_41, %dma_wait3A_42] : memref<10240x128xf32, #tpu.memory_space<hbm>> -> memref<64x128xf32, #tpu.memory_space<hbm>>
    tpu.wait_dma2 semaphore(%arg14 : memref<!tpu.dma_semaphore, #tpu.memory_space<semaphore_mem>>) src(%dma_wait3A_43 : memref<64x128xf32, #tpu.memory_space<hbm>>) dst(%arg10 : memref<64x128xf32, #tpu.memory_space<vmem>>)
    %dma_start3A_44 = arith.constant 36 : i32
    %dma_start3A_45 = arith.constant 0 : i32
    %dma_start3A_46 = tpu.memref_slice %arg9[%dma_start3A_44, %dma_start3A_45] : memref<40x64xi32, #tpu.memory_space<vmem>> -> memref<1x64xi32, #tpu.memory_space<vmem>>
    %dma_start3A_47 = tpu.memref_squeeze %dma_start3A_46 : memref<1x64xi32, #tpu.memory_space<vmem>> -> memref<64xi32, #tpu.memory_space<vmem>>
    %dma_start3A_48 = arith.constant 0 : i32
    %dma_start3A_49 = arith.constant 0 : i32
    %dma_start3A_50 = tpu.memref_slice %arg7[%dma_start3A_48, %dma_start3A_49] : memref<10240x128xf32, #tpu.memory_space<vmem_shared>> -> memref<10240x128xf32, #tpu.memory_space<vmem_shared>>
    tpu.enqueue_indirect_dma source(%arg10 : memref<64x128xf32, #tpu.memory_space<vmem>>) target(%dma_start3A_50 : memref<10240x128xf32, #tpu.memory_space<vmem_shared>>) offsets(%dma_start3A_47 : memref<64xi32, #tpu.memory_space<vmem>>) semaphore(%arg18 : memref<!tpu.dma_semaphore, #tpu.memory_space<semaphore_mem>>) {add = true}
    %dma_wait3A_51 = arith.constant 0 : i32
    %dma_wait3A_52 = arith.constant 0 : i32
    %dma_wait3A_53 = tpu.memref_slice %arg2[%dma_wait3A_51, %dma_wait3A_52] : memref<10240x128xf32, #tpu.memory_space<hbm>> -> memref<64x128xf32, #tpu.memory_space<hbm>>
    %dma_wait3A_54 = arith.constant 0 : i32
    %dma_wait3A_55 = arith.constant 0 : i32
    %dma_wait3A_56 = tpu.memref_slice %arg2[%dma_wait3A_54, %dma_wait3A_55] : memref<10240x128xf32, #tpu.memory_space<hbm>> -> memref<64x128xf32, #tpu.memory_space<hbm>>
    tpu.wait_dma2 semaphore(%arg15 : memref<!tpu.dma_semaphore, #tpu.memory_space<semaphore_mem>>) src(%dma_wait3A_56 : memref<64x128xf32, #tpu.memory_space<hbm>>) dst(%arg11 : memref<64x128xf32, #tpu.memory_space<vmem>>)
    %dma_start3A_57 = arith.constant 37 : i32
    %dma_start3A_58 = arith.constant 0 : i32
    %dma_start3A_59 = tpu.memref_slice %arg9[%dma_start3A_57, %dma_start3A_58] : memref<40x64xi32, #tpu.memory_space<vmem>> -> memref<1x64xi32, #tpu.memory_space<vmem>>
    %dma_start3A_60 = tpu.memref_squeeze %dma_start3A_59 : memref<1x64xi32, #tpu.memory_space<vmem>> -> memref<64xi32, #tpu.memory_space<vmem>>
    %dma_start3A_61 = arith.constant 0 : i32
    %dma_start3A_62 = arith.constant 0 : i32
    %dma_start3A_63 = tpu.memref_slice %arg7[%dma_start3A_61, %dma_start3A_62] : memref<10240x128xf32, #tpu.memory_space<vmem_shared>> -> memref<10240x128xf32, #tpu.memory_space<vmem_shared>>
    tpu.enqueue_indirect_dma source(%arg11 : memref<64x128xf32, #tpu.memory_space<vmem>>) target(%dma_start3A_63 : memref<10240x128xf32, #tpu.memory_space<vmem_shared>>) offsets(%dma_start3A_60 : memref<64xi32, #tpu.memory_space<vmem>>) semaphore(%arg19 : memref<!tpu.dma_semaphore, #tpu.memory_space<semaphore_mem>>) {add = true}
    %dma_wait3A_64 = arith.constant 0 : i32
    %dma_wait3A_65 = arith.constant 0 : i32
    %dma_wait3A_66 = tpu.memref_slice %arg2[%dma_wait3A_64, %dma_wait3A_65] : memref<10240x128xf32, #tpu.memory_space<hbm>> -> memref<64x128xf32, #tpu.memory_space<hbm>>
    %dma_wait3A_67 = arith.constant 0 : i32
    %dma_wait3A_68 = arith.constant 0 : i32
    %dma_wait3A_69 = tpu.memref_slice %arg2[%dma_wait3A_67, %dma_wait3A_68] : memref<10240x128xf32, #tpu.memory_space<hbm>> -> memref<64x128xf32, #tpu.memory_space<hbm>>
    tpu.wait_dma2 semaphore(%arg16 : memref<!tpu.dma_semaphore, #tpu.memory_space<semaphore_mem>>) src(%dma_wait3A_69 : memref<64x128xf32, #tpu.memory_space<hbm>>) dst(%arg12 : memref<64x128xf32, #tpu.memory_space<vmem>>)
    %dma_start3A_70 = arith.constant 38 : i32
    %dma_start3A_71 = arith.constant 0 : i32
    %dma_start3A_72 = tpu.memref_slice %arg9[%dma_start3A_70, %dma_start3A_71] : memref<40x64xi32, #tpu.memory_space<vmem>> -> memref<1x64xi32, #tpu.memory_space<vmem>>
    %dma_start3A_73 = tpu.memref_squeeze %dma_start3A_72 : memref<1x64xi32, #tpu.memory_space<vmem>> -> memref<64xi32, #tpu.memory_space<vmem>>
    %dma_start3A_74 = arith.constant 0 : i32
    %dma_start3A_75 = arith.constant 0 : i32
    %dma_start3A_76 = tpu.memref_slice %arg7[%dma_start3A_74, %dma_start3A_75] : memref<10240x128xf32, #tpu.memory_space<vmem_shared>> -> memref<10240x128xf32, #tpu.memory_space<vmem_shared>>
    tpu.enqueue_indirect_dma source(%arg12 : memref<64x128xf32, #tpu.memory_space<vmem>>) target(%dma_start3A_76 : memref<10240x128xf32, #tpu.memory_space<vmem_shared>>) offsets(%dma_start3A_73 : memref<64xi32, #tpu.memory_space<vmem>>) semaphore(%arg20 : memref<!tpu.dma_semaphore, #tpu.memory_space<semaphore_mem>>) {add = true}
    %dma_wait3A_77 = arith.constant 0 : i32
    %dma_wait3A_78 = arith.constant 0 : i32
    %dma_wait3A_79 = tpu.memref_slice %arg2[%dma_wait3A_77, %dma_wait3A_78] : memref<10240x128xf32, #tpu.memory_space<hbm>> -> memref<64x128xf32, #tpu.memory_space<hbm>>
    %dma_wait3A_80 = arith.constant 0 : i32
    %dma_wait3A_81 = arith.constant 0 : i32
    %dma_wait3A_82 = tpu.memref_slice %arg2[%dma_wait3A_80, %dma_wait3A_81] : memref<10240x128xf32, #tpu.memory_space<hbm>> -> memref<64x128xf32, #tpu.memory_space<hbm>>
    tpu.wait_dma2 semaphore(%arg17 : memref<!tpu.dma_semaphore, #tpu.memory_space<semaphore_mem>>) src(%dma_wait3A_82 : memref<64x128xf32, #tpu.memory_space<hbm>>) dst(%arg13 : memref<64x128xf32, #tpu.memory_space<vmem>>)
    %dma_start3A_83 = arith.constant 39 : i32
    %dma_start3A_84 = arith.constant 0 : i32
    %dma_start3A_85 = tpu.memref_slice %arg9[%dma_start3A_83, %dma_start3A_84] : memref<40x64xi32, #tpu.memory_space<vmem>> -> memref<1x64xi32, #tpu.memory_space<vmem>>
    %dma_start3A_86 = tpu.memref_squeeze %dma_start3A_85 : memref<1x64xi32, #tpu.memory_space<vmem>> -> memref<64xi32, #tpu.memory_space<vmem>>
    %dma_start3A_87 = arith.constant 0 : i32
    %dma_start3A_88 = arith.constant 0 : i32
    %dma_start3A_89 = tpu.memref_slice %arg7[%dma_start3A_87, %dma_start3A_88] : memref<10240x128xf32, #tpu.memory_space<vmem_shared>> -> memref<10240x128xf32, #tpu.memory_space<vmem_shared>>
    tpu.enqueue_indirect_dma source(%arg13 : memref<64x128xf32, #tpu.memory_space<vmem>>) target(%dma_start3A_89 : memref<10240x128xf32, #tpu.memory_space<vmem_shared>>) offsets(%dma_start3A_86 : memref<64xi32, #tpu.memory_space<vmem>>) semaphore(%arg21 : memref<!tpu.dma_semaphore, #tpu.memory_space<semaphore_mem>>) {add = true}
    %dma_wait3A_90 = arith.constant 0 : i32
    %dma_wait3A_91 = arith.constant 0 : i32
    %dma_wait3A_92 = tpu.memref_slice %arg7[%dma_wait3A_90, %dma_wait3A_91] : memref<10240x128xf32, #tpu.memory_space<vmem_shared>> -> memref<64x128xf32, #tpu.memory_space<vmem_shared>>
    %dma_wait3A_93 = arith.constant 0 : i32
    %dma_wait3A_94 = arith.constant 0 : i32
    %dma_wait3A_95 = tpu.memref_slice %arg7[%dma_wait3A_93, %dma_wait3A_94] : memref<10240x128xf32, #tpu.memory_space<vmem_shared>> -> memref<64x128xf32, #tpu.memory_space<vmem_shared>>
    tpu.wait_dma2 semaphore(%arg18 : memref<!tpu.dma_semaphore, #tpu.memory_space<semaphore_mem>>) src(%arg10 : memref<64x128xf32, #tpu.memory_space<vmem>>) dst(%dma_wait3A_95 : memref<64x128xf32, #tpu.memory_space<vmem_shared>>)
    %dma_wait3A_96 = arith.constant 0 : i32
    %dma_wait3A_97 = arith.constant 0 : i32
    %dma_wait3A_98 = tpu.memref_slice %arg7[%dma_wait3A_96, %dma_wait3A_97] : memref<10240x128xf32, #tpu.memory_space<vmem_shared>> -> memref<64x128xf32, #tpu.memory_space<vmem_shared>>
    %dma_wait3A_99 = arith.constant 0 : i32
    %dma_wait3A_100 = arith.constant 0 : i32
    %dma_wait3A_101 = tpu.memref_slice %arg7[%dma_wait3A_99, %dma_wait3A_100] : memref<10240x128xf32, #tpu.memory_space<vmem_shared>> -> memref<64x128xf32, #tpu.memory_space<vmem_shared>>
    tpu.wait_dma2 semaphore(%arg19 : memref<!tpu.dma_semaphore, #tpu.memory_space<semaphore_mem>>) src(%arg11 : memref<64x128xf32, #tpu.memory_space<vmem>>) dst(%dma_wait3A_101 : memref<64x128xf32, #tpu.memory_space<vmem_shared>>)
    %dma_wait3A_102 = arith.constant 0 : i32
    %dma_wait3A_103 = arith.constant 0 : i32
    %dma_wait3A_104 = tpu.memref_slice %arg7[%dma_wait3A_102, %dma_wait3A_103] : memref<10240x128xf32, #tpu.memory_space<vmem_shared>> -> memref<64x128xf32, #tpu.memory_space<vmem_shared>>
    %dma_wait3A_105 = arith.constant 0 : i32
    %dma_wait3A_106 = arith.constant 0 : i32
    %dma_wait3A_107 = tpu.memref_slice %arg7[%dma_wait3A_105, %dma_wait3A_106] : memref<10240x128xf32, #tpu.memory_space<vmem_shared>> -> memref<64x128xf32, #tpu.memory_space<vmem_shared>>
    tpu.wait_dma2 semaphore(%arg20 : memref<!tpu.dma_semaphore, #tpu.memory_space<semaphore_mem>>) src(%arg12 : memref<64x128xf32, #tpu.memory_space<vmem>>) dst(%dma_wait3A_107 : memref<64x128xf32, #tpu.memory_space<vmem_shared>>)
    %dma_wait3A_108 = arith.constant 0 : i32
    %dma_wait3A_109 = arith.constant 0 : i32
    %dma_wait3A_110 = tpu.memref_slice %arg7[%dma_wait3A_108, %dma_wait3A_109] : memref<10240x128xf32, #tpu.memory_space<vmem_shared>> -> memref<64x128xf32, #tpu.memory_space<vmem_shared>>
    %dma_wait3A_111 = arith.constant 0 : i32
    %dma_wait3A_112 = arith.constant 0 : i32
    %dma_wait3A_113 = tpu.memref_slice %arg7[%dma_wait3A_111, %dma_wait3A_112] : memref<10240x128xf32, #tpu.memory_space<vmem_shared>> -> memref<64x128xf32, #tpu.memory_space<vmem_shared>>
    tpu.wait_dma2 semaphore(%arg21 : memref<!tpu.dma_semaphore, #tpu.memory_space<semaphore_mem>>) src(%arg13 : memref<64x128xf32, #tpu.memory_space<vmem>>) dst(%dma_wait3A_113 : memref<64x128xf32, #tpu.memory_space<vmem_shared>>)
    %add3A_114 = arith.constant 40 : i32
    %add3A_115 = arith.addi %mul3A_4, %add3A_114 : i32
    "tpu.region"() ({
      %run_scoped3A = tpu.sem_alloc : memref<!tpu.dma_semaphore, #tpu.memory_space<semaphore_mem>>
      %dma_start3A_458 = arith.constant 0 : i32
      %dma_start3A_459 = tpu.memref_slice %arg3[%add3A_115, %dma_start3A_458] : memref<5120x64xi32, #tpu.memory_space<hbm>> -> memref<40x64xi32, #tpu.memory_space<hbm>>
      %dma_start3A_460 = arith.constant 0 : i32
      %dma_start3A_461 = tpu.memref_slice %arg3[%add3A_115, %dma_start3A_460] : memref<5120x64xi32, #tpu.memory_space<hbm>> -> memref<40x64xi32, #tpu.memory_space<hbm>>
      tpu.enqueue_dma source(%dma_start3A_461 : memref<40x64xi32, #tpu.memory_space<hbm>>) target(%arg8 : memref<40x64xi32, #tpu.memory_space<vmem>>) target_semaphore(%run_scoped3A : memref<!tpu.dma_semaphore, #tpu.memory_space<semaphore_mem>>)
      %dma_wait3A_462 = arith.constant 0 : i32
      %dma_wait3A_463 = tpu.memref_slice %arg3[%add3A_115, %dma_wait3A_462] : memref<5120x64xi32, #tpu.memory_space<hbm>> -> memref<40x64xi32, #tpu.memory_space<hbm>>
      %dma_wait3A_464 = arith.constant 0 : i32
      %dma_wait3A_465 = tpu.memref_slice %arg3[%add3A_115, %dma_wait3A_464] : memref<5120x64xi32, #tpu.memory_space<hbm>> -> memref<40x64xi32, #tpu.memory_space<hbm>>
      tpu.wait_dma2 semaphore(%run_scoped3A : memref<!tpu.dma_semaphore, #tpu.memory_space<semaphore_mem>>) src(%dma_wait3A_465 : memref<40x64xi32, #tpu.memory_space<hbm>>) dst(%arg8 : memref<40x64xi32, #tpu.memory_space<vmem>>)
      tpu.yield
    }) : () -> ()
    "tpu.region"() ({
      %run_scoped3A = tpu.sem_alloc : memref<!tpu.dma_semaphore, #tpu.memory_space<semaphore_mem>>
      %dma_start3A_458 = arith.constant 0 : i32
      %dma_start3A_459 = tpu.memref_slice %arg4[%add3A_115, %dma_start3A_458] : memref<5120x64xi32, #tpu.memory_space<hbm>> -> memref<40x64xi32, #tpu.memory_space<hbm>>
      %dma_start3A_460 = arith.constant 0 : i32
      %dma_start3A_461 = tpu.memref_slice %arg4[%add3A_115, %dma_start3A_460] : memref<5120x64xi32, #tpu.memory_space<hbm>> -> memref<40x64xi32, #tpu.memory_space<hbm>>
      tpu.enqueue_dma source(%dma_start3A_461 : memref<40x64xi32, #tpu.memory_space<hbm>>) target(%arg9 : memref<40x64xi32, #tpu.memory_space<vmem>>) target_semaphore(%run_scoped3A : memref<!tpu.dma_semaphore, #tpu.memory_space<semaphore_mem>>)
      %dma_wait3A_462 = arith.constant 0 : i32
      %dma_wait3A_463 = tpu.memref_slice %arg4[%add3A_115, %dma_wait3A_462] : memref<5120x64xi32, #tpu.memory_space<hbm>> -> memref<40x64xi32, #tpu.memory_space<hbm>>
      %dma_wait3A_464 = arith.constant 0 : i32
      %dma_wait3A_465 = tpu.memref_slice %arg4[%add3A_115, %dma_wait3A_464] : memref<5120x64xi32, #tpu.memory_space<hbm>> -> memref<40x64xi32, #tpu.memory_space<hbm>>
      tpu.wait_dma2 semaphore(%run_scoped3A : memref<!tpu.dma_semaphore, #tpu.memory_space<semaphore_mem>>) src(%dma_wait3A_465 : memref<40x64xi32, #tpu.memory_space<hbm>>) dst(%arg9 : memref<40x64xi32, #tpu.memory_space<vmem>>)
      tpu.yield
    }) : () -> ()
    %dma_start3A_116 = arith.constant 0 : i32
    %dma_start3A_117 = arith.constant 0 : i32
    %dma_start3A_118 = tpu.memref_slice %arg8[%dma_start3A_116, %dma_start3A_117] : memref<40x64xi32, #tpu.memory_space<vmem>> -> memref<1x64xi32, #tpu.memory_space<vmem>>
    %dma_start3A_119 = tpu.memref_squeeze %dma_start3A_118 : memref<1x64xi32, #tpu.memory_space<vmem>> -> memref<64xi32, #tpu.memory_space<vmem>>
    %dma_start3A_120 = arith.constant 0 : i32
    %dma_start3A_121 = arith.constant 0 : i32
    %dma_start3A_122 = tpu.memref_slice %arg2[%dma_start3A_120, %dma_start3A_121] : memref<10240x128xf32, #tpu.memory_space<hbm>> -> memref<10240x128xf32, #tpu.memory_space<hbm>>
    tpu.enqueue_indirect_dma source(%dma_start3A_122 : memref<10240x128xf32, #tpu.memory_space<hbm>>) target(%arg10 : memref<64x128xf32, #tpu.memory_space<vmem>>) offsets(%dma_start3A_119 : memref<64xi32, #tpu.memory_space<vmem>>) semaphore(%arg14 : memref<!tpu.dma_semaphore, #tpu.memory_space<semaphore_mem>>)
    %dma_start3A_123 = arith.constant 1 : i32
    %dma_start3A_124 = arith.constant 0 : i32
    %dma_start3A_125 = tpu.memref_slice %arg8[%dma_start3A_123, %dma_start3A_124] : memref<40x64xi32, #tpu.memory_space<vmem>> -> memref<1x64xi32, #tpu.memory_space<vmem>>
    %dma_start3A_126 = tpu.memref_squeeze %dma_start3A_125 : memref<1x64xi32, #tpu.memory_space<vmem>> -> memref<64xi32, #tpu.memory_space<vmem>>
    %dma_start3A_127 = arith.constant 0 : i32
    %dma_start3A_128 = arith.constant 0 : i32
    %dma_start3A_129 = tpu.memref_slice %arg2[%dma_start3A_127, %dma_start3A_128] : memref<10240x128xf32, #tpu.memory_space<hbm>> -> memref<10240x128xf32, #tpu.memory_space<hbm>>
    tpu.enqueue_indirect_dma source(%dma_start3A_129 : memref<10240x128xf32, #tpu.memory_space<hbm>>) target(%arg11 : memref<64x128xf32, #tpu.memory_space<vmem>>) offsets(%dma_start3A_126 : memref<64xi32, #tpu.memory_space<vmem>>) semaphore(%arg15 : memref<!tpu.dma_semaphore, #tpu.memory_space<semaphore_mem>>)
    %dma_start3A_130 = arith.constant 2 : i32
    %dma_start3A_131 = arith.constant 0 : i32
    %dma_start3A_132 = tpu.memref_slice %arg8[%dma_start3A_130, %dma_start3A_131] : memref<40x64xi32, #tpu.memory_space<vmem>> -> memref<1x64xi32, #tpu.memory_space<vmem>>
    %dma_start3A_133 = tpu.memref_squeeze %dma_start3A_132 : memref<1x64xi32, #tpu.memory_space<vmem>> -> memref<64xi32, #tpu.memory_space<vmem>>
    %dma_start3A_134 = arith.constant 0 : i32
    %dma_start3A_135 = arith.constant 0 : i32
    %dma_start3A_136 = tpu.memref_slice %arg2[%dma_start3A_134, %dma_start3A_135] : memref<10240x128xf32, #tpu.memory_space<hbm>> -> memref<10240x128xf32, #tpu.memory_space<hbm>>
    tpu.enqueue_indirect_dma source(%dma_start3A_136 : memref<10240x128xf32, #tpu.memory_space<hbm>>) target(%arg12 : memref<64x128xf32, #tpu.memory_space<vmem>>) offsets(%dma_start3A_133 : memref<64xi32, #tpu.memory_space<vmem>>) semaphore(%arg16 : memref<!tpu.dma_semaphore, #tpu.memory_space<semaphore_mem>>)
    %dma_start3A_137 = arith.constant 3 : i32
    %dma_start3A_138 = arith.constant 0 : i32
    %dma_start3A_139 = tpu.memref_slice %arg8[%dma_start3A_137, %dma_start3A_138] : memref<40x64xi32, #tpu.memory_space<vmem>> -> memref<1x64xi32, #tpu.memory_space<vmem>>
    %dma_start3A_140 = tpu.memref_squeeze %dma_start3A_139 : memref<1x64xi32, #tpu.memory_space<vmem>> -> memref<64xi32, #tpu.memory_space<vmem>>
    %dma_start3A_141 = arith.constant 0 : i32
    %dma_start3A_142 = arith.constant 0 : i32
    %dma_start3A_143 = tpu.memref_slice %arg2[%dma_start3A_141, %dma_start3A_142] : memref<10240x128xf32, #tpu.memory_space<hbm>> -> memref<10240x128xf32, #tpu.memory_space<hbm>>
    tpu.enqueue_indirect_dma source(%dma_start3A_143 : memref<10240x128xf32, #tpu.memory_space<hbm>>) target(%arg13 : memref<64x128xf32, #tpu.memory_space<vmem>>) offsets(%dma_start3A_140 : memref<64xi32, #tpu.memory_space<vmem>>) semaphore(%arg17 : memref<!tpu.dma_semaphore, #tpu.memory_space<semaphore_mem>>)
    %scan3A_144 = arith.constant 0 : i32
    %scan3A_145 = arith.constant 0 : i32
    %scan3A_146 = arith.constant 9 : i32
    %scan3A_147 = arith.addi %scan3A_145, %scan3A_146 : i32
    %scan3A_148 = arith.constant 1 : i32
    scf.for %scan3A_458 = %scan3A_145 to %scan3A_147 step %scan3A_148  : i32 {
      %mul3A_459 = arith.constant 4 : i32
      %mul3A_460 = arith.muli %scan3A_458, %mul3A_459 : i32
      %dma_wait3A_461 = arith.constant 0 : i32
      %dma_wait3A_462 = arith.constant 0 : i32
      %dma_wait3A_463 = tpu.memref_slice %arg2[%dma_wait3A_461, %dma_wait3A_462] : memref<10240x128xf32, #tpu.memory_space<hbm>> -> memref<64x128xf32, #tpu.memory_space<hbm>>
      %dma_wait3A_464 = arith.constant 0 : i32
      %dma_wait3A_465 = arith.constant 0 : i32
      %dma_wait3A_466 = tpu.memref_slice %arg2[%dma_wait3A_464, %dma_wait3A_465] : memref<10240x128xf32, #tpu.memory_space<hbm>> -> memref<64x128xf32, #tpu.memory_space<hbm>>
      tpu.wait_dma2 semaphore(%arg14 : memref<!tpu.dma_semaphore, #tpu.memory_space<semaphore_mem>>) src(%dma_wait3A_466 : memref<64x128xf32, #tpu.memory_space<hbm>>) dst(%arg10 : memref<64x128xf32, #tpu.memory_space<vmem>>)
      %add3A_467 = arith.constant 0 : i32
      %add3A_468 = arith.addi %mul3A_460, %add3A_467 : i32
      %dma_start3A_469 = arith.constant 0 : i32
      %dma_start3A_470 = tpu.memref_slice %arg9[%add3A_468, %dma_start3A_469] : memref<40x64xi32, #tpu.memory_space<vmem>> -> memref<1x64xi32, #tpu.memory_space<vmem>>
      %dma_start3A_471 = tpu.memref_squeeze %dma_start3A_470 : memref<1x64xi32, #tpu.memory_space<vmem>> -> memref<64xi32, #tpu.memory_space<vmem>>
      %dma_start3A_472 = arith.constant 0 : i32
      %dma_start3A_473 = arith.constant 0 : i32
      %dma_start3A_474 = tpu.memref_slice %arg7[%dma_start3A_472, %dma_start3A_473] : memref<10240x128xf32, #tpu.memory_space<vmem_shared>> -> memref<10240x128xf32, #tpu.memory_space<vmem_shared>>
      tpu.enqueue_indirect_dma source(%arg10 : memref<64x128xf32, #tpu.memory_space<vmem>>) target(%dma_start3A_474 : memref<10240x128xf32, #tpu.memory_space<vmem_shared>>) offsets(%dma_start3A_471 : memref<64xi32, #tpu.memory_space<vmem>>) semaphore(%arg18 : memref<!tpu.dma_semaphore, #tpu.memory_space<semaphore_mem>>) {add = true}
      %dma_wait3A_475 = arith.constant 0 : i32
      %dma_wait3A_476 = arith.constant 0 : i32
      %dma_wait3A_477 = tpu.memref_slice %arg2[%dma_wait3A_475, %dma_wait3A_476] : memref<10240x128xf32, #tpu.memory_space<hbm>> -> memref<64x128xf32, #tpu.memory_space<hbm>>
      %dma_wait3A_478 = arith.constant 0 : i32
      %dma_wait3A_479 = arith.constant 0 : i32
      %dma_wait3A_480 = tpu.memref_slice %arg2[%dma_wait3A_478, %dma_wait3A_479] : memref<10240x128xf32, #tpu.memory_space<hbm>> -> memref<64x128xf32, #tpu.memory_space<hbm>>
      tpu.wait_dma2 semaphore(%arg15 : memref<!tpu.dma_semaphore, #tpu.memory_space<semaphore_mem>>) src(%dma_wait3A_480 : memref<64x128xf32, #tpu.memory_space<hbm>>) dst(%arg11 : memref<64x128xf32, #tpu.memory_space<vmem>>)
      %add3A_481 = arith.constant 1 : i32
      %add3A_482 = arith.addi %mul3A_460, %add3A_481 : i32
      %dma_start3A_483 = arith.constant 0 : i32
      %dma_start3A_484 = tpu.memref_slice %arg9[%add3A_482, %dma_start3A_483] : memref<40x64xi32, #tpu.memory_space<vmem>> -> memref<1x64xi32, #tpu.memory_space<vmem>>
      %dma_start3A_485 = tpu.memref_squeeze %dma_start3A_484 : memref<1x64xi32, #tpu.memory_space<vmem>> -> memref<64xi32, #tpu.memory_space<vmem>>
      %dma_start3A_486 = arith.constant 0 : i32
      %dma_start3A_487 = arith.constant 0 : i32
      %dma_start3A_488 = tpu.memref_slice %arg7[%dma_start3A_486, %dma_start3A_487] : memref<10240x128xf32, #tpu.memory_space<vmem_shared>> -> memref<10240x128xf32, #tpu.memory_space<vmem_shared>>
      tpu.enqueue_indirect_dma source(%arg11 : memref<64x128xf32, #tpu.memory_space<vmem>>) target(%dma_start3A_488 : memref<10240x128xf32, #tpu.memory_space<vmem_shared>>) offsets(%dma_start3A_485 : memref<64xi32, #tpu.memory_space<vmem>>) semaphore(%arg19 : memref<!tpu.dma_semaphore, #tpu.memory_space<semaphore_mem>>) {add = true}
      %dma_wait3A_489 = arith.constant 0 : i32
      %dma_wait3A_490 = arith.constant 0 : i32
      %dma_wait3A_491 = tpu.memref_slice %arg2[%dma_wait3A_489, %dma_wait3A_490] : memref<10240x128xf32, #tpu.memory_space<hbm>> -> memref<64x128xf32, #tpu.memory_space<hbm>>
      %dma_wait3A_492 = arith.constant 0 : i32
      %dma_wait3A_493 = arith.constant 0 : i32
      %dma_wait3A_494 = tpu.memref_slice %arg2[%dma_wait3A_492, %dma_wait3A_493] : memref<10240x128xf32, #tpu.memory_space<hbm>> -> memref<64x128xf32, #tpu.memory_space<hbm>>
      tpu.wait_dma2 semaphore(%arg16 : memref<!tpu.dma_semaphore, #tpu.memory_space<semaphore_mem>>) src(%dma_wait3A_494 : memref<64x128xf32, #tpu.memory_space<hbm>>) dst(%arg12 : memref<64x128xf32, #tpu.memory_space<vmem>>)
      %add3A_495 = arith.constant 2 : i32
      %add3A_496 = arith.addi %mul3A_460, %add3A_495 : i32
      %dma_start3A_497 = arith.constant 0 : i32
      %dma_start3A_498 = tpu.memref_slice %arg9[%add3A_496, %dma_start3A_497] : memref<40x64xi32, #tpu.memory_space<vmem>> -> memref<1x64xi32, #tpu.memory_space<vmem>>
      %dma_start3A_499 = tpu.memref_squeeze %dma_start3A_498 : memref<1x64xi32, #tpu.memory_space<vmem>> -> memref<64xi32, #tpu.memory_space<vmem>>
      %dma_start3A_500 = arith.constant 0 : i32
      %dma_start3A_501 = arith.constant 0 : i32
      %dma_start3A_502 = tpu.memref_slice %arg7[%dma_start3A_500, %dma_start3A_501] : memref<10240x128xf32, #tpu.memory_space<vmem_shared>> -> memref<10240x128xf32, #tpu.memory_space<vmem_shared>>
      tpu.enqueue_indirect_dma source(%arg12 : memref<64x128xf32, #tpu.memory_space<vmem>>) target(%dma_start3A_502 : memref<10240x128xf32, #tpu.memory_space<vmem_shared>>) offsets(%dma_start3A_499 : memref<64xi32, #tpu.memory_space<vmem>>) semaphore(%arg20 : memref<!tpu.dma_semaphore, #tpu.memory_space<semaphore_mem>>) {add = true}
      %dma_wait3A_503 = arith.constant 0 : i32
      %dma_wait3A_504 = arith.constant 0 : i32
      %dma_wait3A_505 = tpu.memref_slice %arg2[%dma_wait3A_503, %dma_wait3A_504] : memref<10240x128xf32, #tpu.memory_space<hbm>> -> memref<64x128xf32, #tpu.memory_space<hbm>>
      %dma_wait3A_506 = arith.constant 0 : i32
      %dma_wait3A_507 = arith.constant 0 : i32
      %dma_wait3A_508 = tpu.memref_slice %arg2[%dma_wait3A_506, %dma_wait3A_507] : memref<10240x128xf32, #tpu.memory_space<hbm>> -> memref<64x128xf32, #tpu.memory_space<hbm>>
      tpu.wait_dma2 semaphore(%arg17 : memref<!tpu.dma_semaphore, #tpu.memory_space<semaphore_mem>>) src(%dma_wait3A_508 : memref<64x128xf32, #tpu.memory_space<hbm>>) dst(%arg13 : memref<64x128xf32, #tpu.memory_space<vmem>>)
      %add3A_509 = arith.constant 3 : i32
      %add3A_510 = arith.addi %mul3A_460, %add3A_509 : i32
      %dma_start3A_511 = arith.constant 0 : i32
      %dma_start3A_512 = tpu.memref_slice %arg9[%add3A_510, %dma_start3A_511] : memref<40x64xi32, #tpu.memory_space<vmem>> -> memref<1x64xi32, #tpu.memory_space<vmem>>
      %dma_start3A_513 = tpu.memref_squeeze %dma_start3A_512 : memref<1x64xi32, #tpu.memory_space<vmem>> -> memref<64xi32, #tpu.memory_space<vmem>>
      %dma_start3A_514 = arith.constant 0 : i32
      %dma_start3A_515 = arith.constant 0 : i32
      %dma_start3A_516 = tpu.memref_slice %arg7[%dma_start3A_514, %dma_start3A_515] : memref<10240x128xf32, #tpu.memory_space<vmem_shared>> -> memref<10240x128xf32, #tpu.memory_space<vmem_shared>>
      tpu.enqueue_indirect_dma source(%arg13 : memref<64x128xf32, #tpu.memory_space<vmem>>) target(%dma_start3A_516 : memref<10240x128xf32, #tpu.memory_space<vmem_shared>>) offsets(%dma_start3A_513 : memref<64xi32, #tpu.memory_space<vmem>>) semaphore(%arg21 : memref<!tpu.dma_semaphore, #tpu.memory_space<semaphore_mem>>) {add = true}
      %dma_wait3A_517 = arith.constant 0 : i32
      %dma_wait3A_518 = arith.constant 0 : i32
      %dma_wait3A_519 = tpu.memref_slice %arg7[%dma_wait3A_517, %dma_wait3A_518] : memref<10240x128xf32, #tpu.memory_space<vmem_shared>> -> memref<64x128xf32, #tpu.memory_space<vmem_shared>>
      %dma_wait3A_520 = arith.constant 0 : i32
      %dma_wait3A_521 = arith.constant 0 : i32
      %dma_wait3A_522 = tpu.memref_slice %arg7[%dma_wait3A_520, %dma_wait3A_521] : memref<10240x128xf32, #tpu.memory_space<vmem_shared>> -> memref<64x128xf32, #tpu.memory_space<vmem_shared>>
      tpu.wait_dma2 semaphore(%arg18 : memref<!tpu.dma_semaphore, #tpu.memory_space<semaphore_mem>>) src(%arg10 : memref<64x128xf32, #tpu.memory_space<vmem>>) dst(%dma_wait3A_522 : memref<64x128xf32, #tpu.memory_space<vmem_shared>>)
      %add3A_523 = arith.constant 4 : i32
      %add3A_524 = arith.addi %mul3A_460, %add3A_523 : i32
      %add3A_525 = arith.constant 0 : i32
      %add3A_526 = arith.addi %add3A_524, %add3A_525 : i32
      %dma_start3A_527 = arith.constant 0 : i32
      %dma_start3A_528 = tpu.memref_slice %arg8[%add3A_526, %dma_start3A_527] : memref<40x64xi32, #tpu.memory_space<vmem>> -> memref<1x64xi32, #tpu.memory_space<vmem>>
      %dma_start3A_529 = tpu.memref_squeeze %dma_start3A_528 : memref<1x64xi32, #tpu.memory_space<vmem>> -> memref<64xi32, #tpu.memory_space<vmem>>
      %dma_start3A_530 = arith.constant 0 : i32
      %dma_start3A_531 = arith.constant 0 : i32
      %dma_start3A_532 = tpu.memref_slice %arg2[%dma_start3A_530, %dma_start3A_531] : memref<10240x128xf32, #tpu.memory_space<hbm>> -> memref<10240x128xf32, #tpu.memory_space<hbm>>
      tpu.enqueue_indirect_dma source(%dma_start3A_532 : memref<10240x128xf32, #tpu.memory_space<hbm>>) target(%arg10 : memref<64x128xf32, #tpu.memory_space<vmem>>) offsets(%dma_start3A_529 : memref<64xi32, #tpu.memory_space<vmem>>) semaphore(%arg14 : memref<!tpu.dma_semaphore, #tpu.memory_space<semaphore_mem>>)
      %dma_wait3A_533 = arith.constant 0 : i32
      %dma_wait3A_534 = arith.constant 0 : i32
      %dma_wait3A_535 = tpu.memref_slice %arg7[%dma_wait3A_533, %dma_wait3A_534] : memref<10240x128xf32, #tpu.memory_space<vmem_shared>> -> memref<64x128xf32, #tpu.memory_space<vmem_shared>>
      %dma_wait3A_536 = arith.constant 0 : i32
      %dma_wait3A_537 = arith.constant 0 : i32
      %dma_wait3A_538 = tpu.memref_slice %arg7[%dma_wait3A_536, %dma_wait3A_537] : memref<10240x128xf32, #tpu.memory_space<vmem_shared>> -> memref<64x128xf32, #tpu.memory_space<vmem_shared>>
      tpu.wait_dma2 semaphore(%arg19 : memref<!tpu.dma_semaphore, #tpu.memory_space<semaphore_mem>>) src(%arg11 : memref<64x128xf32, #tpu.memory_space<vmem>>) dst(%dma_wait3A_538 : memref<64x128xf32, #tpu.memory_space<vmem_shared>>)
      %add3A_539 = arith.constant 4 : i32
      %add3A_540 = arith.addi %mul3A_460, %add3A_539 : i32
      %add3A_541 = arith.constant 1 : i32
      %add3A_542 = arith.addi %add3A_540, %add3A_541 : i32
      %dma_start3A_543 = arith.constant 0 : i32
      %dma_start3A_544 = tpu.memref_slice %arg8[%add3A_542, %dma_start3A_543] : memref<40x64xi32, #tpu.memory_space<vmem>> -> memref<1x64xi32, #tpu.memory_space<vmem>>
      %dma_start3A_545 = tpu.memref_squeeze %dma_start3A_544 : memref<1x64xi32, #tpu.memory_space<vmem>> -> memref<64xi32, #tpu.memory_space<vmem>>
      %dma_start3A_546 = arith.constant 0 : i32
      %dma_start3A_547 = arith.constant 0 : i32
      %dma_start3A_548 = tpu.memref_slice %arg2[%dma_start3A_546, %dma_start3A_547] : memref<10240x128xf32, #tpu.memory_space<hbm>> -> memref<10240x128xf32, #tpu.memory_space<hbm>>
      tpu.enqueue_indirect_dma source(%dma_start3A_548 : memref<10240x128xf32, #tpu.memory_space<hbm>>) target(%arg11 : memref<64x128xf32, #tpu.memory_space<vmem>>) offsets(%dma_start3A_545 : memref<64xi32, #tpu.memory_space<vmem>>) semaphore(%arg15 : memref<!tpu.dma_semaphore, #tpu.memory_space<semaphore_mem>>)
      %dma_wait3A_549 = arith.constant 0 : i32
      %dma_wait3A_550 = arith.constant 0 : i32
      %dma_wait3A_551 = tpu.memref_slice %arg7[%dma_wait3A_549, %dma_wait3A_550] : memref<10240x128xf32, #tpu.memory_space<vmem_shared>> -> memref<64x128xf32, #tpu.memory_space<vmem_shared>>
      %dma_wait3A_552 = arith.constant 0 : i32
      %dma_wait3A_553 = arith.constant 0 : i32
      %dma_wait3A_554 = tpu.memref_slice %arg7[%dma_wait3A_552, %dma_wait3A_553] : memref<10240x128xf32, #tpu.memory_space<vmem_shared>> -> memref<64x128xf32, #tpu.memory_space<vmem_shared>>
      tpu.wait_dma2 semaphore(%arg20 : memref<!tpu.dma_semaphore, #tpu.memory_space<semaphore_mem>>) src(%arg12 : memref<64x128xf32, #tpu.memory_space<vmem>>) dst(%dma_wait3A_554 : memref<64x128xf32, #tpu.memory_space<vmem_shared>>)
      %add3A_555 = arith.constant 4 : i32
      %add3A_556 = arith.addi %mul3A_460, %add3A_555 : i32
      %add3A_557 = arith.constant 2 : i32
      %add3A_558 = arith.addi %add3A_556, %add3A_557 : i32
      %dma_start3A_559 = arith.constant 0 : i32
      %dma_start3A_560 = tpu.memref_slice %arg8[%add3A_558, %dma_start3A_559] : memref<40x64xi32, #tpu.memory_space<vmem>> -> memref<1x64xi32, #tpu.memory_space<vmem>>
      %dma_start3A_561 = tpu.memref_squeeze %dma_start3A_560 : memref<1x64xi32, #tpu.memory_space<vmem>> -> memref<64xi32, #tpu.memory_space<vmem>>
      %dma_start3A_562 = arith.constant 0 : i32
      %dma_start3A_563 = arith.constant 0 : i32
      %dma_start3A_564 = tpu.memref_slice %arg2[%dma_start3A_562, %dma_start3A_563] : memref<10240x128xf32, #tpu.memory_space<hbm>> -> memref<10240x128xf32, #tpu.memory_space<hbm>>
      tpu.enqueue_indirect_dma source(%dma_start3A_564 : memref<10240x128xf32, #tpu.memory_space<hbm>>) target(%arg12 : memref<64x128xf32, #tpu.memory_space<vmem>>) offsets(%dma_start3A_561 : memref<64xi32, #tpu.memory_space<vmem>>) semaphore(%arg16 : memref<!tpu.dma_semaphore, #tpu.memory_space<semaphore_mem>>)
      %dma_wait3A_565 = arith.constant 0 : i32
      %dma_wait3A_566 = arith.constant 0 : i32
      %dma_wait3A_567 = tpu.memref_slice %arg7[%dma_wait3A_565, %dma_wait3A_566] : memref<10240x128xf32, #tpu.memory_space<vmem_shared>> -> memref<64x128xf32, #tpu.memory_space<vmem_shared>>
      %dma_wait3A_568 = arith.constant 0 : i32
      %dma_wait3A_569 = arith.constant 0 : i32
      %dma_wait3A_570 = tpu.memref_slice %arg7[%dma_wait3A_568, %dma_wait3A_569] : memref<10240x128xf32, #tpu.memory_space<vmem_shared>> -> memref<64x128xf32, #tpu.memory_space<vmem_shared>>
      tpu.wait_dma2 semaphore(%arg21 : memref<!tpu.dma_semaphore, #tpu.memory_space<semaphore_mem>>) src(%arg13 : memref<64x128xf32, #tpu.memory_space<vmem>>) dst(%dma_wait3A_570 : memref<64x128xf32, #tpu.memory_space<vmem_shared>>)
      %add3A_571 = arith.constant 4 : i32
      %add3A_572 = arith.addi %mul3A_460, %add3A_571 : i32
      %add3A_573 = arith.constant 3 : i32
      %add3A_574 = arith.addi %add3A_572, %add3A_573 : i32
      %dma_start3A_575 = arith.constant 0 : i32
      %dma_start3A_576 = tpu.memref_slice %arg8[%add3A_574, %dma_start3A_575] : memref<40x64xi32, #tpu.memory_space<vmem>> -> memref<1x64xi32, #tpu.memory_space<vmem>>
      %dma_start3A_577 = tpu.memref_squeeze %dma_start3A_576 : memref<1x64xi32, #tpu.memory_space<vmem>> -> memref<64xi32, #tpu.memory_space<vmem>>
      %dma_start3A_578 = arith.constant 0 : i32
      %dma_start3A_579 = arith.constant 0 : i32
      %dma_start3A_580 = tpu.memref_slice %arg2[%dma_start3A_578, %dma_start3A_579] : memref<10240x128xf32, #tpu.memory_space<hbm>> -> memref<10240x128xf32, #tpu.memory_space<hbm>>
      tpu.enqueue_indirect_dma source(%dma_start3A_580 : memref<10240x128xf32, #tpu.memory_space<hbm>>) target(%arg13 : memref<64x128xf32, #tpu.memory_space<vmem>>) offsets(%dma_start3A_577 : memref<64xi32, #tpu.memory_space<vmem>>) semaphore(%arg17 : memref<!tpu.dma_semaphore, #tpu.memory_space<semaphore_mem>>)
    }
    %scan3A_149 = arith.constant 9 : i32
    %dma_wait3A_150 = arith.constant 0 : i32
    %dma_wait3A_151 = arith.constant 0 : i32
    %dma_wait3A_152 = tpu.memref_slice %arg2[%dma_wait3A_150, %dma_wait3A_151] : memref<10240x128xf32, #tpu.memory_space<hbm>> -> memref<64x128xf32, #tpu.memory_space<hbm>>
    %dma_wait3A_153 = arith.constant 0 : i32
    %dma_wait3A_154 = arith.constant 0 : i32
    %dma_wait3A_155 = tpu.memref_slice %arg2[%dma_wait3A_153, %dma_wait3A_154] : memref<10240x128xf32, #tpu.memory_space<hbm>> -> memref<64x128xf32, #tpu.memory_space<hbm>>
    tpu.wait_dma2 semaphore(%arg14 : memref<!tpu.dma_semaphore, #tpu.memory_space<semaphore_mem>>) src(%dma_wait3A_155 : memref<64x128xf32, #tpu.memory_space<hbm>>) dst(%arg10 : memref<64x128xf32, #tpu.memory_space<vmem>>)
    %dma_start3A_156 = arith.constant 36 : i32
    %dma_start3A_157 = arith.constant 0 : i32
    %dma_start3A_158 = tpu.memref_slice %arg9[%dma_start3A_156, %dma_start3A_157] : memref<40x64xi32, #tpu.memory_space<vmem>> -> memref<1x64xi32, #tpu.memory_space<vmem>>
    %dma_start3A_159 = tpu.memref_squeeze %dma_start3A_158 : memref<1x64xi32, #tpu.memory_space<vmem>> -> memref<64xi32, #tpu.memory_space<vmem>>
    %dma_start3A_160 = arith.constant 0 : i32
    %dma_start3A_161 = arith.constant 0 : i32
    %dma_start3A_162 = tpu.memref_slice %arg7[%dma_start3A_160, %dma_start3A_161] : memref<10240x128xf32, #tpu.memory_space<vmem_shared>> -> memref<10240x128xf32, #tpu.memory_space<vmem_shared>>
    tpu.enqueue_indirect_dma source(%arg10 : memref<64x128xf32, #tpu.memory_space<vmem>>) target(%dma_start3A_162 : memref<10240x128xf32, #tpu.memory_space<vmem_shared>>) offsets(%dma_start3A_159 : memref<64xi32, #tpu.memory_space<vmem>>) semaphore(%arg18 : memref<!tpu.dma_semaphore, #tpu.memory_space<semaphore_mem>>) {add = true}
    %dma_wait3A_163 = arith.constant 0 : i32
    %dma_wait3A_164 = arith.constant 0 : i32
    %dma_wait3A_165 = tpu.memref_slice %arg2[%dma_wait3A_163, %dma_wait3A_164] : memref<10240x128xf32, #tpu.memory_space<hbm>> -> memref<64x128xf32, #tpu.memory_space<hbm>>
    %dma_wait3A_166 = arith.constant 0 : i32
    %dma_wait3A_167 = arith.constant 0 : i32
    %dma_wait3A_168 = tpu.memref_slice %arg2[%dma_wait3A_166, %dma_wait3A_167] : memref<10240x128xf32, #tpu.memory_space<hbm>> -> memref<64x128xf32, #tpu.memory_space<hbm>>
    tpu.wait_dma2 semaphore(%arg15 : memref<!tpu.dma_semaphore, #tpu.memory_space<semaphore_mem>>) src(%dma_wait3A_168 : memref<64x128xf32, #tpu.memory_space<hbm>>) dst(%arg11 : memref<64x128xf32, #tpu.memory_space<vmem>>)
    %dma_start3A_169 = arith.constant 37 : i32
    %dma_start3A_170 = arith.constant 0 : i32
    %dma_start3A_171 = tpu.memref_slice %arg9[%dma_start3A_169, %dma_start3A_170] : memref<40x64xi32, #tpu.memory_space<vmem>> -> memref<1x64xi32, #tpu.memory_space<vmem>>
    %dma_start3A_172 = tpu.memref_squeeze %dma_start3A_171 : memref<1x64xi32, #tpu.memory_space<vmem>> -> memref<64xi32, #tpu.memory_space<vmem>>
    %dma_start3A_173 = arith.constant 0 : i32
    %dma_start3A_174 = arith.constant 0 : i32
    %dma_start3A_175 = tpu.memref_slice %arg7[%dma_start3A_173, %dma_start3A_174] : memref<10240x128xf32, #tpu.memory_space<vmem_shared>> -> memref<10240x128xf32, #tpu.memory_space<vmem_shared>>
    tpu.enqueue_indirect_dma source(%arg11 : memref<64x128xf32, #tpu.memory_space<vmem>>) target(%dma_start3A_175 : memref<10240x128xf32, #tpu.memory_space<vmem_shared>>) offsets(%dma_start3A_172 : memref<64xi32, #tpu.memory_space<vmem>>) semaphore(%arg19 : memref<!tpu.dma_semaphore, #tpu.memory_space<semaphore_mem>>) {add = true}
    %dma_wait3A_176 = arith.constant 0 : i32
    %dma_wait3A_177 = arith.constant 0 : i32
    %dma_wait3A_178 = tpu.memref_slice %arg2[%dma_wait3A_176, %dma_wait3A_177] : memref<10240x128xf32, #tpu.memory_space<hbm>> -> memref<64x128xf32, #tpu.memory_space<hbm>>
    %dma_wait3A_179 = arith.constant 0 : i32
    %dma_wait3A_180 = arith.constant 0 : i32
    %dma_wait3A_181 = tpu.memref_slice %arg2[%dma_wait3A_179, %dma_wait3A_180] : memref<10240x128xf32, #tpu.memory_space<hbm>> -> memref<64x128xf32, #tpu.memory_space<hbm>>
    tpu.wait_dma2 semaphore(%arg16 : memref<!tpu.dma_semaphore, #tpu.memory_space<semaphore_mem>>) src(%dma_wait3A_181 : memref<64x128xf32, #tpu.memory_space<hbm>>) dst(%arg12 : memref<64x128xf32, #tpu.memory_space<vmem>>)
    %dma_start3A_182 = arith.constant 38 : i32
    %dma_start3A_183 = arith.constant 0 : i32
    %dma_start3A_184 = tpu.memref_slice %arg9[%dma_start3A_182, %dma_start3A_183] : memref<40x64xi32, #tpu.memory_space<vmem>> -> memref<1x64xi32, #tpu.memory_space<vmem>>
    %dma_start3A_185 = tpu.memref_squeeze %dma_start3A_184 : memref<1x64xi32, #tpu.memory_space<vmem>> -> memref<64xi32, #tpu.memory_space<vmem>>
    %dma_start3A_186 = arith.constant 0 : i32
    %dma_start3A_187 = arith.constant 0 : i32
    %dma_start3A_188 = tpu.memref_slice %arg7[%dma_start3A_186, %dma_start3A_187] : memref<10240x128xf32, #tpu.memory_space<vmem_shared>> -> memref<10240x128xf32, #tpu.memory_space<vmem_shared>>
    tpu.enqueue_indirect_dma source(%arg12 : memref<64x128xf32, #tpu.memory_space<vmem>>) target(%dma_start3A_188 : memref<10240x128xf32, #tpu.memory_space<vmem_shared>>) offsets(%dma_start3A_185 : memref<64xi32, #tpu.memory_space<vmem>>) semaphore(%arg20 : memref<!tpu.dma_semaphore, #tpu.memory_space<semaphore_mem>>) {add = true}
    %dma_wait3A_189 = arith.constant 0 : i32
    %dma_wait3A_190 = arith.constant 0 : i32
    %dma_wait3A_191 = tpu.memref_slice %arg2[%dma_wait3A_189, %dma_wait3A_190] : memref<10240x128xf32, #tpu.memory_space<hbm>> -> memref<64x128xf32, #tpu.memory_space<hbm>>
    %dma_wait3A_192 = arith.constant 0 : i32
    %dma_wait3A_193 = arith.constant 0 : i32
    %dma_wait3A_194 = tpu.memref_slice %arg2[%dma_wait3A_192, %dma_wait3A_193] : memref<10240x128xf32, #tpu.memory_space<hbm>> -> memref<64x128xf32, #tpu.memory_space<hbm>>
    tpu.wait_dma2 semaphore(%arg17 : memref<!tpu.dma_semaphore, #tpu.memory_space<semaphore_mem>>) src(%dma_wait3A_194 : memref<64x128xf32, #tpu.memory_space<hbm>>) dst(%arg13 : memref<64x128xf32, #tpu.memory_space<vmem>>)
    %dma_start3A_195 = arith.constant 39 : i32
    %dma_start3A_196 = arith.constant 0 : i32
    %dma_start3A_197 = tpu.memref_slice %arg9[%dma_start3A_195, %dma_start3A_196] : memref<40x64xi32, #tpu.memory_space<vmem>> -> memref<1x64xi32, #tpu.memory_space<vmem>>
    %dma_start3A_198 = tpu.memref_squeeze %dma_start3A_197 : memref<1x64xi32, #tpu.memory_space<vmem>> -> memref<64xi32, #tpu.memory_space<vmem>>
    %dma_start3A_199 = arith.constant 0 : i32
    %dma_start3A_200 = arith.constant 0 : i32
    %dma_start3A_201 = tpu.memref_slice %arg7[%dma_start3A_199, %dma_start3A_200] : memref<10240x128xf32, #tpu.memory_space<vmem_shared>> -> memref<10240x128xf32, #tpu.memory_space<vmem_shared>>
    tpu.enqueue_indirect_dma source(%arg13 : memref<64x128xf32, #tpu.memory_space<vmem>>) target(%dma_start3A_201 : memref<10240x128xf32, #tpu.memory_space<vmem_shared>>) offsets(%dma_start3A_198 : memref<64xi32, #tpu.memory_space<vmem>>) semaphore(%arg21 : memref<!tpu.dma_semaphore, #tpu.memory_space<semaphore_mem>>) {add = true}
    %dma_wait3A_202 = arith.constant 0 : i32
    %dma_wait3A_203 = arith.constant 0 : i32
    %dma_wait3A_204 = tpu.memref_slice %arg7[%dma_wait3A_202, %dma_wait3A_203] : memref<10240x128xf32, #tpu.memory_space<vmem_shared>> -> memref<64x128xf32, #tpu.memory_space<vmem_shared>>
    %dma_wait3A_205 = arith.constant 0 : i32
    %dma_wait3A_206 = arith.constant 0 : i32
    %dma_wait3A_207 = tpu.memref_slice %arg7[%dma_wait3A_205, %dma_wait3A_206] : memref<10240x128xf32, #tpu.memory_space<vmem_shared>> -> memref<64x128xf32, #tpu.memory_space<vmem_shared>>
    tpu.wait_dma2 semaphore(%arg18 : memref<!tpu.dma_semaphore, #tpu.memory_space<semaphore_mem>>) src(%arg10 : memref<64x128xf32, #tpu.memory_space<vmem>>) dst(%dma_wait3A_207 : memref<64x128xf32, #tpu.memory_space<vmem_shared>>)
    %dma_wait3A_208 = arith.constant 0 : i32
    %dma_wait3A_209 = arith.constant 0 : i32
    %dma_wait3A_210 = tpu.memref_slice %arg7[%dma_wait3A_208, %dma_wait3A_209] : memref<10240x128xf32, #tpu.memory_space<vmem_shared>> -> memref<64x128xf32, #tpu.memory_space<vmem_shared>>
    %dma_wait3A_211 = arith.constant 0 : i32
    %dma_wait3A_212 = arith.constant 0 : i32
    %dma_wait3A_213 = tpu.memref_slice %arg7[%dma_wait3A_211, %dma_wait3A_212] : memref<10240x128xf32, #tpu.memory_space<vmem_shared>> -> memref<64x128xf32, #tpu.memory_space<vmem_shared>>
    tpu.wait_dma2 semaphore(%arg19 : memref<!tpu.dma_semaphore, #tpu.memory_space<semaphore_mem>>) src(%arg11 : memref<64x128xf32, #tpu.memory_space<vmem>>) dst(%dma_wait3A_213 : memref<64x128xf32, #tpu.memory_space<vmem_shared>>)
    %dma_wait3A_214 = arith.constant 0 : i32
    %dma_wait3A_215 = arith.constant 0 : i32
    %dma_wait3A_216 = tpu.memref_slice %arg7[%dma_wait3A_214, %dma_wait3A_215] : memref<10240x128xf32, #tpu.memory_space<vmem_shared>> -> memref<64x128xf32, #tpu.memory_space<vmem_shared>>
    %dma_wait3A_217 = arith.constant 0 : i32
    %dma_wait3A_218 = arith.constant 0 : i32
    %dma_wait3A_219 = tpu.memref_slice %arg7[%dma_wait3A_217, %dma_wait3A_218] : memref<10240x128xf32, #tpu.memory_space<vmem_shared>> -> memref<64x128xf32, #tpu.memory_space<vmem_shared>>
    tpu.wait_dma2 semaphore(%arg20 : memref<!tpu.dma_semaphore, #tpu.memory_space<semaphore_mem>>) src(%arg12 : memref<64x128xf32, #tpu.memory_space<vmem>>) dst(%dma_wait3A_219 : memref<64x128xf32, #tpu.memory_space<vmem_shared>>)
    %dma_wait3A_220 = arith.constant 0 : i32
    %dma_wait3A_221 = arith.constant 0 : i32
    %dma_wait3A_222 = tpu.memref_slice %arg7[%dma_wait3A_220, %dma_wait3A_221] : memref<10240x128xf32, #tpu.memory_space<vmem_shared>> -> memref<64x128xf32, #tpu.memory_space<vmem_shared>>
    %dma_wait3A_223 = arith.constant 0 : i32
    %dma_wait3A_224 = arith.constant 0 : i32
    %dma_wait3A_225 = tpu.memref_slice %arg7[%dma_wait3A_223, %dma_wait3A_224] : memref<10240x128xf32, #tpu.memory_space<vmem_shared>> -> memref<64x128xf32, #tpu.memory_space<vmem_shared>>
    tpu.wait_dma2 semaphore(%arg21 : memref<!tpu.dma_semaphore, #tpu.memory_space<semaphore_mem>>) src(%arg13 : memref<64x128xf32, #tpu.memory_space<vmem>>) dst(%dma_wait3A_225 : memref<64x128xf32, #tpu.memory_space<vmem_shared>>)
    %add3A_226 = arith.constant 80 : i32
    %add3A_227 = arith.addi %mul3A_4, %add3A_226 : i32
    "tpu.region"() ({
      %run_scoped3A = tpu.sem_alloc : memref<!tpu.dma_semaphore, #tpu.memory_space<semaphore_mem>>
      %dma_start3A_458 = arith.constant 0 : i32
      %dma_start3A_459 = tpu.memref_slice %arg3[%add3A_227, %dma_start3A_458] : memref<5120x64xi32, #tpu.memory_space<hbm>> -> memref<40x64xi32, #tpu.memory_space<hbm>>
      %dma_start3A_460 = arith.constant 0 : i32
      %dma_start3A_461 = tpu.memref_slice %arg3[%add3A_227, %dma_start3A_460] : memref<5120x64xi32, #tpu.memory_space<hbm>> -> memref<40x64xi32, #tpu.memory_space<hbm>>
      tpu.enqueue_dma source(%dma_start3A_461 : memref<40x64xi32, #tpu.memory_space<hbm>>) target(%arg8 : memref<40x64xi32, #tpu.memory_space<vmem>>) target_semaphore(%run_scoped3A : memref<!tpu.dma_semaphore, #tpu.memory_space<semaphore_mem>>)
      %dma_wait3A_462 = arith.constant 0 : i32
      %dma_wait3A_463 = tpu.memref_slice %arg3[%add3A_227, %dma_wait3A_462] : memref<5120x64xi32, #tpu.memory_space<hbm>> -> memref<40x64xi32, #tpu.memory_space<hbm>>
      %dma_wait3A_464 = arith.constant 0 : i32
      %dma_wait3A_465 = tpu.memref_slice %arg3[%add3A_227, %dma_wait3A_464] : memref<5120x64xi32, #tpu.memory_space<hbm>> -> memref<40x64xi32, #tpu.memory_space<hbm>>
      tpu.wait_dma2 semaphore(%run_scoped3A : memref<!tpu.dma_semaphore, #tpu.memory_space<semaphore_mem>>) src(%dma_wait3A_465 : memref<40x64xi32, #tpu.memory_space<hbm>>) dst(%arg8 : memref<40x64xi32, #tpu.memory_space<vmem>>)
      tpu.yield
    }) : () -> ()
    "tpu.region"() ({
      %run_scoped3A = tpu.sem_alloc : memref<!tpu.dma_semaphore, #tpu.memory_space<semaphore_mem>>
      %dma_start3A_458 = arith.constant 0 : i32
      %dma_start3A_459 = tpu.memref_slice %arg4[%add3A_227, %dma_start3A_458] : memref<5120x64xi32, #tpu.memory_space<hbm>> -> memref<40x64xi32, #tpu.memory_space<hbm>>
      %dma_start3A_460 = arith.constant 0 : i32
      %dma_start3A_461 = tpu.memref_slice %arg4[%add3A_227, %dma_start3A_460] : memref<5120x64xi32, #tpu.memory_space<hbm>> -> memref<40x64xi32, #tpu.memory_space<hbm>>
      tpu.enqueue_dma source(%dma_start3A_461 : memref<40x64xi32, #tpu.memory_space<hbm>>) target(%arg9 : memref<40x64xi32, #tpu.memory_space<vmem>>) target_semaphore(%run_scoped3A : memref<!tpu.dma_semaphore, #tpu.memory_space<semaphore_mem>>)
      %dma_wait3A_462 = arith.constant 0 : i32
      %dma_wait3A_463 = tpu.memref_slice %arg4[%add3A_227, %dma_wait3A_462] : memref<5120x64xi32, #tpu.memory_space<hbm>> -> memref<40x64xi32, #tpu.memory_space<hbm>>
      %dma_wait3A_464 = arith.constant 0 : i32
      %dma_wait3A_465 = tpu.memref_slice %arg4[%add3A_227, %dma_wait3A_464] : memref<5120x64xi32, #tpu.memory_space<hbm>> -> memref<40x64xi32, #tpu.memory_space<hbm>>
      tpu.wait_dma2 semaphore(%run_scoped3A : memref<!tpu.dma_semaphore, #tpu.memory_space<semaphore_mem>>) src(%dma_wait3A_465 : memref<40x64xi32, #tpu.memory_space<hbm>>) dst(%arg9 : memref<40x64xi32, #tpu.memory_space<vmem>>)
      tpu.yield
    }) : () -> ()
    %dma_start3A_228 = arith.constant 0 : i32
    %dma_start3A_229 = arith.constant 0 : i32
    %dma_start3A_230 = tpu.memref_slice %arg8[%dma_start3A_228, %dma_start3A_229] : memref<40x64xi32, #tpu.memory_space<vmem>> -> memref<1x64xi32, #tpu.memory_space<vmem>>
    %dma_start3A_231 = tpu.memref_squeeze %dma_start3A_230 : memref<1x64xi32, #tpu.memory_space<vmem>> -> memref<64xi32, #tpu.memory_space<vmem>>
    %dma_start3A_232 = arith.constant 0 : i32
    %dma_start3A_233 = arith.constant 0 : i32
    %dma_start3A_234 = tpu.memref_slice %arg2[%dma_start3A_232, %dma_start3A_233] : memref<10240x128xf32, #tpu.memory_space<hbm>> -> memref<10240x128xf32, #tpu.memory_space<hbm>>
    tpu.enqueue_indirect_dma source(%dma_start3A_234 : memref<10240x128xf32, #tpu.memory_space<hbm>>) target(%arg10 : memref<64x128xf32, #tpu.memory_space<vmem>>) offsets(%dma_start3A_231 : memref<64xi32, #tpu.memory_space<vmem>>) semaphore(%arg14 : memref<!tpu.dma_semaphore, #tpu.memory_space<semaphore_mem>>)
    %dma_start3A_235 = arith.constant 1 : i32
    %dma_start3A_236 = arith.constant 0 : i32
    %dma_start3A_237 = tpu.memref_slice %arg8[%dma_start3A_235, %dma_start3A_236] : memref<40x64xi32, #tpu.memory_space<vmem>> -> memref<1x64xi32, #tpu.memory_space<vmem>>
    %dma_start3A_238 = tpu.memref_squeeze %dma_start3A_237 : memref<1x64xi32, #tpu.memory_space<vmem>> -> memref<64xi32, #tpu.memory_space<vmem>>
    %dma_start3A_239 = arith.constant 0 : i32
    %dma_start3A_240 = arith.constant 0 : i32
    %dma_start3A_241 = tpu.memref_slice %arg2[%dma_start3A_239, %dma_start3A_240] : memref<10240x128xf32, #tpu.memory_space<hbm>> -> memref<10240x128xf32, #tpu.memory_space<hbm>>
    tpu.enqueue_indirect_dma source(%dma_start3A_241 : memref<10240x128xf32, #tpu.memory_space<hbm>>) target(%arg11 : memref<64x128xf32, #tpu.memory_space<vmem>>) offsets(%dma_start3A_238 : memref<64xi32, #tpu.memory_space<vmem>>) semaphore(%arg15 : memref<!tpu.dma_semaphore, #tpu.memory_space<semaphore_mem>>)
    %dma_start3A_242 = arith.constant 2 : i32
    %dma_start3A_243 = arith.constant 0 : i32
    %dma_start3A_244 = tpu.memref_slice %arg8[%dma_start3A_242, %dma_start3A_243] : memref<40x64xi32, #tpu.memory_space<vmem>> -> memref<1x64xi32, #tpu.memory_space<vmem>>
    %dma_start3A_245 = tpu.memref_squeeze %dma_start3A_244 : memref<1x64xi32, #tpu.memory_space<vmem>> -> memref<64xi32, #tpu.memory_space<vmem>>
    %dma_start3A_246 = arith.constant 0 : i32
    %dma_start3A_247 = arith.constant 0 : i32
    %dma_start3A_248 = tpu.memref_slice %arg2[%dma_start3A_246, %dma_start3A_247] : memref<10240x128xf32, #tpu.memory_space<hbm>> -> memref<10240x128xf32, #tpu.memory_space<hbm>>
    tpu.enqueue_indirect_dma source(%dma_start3A_248 : memref<10240x128xf32, #tpu.memory_space<hbm>>) target(%arg12 : memref<64x128xf32, #tpu.memory_space<vmem>>) offsets(%dma_start3A_245 : memref<64xi32, #tpu.memory_space<vmem>>) semaphore(%arg16 : memref<!tpu.dma_semaphore, #tpu.memory_space<semaphore_mem>>)
    %dma_start3A_249 = arith.constant 3 : i32
    %dma_start3A_250 = arith.constant 0 : i32
    %dma_start3A_251 = tpu.memref_slice %arg8[%dma_start3A_249, %dma_start3A_250] : memref<40x64xi32, #tpu.memory_space<vmem>> -> memref<1x64xi32, #tpu.memory_space<vmem>>
    %dma_start3A_252 = tpu.memref_squeeze %dma_start3A_251 : memref<1x64xi32, #tpu.memory_space<vmem>> -> memref<64xi32, #tpu.memory_space<vmem>>
    %dma_start3A_253 = arith.constant 0 : i32
    %dma_start3A_254 = arith.constant 0 : i32
    %dma_start3A_255 = tpu.memref_slice %arg2[%dma_start3A_253, %dma_start3A_254] : memref<10240x128xf32, #tpu.memory_space<hbm>> -> memref<10240x128xf32, #tpu.memory_space<hbm>>
    tpu.enqueue_indirect_dma source(%dma_start3A_255 : memref<10240x128xf32, #tpu.memory_space<hbm>>) target(%arg13 : memref<64x128xf32, #tpu.memory_space<vmem>>) offsets(%dma_start3A_252 : memref<64xi32, #tpu.memory_space<vmem>>) semaphore(%arg17 : memref<!tpu.dma_semaphore, #tpu.memory_space<semaphore_mem>>)
    %scan3A_256 = arith.constant 0 : i32
    %scan3A_257 = arith.constant 0 : i32
    %scan3A_258 = arith.constant 9 : i32
    %scan3A_259 = arith.addi %scan3A_257, %scan3A_258 : i32
    %scan3A_260 = arith.constant 1 : i32
    scf.for %scan3A_458 = %scan3A_257 to %scan3A_259 step %scan3A_260  : i32 {
      %mul3A_459 = arith.constant 4 : i32
      %mul3A_460 = arith.muli %scan3A_458, %mul3A_459 : i32
      %dma_wait3A_461 = arith.constant 0 : i32
      %dma_wait3A_462 = arith.constant 0 : i32
      %dma_wait3A_463 = tpu.memref_slice %arg2[%dma_wait3A_461, %dma_wait3A_462] : memref<10240x128xf32, #tpu.memory_space<hbm>> -> memref<64x128xf32, #tpu.memory_space<hbm>>
      %dma_wait3A_464 = arith.constant 0 : i32
      %dma_wait3A_465 = arith.constant 0 : i32
      %dma_wait3A_466 = tpu.memref_slice %arg2[%dma_wait3A_464, %dma_wait3A_465] : memref<10240x128xf32, #tpu.memory_space<hbm>> -> memref<64x128xf32, #tpu.memory_space<hbm>>
      tpu.wait_dma2 semaphore(%arg14 : memref<!tpu.dma_semaphore, #tpu.memory_space<semaphore_mem>>) src(%dma_wait3A_466 : memref<64x128xf32, #tpu.memory_space<hbm>>) dst(%arg10 : memref<64x128xf32, #tpu.memory_space<vmem>>)
      %add3A_467 = arith.constant 0 : i32
      %add3A_468 = arith.addi %mul3A_460, %add3A_467 : i32
      %dma_start3A_469 = arith.constant 0 : i32
      %dma_start3A_470 = tpu.memref_slice %arg9[%add3A_468, %dma_start3A_469] : memref<40x64xi32, #tpu.memory_space<vmem>> -> memref<1x64xi32, #tpu.memory_space<vmem>>
      %dma_start3A_471 = tpu.memref_squeeze %dma_start3A_470 : memref<1x64xi32, #tpu.memory_space<vmem>> -> memref<64xi32, #tpu.memory_space<vmem>>
      %dma_start3A_472 = arith.constant 0 : i32
      %dma_start3A_473 = arith.constant 0 : i32
      %dma_start3A_474 = tpu.memref_slice %arg7[%dma_start3A_472, %dma_start3A_473] : memref<10240x128xf32, #tpu.memory_space<vmem_shared>> -> memref<10240x128xf32, #tpu.memory_space<vmem_shared>>
      tpu.enqueue_indirect_dma source(%arg10 : memref<64x128xf32, #tpu.memory_space<vmem>>) target(%dma_start3A_474 : memref<10240x128xf32, #tpu.memory_space<vmem_shared>>) offsets(%dma_start3A_471 : memref<64xi32, #tpu.memory_space<vmem>>) semaphore(%arg18 : memref<!tpu.dma_semaphore, #tpu.memory_space<semaphore_mem>>) {add = true}
      %dma_wait3A_475 = arith.constant 0 : i32
      %dma_wait3A_476 = arith.constant 0 : i32
      %dma_wait3A_477 = tpu.memref_slice %arg2[%dma_wait3A_475, %dma_wait3A_476] : memref<10240x128xf32, #tpu.memory_space<hbm>> -> memref<64x128xf32, #tpu.memory_space<hbm>>
      %dma_wait3A_478 = arith.constant 0 : i32
      %dma_wait3A_479 = arith.constant 0 : i32
      %dma_wait3A_480 = tpu.memref_slice %arg2[%dma_wait3A_478, %dma_wait3A_479] : memref<10240x128xf32, #tpu.memory_space<hbm>> -> memref<64x128xf32, #tpu.memory_space<hbm>>
      tpu.wait_dma2 semaphore(%arg15 : memref<!tpu.dma_semaphore, #tpu.memory_space<semaphore_mem>>) src(%dma_wait3A_480 : memref<64x128xf32, #tpu.memory_space<hbm>>) dst(%arg11 : memref<64x128xf32, #tpu.memory_space<vmem>>)
      %add3A_481 = arith.constant 1 : i32
      %add3A_482 = arith.addi %mul3A_460, %add3A_481 : i32
      %dma_start3A_483 = arith.constant 0 : i32
      %dma_start3A_484 = tpu.memref_slice %arg9[%add3A_482, %dma_start3A_483] : memref<40x64xi32, #tpu.memory_space<vmem>> -> memref<1x64xi32, #tpu.memory_space<vmem>>
      %dma_start3A_485 = tpu.memref_squeeze %dma_start3A_484 : memref<1x64xi32, #tpu.memory_space<vmem>> -> memref<64xi32, #tpu.memory_space<vmem>>
      %dma_start3A_486 = arith.constant 0 : i32
      %dma_start3A_487 = arith.constant 0 : i32
      %dma_start3A_488 = tpu.memref_slice %arg7[%dma_start3A_486, %dma_start3A_487] : memref<10240x128xf32, #tpu.memory_space<vmem_shared>> -> memref<10240x128xf32, #tpu.memory_space<vmem_shared>>
      tpu.enqueue_indirect_dma source(%arg11 : memref<64x128xf32, #tpu.memory_space<vmem>>) target(%dma_start3A_488 : memref<10240x128xf32, #tpu.memory_space<vmem_shared>>) offsets(%dma_start3A_485 : memref<64xi32, #tpu.memory_space<vmem>>) semaphore(%arg19 : memref<!tpu.dma_semaphore, #tpu.memory_space<semaphore_mem>>) {add = true}
      %dma_wait3A_489 = arith.constant 0 : i32
      %dma_wait3A_490 = arith.constant 0 : i32
      %dma_wait3A_491 = tpu.memref_slice %arg2[%dma_wait3A_489, %dma_wait3A_490] : memref<10240x128xf32, #tpu.memory_space<hbm>> -> memref<64x128xf32, #tpu.memory_space<hbm>>
      %dma_wait3A_492 = arith.constant 0 : i32
      %dma_wait3A_493 = arith.constant 0 : i32
      %dma_wait3A_494 = tpu.memref_slice %arg2[%dma_wait3A_492, %dma_wait3A_493] : memref<10240x128xf32, #tpu.memory_space<hbm>> -> memref<64x128xf32, #tpu.memory_space<hbm>>
      tpu.wait_dma2 semaphore(%arg16 : memref<!tpu.dma_semaphore, #tpu.memory_space<semaphore_mem>>) src(%dma_wait3A_494 : memref<64x128xf32, #tpu.memory_space<hbm>>) dst(%arg12 : memref<64x128xf32, #tpu.memory_space<vmem>>)
      %add3A_495 = arith.constant 2 : i32
      %add3A_496 = arith.addi %mul3A_460, %add3A_495 : i32
      %dma_start3A_497 = arith.constant 0 : i32
      %dma_start3A_498 = tpu.memref_slice %arg9[%add3A_496, %dma_start3A_497] : memref<40x64xi32, #tpu.memory_space<vmem>> -> memref<1x64xi32, #tpu.memory_space<vmem>>
      %dma_start3A_499 = tpu.memref_squeeze %dma_start3A_498 : memref<1x64xi32, #tpu.memory_space<vmem>> -> memref<64xi32, #tpu.memory_space<vmem>>
      %dma_start3A_500 = arith.constant 0 : i32
      %dma_start3A_501 = arith.constant 0 : i32
      %dma_start3A_502 = tpu.memref_slice %arg7[%dma_start3A_500, %dma_start3A_501] : memref<10240x128xf32, #tpu.memory_space<vmem_shared>> -> memref<10240x128xf32, #tpu.memory_space<vmem_shared>>
      tpu.enqueue_indirect_dma source(%arg12 : memref<64x128xf32, #tpu.memory_space<vmem>>) target(%dma_start3A_502 : memref<10240x128xf32, #tpu.memory_space<vmem_shared>>) offsets(%dma_start3A_499 : memref<64xi32, #tpu.memory_space<vmem>>) semaphore(%arg20 : memref<!tpu.dma_semaphore, #tpu.memory_space<semaphore_mem>>) {add = true}
      %dma_wait3A_503 = arith.constant 0 : i32
      %dma_wait3A_504 = arith.constant 0 : i32
      %dma_wait3A_505 = tpu.memref_slice %arg2[%dma_wait3A_503, %dma_wait3A_504] : memref<10240x128xf32, #tpu.memory_space<hbm>> -> memref<64x128xf32, #tpu.memory_space<hbm>>
      %dma_wait3A_506 = arith.constant 0 : i32
      %dma_wait3A_507 = arith.constant 0 : i32
      %dma_wait3A_508 = tpu.memref_slice %arg2[%dma_wait3A_506, %dma_wait3A_507] : memref<10240x128xf32, #tpu.memory_space<hbm>> -> memref<64x128xf32, #tpu.memory_space<hbm>>
      tpu.wait_dma2 semaphore(%arg17 : memref<!tpu.dma_semaphore, #tpu.memory_space<semaphore_mem>>) src(%dma_wait3A_508 : memref<64x128xf32, #tpu.memory_space<hbm>>) dst(%arg13 : memref<64x128xf32, #tpu.memory_space<vmem>>)
      %add3A_509 = arith.constant 3 : i32
      %add3A_510 = arith.addi %mul3A_460, %add3A_509 : i32
      %dma_start3A_511 = arith.constant 0 : i32
      %dma_start3A_512 = tpu.memref_slice %arg9[%add3A_510, %dma_start3A_511] : memref<40x64xi32, #tpu.memory_space<vmem>> -> memref<1x64xi32, #tpu.memory_space<vmem>>
      %dma_start3A_513 = tpu.memref_squeeze %dma_start3A_512 : memref<1x64xi32, #tpu.memory_space<vmem>> -> memref<64xi32, #tpu.memory_space<vmem>>
      %dma_start3A_514 = arith.constant 0 : i32
      %dma_start3A_515 = arith.constant 0 : i32
      %dma_start3A_516 = tpu.memref_slice %arg7[%dma_start3A_514, %dma_start3A_515] : memref<10240x128xf32, #tpu.memory_space<vmem_shared>> -> memref<10240x128xf32, #tpu.memory_space<vmem_shared>>
      tpu.enqueue_indirect_dma source(%arg13 : memref<64x128xf32, #tpu.memory_space<vmem>>) target(%dma_start3A_516 : memref<10240x128xf32, #tpu.memory_space<vmem_shared>>) offsets(%dma_start3A_513 : memref<64xi32, #tpu.memory_space<vmem>>) semaphore(%arg21 : memref<!tpu.dma_semaphore, #tpu.memory_space<semaphore_mem>>) {add = true}
      %dma_wait3A_517 = arith.constant 0 : i32
      %dma_wait3A_518 = arith.constant 0 : i32
      %dma_wait3A_519 = tpu.memref_slice %arg7[%dma_wait3A_517, %dma_wait3A_518] : memref<10240x128xf32, #tpu.memory_space<vmem_shared>> -> memref<64x128xf32, #tpu.memory_space<vmem_shared>>
      %dma_wait3A_520 = arith.constant 0 : i32
      %dma_wait3A_521 = arith.constant 0 : i32
      %dma_wait3A_522 = tpu.memref_slice %arg7[%dma_wait3A_520, %dma_wait3A_521] : memref<10240x128xf32, #tpu.memory_space<vmem_shared>> -> memref<64x128xf32, #tpu.memory_space<vmem_shared>>
      tpu.wait_dma2 semaphore(%arg18 : memref<!tpu.dma_semaphore, #tpu.memory_space<semaphore_mem>>) src(%arg10 : memref<64x128xf32, #tpu.memory_space<vmem>>) dst(%dma_wait3A_522 : memref<64x128xf32, #tpu.memory_space<vmem_shared>>)
      %add3A_523 = arith.constant 4 : i32
      %add3A_524 = arith.addi %mul3A_460, %add3A_523 : i32
      %add3A_525 = arith.constant 0 : i32
      %add3A_526 = arith.addi %add3A_524, %add3A_525 : i32
      %dma_start3A_527 = arith.constant 0 : i32
      %dma_start3A_528 = tpu.memref_slice %arg8[%add3A_526, %dma_start3A_527] : memref<40x64xi32, #tpu.memory_space<vmem>> -> memref<1x64xi32, #tpu.memory_space<vmem>>
      %dma_start3A_529 = tpu.memref_squeeze %dma_start3A_528 : memref<1x64xi32, #tpu.memory_space<vmem>> -> memref<64xi32, #tpu.memory_space<vmem>>
      %dma_start3A_530 = arith.constant 0 : i32
      %dma_start3A_531 = arith.constant 0 : i32
      %dma_start3A_532 = tpu.memref_slice %arg2[%dma_start3A_530, %dma_start3A_531] : memref<10240x128xf32, #tpu.memory_space<hbm>> -> memref<10240x128xf32, #tpu.memory_space<hbm>>
      tpu.enqueue_indirect_dma source(%dma_start3A_532 : memref<10240x128xf32, #tpu.memory_space<hbm>>) target(%arg10 : memref<64x128xf32, #tpu.memory_space<vmem>>) offsets(%dma_start3A_529 : memref<64xi32, #tpu.memory_space<vmem>>) semaphore(%arg14 : memref<!tpu.dma_semaphore, #tpu.memory_space<semaphore_mem>>)
      %dma_wait3A_533 = arith.constant 0 : i32
      %dma_wait3A_534 = arith.constant 0 : i32
      %dma_wait3A_535 = tpu.memref_slice %arg7[%dma_wait3A_533, %dma_wait3A_534] : memref<10240x128xf32, #tpu.memory_space<vmem_shared>> -> memref<64x128xf32, #tpu.memory_space<vmem_shared>>
      %dma_wait3A_536 = arith.constant 0 : i32
      %dma_wait3A_537 = arith.constant 0 : i32
      %dma_wait3A_538 = tpu.memref_slice %arg7[%dma_wait3A_536, %dma_wait3A_537] : memref<10240x128xf32, #tpu.memory_space<vmem_shared>> -> memref<64x128xf32, #tpu.memory_space<vmem_shared>>
      tpu.wait_dma2 semaphore(%arg19 : memref<!tpu.dma_semaphore, #tpu.memory_space<semaphore_mem>>) src(%arg11 : memref<64x128xf32, #tpu.memory_space<vmem>>) dst(%dma_wait3A_538 : memref<64x128xf32, #tpu.memory_space<vmem_shared>>)
      %add3A_539 = arith.constant 4 : i32
      %add3A_540 = arith.addi %mul3A_460, %add3A_539 : i32
      %add3A_541 = arith.constant 1 : i32
      %add3A_542 = arith.addi %add3A_540, %add3A_541 : i32
      %dma_start3A_543 = arith.constant 0 : i32
      %dma_start3A_544 = tpu.memref_slice %arg8[%add3A_542, %dma_start3A_543] : memref<40x64xi32, #tpu.memory_space<vmem>> -> memref<1x64xi32, #tpu.memory_space<vmem>>
      %dma_start3A_545 = tpu.memref_squeeze %dma_start3A_544 : memref<1x64xi32, #tpu.memory_space<vmem>> -> memref<64xi32, #tpu.memory_space<vmem>>
      %dma_start3A_546 = arith.constant 0 : i32
      %dma_start3A_547 = arith.constant 0 : i32
      %dma_start3A_548 = tpu.memref_slice %arg2[%dma_start3A_546, %dma_start3A_547] : memref<10240x128xf32, #tpu.memory_space<hbm>> -> memref<10240x128xf32, #tpu.memory_space<hbm>>
      tpu.enqueue_indirect_dma source(%dma_start3A_548 : memref<10240x128xf32, #tpu.memory_space<hbm>>) target(%arg11 : memref<64x128xf32, #tpu.memory_space<vmem>>) offsets(%dma_start3A_545 : memref<64xi32, #tpu.memory_space<vmem>>) semaphore(%arg15 : memref<!tpu.dma_semaphore, #tpu.memory_space<semaphore_mem>>)
      %dma_wait3A_549 = arith.constant 0 : i32
      %dma_wait3A_550 = arith.constant 0 : i32
      %dma_wait3A_551 = tpu.memref_slice %arg7[%dma_wait3A_549, %dma_wait3A_550] : memref<10240x128xf32, #tpu.memory_space<vmem_shared>> -> memref<64x128xf32, #tpu.memory_space<vmem_shared>>
      %dma_wait3A_552 = arith.constant 0 : i32
      %dma_wait3A_553 = arith.constant 0 : i32
      %dma_wait3A_554 = tpu.memref_slice %arg7[%dma_wait3A_552, %dma_wait3A_553] : memref<10240x128xf32, #tpu.memory_space<vmem_shared>> -> memref<64x128xf32, #tpu.memory_space<vmem_shared>>
      tpu.wait_dma2 semaphore(%arg20 : memref<!tpu.dma_semaphore, #tpu.memory_space<semaphore_mem>>) src(%arg12 : memref<64x128xf32, #tpu.memory_space<vmem>>) dst(%dma_wait3A_554 : memref<64x128xf32, #tpu.memory_space<vmem_shared>>)
      %add3A_555 = arith.constant 4 : i32
      %add3A_556 = arith.addi %mul3A_460, %add3A_555 : i32
      %add3A_557 = arith.constant 2 : i32
      %add3A_558 = arith.addi %add3A_556, %add3A_557 : i32
      %dma_start3A_559 = arith.constant 0 : i32
      %dma_start3A_560 = tpu.memref_slice %arg8[%add3A_558, %dma_start3A_559] : memref<40x64xi32, #tpu.memory_space<vmem>> -> memref<1x64xi32, #tpu.memory_space<vmem>>
      %dma_start3A_561 = tpu.memref_squeeze %dma_start3A_560 : memref<1x64xi32, #tpu.memory_space<vmem>> -> memref<64xi32, #tpu.memory_space<vmem>>
      %dma_start3A_562 = arith.constant 0 : i32
      %dma_start3A_563 = arith.constant 0 : i32
      %dma_start3A_564 = tpu.memref_slice %arg2[%dma_start3A_562, %dma_start3A_563] : memref<10240x128xf32, #tpu.memory_space<hbm>> -> memref<10240x128xf32, #tpu.memory_space<hbm>>
      tpu.enqueue_indirect_dma source(%dma_start3A_564 : memref<10240x128xf32, #tpu.memory_space<hbm>>) target(%arg12 : memref<64x128xf32, #tpu.memory_space<vmem>>) offsets(%dma_start3A_561 : memref<64xi32, #tpu.memory_space<vmem>>) semaphore(%arg16 : memref<!tpu.dma_semaphore, #tpu.memory_space<semaphore_mem>>)
      %dma_wait3A_565 = arith.constant 0 : i32
      %dma_wait3A_566 = arith.constant 0 : i32
      %dma_wait3A_567 = tpu.memref_slice %arg7[%dma_wait3A_565, %dma_wait3A_566] : memref<10240x128xf32, #tpu.memory_space<vmem_shared>> -> memref<64x128xf32, #tpu.memory_space<vmem_shared>>
      %dma_wait3A_568 = arith.constant 0 : i32
      %dma_wait3A_569 = arith.constant 0 : i32
      %dma_wait3A_570 = tpu.memref_slice %arg7[%dma_wait3A_568, %dma_wait3A_569] : memref<10240x128xf32, #tpu.memory_space<vmem_shared>> -> memref<64x128xf32, #tpu.memory_space<vmem_shared>>
      tpu.wait_dma2 semaphore(%arg21 : memref<!tpu.dma_semaphore, #tpu.memory_space<semaphore_mem>>) src(%arg13 : memref<64x128xf32, #tpu.memory_space<vmem>>) dst(%dma_wait3A_570 : memref<64x128xf32, #tpu.memory_space<vmem_shared>>)
      %add3A_571 = arith.constant 4 : i32
      %add3A_572 = arith.addi %mul3A_460, %add3A_571 : i32
      %add3A_573 = arith.constant 3 : i32
      %add3A_574 = arith.addi %add3A_572, %add3A_573 : i32
      %dma_start3A_575 = arith.constant 0 : i32
      %dma_start3A_576 = tpu.memref_slice %arg8[%add3A_574, %dma_start3A_575] : memref<40x64xi32, #tpu.memory_space<vmem>> -> memref<1x64xi32, #tpu.memory_space<vmem>>
      %dma_start3A_577 = tpu.memref_squeeze %dma_start3A_576 : memref<1x64xi32, #tpu.memory_space<vmem>> -> memref<64xi32, #tpu.memory_space<vmem>>
      %dma_start3A_578 = arith.constant 0 : i32
      %dma_start3A_579 = arith.constant 0 : i32
      %dma_start3A_580 = tpu.memref_slice %arg2[%dma_start3A_578, %dma_start3A_579] : memref<10240x128xf32, #tpu.memory_space<hbm>> -> memref<10240x128xf32, #tpu.memory_space<hbm>>
      tpu.enqueue_indirect_dma source(%dma_start3A_580 : memref<10240x128xf32, #tpu.memory_space<hbm>>) target(%arg13 : memref<64x128xf32, #tpu.memory_space<vmem>>) offsets(%dma_start3A_577 : memref<64xi32, #tpu.memory_space<vmem>>) semaphore(%arg17 : memref<!tpu.dma_semaphore, #tpu.memory_space<semaphore_mem>>)
    }
    %scan3A_261 = arith.constant 9 : i32
    %dma_wait3A_262 = arith.constant 0 : i32
    %dma_wait3A_263 = arith.constant 0 : i32
    %dma_wait3A_264 = tpu.memref_slice %arg2[%dma_wait3A_262, %dma_wait3A_263] : memref<10240x128xf32, #tpu.memory_space<hbm>> -> memref<64x128xf32, #tpu.memory_space<hbm>>
    %dma_wait3A_265 = arith.constant 0 : i32
    %dma_wait3A_266 = arith.constant 0 : i32
    %dma_wait3A_267 = tpu.memref_slice %arg2[%dma_wait3A_265, %dma_wait3A_266] : memref<10240x128xf32, #tpu.memory_space<hbm>> -> memref<64x128xf32, #tpu.memory_space<hbm>>
    tpu.wait_dma2 semaphore(%arg14 : memref<!tpu.dma_semaphore, #tpu.memory_space<semaphore_mem>>) src(%dma_wait3A_267 : memref<64x128xf32, #tpu.memory_space<hbm>>) dst(%arg10 : memref<64x128xf32, #tpu.memory_space<vmem>>)
    %dma_start3A_268 = arith.constant 36 : i32
    %dma_start3A_269 = arith.constant 0 : i32
    %dma_start3A_270 = tpu.memref_slice %arg9[%dma_start3A_268, %dma_start3A_269] : memref<40x64xi32, #tpu.memory_space<vmem>> -> memref<1x64xi32, #tpu.memory_space<vmem>>
    %dma_start3A_271 = tpu.memref_squeeze %dma_start3A_270 : memref<1x64xi32, #tpu.memory_space<vmem>> -> memref<64xi32, #tpu.memory_space<vmem>>
    %dma_start3A_272 = arith.constant 0 : i32
    %dma_start3A_273 = arith.constant 0 : i32
    %dma_start3A_274 = tpu.memref_slice %arg7[%dma_start3A_272, %dma_start3A_273] : memref<10240x128xf32, #tpu.memory_space<vmem_shared>> -> memref<10240x128xf32, #tpu.memory_space<vmem_shared>>
    tpu.enqueue_indirect_dma source(%arg10 : memref<64x128xf32, #tpu.memory_space<vmem>>) target(%dma_start3A_274 : memref<10240x128xf32, #tpu.memory_space<vmem_shared>>) offsets(%dma_start3A_271 : memref<64xi32, #tpu.memory_space<vmem>>) semaphore(%arg18 : memref<!tpu.dma_semaphore, #tpu.memory_space<semaphore_mem>>) {add = true}
    %dma_wait3A_275 = arith.constant 0 : i32
    %dma_wait3A_276 = arith.constant 0 : i32
    %dma_wait3A_277 = tpu.memref_slice %arg2[%dma_wait3A_275, %dma_wait3A_276] : memref<10240x128xf32, #tpu.memory_space<hbm>> -> memref<64x128xf32, #tpu.memory_space<hbm>>
    %dma_wait3A_278 = arith.constant 0 : i32
    %dma_wait3A_279 = arith.constant 0 : i32
    %dma_wait3A_280 = tpu.memref_slice %arg2[%dma_wait3A_278, %dma_wait3A_279] : memref<10240x128xf32, #tpu.memory_space<hbm>> -> memref<64x128xf32, #tpu.memory_space<hbm>>
    tpu.wait_dma2 semaphore(%arg15 : memref<!tpu.dma_semaphore, #tpu.memory_space<semaphore_mem>>) src(%dma_wait3A_280 : memref<64x128xf32, #tpu.memory_space<hbm>>) dst(%arg11 : memref<64x128xf32, #tpu.memory_space<vmem>>)
    %dma_start3A_281 = arith.constant 37 : i32
    %dma_start3A_282 = arith.constant 0 : i32
    %dma_start3A_283 = tpu.memref_slice %arg9[%dma_start3A_281, %dma_start3A_282] : memref<40x64xi32, #tpu.memory_space<vmem>> -> memref<1x64xi32, #tpu.memory_space<vmem>>
    %dma_start3A_284 = tpu.memref_squeeze %dma_start3A_283 : memref<1x64xi32, #tpu.memory_space<vmem>> -> memref<64xi32, #tpu.memory_space<vmem>>
    %dma_start3A_285 = arith.constant 0 : i32
    %dma_start3A_286 = arith.constant 0 : i32
    %dma_start3A_287 = tpu.memref_slice %arg7[%dma_start3A_285, %dma_start3A_286] : memref<10240x128xf32, #tpu.memory_space<vmem_shared>> -> memref<10240x128xf32, #tpu.memory_space<vmem_shared>>
    tpu.enqueue_indirect_dma source(%arg11 : memref<64x128xf32, #tpu.memory_space<vmem>>) target(%dma_start3A_287 : memref<10240x128xf32, #tpu.memory_space<vmem_shared>>) offsets(%dma_start3A_284 : memref<64xi32, #tpu.memory_space<vmem>>) semaphore(%arg19 : memref<!tpu.dma_semaphore, #tpu.memory_space<semaphore_mem>>) {add = true}
    %dma_wait3A_288 = arith.constant 0 : i32
    %dma_wait3A_289 = arith.constant 0 : i32
    %dma_wait3A_290 = tpu.memref_slice %arg2[%dma_wait3A_288, %dma_wait3A_289] : memref<10240x128xf32, #tpu.memory_space<hbm>> -> memref<64x128xf32, #tpu.memory_space<hbm>>
    %dma_wait3A_291 = arith.constant 0 : i32
    %dma_wait3A_292 = arith.constant 0 : i32
    %dma_wait3A_293 = tpu.memref_slice %arg2[%dma_wait3A_291, %dma_wait3A_292] : memref<10240x128xf32, #tpu.memory_space<hbm>> -> memref<64x128xf32, #tpu.memory_space<hbm>>
    tpu.wait_dma2 semaphore(%arg16 : memref<!tpu.dma_semaphore, #tpu.memory_space<semaphore_mem>>) src(%dma_wait3A_293 : memref<64x128xf32, #tpu.memory_space<hbm>>) dst(%arg12 : memref<64x128xf32, #tpu.memory_space<vmem>>)
    %dma_start3A_294 = arith.constant 38 : i32
    %dma_start3A_295 = arith.constant 0 : i32
    %dma_start3A_296 = tpu.memref_slice %arg9[%dma_start3A_294, %dma_start3A_295] : memref<40x64xi32, #tpu.memory_space<vmem>> -> memref<1x64xi32, #tpu.memory_space<vmem>>
    %dma_start3A_297 = tpu.memref_squeeze %dma_start3A_296 : memref<1x64xi32, #tpu.memory_space<vmem>> -> memref<64xi32, #tpu.memory_space<vmem>>
    %dma_start3A_298 = arith.constant 0 : i32
    %dma_start3A_299 = arith.constant 0 : i32
    %dma_start3A_300 = tpu.memref_slice %arg7[%dma_start3A_298, %dma_start3A_299] : memref<10240x128xf32, #tpu.memory_space<vmem_shared>> -> memref<10240x128xf32, #tpu.memory_space<vmem_shared>>
    tpu.enqueue_indirect_dma source(%arg12 : memref<64x128xf32, #tpu.memory_space<vmem>>) target(%dma_start3A_300 : memref<10240x128xf32, #tpu.memory_space<vmem_shared>>) offsets(%dma_start3A_297 : memref<64xi32, #tpu.memory_space<vmem>>) semaphore(%arg20 : memref<!tpu.dma_semaphore, #tpu.memory_space<semaphore_mem>>) {add = true}
    %dma_wait3A_301 = arith.constant 0 : i32
    %dma_wait3A_302 = arith.constant 0 : i32
    %dma_wait3A_303 = tpu.memref_slice %arg2[%dma_wait3A_301, %dma_wait3A_302] : memref<10240x128xf32, #tpu.memory_space<hbm>> -> memref<64x128xf32, #tpu.memory_space<hbm>>
    %dma_wait3A_304 = arith.constant 0 : i32
    %dma_wait3A_305 = arith.constant 0 : i32
    %dma_wait3A_306 = tpu.memref_slice %arg2[%dma_wait3A_304, %dma_wait3A_305] : memref<10240x128xf32, #tpu.memory_space<hbm>> -> memref<64x128xf32, #tpu.memory_space<hbm>>
    tpu.wait_dma2 semaphore(%arg17 : memref<!tpu.dma_semaphore, #tpu.memory_space<semaphore_mem>>) src(%dma_wait3A_306 : memref<64x128xf32, #tpu.memory_space<hbm>>) dst(%arg13 : memref<64x128xf32, #tpu.memory_space<vmem>>)
    %dma_start3A_307 = arith.constant 39 : i32
    %dma_start3A_308 = arith.constant 0 : i32
    %dma_start3A_309 = tpu.memref_slice %arg9[%dma_start3A_307, %dma_start3A_308] : memref<40x64xi32, #tpu.memory_space<vmem>> -> memref<1x64xi32, #tpu.memory_space<vmem>>
    %dma_start3A_310 = tpu.memref_squeeze %dma_start3A_309 : memref<1x64xi32, #tpu.memory_space<vmem>> -> memref<64xi32, #tpu.memory_space<vmem>>
    %dma_start3A_311 = arith.constant 0 : i32
    %dma_start3A_312 = arith.constant 0 : i32
    %dma_start3A_313 = tpu.memref_slice %arg7[%dma_start3A_311, %dma_start3A_312] : memref<10240x128xf32, #tpu.memory_space<vmem_shared>> -> memref<10240x128xf32, #tpu.memory_space<vmem_shared>>
    tpu.enqueue_indirect_dma source(%arg13 : memref<64x128xf32, #tpu.memory_space<vmem>>) target(%dma_start3A_313 : memref<10240x128xf32, #tpu.memory_space<vmem_shared>>) offsets(%dma_start3A_310 : memref<64xi32, #tpu.memory_space<vmem>>) semaphore(%arg21 : memref<!tpu.dma_semaphore, #tpu.memory_space<semaphore_mem>>) {add = true}
    %dma_wait3A_314 = arith.constant 0 : i32
    %dma_wait3A_315 = arith.constant 0 : i32
    %dma_wait3A_316 = tpu.memref_slice %arg7[%dma_wait3A_314, %dma_wait3A_315] : memref<10240x128xf32, #tpu.memory_space<vmem_shared>> -> memref<64x128xf32, #tpu.memory_space<vmem_shared>>
    %dma_wait3A_317 = arith.constant 0 : i32
    %dma_wait3A_318 = arith.constant 0 : i32
    %dma_wait3A_319 = tpu.memref_slice %arg7[%dma_wait3A_317, %dma_wait3A_318] : memref<10240x128xf32, #tpu.memory_space<vmem_shared>> -> memref<64x128xf32, #tpu.memory_space<vmem_shared>>
    tpu.wait_dma2 semaphore(%arg18 : memref<!tpu.dma_semaphore, #tpu.memory_space<semaphore_mem>>) src(%arg10 : memref<64x128xf32, #tpu.memory_space<vmem>>) dst(%dma_wait3A_319 : memref<64x128xf32, #tpu.memory_space<vmem_shared>>)
    %dma_wait3A_320 = arith.constant 0 : i32
    %dma_wait3A_321 = arith.constant 0 : i32
    %dma_wait3A_322 = tpu.memref_slice %arg7[%dma_wait3A_320, %dma_wait3A_321] : memref<10240x128xf32, #tpu.memory_space<vmem_shared>> -> memref<64x128xf32, #tpu.memory_space<vmem_shared>>
    %dma_wait3A_323 = arith.constant 0 : i32
    %dma_wait3A_324 = arith.constant 0 : i32
    %dma_wait3A_325 = tpu.memref_slice %arg7[%dma_wait3A_323, %dma_wait3A_324] : memref<10240x128xf32, #tpu.memory_space<vmem_shared>> -> memref<64x128xf32, #tpu.memory_space<vmem_shared>>
    tpu.wait_dma2 semaphore(%arg19 : memref<!tpu.dma_semaphore, #tpu.memory_space<semaphore_mem>>) src(%arg11 : memref<64x128xf32, #tpu.memory_space<vmem>>) dst(%dma_wait3A_325 : memref<64x128xf32, #tpu.memory_space<vmem_shared>>)
    %dma_wait3A_326 = arith.constant 0 : i32
    %dma_wait3A_327 = arith.constant 0 : i32
    %dma_wait3A_328 = tpu.memref_slice %arg7[%dma_wait3A_326, %dma_wait3A_327] : memref<10240x128xf32, #tpu.memory_space<vmem_shared>> -> memref<64x128xf32, #tpu.memory_space<vmem_shared>>
    %dma_wait3A_329 = arith.constant 0 : i32
    %dma_wait3A_330 = arith.constant 0 : i32
    %dma_wait3A_331 = tpu.memref_slice %arg7[%dma_wait3A_329, %dma_wait3A_330] : memref<10240x128xf32, #tpu.memory_space<vmem_shared>> -> memref<64x128xf32, #tpu.memory_space<vmem_shared>>
    tpu.wait_dma2 semaphore(%arg20 : memref<!tpu.dma_semaphore, #tpu.memory_space<semaphore_mem>>) src(%arg12 : memref<64x128xf32, #tpu.memory_space<vmem>>) dst(%dma_wait3A_331 : memref<64x128xf32, #tpu.memory_space<vmem_shared>>)
    %dma_wait3A_332 = arith.constant 0 : i32
    %dma_wait3A_333 = arith.constant 0 : i32
    %dma_wait3A_334 = tpu.memref_slice %arg7[%dma_wait3A_332, %dma_wait3A_333] : memref<10240x128xf32, #tpu.memory_space<vmem_shared>> -> memref<64x128xf32, #tpu.memory_space<vmem_shared>>
    %dma_wait3A_335 = arith.constant 0 : i32
    %dma_wait3A_336 = arith.constant 0 : i32
    %dma_wait3A_337 = tpu.memref_slice %arg7[%dma_wait3A_335, %dma_wait3A_336] : memref<10240x128xf32, #tpu.memory_space<vmem_shared>> -> memref<64x128xf32, #tpu.memory_space<vmem_shared>>
    tpu.wait_dma2 semaphore(%arg21 : memref<!tpu.dma_semaphore, #tpu.memory_space<semaphore_mem>>) src(%arg13 : memref<64x128xf32, #tpu.memory_space<vmem>>) dst(%dma_wait3A_337 : memref<64x128xf32, #tpu.memory_space<vmem_shared>>)
    %add3A_338 = arith.constant 120 : i32
    %add3A_339 = arith.addi %mul3A_4, %add3A_338 : i32
    "tpu.region"() ({
      %run_scoped3A = tpu.sem_alloc : memref<!tpu.dma_semaphore, #tpu.memory_space<semaphore_mem>>
      %dma_start3A_458 = arith.constant 0 : i32
      %dma_start3A_459 = tpu.memref_slice %arg3[%add3A_339, %dma_start3A_458] : memref<5120x64xi32, #tpu.memory_space<hbm>> -> memref<40x64xi32, #tpu.memory_space<hbm>>
      %dma_start3A_460 = arith.constant 0 : i32
      %dma_start3A_461 = tpu.memref_slice %arg3[%add3A_339, %dma_start3A_460] : memref<5120x64xi32, #tpu.memory_space<hbm>> -> memref<40x64xi32, #tpu.memory_space<hbm>>
      tpu.enqueue_dma source(%dma_start3A_461 : memref<40x64xi32, #tpu.memory_space<hbm>>) target(%arg8 : memref<40x64xi32, #tpu.memory_space<vmem>>) target_semaphore(%run_scoped3A : memref<!tpu.dma_semaphore, #tpu.memory_space<semaphore_mem>>)
      %dma_wait3A_462 = arith.constant 0 : i32
      %dma_wait3A_463 = tpu.memref_slice %arg3[%add3A_339, %dma_wait3A_462] : memref<5120x64xi32, #tpu.memory_space<hbm>> -> memref<40x64xi32, #tpu.memory_space<hbm>>
      %dma_wait3A_464 = arith.constant 0 : i32
      %dma_wait3A_465 = tpu.memref_slice %arg3[%add3A_339, %dma_wait3A_464] : memref<5120x64xi32, #tpu.memory_space<hbm>> -> memref<40x64xi32, #tpu.memory_space<hbm>>
      tpu.wait_dma2 semaphore(%run_scoped3A : memref<!tpu.dma_semaphore, #tpu.memory_space<semaphore_mem>>) src(%dma_wait3A_465 : memref<40x64xi32, #tpu.memory_space<hbm>>) dst(%arg8 : memref<40x64xi32, #tpu.memory_space<vmem>>)
      tpu.yield
    }) : () -> ()
    "tpu.region"() ({
      %run_scoped3A = tpu.sem_alloc : memref<!tpu.dma_semaphore, #tpu.memory_space<semaphore_mem>>
      %dma_start3A_458 = arith.constant 0 : i32
      %dma_start3A_459 = tpu.memref_slice %arg4[%add3A_339, %dma_start3A_458] : memref<5120x64xi32, #tpu.memory_space<hbm>> -> memref<40x64xi32, #tpu.memory_space<hbm>>
      %dma_start3A_460 = arith.constant 0 : i32
      %dma_start3A_461 = tpu.memref_slice %arg4[%add3A_339, %dma_start3A_460] : memref<5120x64xi32, #tpu.memory_space<hbm>> -> memref<40x64xi32, #tpu.memory_space<hbm>>
      tpu.enqueue_dma source(%dma_start3A_461 : memref<40x64xi32, #tpu.memory_space<hbm>>) target(%arg9 : memref<40x64xi32, #tpu.memory_space<vmem>>) target_semaphore(%run_scoped3A : memref<!tpu.dma_semaphore, #tpu.memory_space<semaphore_mem>>)
      %dma_wait3A_462 = arith.constant 0 : i32
      %dma_wait3A_463 = tpu.memref_slice %arg4[%add3A_339, %dma_wait3A_462] : memref<5120x64xi32, #tpu.memory_space<hbm>> -> memref<40x64xi32, #tpu.memory_space<hbm>>
      %dma_wait3A_464 = arith.constant 0 : i32
      %dma_wait3A_465 = tpu.memref_slice %arg4[%add3A_339, %dma_wait3A_464] : memref<5120x64xi32, #tpu.memory_space<hbm>> -> memref<40x64xi32, #tpu.memory_space<hbm>>
      tpu.wait_dma2 semaphore(%run_scoped3A : memref<!tpu.dma_semaphore, #tpu.memory_space<semaphore_mem>>) src(%dma_wait3A_465 : memref<40x64xi32, #tpu.memory_space<hbm>>) dst(%arg9 : memref<40x64xi32, #tpu.memory_space<vmem>>)
      tpu.yield
    }) : () -> ()
    %dma_start3A_340 = arith.constant 0 : i32
    %dma_start3A_341 = arith.constant 0 : i32
    %dma_start3A_342 = tpu.memref_slice %arg8[%dma_start3A_340, %dma_start3A_341] : memref<40x64xi32, #tpu.memory_space<vmem>> -> memref<1x64xi32, #tpu.memory_space<vmem>>
    %dma_start3A_343 = tpu.memref_squeeze %dma_start3A_342 : memref<1x64xi32, #tpu.memory_space<vmem>> -> memref<64xi32, #tpu.memory_space<vmem>>
    %dma_start3A_344 = arith.constant 0 : i32
    %dma_start3A_345 = arith.constant 0 : i32
    %dma_start3A_346 = tpu.memref_slice %arg2[%dma_start3A_344, %dma_start3A_345] : memref<10240x128xf32, #tpu.memory_space<hbm>> -> memref<10240x128xf32, #tpu.memory_space<hbm>>
    tpu.enqueue_indirect_dma source(%dma_start3A_346 : memref<10240x128xf32, #tpu.memory_space<hbm>>) target(%arg10 : memref<64x128xf32, #tpu.memory_space<vmem>>) offsets(%dma_start3A_343 : memref<64xi32, #tpu.memory_space<vmem>>) semaphore(%arg14 : memref<!tpu.dma_semaphore, #tpu.memory_space<semaphore_mem>>)
    %dma_start3A_347 = arith.constant 1 : i32
    %dma_start3A_348 = arith.constant 0 : i32
    %dma_start3A_349 = tpu.memref_slice %arg8[%dma_start3A_347, %dma_start3A_348] : memref<40x64xi32, #tpu.memory_space<vmem>> -> memref<1x64xi32, #tpu.memory_space<vmem>>
    %dma_start3A_350 = tpu.memref_squeeze %dma_start3A_349 : memref<1x64xi32, #tpu.memory_space<vmem>> -> memref<64xi32, #tpu.memory_space<vmem>>
    %dma_start3A_351 = arith.constant 0 : i32
    %dma_start3A_352 = arith.constant 0 : i32
    %dma_start3A_353 = tpu.memref_slice %arg2[%dma_start3A_351, %dma_start3A_352] : memref<10240x128xf32, #tpu.memory_space<hbm>> -> memref<10240x128xf32, #tpu.memory_space<hbm>>
    tpu.enqueue_indirect_dma source(%dma_start3A_353 : memref<10240x128xf32, #tpu.memory_space<hbm>>) target(%arg11 : memref<64x128xf32, #tpu.memory_space<vmem>>) offsets(%dma_start3A_350 : memref<64xi32, #tpu.memory_space<vmem>>) semaphore(%arg15 : memref<!tpu.dma_semaphore, #tpu.memory_space<semaphore_mem>>)
    %dma_start3A_354 = arith.constant 2 : i32
    %dma_start3A_355 = arith.constant 0 : i32
    %dma_start3A_356 = tpu.memref_slice %arg8[%dma_start3A_354, %dma_start3A_355] : memref<40x64xi32, #tpu.memory_space<vmem>> -> memref<1x64xi32, #tpu.memory_space<vmem>>
    %dma_start3A_357 = tpu.memref_squeeze %dma_start3A_356 : memref<1x64xi32, #tpu.memory_space<vmem>> -> memref<64xi32, #tpu.memory_space<vmem>>
    %dma_start3A_358 = arith.constant 0 : i32
    %dma_start3A_359 = arith.constant 0 : i32
    %dma_start3A_360 = tpu.memref_slice %arg2[%dma_start3A_358, %dma_start3A_359] : memref<10240x128xf32, #tpu.memory_space<hbm>> -> memref<10240x128xf32, #tpu.memory_space<hbm>>
    tpu.enqueue_indirect_dma source(%dma_start3A_360 : memref<10240x128xf32, #tpu.memory_space<hbm>>) target(%arg12 : memref<64x128xf32, #tpu.memory_space<vmem>>) offsets(%dma_start3A_357 : memref<64xi32, #tpu.memory_space<vmem>>) semaphore(%arg16 : memref<!tpu.dma_semaphore, #tpu.memory_space<semaphore_mem>>)
    %dma_start3A_361 = arith.constant 3 : i32
    %dma_start3A_362 = arith.constant 0 : i32
    %dma_start3A_363 = tpu.memref_slice %arg8[%dma_start3A_361, %dma_start3A_362] : memref<40x64xi32, #tpu.memory_space<vmem>> -> memref<1x64xi32, #tpu.memory_space<vmem>>
    %dma_start3A_364 = tpu.memref_squeeze %dma_start3A_363 : memref<1x64xi32, #tpu.memory_space<vmem>> -> memref<64xi32, #tpu.memory_space<vmem>>
    %dma_start3A_365 = arith.constant 0 : i32
    %dma_start3A_366 = arith.constant 0 : i32
    %dma_start3A_367 = tpu.memref_slice %arg2[%dma_start3A_365, %dma_start3A_366] : memref<10240x128xf32, #tpu.memory_space<hbm>> -> memref<10240x128xf32, #tpu.memory_space<hbm>>
    tpu.enqueue_indirect_dma source(%dma_start3A_367 : memref<10240x128xf32, #tpu.memory_space<hbm>>) target(%arg13 : memref<64x128xf32, #tpu.memory_space<vmem>>) offsets(%dma_start3A_364 : memref<64xi32, #tpu.memory_space<vmem>>) semaphore(%arg17 : memref<!tpu.dma_semaphore, #tpu.memory_space<semaphore_mem>>)
    %scan3A_368 = arith.constant 0 : i32
    %scan3A_369 = arith.constant 0 : i32
    %scan3A_370 = arith.constant 9 : i32
    %scan3A_371 = arith.addi %scan3A_369, %scan3A_370 : i32
    %scan3A_372 = arith.constant 1 : i32
    scf.for %scan3A_458 = %scan3A_369 to %scan3A_371 step %scan3A_372  : i32 {
      %mul3A_459 = arith.constant 4 : i32
      %mul3A_460 = arith.muli %scan3A_458, %mul3A_459 : i32
      %dma_wait3A_461 = arith.constant 0 : i32
      %dma_wait3A_462 = arith.constant 0 : i32
      %dma_wait3A_463 = tpu.memref_slice %arg2[%dma_wait3A_461, %dma_wait3A_462] : memref<10240x128xf32, #tpu.memory_space<hbm>> -> memref<64x128xf32, #tpu.memory_space<hbm>>
      %dma_wait3A_464 = arith.constant 0 : i32
      %dma_wait3A_465 = arith.constant 0 : i32
      %dma_wait3A_466 = tpu.memref_slice %arg2[%dma_wait3A_464, %dma_wait3A_465] : memref<10240x128xf32, #tpu.memory_space<hbm>> -> memref<64x128xf32, #tpu.memory_space<hbm>>
      tpu.wait_dma2 semaphore(%arg14 : memref<!tpu.dma_semaphore, #tpu.memory_space<semaphore_mem>>) src(%dma_wait3A_466 : memref<64x128xf32, #tpu.memory_space<hbm>>) dst(%arg10 : memref<64x128xf32, #tpu.memory_space<vmem>>)
      %add3A_467 = arith.constant 0 : i32
      %add3A_468 = arith.addi %mul3A_460, %add3A_467 : i32
      %dma_start3A_469 = arith.constant 0 : i32
      %dma_start3A_470 = tpu.memref_slice %arg9[%add3A_468, %dma_start3A_469] : memref<40x64xi32, #tpu.memory_space<vmem>> -> memref<1x64xi32, #tpu.memory_space<vmem>>
      %dma_start3A_471 = tpu.memref_squeeze %dma_start3A_470 : memref<1x64xi32, #tpu.memory_space<vmem>> -> memref<64xi32, #tpu.memory_space<vmem>>
      %dma_start3A_472 = arith.constant 0 : i32
      %dma_start3A_473 = arith.constant 0 : i32
      %dma_start3A_474 = tpu.memref_slice %arg7[%dma_start3A_472, %dma_start3A_473] : memref<10240x128xf32, #tpu.memory_space<vmem_shared>> -> memref<10240x128xf32, #tpu.memory_space<vmem_shared>>
      tpu.enqueue_indirect_dma source(%arg10 : memref<64x128xf32, #tpu.memory_space<vmem>>) target(%dma_start3A_474 : memref<10240x128xf32, #tpu.memory_space<vmem_shared>>) offsets(%dma_start3A_471 : memref<64xi32, #tpu.memory_space<vmem>>) semaphore(%arg18 : memref<!tpu.dma_semaphore, #tpu.memory_space<semaphore_mem>>) {add = true}
      %dma_wait3A_475 = arith.constant 0 : i32
      %dma_wait3A_476 = arith.constant 0 : i32
      %dma_wait3A_477 = tpu.memref_slice %arg2[%dma_wait3A_475, %dma_wait3A_476] : memref<10240x128xf32, #tpu.memory_space<hbm>> -> memref<64x128xf32, #tpu.memory_space<hbm>>
      %dma_wait3A_478 = arith.constant 0 : i32
      %dma_wait3A_479 = arith.constant 0 : i32
      %dma_wait3A_480 = tpu.memref_slice %arg2[%dma_wait3A_478, %dma_wait3A_479] : memref<10240x128xf32, #tpu.memory_space<hbm>> -> memref<64x128xf32, #tpu.memory_space<hbm>>
      tpu.wait_dma2 semaphore(%arg15 : memref<!tpu.dma_semaphore, #tpu.memory_space<semaphore_mem>>) src(%dma_wait3A_480 : memref<64x128xf32, #tpu.memory_space<hbm>>) dst(%arg11 : memref<64x128xf32, #tpu.memory_space<vmem>>)
      %add3A_481 = arith.constant 1 : i32
      %add3A_482 = arith.addi %mul3A_460, %add3A_481 : i32
      %dma_start3A_483 = arith.constant 0 : i32
      %dma_start3A_484 = tpu.memref_slice %arg9[%add3A_482, %dma_start3A_483] : memref<40x64xi32, #tpu.memory_space<vmem>> -> memref<1x64xi32, #tpu.memory_space<vmem>>
      %dma_start3A_485 = tpu.memref_squeeze %dma_start3A_484 : memref<1x64xi32, #tpu.memory_space<vmem>> -> memref<64xi32, #tpu.memory_space<vmem>>
      %dma_start3A_486 = arith.constant 0 : i32
      %dma_start3A_487 = arith.constant 0 : i32
      %dma_start3A_488 = tpu.memref_slice %arg7[%dma_start3A_486, %dma_start3A_487] : memref<10240x128xf32, #tpu.memory_space<vmem_shared>> -> memref<10240x128xf32, #tpu.memory_space<vmem_shared>>
      tpu.enqueue_indirect_dma source(%arg11 : memref<64x128xf32, #tpu.memory_space<vmem>>) target(%dma_start3A_488 : memref<10240x128xf32, #tpu.memory_space<vmem_shared>>) offsets(%dma_start3A_485 : memref<64xi32, #tpu.memory_space<vmem>>) semaphore(%arg19 : memref<!tpu.dma_semaphore, #tpu.memory_space<semaphore_mem>>) {add = true}
      %dma_wait3A_489 = arith.constant 0 : i32
      %dma_wait3A_490 = arith.constant 0 : i32
      %dma_wait3A_491 = tpu.memref_slice %arg2[%dma_wait3A_489, %dma_wait3A_490] : memref<10240x128xf32, #tpu.memory_space<hbm>> -> memref<64x128xf32, #tpu.memory_space<hbm>>
      %dma_wait3A_492 = arith.constant 0 : i32
      %dma_wait3A_493 = arith.constant 0 : i32
      %dma_wait3A_494 = tpu.memref_slice %arg2[%dma_wait3A_492, %dma_wait3A_493] : memref<10240x128xf32, #tpu.memory_space<hbm>> -> memref<64x128xf32, #tpu.memory_space<hbm>>
      tpu.wait_dma2 semaphore(%arg16 : memref<!tpu.dma_semaphore, #tpu.memory_space<semaphore_mem>>) src(%dma_wait3A_494 : memref<64x128xf32, #tpu.memory_space<hbm>>) dst(%arg12 : memref<64x128xf32, #tpu.memory_space<vmem>>)
      %add3A_495 = arith.constant 2 : i32
      %add3A_496 = arith.addi %mul3A_460, %add3A_495 : i32
      %dma_start3A_497 = arith.constant 0 : i32
      %dma_start3A_498 = tpu.memref_slice %arg9[%add3A_496, %dma_start3A_497] : memref<40x64xi32, #tpu.memory_space<vmem>> -> memref<1x64xi32, #tpu.memory_space<vmem>>
      %dma_start3A_499 = tpu.memref_squeeze %dma_start3A_498 : memref<1x64xi32, #tpu.memory_space<vmem>> -> memref<64xi32, #tpu.memory_space<vmem>>
      %dma_start3A_500 = arith.constant 0 : i32
      %dma_start3A_501 = arith.constant 0 : i32
      %dma_start3A_502 = tpu.memref_slice %arg7[%dma_start3A_500, %dma_start3A_501] : memref<10240x128xf32, #tpu.memory_space<vmem_shared>> -> memref<10240x128xf32, #tpu.memory_space<vmem_shared>>
      tpu.enqueue_indirect_dma source(%arg12 : memref<64x128xf32, #tpu.memory_space<vmem>>) target(%dma_start3A_502 : memref<10240x128xf32, #tpu.memory_space<vmem_shared>>) offsets(%dma_start3A_499 : memref<64xi32, #tpu.memory_space<vmem>>) semaphore(%arg20 : memref<!tpu.dma_semaphore, #tpu.memory_space<semaphore_mem>>) {add = true}
      %dma_wait3A_503 = arith.constant 0 : i32
      %dma_wait3A_504 = arith.constant 0 : i32
      %dma_wait3A_505 = tpu.memref_slice %arg2[%dma_wait3A_503, %dma_wait3A_504] : memref<10240x128xf32, #tpu.memory_space<hbm>> -> memref<64x128xf32, #tpu.memory_space<hbm>>
      %dma_wait3A_506 = arith.constant 0 : i32
      %dma_wait3A_507 = arith.constant 0 : i32
      %dma_wait3A_508 = tpu.memref_slice %arg2[%dma_wait3A_506, %dma_wait3A_507] : memref<10240x128xf32, #tpu.memory_space<hbm>> -> memref<64x128xf32, #tpu.memory_space<hbm>>
      tpu.wait_dma2 semaphore(%arg17 : memref<!tpu.dma_semaphore, #tpu.memory_space<semaphore_mem>>) src(%dma_wait3A_508 : memref<64x128xf32, #tpu.memory_space<hbm>>) dst(%arg13 : memref<64x128xf32, #tpu.memory_space<vmem>>)
      %add3A_509 = arith.constant 3 : i32
      %add3A_510 = arith.addi %mul3A_460, %add3A_509 : i32
      %dma_start3A_511 = arith.constant 0 : i32
      %dma_start3A_512 = tpu.memref_slice %arg9[%add3A_510, %dma_start3A_511] : memref<40x64xi32, #tpu.memory_space<vmem>> -> memref<1x64xi32, #tpu.memory_space<vmem>>
      %dma_start3A_513 = tpu.memref_squeeze %dma_start3A_512 : memref<1x64xi32, #tpu.memory_space<vmem>> -> memref<64xi32, #tpu.memory_space<vmem>>
      %dma_start3A_514 = arith.constant 0 : i32
      %dma_start3A_515 = arith.constant 0 : i32
      %dma_start3A_516 = tpu.memref_slice %arg7[%dma_start3A_514, %dma_start3A_515] : memref<10240x128xf32, #tpu.memory_space<vmem_shared>> -> memref<10240x128xf32, #tpu.memory_space<vmem_shared>>
      tpu.enqueue_indirect_dma source(%arg13 : memref<64x128xf32, #tpu.memory_space<vmem>>) target(%dma_start3A_516 : memref<10240x128xf32, #tpu.memory_space<vmem_shared>>) offsets(%dma_start3A_513 : memref<64xi32, #tpu.memory_space<vmem>>) semaphore(%arg21 : memref<!tpu.dma_semaphore, #tpu.memory_space<semaphore_mem>>) {add = true}
      %dma_wait3A_517 = arith.constant 0 : i32
      %dma_wait3A_518 = arith.constant 0 : i32
      %dma_wait3A_519 = tpu.memref_slice %arg7[%dma_wait3A_517, %dma_wait3A_518] : memref<10240x128xf32, #tpu.memory_space<vmem_shared>> -> memref<64x128xf32, #tpu.memory_space<vmem_shared>>
      %dma_wait3A_520 = arith.constant 0 : i32
      %dma_wait3A_521 = arith.constant 0 : i32
      %dma_wait3A_522 = tpu.memref_slice %arg7[%dma_wait3A_520, %dma_wait3A_521] : memref<10240x128xf32, #tpu.memory_space<vmem_shared>> -> memref<64x128xf32, #tpu.memory_space<vmem_shared>>
      tpu.wait_dma2 semaphore(%arg18 : memref<!tpu.dma_semaphore, #tpu.memory_space<semaphore_mem>>) src(%arg10 : memref<64x128xf32, #tpu.memory_space<vmem>>) dst(%dma_wait3A_522 : memref<64x128xf32, #tpu.memory_space<vmem_shared>>)
      %add3A_523 = arith.constant 4 : i32
      %add3A_524 = arith.addi %mul3A_460, %add3A_523 : i32
      %add3A_525 = arith.constant 0 : i32
      %add3A_526 = arith.addi %add3A_524, %add3A_525 : i32
      %dma_start3A_527 = arith.constant 0 : i32
      %dma_start3A_528 = tpu.memref_slice %arg8[%add3A_526, %dma_start3A_527] : memref<40x64xi32, #tpu.memory_space<vmem>> -> memref<1x64xi32, #tpu.memory_space<vmem>>
      %dma_start3A_529 = tpu.memref_squeeze %dma_start3A_528 : memref<1x64xi32, #tpu.memory_space<vmem>> -> memref<64xi32, #tpu.memory_space<vmem>>
      %dma_start3A_530 = arith.constant 0 : i32
      %dma_start3A_531 = arith.constant 0 : i32
      %dma_start3A_532 = tpu.memref_slice %arg2[%dma_start3A_530, %dma_start3A_531] : memref<10240x128xf32, #tpu.memory_space<hbm>> -> memref<10240x128xf32, #tpu.memory_space<hbm>>
      tpu.enqueue_indirect_dma source(%dma_start3A_532 : memref<10240x128xf32, #tpu.memory_space<hbm>>) target(%arg10 : memref<64x128xf32, #tpu.memory_space<vmem>>) offsets(%dma_start3A_529 : memref<64xi32, #tpu.memory_space<vmem>>) semaphore(%arg14 : memref<!tpu.dma_semaphore, #tpu.memory_space<semaphore_mem>>)
      %dma_wait3A_533 = arith.constant 0 : i32
      %dma_wait3A_534 = arith.constant 0 : i32
      %dma_wait3A_535 = tpu.memref_slice %arg7[%dma_wait3A_533, %dma_wait3A_534] : memref<10240x128xf32, #tpu.memory_space<vmem_shared>> -> memref<64x128xf32, #tpu.memory_space<vmem_shared>>
      %dma_wait3A_536 = arith.constant 0 : i32
      %dma_wait3A_537 = arith.constant 0 : i32
      %dma_wait3A_538 = tpu.memref_slice %arg7[%dma_wait3A_536, %dma_wait3A_537] : memref<10240x128xf32, #tpu.memory_space<vmem_shared>> -> memref<64x128xf32, #tpu.memory_space<vmem_shared>>
      tpu.wait_dma2 semaphore(%arg19 : memref<!tpu.dma_semaphore, #tpu.memory_space<semaphore_mem>>) src(%arg11 : memref<64x128xf32, #tpu.memory_space<vmem>>) dst(%dma_wait3A_538 : memref<64x128xf32, #tpu.memory_space<vmem_shared>>)
      %add3A_539 = arith.constant 4 : i32
      %add3A_540 = arith.addi %mul3A_460, %add3A_539 : i32
      %add3A_541 = arith.constant 1 : i32
      %add3A_542 = arith.addi %add3A_540, %add3A_541 : i32
      %dma_start3A_543 = arith.constant 0 : i32
      %dma_start3A_544 = tpu.memref_slice %arg8[%add3A_542, %dma_start3A_543] : memref<40x64xi32, #tpu.memory_space<vmem>> -> memref<1x64xi32, #tpu.memory_space<vmem>>
      %dma_start3A_545 = tpu.memref_squeeze %dma_start3A_544 : memref<1x64xi32, #tpu.memory_space<vmem>> -> memref<64xi32, #tpu.memory_space<vmem>>
      %dma_start3A_546 = arith.constant 0 : i32
      %dma_start3A_547 = arith.constant 0 : i32
      %dma_start3A_548 = tpu.memref_slice %arg2[%dma_start3A_546, %dma_start3A_547] : memref<10240x128xf32, #tpu.memory_space<hbm>> -> memref<10240x128xf32, #tpu.memory_space<hbm>>
      tpu.enqueue_indirect_dma source(%dma_start3A_548 : memref<10240x128xf32, #tpu.memory_space<hbm>>) target(%arg11 : memref<64x128xf32, #tpu.memory_space<vmem>>) offsets(%dma_start3A_545 : memref<64xi32, #tpu.memory_space<vmem>>) semaphore(%arg15 : memref<!tpu.dma_semaphore, #tpu.memory_space<semaphore_mem>>)
      %dma_wait3A_549 = arith.constant 0 : i32
      %dma_wait3A_550 = arith.constant 0 : i32
      %dma_wait3A_551 = tpu.memref_slice %arg7[%dma_wait3A_549, %dma_wait3A_550] : memref<10240x128xf32, #tpu.memory_space<vmem_shared>> -> memref<64x128xf32, #tpu.memory_space<vmem_shared>>
      %dma_wait3A_552 = arith.constant 0 : i32
      %dma_wait3A_553 = arith.constant 0 : i32
      %dma_wait3A_554 = tpu.memref_slice %arg7[%dma_wait3A_552, %dma_wait3A_553] : memref<10240x128xf32, #tpu.memory_space<vmem_shared>> -> memref<64x128xf32, #tpu.memory_space<vmem_shared>>
      tpu.wait_dma2 semaphore(%arg20 : memref<!tpu.dma_semaphore, #tpu.memory_space<semaphore_mem>>) src(%arg12 : memref<64x128xf32, #tpu.memory_space<vmem>>) dst(%dma_wait3A_554 : memref<64x128xf32, #tpu.memory_space<vmem_shared>>)
      %add3A_555 = arith.constant 4 : i32
      %add3A_556 = arith.addi %mul3A_460, %add3A_555 : i32
      %add3A_557 = arith.constant 2 : i32
      %add3A_558 = arith.addi %add3A_556, %add3A_557 : i32
      %dma_start3A_559 = arith.constant 0 : i32
      %dma_start3A_560 = tpu.memref_slice %arg8[%add3A_558, %dma_start3A_559] : memref<40x64xi32, #tpu.memory_space<vmem>> -> memref<1x64xi32, #tpu.memory_space<vmem>>
      %dma_start3A_561 = tpu.memref_squeeze %dma_start3A_560 : memref<1x64xi32, #tpu.memory_space<vmem>> -> memref<64xi32, #tpu.memory_space<vmem>>
      %dma_start3A_562 = arith.constant 0 : i32
      %dma_start3A_563 = arith.constant 0 : i32
      %dma_start3A_564 = tpu.memref_slice %arg2[%dma_start3A_562, %dma_start3A_563] : memref<10240x128xf32, #tpu.memory_space<hbm>> -> memref<10240x128xf32, #tpu.memory_space<hbm>>
      tpu.enqueue_indirect_dma source(%dma_start3A_564 : memref<10240x128xf32, #tpu.memory_space<hbm>>) target(%arg12 : memref<64x128xf32, #tpu.memory_space<vmem>>) offsets(%dma_start3A_561 : memref<64xi32, #tpu.memory_space<vmem>>) semaphore(%arg16 : memref<!tpu.dma_semaphore, #tpu.memory_space<semaphore_mem>>)
      %dma_wait3A_565 = arith.constant 0 : i32
      %dma_wait3A_566 = arith.constant 0 : i32
      %dma_wait3A_567 = tpu.memref_slice %arg7[%dma_wait3A_565, %dma_wait3A_566] : memref<10240x128xf32, #tpu.memory_space<vmem_shared>> -> memref<64x128xf32, #tpu.memory_space<vmem_shared>>
      %dma_wait3A_568 = arith.constant 0 : i32
      %dma_wait3A_569 = arith.constant 0 : i32
      %dma_wait3A_570 = tpu.memref_slice %arg7[%dma_wait3A_568, %dma_wait3A_569] : memref<10240x128xf32, #tpu.memory_space<vmem_shared>> -> memref<64x128xf32, #tpu.memory_space<vmem_shared>>
      tpu.wait_dma2 semaphore(%arg21 : memref<!tpu.dma_semaphore, #tpu.memory_space<semaphore_mem>>) src(%arg13 : memref<64x128xf32, #tpu.memory_space<vmem>>) dst(%dma_wait3A_570 : memref<64x128xf32, #tpu.memory_space<vmem_shared>>)
      %add3A_571 = arith.constant 4 : i32
      %add3A_572 = arith.addi %mul3A_460, %add3A_571 : i32
      %add3A_573 = arith.constant 3 : i32
      %add3A_574 = arith.addi %add3A_572, %add3A_573 : i32
      %dma_start3A_575 = arith.constant 0 : i32
      %dma_start3A_576 = tpu.memref_slice %arg8[%add3A_574, %dma_start3A_575] : memref<40x64xi32, #tpu.memory_space<vmem>> -> memref<1x64xi32, #tpu.memory_space<vmem>>
      %dma_start3A_577 = tpu.memref_squeeze %dma_start3A_576 : memref<1x64xi32, #tpu.memory_space<vmem>> -> memref<64xi32, #tpu.memory_space<vmem>>
      %dma_start3A_578 = arith.constant 0 : i32
      %dma_start3A_579 = arith.constant 0 : i32
      %dma_start3A_580 = tpu.memref_slice %arg2[%dma_start3A_578, %dma_start3A_579] : memref<10240x128xf32, #tpu.memory_space<hbm>> -> memref<10240x128xf32, #tpu.memory_space<hbm>>
      tpu.enqueue_indirect_dma source(%dma_start3A_580 : memref<10240x128xf32, #tpu.memory_space<hbm>>) target(%arg13 : memref<64x128xf32, #tpu.memory_space<vmem>>) offsets(%dma_start3A_577 : memref<64xi32, #tpu.memory_space<vmem>>) semaphore(%arg17 : memref<!tpu.dma_semaphore, #tpu.memory_space<semaphore_mem>>)
    }
    %scan3A_373 = arith.constant 9 : i32
    %dma_wait3A_374 = arith.constant 0 : i32
    %dma_wait3A_375 = arith.constant 0 : i32
    %dma_wait3A_376 = tpu.memref_slice %arg2[%dma_wait3A_374, %dma_wait3A_375] : memref<10240x128xf32, #tpu.memory_space<hbm>> -> memref<64x128xf32, #tpu.memory_space<hbm>>
    %dma_wait3A_377 = arith.constant 0 : i32
    %dma_wait3A_378 = arith.constant 0 : i32
    %dma_wait3A_379 = tpu.memref_slice %arg2[%dma_wait3A_377, %dma_wait3A_378] : memref<10240x128xf32, #tpu.memory_space<hbm>> -> memref<64x128xf32, #tpu.memory_space<hbm>>
    tpu.wait_dma2 semaphore(%arg14 : memref<!tpu.dma_semaphore, #tpu.memory_space<semaphore_mem>>) src(%dma_wait3A_379 : memref<64x128xf32, #tpu.memory_space<hbm>>) dst(%arg10 : memref<64x128xf32, #tpu.memory_space<vmem>>)
    %dma_start3A_380 = arith.constant 36 : i32
    %dma_start3A_381 = arith.constant 0 : i32
    %dma_start3A_382 = tpu.memref_slice %arg9[%dma_start3A_380, %dma_start3A_381] : memref<40x64xi32, #tpu.memory_space<vmem>> -> memref<1x64xi32, #tpu.memory_space<vmem>>
    %dma_start3A_383 = tpu.memref_squeeze %dma_start3A_382 : memref<1x64xi32, #tpu.memory_space<vmem>> -> memref<64xi32, #tpu.memory_space<vmem>>
    %dma_start3A_384 = arith.constant 0 : i32
    %dma_start3A_385 = arith.constant 0 : i32
    %dma_start3A_386 = tpu.memref_slice %arg7[%dma_start3A_384, %dma_start3A_385] : memref<10240x128xf32, #tpu.memory_space<vmem_shared>> -> memref<10240x128xf32, #tpu.memory_space<vmem_shared>>
    tpu.enqueue_indirect_dma source(%arg10 : memref<64x128xf32, #tpu.memory_space<vmem>>) target(%dma_start3A_386 : memref<10240x128xf32, #tpu.memory_space<vmem_shared>>) offsets(%dma_start3A_383 : memref<64xi32, #tpu.memory_space<vmem>>) semaphore(%arg18 : memref<!tpu.dma_semaphore, #tpu.memory_space<semaphore_mem>>) {add = true}
    %dma_wait3A_387 = arith.constant 0 : i32
    %dma_wait3A_388 = arith.constant 0 : i32
    %dma_wait3A_389 = tpu.memref_slice %arg2[%dma_wait3A_387, %dma_wait3A_388] : memref<10240x128xf32, #tpu.memory_space<hbm>> -> memref<64x128xf32, #tpu.memory_space<hbm>>
    %dma_wait3A_390 = arith.constant 0 : i32
    %dma_wait3A_391 = arith.constant 0 : i32
    %dma_wait3A_392 = tpu.memref_slice %arg2[%dma_wait3A_390, %dma_wait3A_391] : memref<10240x128xf32, #tpu.memory_space<hbm>> -> memref<64x128xf32, #tpu.memory_space<hbm>>
    tpu.wait_dma2 semaphore(%arg15 : memref<!tpu.dma_semaphore, #tpu.memory_space<semaphore_mem>>) src(%dma_wait3A_392 : memref<64x128xf32, #tpu.memory_space<hbm>>) dst(%arg11 : memref<64x128xf32, #tpu.memory_space<vmem>>)
    %dma_start3A_393 = arith.constant 37 : i32
    %dma_start3A_394 = arith.constant 0 : i32
    %dma_start3A_395 = tpu.memref_slice %arg9[%dma_start3A_393, %dma_start3A_394] : memref<40x64xi32, #tpu.memory_space<vmem>> -> memref<1x64xi32, #tpu.memory_space<vmem>>
    %dma_start3A_396 = tpu.memref_squeeze %dma_start3A_395 : memref<1x64xi32, #tpu.memory_space<vmem>> -> memref<64xi32, #tpu.memory_space<vmem>>
    %dma_start3A_397 = arith.constant 0 : i32
    %dma_start3A_398 = arith.constant 0 : i32
    %dma_start3A_399 = tpu.memref_slice %arg7[%dma_start3A_397, %dma_start3A_398] : memref<10240x128xf32, #tpu.memory_space<vmem_shared>> -> memref<10240x128xf32, #tpu.memory_space<vmem_shared>>
    tpu.enqueue_indirect_dma source(%arg11 : memref<64x128xf32, #tpu.memory_space<vmem>>) target(%dma_start3A_399 : memref<10240x128xf32, #tpu.memory_space<vmem_shared>>) offsets(%dma_start3A_396 : memref<64xi32, #tpu.memory_space<vmem>>) semaphore(%arg19 : memref<!tpu.dma_semaphore, #tpu.memory_space<semaphore_mem>>) {add = true}
    %dma_wait3A_400 = arith.constant 0 : i32
    %dma_wait3A_401 = arith.constant 0 : i32
    %dma_wait3A_402 = tpu.memref_slice %arg2[%dma_wait3A_400, %dma_wait3A_401] : memref<10240x128xf32, #tpu.memory_space<hbm>> -> memref<64x128xf32, #tpu.memory_space<hbm>>
    %dma_wait3A_403 = arith.constant 0 : i32
    %dma_wait3A_404 = arith.constant 0 : i32
    %dma_wait3A_405 = tpu.memref_slice %arg2[%dma_wait3A_403, %dma_wait3A_404] : memref<10240x128xf32, #tpu.memory_space<hbm>> -> memref<64x128xf32, #tpu.memory_space<hbm>>
    tpu.wait_dma2 semaphore(%arg16 : memref<!tpu.dma_semaphore, #tpu.memory_space<semaphore_mem>>) src(%dma_wait3A_405 : memref<64x128xf32, #tpu.memory_space<hbm>>) dst(%arg12 : memref<64x128xf32, #tpu.memory_space<vmem>>)
    %dma_start3A_406 = arith.constant 38 : i32
    %dma_start3A_407 = arith.constant 0 : i32
    %dma_start3A_408 = tpu.memref_slice %arg9[%dma_start3A_406, %dma_start3A_407] : memref<40x64xi32, #tpu.memory_space<vmem>> -> memref<1x64xi32, #tpu.memory_space<vmem>>
    %dma_start3A_409 = tpu.memref_squeeze %dma_start3A_408 : memref<1x64xi32, #tpu.memory_space<vmem>> -> memref<64xi32, #tpu.memory_space<vmem>>
    %dma_start3A_410 = arith.constant 0 : i32
    %dma_start3A_411 = arith.constant 0 : i32
    %dma_start3A_412 = tpu.memref_slice %arg7[%dma_start3A_410, %dma_start3A_411] : memref<10240x128xf32, #tpu.memory_space<vmem_shared>> -> memref<10240x128xf32, #tpu.memory_space<vmem_shared>>
    tpu.enqueue_indirect_dma source(%arg12 : memref<64x128xf32, #tpu.memory_space<vmem>>) target(%dma_start3A_412 : memref<10240x128xf32, #tpu.memory_space<vmem_shared>>) offsets(%dma_start3A_409 : memref<64xi32, #tpu.memory_space<vmem>>) semaphore(%arg20 : memref<!tpu.dma_semaphore, #tpu.memory_space<semaphore_mem>>) {add = true}
    %dma_wait3A_413 = arith.constant 0 : i32
    %dma_wait3A_414 = arith.constant 0 : i32
    %dma_wait3A_415 = tpu.memref_slice %arg2[%dma_wait3A_413, %dma_wait3A_414] : memref<10240x128xf32, #tpu.memory_space<hbm>> -> memref<64x128xf32, #tpu.memory_space<hbm>>
    %dma_wait3A_416 = arith.constant 0 : i32
    %dma_wait3A_417 = arith.constant 0 : i32
    %dma_wait3A_418 = tpu.memref_slice %arg2[%dma_wait3A_416, %dma_wait3A_417] : memref<10240x128xf32, #tpu.memory_space<hbm>> -> memref<64x128xf32, #tpu.memory_space<hbm>>
    tpu.wait_dma2 semaphore(%arg17 : memref<!tpu.dma_semaphore, #tpu.memory_space<semaphore_mem>>) src(%dma_wait3A_418 : memref<64x128xf32, #tpu.memory_space<hbm>>) dst(%arg13 : memref<64x128xf32, #tpu.memory_space<vmem>>)
    %dma_start3A_419 = arith.constant 39 : i32
    %dma_start3A_420 = arith.constant 0 : i32
    %dma_start3A_421 = tpu.memref_slice %arg9[%dma_start3A_419, %dma_start3A_420] : memref<40x64xi32, #tpu.memory_space<vmem>> -> memref<1x64xi32, #tpu.memory_space<vmem>>
    %dma_start3A_422 = tpu.memref_squeeze %dma_start3A_421 : memref<1x64xi32, #tpu.memory_space<vmem>> -> memref<64xi32, #tpu.memory_space<vmem>>
    %dma_start3A_423 = arith.constant 0 : i32
    %dma_start3A_424 = arith.constant 0 : i32
    %dma_start3A_425 = tpu.memref_slice %arg7[%dma_start3A_423, %dma_start3A_424] : memref<10240x128xf32, #tpu.memory_space<vmem_shared>> -> memref<10240x128xf32, #tpu.memory_space<vmem_shared>>
    tpu.enqueue_indirect_dma source(%arg13 : memref<64x128xf32, #tpu.memory_space<vmem>>) target(%dma_start3A_425 : memref<10240x128xf32, #tpu.memory_space<vmem_shared>>) offsets(%dma_start3A_422 : memref<64xi32, #tpu.memory_space<vmem>>) semaphore(%arg21 : memref<!tpu.dma_semaphore, #tpu.memory_space<semaphore_mem>>) {add = true}
    %dma_wait3A_426 = arith.constant 0 : i32
    %dma_wait3A_427 = arith.constant 0 : i32
    %dma_wait3A_428 = tpu.memref_slice %arg7[%dma_wait3A_426, %dma_wait3A_427] : memref<10240x128xf32, #tpu.memory_space<vmem_shared>> -> memref<64x128xf32, #tpu.memory_space<vmem_shared>>
    %dma_wait3A_429 = arith.constant 0 : i32
    %dma_wait3A_430 = arith.constant 0 : i32
    %dma_wait3A_431 = tpu.memref_slice %arg7[%dma_wait3A_429, %dma_wait3A_430] : memref<10240x128xf32, #tpu.memory_space<vmem_shared>> -> memref<64x128xf32, #tpu.memory_space<vmem_shared>>
    tpu.wait_dma2 semaphore(%arg18 : memref<!tpu.dma_semaphore, #tpu.memory_space<semaphore_mem>>) src(%arg10 : memref<64x128xf32, #tpu.memory_space<vmem>>) dst(%dma_wait3A_431 : memref<64x128xf32, #tpu.memory_space<vmem_shared>>)
    %dma_wait3A_432 = arith.constant 0 : i32
    %dma_wait3A_433 = arith.constant 0 : i32
    %dma_wait3A_434 = tpu.memref_slice %arg7[%dma_wait3A_432, %dma_wait3A_433] : memref<10240x128xf32, #tpu.memory_space<vmem_shared>> -> memref<64x128xf32, #tpu.memory_space<vmem_shared>>
    %dma_wait3A_435 = arith.constant 0 : i32
    %dma_wait3A_436 = arith.constant 0 : i32
    %dma_wait3A_437 = tpu.memref_slice %arg7[%dma_wait3A_435, %dma_wait3A_436] : memref<10240x128xf32, #tpu.memory_space<vmem_shared>> -> memref<64x128xf32, #tpu.memory_space<vmem_shared>>
    tpu.wait_dma2 semaphore(%arg19 : memref<!tpu.dma_semaphore, #tpu.memory_space<semaphore_mem>>) src(%arg11 : memref<64x128xf32, #tpu.memory_space<vmem>>) dst(%dma_wait3A_437 : memref<64x128xf32, #tpu.memory_space<vmem_shared>>)
    %dma_wait3A_438 = arith.constant 0 : i32
    %dma_wait3A_439 = arith.constant 0 : i32
    %dma_wait3A_440 = tpu.memref_slice %arg7[%dma_wait3A_438, %dma_wait3A_439] : memref<10240x128xf32, #tpu.memory_space<vmem_shared>> -> memref<64x128xf32, #tpu.memory_space<vmem_shared>>
    %dma_wait3A_441 = arith.constant 0 : i32
    %dma_wait3A_442 = arith.constant 0 : i32
    %dma_wait3A_443 = tpu.memref_slice %arg7[%dma_wait3A_441, %dma_wait3A_442] : memref<10240x128xf32, #tpu.memory_space<vmem_shared>> -> memref<64x128xf32, #tpu.memory_space<vmem_shared>>
    tpu.wait_dma2 semaphore(%arg20 : memref<!tpu.dma_semaphore, #tpu.memory_space<semaphore_mem>>) src(%arg12 : memref<64x128xf32, #tpu.memory_space<vmem>>) dst(%dma_wait3A_443 : memref<64x128xf32, #tpu.memory_space<vmem_shared>>)
    %dma_wait3A_444 = arith.constant 0 : i32
    %dma_wait3A_445 = arith.constant 0 : i32
    %dma_wait3A_446 = tpu.memref_slice %arg7[%dma_wait3A_444, %dma_wait3A_445] : memref<10240x128xf32, #tpu.memory_space<vmem_shared>> -> memref<64x128xf32, #tpu.memory_space<vmem_shared>>
    %dma_wait3A_447 = arith.constant 0 : i32
    %dma_wait3A_448 = arith.constant 0 : i32
    %dma_wait3A_449 = tpu.memref_slice %arg7[%dma_wait3A_447, %dma_wait3A_448] : memref<10240x128xf32, #tpu.memory_space<vmem_shared>> -> memref<64x128xf32, #tpu.memory_space<vmem_shared>>
    tpu.wait_dma2 semaphore(%arg21 : memref<!tpu.dma_semaphore, #tpu.memory_space<semaphore_mem>>) src(%arg13 : memref<64x128xf32, #tpu.memory_space<vmem>>) dst(%dma_wait3A_449 : memref<64x128xf32, #tpu.memory_space<vmem_shared>>)
    %barrier3A_450 = arith.constant 0 : index
    tpu.barrier barrier_id(%barrier3A_450)
    %mul3A_451 = arith.constant 640 : i32
    %mul3A_452 = arith.muli %arg1, %mul3A_451 : i32
    %mul3A_453 = arith.constant 16 : i32
    %mul3A_454 = arith.muli %arg0, %mul3A_453 : i32
    %add3A_455 = arith.addi %mul3A_454, %arg1 : i32
    %mul3A_456 = arith.constant 640 : i32
    %mul3A_457 = arith.muli %add3A_455, %mul3A_456 : i32
    "tpu.region"() ({
      %run_scoped3A = tpu.sem_alloc : memref<!tpu.dma_semaphore, #tpu.memory_space<semaphore_mem>>
      %dma_start3A_458 = arith.constant 0 : i32
      %dma_start3A_459 = tpu.memref_slice %arg6[%mul3A_457, %dma_start3A_458] : memref<20480x128xf32, #tpu.memory_space<hbm>> -> memref<640x128xf32, #tpu.memory_space<hbm>>
      %dma_start3A_460 = arith.constant 0 : i32
      %dma_start3A_461 = tpu.memref_slice %arg7[%mul3A_452, %dma_start3A_460] : memref<10240x128xf32, #tpu.memory_space<vmem_shared>> -> memref<640x128xf32, #tpu.memory_space<vmem_shared>>
      tpu.enqueue_dma source(%dma_start3A_461 : memref<640x128xf32, #tpu.memory_space<vmem_shared>>) target(%dma_start3A_459 : memref<640x128xf32, #tpu.memory_space<hbm>>) target_semaphore(%run_scoped3A : memref<!tpu.dma_semaphore, #tpu.memory_space<semaphore_mem>>)
      %dma_wait3A_462 = arith.constant 0 : i32
      %dma_wait3A_463 = tpu.memref_slice %arg6[%mul3A_457, %dma_wait3A_462] : memref<20480x128xf32, #tpu.memory_space<hbm>> -> memref<640x128xf32, #tpu.memory_space<hbm>>
      %dma_wait3A_464 = arith.constant 0 : i32
      %dma_wait3A_465 = tpu.memref_slice %arg7[%mul3A_452, %dma_wait3A_464] : memref<10240x128xf32, #tpu.memory_space<vmem_shared>> -> memref<640x128xf32, #tpu.memory_space<vmem_shared>>
      tpu.wait_dma2 semaphore(%run_scoped3A : memref<!tpu.dma_semaphore, #tpu.memory_space<semaphore_mem>>) src(%dma_wait3A_465 : memref<640x128xf32, #tpu.memory_space<vmem_shared>>) dst(%dma_wait3A_463 : memref<640x128xf32, #tpu.memory_space<hbm>>)
      tpu.yield
    }) : () -> ()
    return
  }
}

#map = affine_map<(d0, d1) -> (0, 0)>
module attributes {stable_mosaic.version = 14 : i64} {
  func.func @_sc_scatter_body(%arg0: i32, %arg1: i32, %arg2: memref<10240x128xf32, #tpu.memory_space<hbm>>, %arg3: memref<5120x64xi32, #tpu.memory_space<hbm>>, %arg4: memref<5120x64xi32, #tpu.memory_space<hbm>>, %arg5: memref<640x128xf32, #tpu.memory_space<hbm>>, %arg6: memref<20480x128xf32, #tpu.memory_space<hbm>>, %arg7: memref<10240x128xf32, #tpu.memory_space<vmem_shared>>, %arg8: memref<40x64xi32, #tpu.memory_space<vmem>>, %arg9: memref<40x64xi32, #tpu.memory_space<vmem>>, %arg10: memref<64x128xf32, #tpu.memory_space<vmem>>, %arg11: memref<64x128xf32, #tpu.memory_space<vmem>>, %arg12: memref<64x128xf32, #tpu.memory_space<vmem>>, %arg13: memref<64x128xf32, #tpu.memory_space<vmem>>, %arg14: memref<!tpu.dma_semaphore, #tpu.memory_space<semaphore_mem>>, %arg15: memref<!tpu.dma_semaphore, #tpu.memory_space<semaphore_mem>>, %arg16: memref<!tpu.dma_semaphore, #tpu.memory_space<semaphore_mem>>, %arg17: memref<!tpu.dma_semaphore, #tpu.memory_space<semaphore_mem>>, %arg18: memref<!tpu.dma_semaphore, #tpu.memory_space<semaphore_mem>>, %arg19: memref<!tpu.dma_semaphore, #tpu.memory_space<semaphore_mem>>, %arg20: memref<!tpu.dma_semaphore, #tpu.memory_space<semaphore_mem>>, %arg21: memref<!tpu.dma_semaphore, #tpu.memory_space<semaphore_mem>>) attributes {dimension_semantics = [#tpu.dimension_semantics<core_parallel>, #tpu.dimension_semantics<subcore_parallel>], iteration_bounds = array<i64: 2, 16>, scalar_prefetch = 0 : i64, scratch_operands = 15 : i64, tpu.core_type = #tpu.core_type<sc_vector_subcore>, window_params = [{transform_indices = #map}, {transform_indices = #map}, {transform_indices = #map}, {transform_indices = #map}, {transform_indices = #map}]} {
    %mul3A = arith.constant 640 : i32
    %mul3A_0 = arith.muli %arg1, %mul3A : i32
    "tpu.region"() ({
      %run_scoped3A = tpu.sem_alloc : memref<!tpu.dma_semaphore, #tpu.memory_space<semaphore_mem>>
      %dma_start3A_458 = arith.constant 0 : i32
      %dma_start3A_459 = tpu.memref_slice %arg7[%mul3A_0, %dma_start3A_458] : memref<10240x128xf32, #tpu.memory_space<vmem_shared>> -> memref<640x128xf32, #tpu.memory_space<vmem_shared>>
      tpu.enqueue_dma source(%arg5 : memref<640x128xf32, #tpu.memory_space<hbm>>) target(%dma_start3A_459 : memref<640x128xf32, #tpu.memory_space<vmem_shared>>) target_semaphore(%run_scoped3A : memref<!tpu.dma_semaphore, #tpu.memory_space<semaphore_mem>>)
      %dma_wait3A_460 = arith.constant 0 : i32
      %dma_wait3A_461 = tpu.memref_slice %arg7[%mul3A_0, %dma_wait3A_460] : memref<10240x128xf32, #tpu.memory_space<vmem_shared>> -> memref<640x128xf32, #tpu.memory_space<vmem_shared>>
      tpu.wait_dma2 semaphore(%run_scoped3A : memref<!tpu.dma_semaphore, #tpu.memory_space<semaphore_mem>>) src(%arg5 : memref<640x128xf32, #tpu.memory_space<hbm>>) dst(%dma_wait3A_461 : memref<640x128xf32, #tpu.memory_space<vmem_shared>>)
      tpu.yield
    }) : () -> ()
    %mul3A_1 = arith.constant 16 : i32
    %mul3A_2 = arith.muli %arg0, %mul3A_1 : i32
    %add3A = arith.addi %mul3A_2, %arg1 : i32
    %mul3A_3 = arith.constant 160 : i32
    %mul3A_4 = arith.muli %add3A, %mul3A_3 : i32
    %barrier3A = arith.constant 0 : index
    tpu.barrier barrier_id(%barrier3A)
    %add3A_5 = arith.constant 0 : i32
    %add3A_6 = arith.addi %mul3A_4, %add3A_5 : i32
    "tpu.region"() ({
      %run_scoped3A = tpu.sem_alloc : memref<!tpu.dma_semaphore, #tpu.memory_space<semaphore_mem>>
      %dma_start3A_458 = arith.constant 0 : i32
      %dma_start3A_459 = tpu.memref_slice %arg3[%add3A_6, %dma_start3A_458] : memref<5120x64xi32, #tpu.memory_space<hbm>> -> memref<40x64xi32, #tpu.memory_space<hbm>>
      %dma_start3A_460 = arith.constant 0 : i32
      %dma_start3A_461 = tpu.memref_slice %arg3[%add3A_6, %dma_start3A_460] : memref<5120x64xi32, #tpu.memory_space<hbm>> -> memref<40x64xi32, #tpu.memory_space<hbm>>
      tpu.enqueue_dma source(%dma_start3A_461 : memref<40x64xi32, #tpu.memory_space<hbm>>) target(%arg8 : memref<40x64xi32, #tpu.memory_space<vmem>>) target_semaphore(%run_scoped3A : memref<!tpu.dma_semaphore, #tpu.memory_space<semaphore_mem>>)
      %dma_wait3A_462 = arith.constant 0 : i32
      %dma_wait3A_463 = tpu.memref_slice %arg3[%add3A_6, %dma_wait3A_462] : memref<5120x64xi32, #tpu.memory_space<hbm>> -> memref<40x64xi32, #tpu.memory_space<hbm>>
      %dma_wait3A_464 = arith.constant 0 : i32
      %dma_wait3A_465 = tpu.memref_slice %arg3[%add3A_6, %dma_wait3A_464] : memref<5120x64xi32, #tpu.memory_space<hbm>> -> memref<40x64xi32, #tpu.memory_space<hbm>>
      tpu.wait_dma2 semaphore(%run_scoped3A : memref<!tpu.dma_semaphore, #tpu.memory_space<semaphore_mem>>) src(%dma_wait3A_465 : memref<40x64xi32, #tpu.memory_space<hbm>>) dst(%arg8 : memref<40x64xi32, #tpu.memory_space<vmem>>)
      tpu.yield
    }) : () -> ()
    "tpu.region"() ({
      %run_scoped3A = tpu.sem_alloc : memref<!tpu.dma_semaphore, #tpu.memory_space<semaphore_mem>>
      %dma_start3A_458 = arith.constant 0 : i32
      %dma_start3A_459 = tpu.memref_slice %arg4[%add3A_6, %dma_start3A_458] : memref<5120x64xi32, #tpu.memory_space<hbm>> -> memref<40x64xi32, #tpu.memory_space<hbm>>
      %dma_start3A_460 = arith.constant 0 : i32
      %dma_start3A_461 = tpu.memref_slice %arg4[%add3A_6, %dma_start3A_460] : memref<5120x64xi32, #tpu.memory_space<hbm>> -> memref<40x64xi32, #tpu.memory_space<hbm>>
      tpu.enqueue_dma source(%dma_start3A_461 : memref<40x64xi32, #tpu.memory_space<hbm>>) target(%arg9 : memref<40x64xi32, #tpu.memory_space<vmem>>) target_semaphore(%run_scoped3A : memref<!tpu.dma_semaphore, #tpu.memory_space<semaphore_mem>>)
      %dma_wait3A_462 = arith.constant 0 : i32
      %dma_wait3A_463 = tpu.memref_slice %arg4[%add3A_6, %dma_wait3A_462] : memref<5120x64xi32, #tpu.memory_space<hbm>> -> memref<40x64xi32, #tpu.memory_space<hbm>>
      %dma_wait3A_464 = arith.constant 0 : i32
      %dma_wait3A_465 = tpu.memref_slice %arg4[%add3A_6, %dma_wait3A_464] : memref<5120x64xi32, #tpu.memory_space<hbm>> -> memref<40x64xi32, #tpu.memory_space<hbm>>
      tpu.wait_dma2 semaphore(%run_scoped3A : memref<!tpu.dma_semaphore, #tpu.memory_space<semaphore_mem>>) src(%dma_wait3A_465 : memref<40x64xi32, #tpu.memory_space<hbm>>) dst(%arg9 : memref<40x64xi32, #tpu.memory_space<vmem>>)
      tpu.yield
    }) : () -> ()
    %dma_start3A = arith.constant 0 : i32
    %dma_start3A_7 = arith.constant 0 : i32
    %dma_start3A_8 = tpu.memref_slice %arg8[%dma_start3A, %dma_start3A_7] : memref<40x64xi32, #tpu.memory_space<vmem>> -> memref<1x64xi32, #tpu.memory_space<vmem>>
    %dma_start3A_9 = tpu.memref_squeeze %dma_start3A_8 : memref<1x64xi32, #tpu.memory_space<vmem>> -> memref<64xi32, #tpu.memory_space<vmem>>
    %dma_start3A_10 = arith.constant 0 : i32
    %dma_start3A_11 = arith.constant 0 : i32
    %dma_start3A_12 = tpu.memref_slice %arg2[%dma_start3A_10, %dma_start3A_11] : memref<10240x128xf32, #tpu.memory_space<hbm>> -> memref<10240x128xf32, #tpu.memory_space<hbm>>
    tpu.enqueue_indirect_dma source(%dma_start3A_12 : memref<10240x128xf32, #tpu.memory_space<hbm>>) target(%arg10 : memref<64x128xf32, #tpu.memory_space<vmem>>) offsets(%dma_start3A_9 : memref<64xi32, #tpu.memory_space<vmem>>) semaphore(%arg14 : memref<!tpu.dma_semaphore, #tpu.memory_space<semaphore_mem>>)
    %dma_start3A_13 = arith.constant 1 : i32
    %dma_start3A_14 = arith.constant 0 : i32
    %dma_start3A_15 = tpu.memref_slice %arg8[%dma_start3A_13, %dma_start3A_14] : memref<40x64xi32, #tpu.memory_space<vmem>> -> memref<1x64xi32, #tpu.memory_space<vmem>>
    %dma_start3A_16 = tpu.memref_squeeze %dma_start3A_15 : memref<1x64xi32, #tpu.memory_space<vmem>> -> memref<64xi32, #tpu.memory_space<vmem>>
    %dma_start3A_17 = arith.constant 0 : i32
    %dma_start3A_18 = arith.constant 0 : i32
    %dma_start3A_19 = tpu.memref_slice %arg2[%dma_start3A_17, %dma_start3A_18] : memref<10240x128xf32, #tpu.memory_space<hbm>> -> memref<10240x128xf32, #tpu.memory_space<hbm>>
    tpu.enqueue_indirect_dma source(%dma_start3A_19 : memref<10240x128xf32, #tpu.memory_space<hbm>>) target(%arg11 : memref<64x128xf32, #tpu.memory_space<vmem>>) offsets(%dma_start3A_16 : memref<64xi32, #tpu.memory_space<vmem>>) semaphore(%arg15 : memref<!tpu.dma_semaphore, #tpu.memory_space<semaphore_mem>>)
    %dma_start3A_20 = arith.constant 2 : i32
    %dma_start3A_21 = arith.constant 0 : i32
    %dma_start3A_22 = tpu.memref_slice %arg8[%dma_start3A_20, %dma_start3A_21] : memref<40x64xi32, #tpu.memory_space<vmem>> -> memref<1x64xi32, #tpu.memory_space<vmem>>
    %dma_start3A_23 = tpu.memref_squeeze %dma_start3A_22 : memref<1x64xi32, #tpu.memory_space<vmem>> -> memref<64xi32, #tpu.memory_space<vmem>>
    %dma_start3A_24 = arith.constant 0 : i32
    %dma_start3A_25 = arith.constant 0 : i32
    %dma_start3A_26 = tpu.memref_slice %arg2[%dma_start3A_24, %dma_start3A_25] : memref<10240x128xf32, #tpu.memory_space<hbm>> -> memref<10240x128xf32, #tpu.memory_space<hbm>>
    tpu.enqueue_indirect_dma source(%dma_start3A_26 : memref<10240x128xf32, #tpu.memory_space<hbm>>) target(%arg12 : memref<64x128xf32, #tpu.memory_space<vmem>>) offsets(%dma_start3A_23 : memref<64xi32, #tpu.memory_space<vmem>>) semaphore(%arg16 : memref<!tpu.dma_semaphore, #tpu.memory_space<semaphore_mem>>)
    %dma_start3A_27 = arith.constant 3 : i32
    %dma_start3A_28 = arith.constant 0 : i32
    %dma_start3A_29 = tpu.memref_slice %arg8[%dma_start3A_27, %dma_start3A_28] : memref<40x64xi32, #tpu.memory_space<vmem>> -> memref<1x64xi32, #tpu.memory_space<vmem>>
    %dma_start3A_30 = tpu.memref_squeeze %dma_start3A_29 : memref<1x64xi32, #tpu.memory_space<vmem>> -> memref<64xi32, #tpu.memory_space<vmem>>
    %dma_start3A_31 = arith.constant 0 : i32
    %dma_start3A_32 = arith.constant 0 : i32
    %dma_start3A_33 = tpu.memref_slice %arg2[%dma_start3A_31, %dma_start3A_32] : memref<10240x128xf32, #tpu.memory_space<hbm>> -> memref<10240x128xf32, #tpu.memory_space<hbm>>
    tpu.enqueue_indirect_dma source(%dma_start3A_33 : memref<10240x128xf32, #tpu.memory_space<hbm>>) target(%arg13 : memref<64x128xf32, #tpu.memory_space<vmem>>) offsets(%dma_start3A_30 : memref<64xi32, #tpu.memory_space<vmem>>) semaphore(%arg17 : memref<!tpu.dma_semaphore, #tpu.memory_space<semaphore_mem>>)
    %scan3A = arith.constant 0 : i32
    %scan3A_34 = arith.constant 0 : i32
    %scan3A_35 = arith.constant 9 : i32
    %scan3A_36 = arith.addi %scan3A_34, %scan3A_35 : i32
    %scan3A_37 = arith.constant 1 : i32
    scf.for %scan3A_458 = %scan3A_34 to %scan3A_36 step %scan3A_37  : i32 {
      %mul3A_459 = arith.constant 4 : i32
      %mul3A_460 = arith.muli %scan3A_458, %mul3A_459 : i32
      %dma_wait3A_461 = arith.constant 0 : i32
      %dma_wait3A_462 = arith.constant 0 : i32
      %dma_wait3A_463 = tpu.memref_slice %arg2[%dma_wait3A_461, %dma_wait3A_462] : memref<10240x128xf32, #tpu.memory_space<hbm>> -> memref<64x128xf32, #tpu.memory_space<hbm>>
      %dma_wait3A_464 = arith.constant 0 : i32
      %dma_wait3A_465 = arith.constant 0 : i32
      %dma_wait3A_466 = tpu.memref_slice %arg2[%dma_wait3A_464, %dma_wait3A_465] : memref<10240x128xf32, #tpu.memory_space<hbm>> -> memref<64x128xf32, #tpu.memory_space<hbm>>
      tpu.wait_dma2 semaphore(%arg14 : memref<!tpu.dma_semaphore, #tpu.memory_space<semaphore_mem>>) src(%dma_wait3A_466 : memref<64x128xf32, #tpu.memory_space<hbm>>) dst(%arg10 : memref<64x128xf32, #tpu.memory_space<vmem>>)
      %add3A_467 = arith.constant 0 : i32
      %add3A_468 = arith.addi %mul3A_460, %add3A_467 : i32
      %dma_start3A_469 = arith.constant 0 : i32
      %dma_start3A_470 = tpu.memref_slice %arg9[%add3A_468, %dma_start3A_469] : memref<40x64xi32, #tpu.memory_space<vmem>> -> memref<1x64xi32, #tpu.memory_space<vmem>>
      %dma_start3A_471 = tpu.memref_squeeze %dma_start3A_470 : memref<1x64xi32, #tpu.memory_space<vmem>> -> memref<64xi32, #tpu.memory_space<vmem>>
      %dma_start3A_472 = arith.constant 0 : i32
      %dma_start3A_473 = arith.constant 0 : i32
      %dma_start3A_474 = tpu.memref_slice %arg7[%dma_start3A_472, %dma_start3A_473] : memref<10240x128xf32, #tpu.memory_space<vmem_shared>> -> memref<10240x128xf32, #tpu.memory_space<vmem_shared>>
      tpu.enqueue_indirect_dma source(%arg10 : memref<64x128xf32, #tpu.memory_space<vmem>>) target(%dma_start3A_474 : memref<10240x128xf32, #tpu.memory_space<vmem_shared>>) offsets(%dma_start3A_471 : memref<64xi32, #tpu.memory_space<vmem>>) semaphore(%arg18 : memref<!tpu.dma_semaphore, #tpu.memory_space<semaphore_mem>>) {add = true}
      %dma_wait3A_475 = arith.constant 0 : i32
      %dma_wait3A_476 = arith.constant 0 : i32
      %dma_wait3A_477 = tpu.memref_slice %arg2[%dma_wait3A_475, %dma_wait3A_476] : memref<10240x128xf32, #tpu.memory_space<hbm>> -> memref<64x128xf32, #tpu.memory_space<hbm>>
      %dma_wait3A_478 = arith.constant 0 : i32
      %dma_wait3A_479 = arith.constant 0 : i32
      %dma_wait3A_480 = tpu.memref_slice %arg2[%dma_wait3A_478, %dma_wait3A_479] : memref<10240x128xf32, #tpu.memory_space<hbm>> -> memref<64x128xf32, #tpu.memory_space<hbm>>
      tpu.wait_dma2 semaphore(%arg15 : memref<!tpu.dma_semaphore, #tpu.memory_space<semaphore_mem>>) src(%dma_wait3A_480 : memref<64x128xf32, #tpu.memory_space<hbm>>) dst(%arg11 : memref<64x128xf32, #tpu.memory_space<vmem>>)
      %add3A_481 = arith.constant 1 : i32
      %add3A_482 = arith.addi %mul3A_460, %add3A_481 : i32
      %dma_start3A_483 = arith.constant 0 : i32
      %dma_start3A_484 = tpu.memref_slice %arg9[%add3A_482, %dma_start3A_483] : memref<40x64xi32, #tpu.memory_space<vmem>> -> memref<1x64xi32, #tpu.memory_space<vmem>>
      %dma_start3A_485 = tpu.memref_squeeze %dma_start3A_484 : memref<1x64xi32, #tpu.memory_space<vmem>> -> memref<64xi32, #tpu.memory_space<vmem>>
      %dma_start3A_486 = arith.constant 0 : i32
      %dma_start3A_487 = arith.constant 0 : i32
      %dma_start3A_488 = tpu.memref_slice %arg7[%dma_start3A_486, %dma_start3A_487] : memref<10240x128xf32, #tpu.memory_space<vmem_shared>> -> memref<10240x128xf32, #tpu.memory_space<vmem_shared>>
      tpu.enqueue_indirect_dma source(%arg11 : memref<64x128xf32, #tpu.memory_space<vmem>>) target(%dma_start3A_488 : memref<10240x128xf32, #tpu.memory_space<vmem_shared>>) offsets(%dma_start3A_485 : memref<64xi32, #tpu.memory_space<vmem>>) semaphore(%arg19 : memref<!tpu.dma_semaphore, #tpu.memory_space<semaphore_mem>>) {add = true}
      %dma_wait3A_489 = arith.constant 0 : i32
      %dma_wait3A_490 = arith.constant 0 : i32
      %dma_wait3A_491 = tpu.memref_slice %arg2[%dma_wait3A_489, %dma_wait3A_490] : memref<10240x128xf32, #tpu.memory_space<hbm>> -> memref<64x128xf32, #tpu.memory_space<hbm>>
      %dma_wait3A_492 = arith.constant 0 : i32
      %dma_wait3A_493 = arith.constant 0 : i32
      %dma_wait3A_494 = tpu.memref_slice %arg2[%dma_wait3A_492, %dma_wait3A_493] : memref<10240x128xf32, #tpu.memory_space<hbm>> -> memref<64x128xf32, #tpu.memory_space<hbm>>
      tpu.wait_dma2 semaphore(%arg16 : memref<!tpu.dma_semaphore, #tpu.memory_space<semaphore_mem>>) src(%dma_wait3A_494 : memref<64x128xf32, #tpu.memory_space<hbm>>) dst(%arg12 : memref<64x128xf32, #tpu.memory_space<vmem>>)
      %add3A_495 = arith.constant 2 : i32
      %add3A_496 = arith.addi %mul3A_460, %add3A_495 : i32
      %dma_start3A_497 = arith.constant 0 : i32
      %dma_start3A_498 = tpu.memref_slice %arg9[%add3A_496, %dma_start3A_497] : memref<40x64xi32, #tpu.memory_space<vmem>> -> memref<1x64xi32, #tpu.memory_space<vmem>>
      %dma_start3A_499 = tpu.memref_squeeze %dma_start3A_498 : memref<1x64xi32, #tpu.memory_space<vmem>> -> memref<64xi32, #tpu.memory_space<vmem>>
      %dma_start3A_500 = arith.constant 0 : i32
      %dma_start3A_501 = arith.constant 0 : i32
      %dma_start3A_502 = tpu.memref_slice %arg7[%dma_start3A_500, %dma_start3A_501] : memref<10240x128xf32, #tpu.memory_space<vmem_shared>> -> memref<10240x128xf32, #tpu.memory_space<vmem_shared>>
      tpu.enqueue_indirect_dma source(%arg12 : memref<64x128xf32, #tpu.memory_space<vmem>>) target(%dma_start3A_502 : memref<10240x128xf32, #tpu.memory_space<vmem_shared>>) offsets(%dma_start3A_499 : memref<64xi32, #tpu.memory_space<vmem>>) semaphore(%arg20 : memref<!tpu.dma_semaphore, #tpu.memory_space<semaphore_mem>>) {add = true}
      %dma_wait3A_503 = arith.constant 0 : i32
      %dma_wait3A_504 = arith.constant 0 : i32
      %dma_wait3A_505 = tpu.memref_slice %arg2[%dma_wait3A_503, %dma_wait3A_504] : memref<10240x128xf32, #tpu.memory_space<hbm>> -> memref<64x128xf32, #tpu.memory_space<hbm>>
      %dma_wait3A_506 = arith.constant 0 : i32
      %dma_wait3A_507 = arith.constant 0 : i32
      %dma_wait3A_508 = tpu.memref_slice %arg2[%dma_wait3A_506, %dma_wait3A_507] : memref<10240x128xf32, #tpu.memory_space<hbm>> -> memref<64x128xf32, #tpu.memory_space<hbm>>
      tpu.wait_dma2 semaphore(%arg17 : memref<!tpu.dma_semaphore, #tpu.memory_space<semaphore_mem>>) src(%dma_wait3A_508 : memref<64x128xf32, #tpu.memory_space<hbm>>) dst(%arg13 : memref<64x128xf32, #tpu.memory_space<vmem>>)
      %add3A_509 = arith.constant 3 : i32
      %add3A_510 = arith.addi %mul3A_460, %add3A_509 : i32
      %dma_start3A_511 = arith.constant 0 : i32
      %dma_start3A_512 = tpu.memref_slice %arg9[%add3A_510, %dma_start3A_511] : memref<40x64xi32, #tpu.memory_space<vmem>> -> memref<1x64xi32, #tpu.memory_space<vmem>>
      %dma_start3A_513 = tpu.memref_squeeze %dma_start3A_512 : memref<1x64xi32, #tpu.memory_space<vmem>> -> memref<64xi32, #tpu.memory_space<vmem>>
      %dma_start3A_514 = arith.constant 0 : i32
      %dma_start3A_515 = arith.constant 0 : i32
      %dma_start3A_516 = tpu.memref_slice %arg7[%dma_start3A_514, %dma_start3A_515] : memref<10240x128xf32, #tpu.memory_space<vmem_shared>> -> memref<10240x128xf32, #tpu.memory_space<vmem_shared>>
      tpu.enqueue_indirect_dma source(%arg13 : memref<64x128xf32, #tpu.memory_space<vmem>>) target(%dma_start3A_516 : memref<10240x128xf32, #tpu.memory_space<vmem_shared>>) offsets(%dma_start3A_513 : memref<64xi32, #tpu.memory_space<vmem>>) semaphore(%arg21 : memref<!tpu.dma_semaphore, #tpu.memory_space<semaphore_mem>>) {add = true}
      %dma_wait3A_517 = arith.constant 0 : i32
      %dma_wait3A_518 = arith.constant 0 : i32
      %dma_wait3A_519 = tpu.memref_slice %arg7[%dma_wait3A_517, %dma_wait3A_518] : memref<10240x128xf32, #tpu.memory_space<vmem_shared>> -> memref<64x128xf32, #tpu.memory_space<vmem_shared>>
      %dma_wait3A_520 = arith.constant 0 : i32
      %dma_wait3A_521 = arith.constant 0 : i32
      %dma_wait3A_522 = tpu.memref_slice %arg7[%dma_wait3A_520, %dma_wait3A_521] : memref<10240x128xf32, #tpu.memory_space<vmem_shared>> -> memref<64x128xf32, #tpu.memory_space<vmem_shared>>
      tpu.wait_dma2 semaphore(%arg18 : memref<!tpu.dma_semaphore, #tpu.memory_space<semaphore_mem>>) src(%arg10 : memref<64x128xf32, #tpu.memory_space<vmem>>) dst(%dma_wait3A_522 : memref<64x128xf32, #tpu.memory_space<vmem_shared>>)
      %add3A_523 = arith.constant 4 : i32
      %add3A_524 = arith.addi %mul3A_460, %add3A_523 : i32
      %add3A_525 = arith.constant 0 : i32
      %add3A_526 = arith.addi %add3A_524, %add3A_525 : i32
      %dma_start3A_527 = arith.constant 0 : i32
      %dma_start3A_528 = tpu.memref_slice %arg8[%add3A_526, %dma_start3A_527] : memref<40x64xi32, #tpu.memory_space<vmem>> -> memref<1x64xi32, #tpu.memory_space<vmem>>
      %dma_start3A_529 = tpu.memref_squeeze %dma_start3A_528 : memref<1x64xi32, #tpu.memory_space<vmem>> -> memref<64xi32, #tpu.memory_space<vmem>>
      %dma_start3A_530 = arith.constant 0 : i32
      %dma_start3A_531 = arith.constant 0 : i32
      %dma_start3A_532 = tpu.memref_slice %arg2[%dma_start3A_530, %dma_start3A_531] : memref<10240x128xf32, #tpu.memory_space<hbm>> -> memref<10240x128xf32, #tpu.memory_space<hbm>>
      tpu.enqueue_indirect_dma source(%dma_start3A_532 : memref<10240x128xf32, #tpu.memory_space<hbm>>) target(%arg10 : memref<64x128xf32, #tpu.memory_space<vmem>>) offsets(%dma_start3A_529 : memref<64xi32, #tpu.memory_space<vmem>>) semaphore(%arg14 : memref<!tpu.dma_semaphore, #tpu.memory_space<semaphore_mem>>)
      %dma_wait3A_533 = arith.constant 0 : i32
      %dma_wait3A_534 = arith.constant 0 : i32
      %dma_wait3A_535 = tpu.memref_slice %arg7[%dma_wait3A_533, %dma_wait3A_534] : memref<10240x128xf32, #tpu.memory_space<vmem_shared>> -> memref<64x128xf32, #tpu.memory_space<vmem_shared>>
      %dma_wait3A_536 = arith.constant 0 : i32
      %dma_wait3A_537 = arith.constant 0 : i32
      %dma_wait3A_538 = tpu.memref_slice %arg7[%dma_wait3A_536, %dma_wait3A_537] : memref<10240x128xf32, #tpu.memory_space<vmem_shared>> -> memref<64x128xf32, #tpu.memory_space<vmem_shared>>
      tpu.wait_dma2 semaphore(%arg19 : memref<!tpu.dma_semaphore, #tpu.memory_space<semaphore_mem>>) src(%arg11 : memref<64x128xf32, #tpu.memory_space<vmem>>) dst(%dma_wait3A_538 : memref<64x128xf32, #tpu.memory_space<vmem_shared>>)
      %add3A_539 = arith.constant 4 : i32
      %add3A_540 = arith.addi %mul3A_460, %add3A_539 : i32
      %add3A_541 = arith.constant 1 : i32
      %add3A_542 = arith.addi %add3A_540, %add3A_541 : i32
      %dma_start3A_543 = arith.constant 0 : i32
      %dma_start3A_544 = tpu.memref_slice %arg8[%add3A_542, %dma_start3A_543] : memref<40x64xi32, #tpu.memory_space<vmem>> -> memref<1x64xi32, #tpu.memory_space<vmem>>
      %dma_start3A_545 = tpu.memref_squeeze %dma_start3A_544 : memref<1x64xi32, #tpu.memory_space<vmem>> -> memref<64xi32, #tpu.memory_space<vmem>>
      %dma_start3A_546 = arith.constant 0 : i32
      %dma_start3A_547 = arith.constant 0 : i32
      %dma_start3A_548 = tpu.memref_slice %arg2[%dma_start3A_546, %dma_start3A_547] : memref<10240x128xf32, #tpu.memory_space<hbm>> -> memref<10240x128xf32, #tpu.memory_space<hbm>>
      tpu.enqueue_indirect_dma source(%dma_start3A_548 : memref<10240x128xf32, #tpu.memory_space<hbm>>) target(%arg11 : memref<64x128xf32, #tpu.memory_space<vmem>>) offsets(%dma_start3A_545 : memref<64xi32, #tpu.memory_space<vmem>>) semaphore(%arg15 : memref<!tpu.dma_semaphore, #tpu.memory_space<semaphore_mem>>)
      %dma_wait3A_549 = arith.constant 0 : i32
      %dma_wait3A_550 = arith.constant 0 : i32
      %dma_wait3A_551 = tpu.memref_slice %arg7[%dma_wait3A_549, %dma_wait3A_550] : memref<10240x128xf32, #tpu.memory_space<vmem_shared>> -> memref<64x128xf32, #tpu.memory_space<vmem_shared>>
      %dma_wait3A_552 = arith.constant 0 : i32
      %dma_wait3A_553 = arith.constant 0 : i32
      %dma_wait3A_554 = tpu.memref_slice %arg7[%dma_wait3A_552, %dma_wait3A_553] : memref<10240x128xf32, #tpu.memory_space<vmem_shared>> -> memref<64x128xf32, #tpu.memory_space<vmem_shared>>
      tpu.wait_dma2 semaphore(%arg20 : memref<!tpu.dma_semaphore, #tpu.memory_space<semaphore_mem>>) src(%arg12 : memref<64x128xf32, #tpu.memory_space<vmem>>) dst(%dma_wait3A_554 : memref<64x128xf32, #tpu.memory_space<vmem_shared>>)
      %add3A_555 = arith.constant 4 : i32
      %add3A_556 = arith.addi %mul3A_460, %add3A_555 : i32
      %add3A_557 = arith.constant 2 : i32
      %add3A_558 = arith.addi %add3A_556, %add3A_557 : i32
      %dma_start3A_559 = arith.constant 0 : i32
      %dma_start3A_560 = tpu.memref_slice %arg8[%add3A_558, %dma_start3A_559] : memref<40x64xi32, #tpu.memory_space<vmem>> -> memref<1x64xi32, #tpu.memory_space<vmem>>
      %dma_start3A_561 = tpu.memref_squeeze %dma_start3A_560 : memref<1x64xi32, #tpu.memory_space<vmem>> -> memref<64xi32, #tpu.memory_space<vmem>>
      %dma_start3A_562 = arith.constant 0 : i32
      %dma_start3A_563 = arith.constant 0 : i32
      %dma_start3A_564 = tpu.memref_slice %arg2[%dma_start3A_562, %dma_start3A_563] : memref<10240x128xf32, #tpu.memory_space<hbm>> -> memref<10240x128xf32, #tpu.memory_space<hbm>>
      tpu.enqueue_indirect_dma source(%dma_start3A_564 : memref<10240x128xf32, #tpu.memory_space<hbm>>) target(%arg12 : memref<64x128xf32, #tpu.memory_space<vmem>>) offsets(%dma_start3A_561 : memref<64xi32, #tpu.memory_space<vmem>>) semaphore(%arg16 : memref<!tpu.dma_semaphore, #tpu.memory_space<semaphore_mem>>)
      %dma_wait3A_565 = arith.constant 0 : i32
      %dma_wait3A_566 = arith.constant 0 : i32
      %dma_wait3A_567 = tpu.memref_slice %arg7[%dma_wait3A_565, %dma_wait3A_566] : memref<10240x128xf32, #tpu.memory_space<vmem_shared>> -> memref<64x128xf32, #tpu.memory_space<vmem_shared>>
      %dma_wait3A_568 = arith.constant 0 : i32
      %dma_wait3A_569 = arith.constant 0 : i32
      %dma_wait3A_570 = tpu.memref_slice %arg7[%dma_wait3A_568, %dma_wait3A_569] : memref<10240x128xf32, #tpu.memory_space<vmem_shared>> -> memref<64x128xf32, #tpu.memory_space<vmem_shared>>
      tpu.wait_dma2 semaphore(%arg21 : memref<!tpu.dma_semaphore, #tpu.memory_space<semaphore_mem>>) src(%arg13 : memref<64x128xf32, #tpu.memory_space<vmem>>) dst(%dma_wait3A_570 : memref<64x128xf32, #tpu.memory_space<vmem_shared>>)
      %add3A_571 = arith.constant 4 : i32
      %add3A_572 = arith.addi %mul3A_460, %add3A_571 : i32
      %add3A_573 = arith.constant 3 : i32
      %add3A_574 = arith.addi %add3A_572, %add3A_573 : i32
      %dma_start3A_575 = arith.constant 0 : i32
      %dma_start3A_576 = tpu.memref_slice %arg8[%add3A_574, %dma_start3A_575] : memref<40x64xi32, #tpu.memory_space<vmem>> -> memref<1x64xi32, #tpu.memory_space<vmem>>
      %dma_start3A_577 = tpu.memref_squeeze %dma_start3A_576 : memref<1x64xi32, #tpu.memory_space<vmem>> -> memref<64xi32, #tpu.memory_space<vmem>>
      %dma_start3A_578 = arith.constant 0 : i32
      %dma_start3A_579 = arith.constant 0 : i32
      %dma_start3A_580 = tpu.memref_slice %arg2[%dma_start3A_578, %dma_start3A_579] : memref<10240x128xf32, #tpu.memory_space<hbm>> -> memref<10240x128xf32, #tpu.memory_space<hbm>>
      tpu.enqueue_indirect_dma source(%dma_start3A_580 : memref<10240x128xf32, #tpu.memory_space<hbm>>) target(%arg13 : memref<64x128xf32, #tpu.memory_space<vmem>>) offsets(%dma_start3A_577 : memref<64xi32, #tpu.memory_space<vmem>>) semaphore(%arg17 : memref<!tpu.dma_semaphore, #tpu.memory_space<semaphore_mem>>)
    }
    %scan3A_38 = arith.constant 9 : i32
    %dma_wait3A = arith.constant 0 : i32
    %dma_wait3A_39 = arith.constant 0 : i32
    %dma_wait3A_40 = tpu.memref_slice %arg2[%dma_wait3A, %dma_wait3A_39] : memref<10240x128xf32, #tpu.memory_space<hbm>> -> memref<64x128xf32, #tpu.memory_space<hbm>>
    %dma_wait3A_41 = arith.constant 0 : i32
    %dma_wait3A_42 = arith.constant 0 : i32
    %dma_wait3A_43 = tpu.memref_slice %arg2[%dma_wait3A_41, %dma_wait3A_42] : memref<10240x128xf32, #tpu.memory_space<hbm>> -> memref<64x128xf32, #tpu.memory_space<hbm>>
    tpu.wait_dma2 semaphore(%arg14 : memref<!tpu.dma_semaphore, #tpu.memory_space<semaphore_mem>>) src(%dma_wait3A_43 : memref<64x128xf32, #tpu.memory_space<hbm>>) dst(%arg10 : memref<64x128xf32, #tpu.memory_space<vmem>>)
    %dma_start3A_44 = arith.constant 36 : i32
    %dma_start3A_45 = arith.constant 0 : i32
    %dma_start3A_46 = tpu.memref_slice %arg9[%dma_start3A_44, %dma_start3A_45] : memref<40x64xi32, #tpu.memory_space<vmem>> -> memref<1x64xi32, #tpu.memory_space<vmem>>
    %dma_start3A_47 = tpu.memref_squeeze %dma_start3A_46 : memref<1x64xi32, #tpu.memory_space<vmem>> -> memref<64xi32, #tpu.memory_space<vmem>>
    %dma_start3A_48 = arith.constant 0 : i32
    %dma_start3A_49 = arith.constant 0 : i32
    %dma_start3A_50 = tpu.memref_slice %arg7[%dma_start3A_48, %dma_start3A_49] : memref<10240x128xf32, #tpu.memory_space<vmem_shared>> -> memref<10240x128xf32, #tpu.memory_space<vmem_shared>>
    tpu.enqueue_indirect_dma source(%arg10 : memref<64x128xf32, #tpu.memory_space<vmem>>) target(%dma_start3A_50 : memref<10240x128xf32, #tpu.memory_space<vmem_shared>>) offsets(%dma_start3A_47 : memref<64xi32, #tpu.memory_space<vmem>>) semaphore(%arg18 : memref<!tpu.dma_semaphore, #tpu.memory_space<semaphore_mem>>) {add = true}
    %dma_wait3A_51 = arith.constant 0 : i32
    %dma_wait3A_52 = arith.constant 0 : i32
    %dma_wait3A_53 = tpu.memref_slice %arg2[%dma_wait3A_51, %dma_wait3A_52] : memref<10240x128xf32, #tpu.memory_space<hbm>> -> memref<64x128xf32, #tpu.memory_space<hbm>>
    %dma_wait3A_54 = arith.constant 0 : i32
    %dma_wait3A_55 = arith.constant 0 : i32
    %dma_wait3A_56 = tpu.memref_slice %arg2[%dma_wait3A_54, %dma_wait3A_55] : memref<10240x128xf32, #tpu.memory_space<hbm>> -> memref<64x128xf32, #tpu.memory_space<hbm>>
    tpu.wait_dma2 semaphore(%arg15 : memref<!tpu.dma_semaphore, #tpu.memory_space<semaphore_mem>>) src(%dma_wait3A_56 : memref<64x128xf32, #tpu.memory_space<hbm>>) dst(%arg11 : memref<64x128xf32, #tpu.memory_space<vmem>>)
    %dma_start3A_57 = arith.constant 37 : i32
    %dma_start3A_58 = arith.constant 0 : i32
    %dma_start3A_59 = tpu.memref_slice %arg9[%dma_start3A_57, %dma_start3A_58] : memref<40x64xi32, #tpu.memory_space<vmem>> -> memref<1x64xi32, #tpu.memory_space<vmem>>
    %dma_start3A_60 = tpu.memref_squeeze %dma_start3A_59 : memref<1x64xi32, #tpu.memory_space<vmem>> -> memref<64xi32, #tpu.memory_space<vmem>>
    %dma_start3A_61 = arith.constant 0 : i32
    %dma_start3A_62 = arith.constant 0 : i32
    %dma_start3A_63 = tpu.memref_slice %arg7[%dma_start3A_61, %dma_start3A_62] : memref<10240x128xf32, #tpu.memory_space<vmem_shared>> -> memref<10240x128xf32, #tpu.memory_space<vmem_shared>>
    tpu.enqueue_indirect_dma source(%arg11 : memref<64x128xf32, #tpu.memory_space<vmem>>) target(%dma_start3A_63 : memref<10240x128xf32, #tpu.memory_space<vmem_shared>>) offsets(%dma_start3A_60 : memref<64xi32, #tpu.memory_space<vmem>>) semaphore(%arg19 : memref<!tpu.dma_semaphore, #tpu.memory_space<semaphore_mem>>) {add = true}
    %dma_wait3A_64 = arith.constant 0 : i32
    %dma_wait3A_65 = arith.constant 0 : i32
    %dma_wait3A_66 = tpu.memref_slice %arg2[%dma_wait3A_64, %dma_wait3A_65] : memref<10240x128xf32, #tpu.memory_space<hbm>> -> memref<64x128xf32, #tpu.memory_space<hbm>>
    %dma_wait3A_67 = arith.constant 0 : i32
    %dma_wait3A_68 = arith.constant 0 : i32
    %dma_wait3A_69 = tpu.memref_slice %arg2[%dma_wait3A_67, %dma_wait3A_68] : memref<10240x128xf32, #tpu.memory_space<hbm>> -> memref<64x128xf32, #tpu.memory_space<hbm>>
    tpu.wait_dma2 semaphore(%arg16 : memref<!tpu.dma_semaphore, #tpu.memory_space<semaphore_mem>>) src(%dma_wait3A_69 : memref<64x128xf32, #tpu.memory_space<hbm>>) dst(%arg12 : memref<64x128xf32, #tpu.memory_space<vmem>>)
    %dma_start3A_70 = arith.constant 38 : i32
    %dma_start3A_71 = arith.constant 0 : i32
    %dma_start3A_72 = tpu.memref_slice %arg9[%dma_start3A_70, %dma_start3A_71] : memref<40x64xi32, #tpu.memory_space<vmem>> -> memref<1x64xi32, #tpu.memory_space<vmem>>
    %dma_start3A_73 = tpu.memref_squeeze %dma_start3A_72 : memref<1x64xi32, #tpu.memory_space<vmem>> -> memref<64xi32, #tpu.memory_space<vmem>>
    %dma_start3A_74 = arith.constant 0 : i32
    %dma_start3A_75 = arith.constant 0 : i32
    %dma_start3A_76 = tpu.memref_slice %arg7[%dma_start3A_74, %dma_start3A_75] : memref<10240x128xf32, #tpu.memory_space<vmem_shared>> -> memref<10240x128xf32, #tpu.memory_space<vmem_shared>>
    tpu.enqueue_indirect_dma source(%arg12 : memref<64x128xf32, #tpu.memory_space<vmem>>) target(%dma_start3A_76 : memref<10240x128xf32, #tpu.memory_space<vmem_shared>>) offsets(%dma_start3A_73 : memref<64xi32, #tpu.memory_space<vmem>>) semaphore(%arg20 : memref<!tpu.dma_semaphore, #tpu.memory_space<semaphore_mem>>) {add = true}
    %dma_wait3A_77 = arith.constant 0 : i32
    %dma_wait3A_78 = arith.constant 0 : i32
    %dma_wait3A_79 = tpu.memref_slice %arg2[%dma_wait3A_77, %dma_wait3A_78] : memref<10240x128xf32, #tpu.memory_space<hbm>> -> memref<64x128xf32, #tpu.memory_space<hbm>>
    %dma_wait3A_80 = arith.constant 0 : i32
    %dma_wait3A_81 = arith.constant 0 : i32
    %dma_wait3A_82 = tpu.memref_slice %arg2[%dma_wait3A_80, %dma_wait3A_81] : memref<10240x128xf32, #tpu.memory_space<hbm>> -> memref<64x128xf32, #tpu.memory_space<hbm>>
    tpu.wait_dma2 semaphore(%arg17 : memref<!tpu.dma_semaphore, #tpu.memory_space<semaphore_mem>>) src(%dma_wait3A_82 : memref<64x128xf32, #tpu.memory_space<hbm>>) dst(%arg13 : memref<64x128xf32, #tpu.memory_space<vmem>>)
    %dma_start3A_83 = arith.constant 39 : i32
    %dma_start3A_84 = arith.constant 0 : i32
    %dma_start3A_85 = tpu.memref_slice %arg9[%dma_start3A_83, %dma_start3A_84] : memref<40x64xi32, #tpu.memory_space<vmem>> -> memref<1x64xi32, #tpu.memory_space<vmem>>
    %dma_start3A_86 = tpu.memref_squeeze %dma_start3A_85 : memref<1x64xi32, #tpu.memory_space<vmem>> -> memref<64xi32, #tpu.memory_space<vmem>>
    %dma_start3A_87 = arith.constant 0 : i32
    %dma_start3A_88 = arith.constant 0 : i32
    %dma_start3A_89 = tpu.memref_slice %arg7[%dma_start3A_87, %dma_start3A_88] : memref<10240x128xf32, #tpu.memory_space<vmem_shared>> -> memref<10240x128xf32, #tpu.memory_space<vmem_shared>>
    tpu.enqueue_indirect_dma source(%arg13 : memref<64x128xf32, #tpu.memory_space<vmem>>) target(%dma_start3A_89 : memref<10240x128xf32, #tpu.memory_space<vmem_shared>>) offsets(%dma_start3A_86 : memref<64xi32, #tpu.memory_space<vmem>>) semaphore(%arg21 : memref<!tpu.dma_semaphore, #tpu.memory_space<semaphore_mem>>) {add = true}
    %dma_wait3A_90 = arith.constant 0 : i32
    %dma_wait3A_91 = arith.constant 0 : i32
    %dma_wait3A_92 = tpu.memref_slice %arg7[%dma_wait3A_90, %dma_wait3A_91] : memref<10240x128xf32, #tpu.memory_space<vmem_shared>> -> memref<64x128xf32, #tpu.memory_space<vmem_shared>>
    %dma_wait3A_93 = arith.constant 0 : i32
    %dma_wait3A_94 = arith.constant 0 : i32
    %dma_wait3A_95 = tpu.memref_slice %arg7[%dma_wait3A_93, %dma_wait3A_94] : memref<10240x128xf32, #tpu.memory_space<vmem_shared>> -> memref<64x128xf32, #tpu.memory_space<vmem_shared>>
    tpu.wait_dma2 semaphore(%arg18 : memref<!tpu.dma_semaphore, #tpu.memory_space<semaphore_mem>>) src(%arg10 : memref<64x128xf32, #tpu.memory_space<vmem>>) dst(%dma_wait3A_95 : memref<64x128xf32, #tpu.memory_space<vmem_shared>>)
    %dma_wait3A_96 = arith.constant 0 : i32
    %dma_wait3A_97 = arith.constant 0 : i32
    %dma_wait3A_98 = tpu.memref_slice %arg7[%dma_wait3A_96, %dma_wait3A_97] : memref<10240x128xf32, #tpu.memory_space<vmem_shared>> -> memref<64x128xf32, #tpu.memory_space<vmem_shared>>
    %dma_wait3A_99 = arith.constant 0 : i32
    %dma_wait3A_100 = arith.constant 0 : i32
    %dma_wait3A_101 = tpu.memref_slice %arg7[%dma_wait3A_99, %dma_wait3A_100] : memref<10240x128xf32, #tpu.memory_space<vmem_shared>> -> memref<64x128xf32, #tpu.memory_space<vmem_shared>>
    tpu.wait_dma2 semaphore(%arg19 : memref<!tpu.dma_semaphore, #tpu.memory_space<semaphore_mem>>) src(%arg11 : memref<64x128xf32, #tpu.memory_space<vmem>>) dst(%dma_wait3A_101 : memref<64x128xf32, #tpu.memory_space<vmem_shared>>)
    %dma_wait3A_102 = arith.constant 0 : i32
    %dma_wait3A_103 = arith.constant 0 : i32
    %dma_wait3A_104 = tpu.memref_slice %arg7[%dma_wait3A_102, %dma_wait3A_103] : memref<10240x128xf32, #tpu.memory_space<vmem_shared>> -> memref<64x128xf32, #tpu.memory_space<vmem_shared>>
    %dma_wait3A_105 = arith.constant 0 : i32
    %dma_wait3A_106 = arith.constant 0 : i32
    %dma_wait3A_107 = tpu.memref_slice %arg7[%dma_wait3A_105, %dma_wait3A_106] : memref<10240x128xf32, #tpu.memory_space<vmem_shared>> -> memref<64x128xf32, #tpu.memory_space<vmem_shared>>
    tpu.wait_dma2 semaphore(%arg20 : memref<!tpu.dma_semaphore, #tpu.memory_space<semaphore_mem>>) src(%arg12 : memref<64x128xf32, #tpu.memory_space<vmem>>) dst(%dma_wait3A_107 : memref<64x128xf32, #tpu.memory_space<vmem_shared>>)
    %dma_wait3A_108 = arith.constant 0 : i32
    %dma_wait3A_109 = arith.constant 0 : i32
    %dma_wait3A_110 = tpu.memref_slice %arg7[%dma_wait3A_108, %dma_wait3A_109] : memref<10240x128xf32, #tpu.memory_space<vmem_shared>> -> memref<64x128xf32, #tpu.memory_space<vmem_shared>>
    %dma_wait3A_111 = arith.constant 0 : i32
    %dma_wait3A_112 = arith.constant 0 : i32
    %dma_wait3A_113 = tpu.memref_slice %arg7[%dma_wait3A_111, %dma_wait3A_112] : memref<10240x128xf32, #tpu.memory_space<vmem_shared>> -> memref<64x128xf32, #tpu.memory_space<vmem_shared>>
    tpu.wait_dma2 semaphore(%arg21 : memref<!tpu.dma_semaphore, #tpu.memory_space<semaphore_mem>>) src(%arg13 : memref<64x128xf32, #tpu.memory_space<vmem>>) dst(%dma_wait3A_113 : memref<64x128xf32, #tpu.memory_space<vmem_shared>>)
    %add3A_114 = arith.constant 40 : i32
    %add3A_115 = arith.addi %mul3A_4, %add3A_114 : i32
    "tpu.region"() ({
      %run_scoped3A = tpu.sem_alloc : memref<!tpu.dma_semaphore, #tpu.memory_space<semaphore_mem>>
      %dma_start3A_458 = arith.constant 0 : i32
      %dma_start3A_459 = tpu.memref_slice %arg3[%add3A_115, %dma_start3A_458] : memref<5120x64xi32, #tpu.memory_space<hbm>> -> memref<40x64xi32, #tpu.memory_space<hbm>>
      %dma_start3A_460 = arith.constant 0 : i32
      %dma_start3A_461 = tpu.memref_slice %arg3[%add3A_115, %dma_start3A_460] : memref<5120x64xi32, #tpu.memory_space<hbm>> -> memref<40x64xi32, #tpu.memory_space<hbm>>
      tpu.enqueue_dma source(%dma_start3A_461 : memref<40x64xi32, #tpu.memory_space<hbm>>) target(%arg8 : memref<40x64xi32, #tpu.memory_space<vmem>>) target_semaphore(%run_scoped3A : memref<!tpu.dma_semaphore, #tpu.memory_space<semaphore_mem>>)
      %dma_wait3A_462 = arith.constant 0 : i32
      %dma_wait3A_463 = tpu.memref_slice %arg3[%add3A_115, %dma_wait3A_462] : memref<5120x64xi32, #tpu.memory_space<hbm>> -> memref<40x64xi32, #tpu.memory_space<hbm>>
      %dma_wait3A_464 = arith.constant 0 : i32
      %dma_wait3A_465 = tpu.memref_slice %arg3[%add3A_115, %dma_wait3A_464] : memref<5120x64xi32, #tpu.memory_space<hbm>> -> memref<40x64xi32, #tpu.memory_space<hbm>>
      tpu.wait_dma2 semaphore(%run_scoped3A : memref<!tpu.dma_semaphore, #tpu.memory_space<semaphore_mem>>) src(%dma_wait3A_465 : memref<40x64xi32, #tpu.memory_space<hbm>>) dst(%arg8 : memref<40x64xi32, #tpu.memory_space<vmem>>)
      tpu.yield
    }) : () -> ()
    "tpu.region"() ({
      %run_scoped3A = tpu.sem_alloc : memref<!tpu.dma_semaphore, #tpu.memory_space<semaphore_mem>>
      %dma_start3A_458 = arith.constant 0 : i32
      %dma_start3A_459 = tpu.memref_slice %arg4[%add3A_115, %dma_start3A_458] : memref<5120x64xi32, #tpu.memory_space<hbm>> -> memref<40x64xi32, #tpu.memory_space<hbm>>
      %dma_start3A_460 = arith.constant 0 : i32
      %dma_start3A_461 = tpu.memref_slice %arg4[%add3A_115, %dma_start3A_460] : memref<5120x64xi32, #tpu.memory_space<hbm>> -> memref<40x64xi32, #tpu.memory_space<hbm>>
      tpu.enqueue_dma source(%dma_start3A_461 : memref<40x64xi32, #tpu.memory_space<hbm>>) target(%arg9 : memref<40x64xi32, #tpu.memory_space<vmem>>) target_semaphore(%run_scoped3A : memref<!tpu.dma_semaphore, #tpu.memory_space<semaphore_mem>>)
      %dma_wait3A_462 = arith.constant 0 : i32
      %dma_wait3A_463 = tpu.memref_slice %arg4[%add3A_115, %dma_wait3A_462] : memref<5120x64xi32, #tpu.memory_space<hbm>> -> memref<40x64xi32, #tpu.memory_space<hbm>>
      %dma_wait3A_464 = arith.constant 0 : i32
      %dma_wait3A_465 = tpu.memref_slice %arg4[%add3A_115, %dma_wait3A_464] : memref<5120x64xi32, #tpu.memory_space<hbm>> -> memref<40x64xi32, #tpu.memory_space<hbm>>
      tpu.wait_dma2 semaphore(%run_scoped3A : memref<!tpu.dma_semaphore, #tpu.memory_space<semaphore_mem>>) src(%dma_wait3A_465 : memref<40x64xi32, #tpu.memory_space<hbm>>) dst(%arg9 : memref<40x64xi32, #tpu.memory_space<vmem>>)
      tpu.yield
    }) : () -> ()
    %dma_start3A_116 = arith.constant 0 : i32
    %dma_start3A_117 = arith.constant 0 : i32
    %dma_start3A_118 = tpu.memref_slice %arg8[%dma_start3A_116, %dma_start3A_117] : memref<40x64xi32, #tpu.memory_space<vmem>> -> memref<1x64xi32, #tpu.memory_space<vmem>>
    %dma_start3A_119 = tpu.memref_squeeze %dma_start3A_118 : memref<1x64xi32, #tpu.memory_space<vmem>> -> memref<64xi32, #tpu.memory_space<vmem>>
    %dma_start3A_120 = arith.constant 0 : i32
    %dma_start3A_121 = arith.constant 0 : i32
    %dma_start3A_122 = tpu.memref_slice %arg2[%dma_start3A_120, %dma_start3A_121] : memref<10240x128xf32, #tpu.memory_space<hbm>> -> memref<10240x128xf32, #tpu.memory_space<hbm>>
    tpu.enqueue_indirect_dma source(%dma_start3A_122 : memref<10240x128xf32, #tpu.memory_space<hbm>>) target(%arg10 : memref<64x128xf32, #tpu.memory_space<vmem>>) offsets(%dma_start3A_119 : memref<64xi32, #tpu.memory_space<vmem>>) semaphore(%arg14 : memref<!tpu.dma_semaphore, #tpu.memory_space<semaphore_mem>>)
    %dma_start3A_123 = arith.constant 1 : i32
    %dma_start3A_124 = arith.constant 0 : i32
    %dma_start3A_125 = tpu.memref_slice %arg8[%dma_start3A_123, %dma_start3A_124] : memref<40x64xi32, #tpu.memory_space<vmem>> -> memref<1x64xi32, #tpu.memory_space<vmem>>
    %dma_start3A_126 = tpu.memref_squeeze %dma_start3A_125 : memref<1x64xi32, #tpu.memory_space<vmem>> -> memref<64xi32, #tpu.memory_space<vmem>>
    %dma_start3A_127 = arith.constant 0 : i32
    %dma_start3A_128 = arith.constant 0 : i32
    %dma_start3A_129 = tpu.memref_slice %arg2[%dma_start3A_127, %dma_start3A_128] : memref<10240x128xf32, #tpu.memory_space<hbm>> -> memref<10240x128xf32, #tpu.memory_space<hbm>>
    tpu.enqueue_indirect_dma source(%dma_start3A_129 : memref<10240x128xf32, #tpu.memory_space<hbm>>) target(%arg11 : memref<64x128xf32, #tpu.memory_space<vmem>>) offsets(%dma_start3A_126 : memref<64xi32, #tpu.memory_space<vmem>>) semaphore(%arg15 : memref<!tpu.dma_semaphore, #tpu.memory_space<semaphore_mem>>)
    %dma_start3A_130 = arith.constant 2 : i32
    %dma_start3A_131 = arith.constant 0 : i32
    %dma_start3A_132 = tpu.memref_slice %arg8[%dma_start3A_130, %dma_start3A_131] : memref<40x64xi32, #tpu.memory_space<vmem>> -> memref<1x64xi32, #tpu.memory_space<vmem>>
    %dma_start3A_133 = tpu.memref_squeeze %dma_start3A_132 : memref<1x64xi32, #tpu.memory_space<vmem>> -> memref<64xi32, #tpu.memory_space<vmem>>
    %dma_start3A_134 = arith.constant 0 : i32
    %dma_start3A_135 = arith.constant 0 : i32
    %dma_start3A_136 = tpu.memref_slice %arg2[%dma_start3A_134, %dma_start3A_135] : memref<10240x128xf32, #tpu.memory_space<hbm>> -> memref<10240x128xf32, #tpu.memory_space<hbm>>
    tpu.enqueue_indirect_dma source(%dma_start3A_136 : memref<10240x128xf32, #tpu.memory_space<hbm>>) target(%arg12 : memref<64x128xf32, #tpu.memory_space<vmem>>) offsets(%dma_start3A_133 : memref<64xi32, #tpu.memory_space<vmem>>) semaphore(%arg16 : memref<!tpu.dma_semaphore, #tpu.memory_space<semaphore_mem>>)
    %dma_start3A_137 = arith.constant 3 : i32
    %dma_start3A_138 = arith.constant 0 : i32
    %dma_start3A_139 = tpu.memref_slice %arg8[%dma_start3A_137, %dma_start3A_138] : memref<40x64xi32, #tpu.memory_space<vmem>> -> memref<1x64xi32, #tpu.memory_space<vmem>>
    %dma_start3A_140 = tpu.memref_squeeze %dma_start3A_139 : memref<1x64xi32, #tpu.memory_space<vmem>> -> memref<64xi32, #tpu.memory_space<vmem>>
    %dma_start3A_141 = arith.constant 0 : i32
    %dma_start3A_142 = arith.constant 0 : i32
    %dma_start3A_143 = tpu.memref_slice %arg2[%dma_start3A_141, %dma_start3A_142] : memref<10240x128xf32, #tpu.memory_space<hbm>> -> memref<10240x128xf32, #tpu.memory_space<hbm>>
    tpu.enqueue_indirect_dma source(%dma_start3A_143 : memref<10240x128xf32, #tpu.memory_space<hbm>>) target(%arg13 : memref<64x128xf32, #tpu.memory_space<vmem>>) offsets(%dma_start3A_140 : memref<64xi32, #tpu.memory_space<vmem>>) semaphore(%arg17 : memref<!tpu.dma_semaphore, #tpu.memory_space<semaphore_mem>>)
    %scan3A_144 = arith.constant 0 : i32
    %scan3A_145 = arith.constant 0 : i32
    %scan3A_146 = arith.constant 9 : i32
    %scan3A_147 = arith.addi %scan3A_145, %scan3A_146 : i32
    %scan3A_148 = arith.constant 1 : i32
    scf.for %scan3A_458 = %scan3A_145 to %scan3A_147 step %scan3A_148  : i32 {
      %mul3A_459 = arith.constant 4 : i32
      %mul3A_460 = arith.muli %scan3A_458, %mul3A_459 : i32
      %dma_wait3A_461 = arith.constant 0 : i32
      %dma_wait3A_462 = arith.constant 0 : i32
      %dma_wait3A_463 = tpu.memref_slice %arg2[%dma_wait3A_461, %dma_wait3A_462] : memref<10240x128xf32, #tpu.memory_space<hbm>> -> memref<64x128xf32, #tpu.memory_space<hbm>>
      %dma_wait3A_464 = arith.constant 0 : i32
      %dma_wait3A_465 = arith.constant 0 : i32
      %dma_wait3A_466 = tpu.memref_slice %arg2[%dma_wait3A_464, %dma_wait3A_465] : memref<10240x128xf32, #tpu.memory_space<hbm>> -> memref<64x128xf32, #tpu.memory_space<hbm>>
      tpu.wait_dma2 semaphore(%arg14 : memref<!tpu.dma_semaphore, #tpu.memory_space<semaphore_mem>>) src(%dma_wait3A_466 : memref<64x128xf32, #tpu.memory_space<hbm>>) dst(%arg10 : memref<64x128xf32, #tpu.memory_space<vmem>>)
      %add3A_467 = arith.constant 0 : i32
      %add3A_468 = arith.addi %mul3A_460, %add3A_467 : i32
      %dma_start3A_469 = arith.constant 0 : i32
      %dma_start3A_470 = tpu.memref_slice %arg9[%add3A_468, %dma_start3A_469] : memref<40x64xi32, #tpu.memory_space<vmem>> -> memref<1x64xi32, #tpu.memory_space<vmem>>
      %dma_start3A_471 = tpu.memref_squeeze %dma_start3A_470 : memref<1x64xi32, #tpu.memory_space<vmem>> -> memref<64xi32, #tpu.memory_space<vmem>>
      %dma_start3A_472 = arith.constant 0 : i32
      %dma_start3A_473 = arith.constant 0 : i32
      %dma_start3A_474 = tpu.memref_slice %arg7[%dma_start3A_472, %dma_start3A_473] : memref<10240x128xf32, #tpu.memory_space<vmem_shared>> -> memref<10240x128xf32, #tpu.memory_space<vmem_shared>>
      tpu.enqueue_indirect_dma source(%arg10 : memref<64x128xf32, #tpu.memory_space<vmem>>) target(%dma_start3A_474 : memref<10240x128xf32, #tpu.memory_space<vmem_shared>>) offsets(%dma_start3A_471 : memref<64xi32, #tpu.memory_space<vmem>>) semaphore(%arg18 : memref<!tpu.dma_semaphore, #tpu.memory_space<semaphore_mem>>) {add = true}
      %dma_wait3A_475 = arith.constant 0 : i32
      %dma_wait3A_476 = arith.constant 0 : i32
      %dma_wait3A_477 = tpu.memref_slice %arg2[%dma_wait3A_475, %dma_wait3A_476] : memref<10240x128xf32, #tpu.memory_space<hbm>> -> memref<64x128xf32, #tpu.memory_space<hbm>>
      %dma_wait3A_478 = arith.constant 0 : i32
      %dma_wait3A_479 = arith.constant 0 : i32
      %dma_wait3A_480 = tpu.memref_slice %arg2[%dma_wait3A_478, %dma_wait3A_479] : memref<10240x128xf32, #tpu.memory_space<hbm>> -> memref<64x128xf32, #tpu.memory_space<hbm>>
      tpu.wait_dma2 semaphore(%arg15 : memref<!tpu.dma_semaphore, #tpu.memory_space<semaphore_mem>>) src(%dma_wait3A_480 : memref<64x128xf32, #tpu.memory_space<hbm>>) dst(%arg11 : memref<64x128xf32, #tpu.memory_space<vmem>>)
      %add3A_481 = arith.constant 1 : i32
      %add3A_482 = arith.addi %mul3A_460, %add3A_481 : i32
      %dma_start3A_483 = arith.constant 0 : i32
      %dma_start3A_484 = tpu.memref_slice %arg9[%add3A_482, %dma_start3A_483] : memref<40x64xi32, #tpu.memory_space<vmem>> -> memref<1x64xi32, #tpu.memory_space<vmem>>
      %dma_start3A_485 = tpu.memref_squeeze %dma_start3A_484 : memref<1x64xi32, #tpu.memory_space<vmem>> -> memref<64xi32, #tpu.memory_space<vmem>>
      %dma_start3A_486 = arith.constant 0 : i32
      %dma_start3A_487 = arith.constant 0 : i32
      %dma_start3A_488 = tpu.memref_slice %arg7[%dma_start3A_486, %dma_start3A_487] : memref<10240x128xf32, #tpu.memory_space<vmem_shared>> -> memref<10240x128xf32, #tpu.memory_space<vmem_shared>>
      tpu.enqueue_indirect_dma source(%arg11 : memref<64x128xf32, #tpu.memory_space<vmem>>) target(%dma_start3A_488 : memref<10240x128xf32, #tpu.memory_space<vmem_shared>>) offsets(%dma_start3A_485 : memref<64xi32, #tpu.memory_space<vmem>>) semaphore(%arg19 : memref<!tpu.dma_semaphore, #tpu.memory_space<semaphore_mem>>) {add = true}
      %dma_wait3A_489 = arith.constant 0 : i32
      %dma_wait3A_490 = arith.constant 0 : i32
      %dma_wait3A_491 = tpu.memref_slice %arg2[%dma_wait3A_489, %dma_wait3A_490] : memref<10240x128xf32, #tpu.memory_space<hbm>> -> memref<64x128xf32, #tpu.memory_space<hbm>>
      %dma_wait3A_492 = arith.constant 0 : i32
      %dma_wait3A_493 = arith.constant 0 : i32
      %dma_wait3A_494 = tpu.memref_slice %arg2[%dma_wait3A_492, %dma_wait3A_493] : memref<10240x128xf32, #tpu.memory_space<hbm>> -> memref<64x128xf32, #tpu.memory_space<hbm>>
      tpu.wait_dma2 semaphore(%arg16 : memref<!tpu.dma_semaphore, #tpu.memory_space<semaphore_mem>>) src(%dma_wait3A_494 : memref<64x128xf32, #tpu.memory_space<hbm>>) dst(%arg12 : memref<64x128xf32, #tpu.memory_space<vmem>>)
      %add3A_495 = arith.constant 2 : i32
      %add3A_496 = arith.addi %mul3A_460, %add3A_495 : i32
      %dma_start3A_497 = arith.constant 0 : i32
      %dma_start3A_498 = tpu.memref_slice %arg9[%add3A_496, %dma_start3A_497] : memref<40x64xi32, #tpu.memory_space<vmem>> -> memref<1x64xi32, #tpu.memory_space<vmem>>
      %dma_start3A_499 = tpu.memref_squeeze %dma_start3A_498 : memref<1x64xi32, #tpu.memory_space<vmem>> -> memref<64xi32, #tpu.memory_space<vmem>>
      %dma_start3A_500 = arith.constant 0 : i32
      %dma_start3A_501 = arith.constant 0 : i32
      %dma_start3A_502 = tpu.memref_slice %arg7[%dma_start3A_500, %dma_start3A_501] : memref<10240x128xf32, #tpu.memory_space<vmem_shared>> -> memref<10240x128xf32, #tpu.memory_space<vmem_shared>>
      tpu.enqueue_indirect_dma source(%arg12 : memref<64x128xf32, #tpu.memory_space<vmem>>) target(%dma_start3A_502 : memref<10240x128xf32, #tpu.memory_space<vmem_shared>>) offsets(%dma_start3A_499 : memref<64xi32, #tpu.memory_space<vmem>>) semaphore(%arg20 : memref<!tpu.dma_semaphore, #tpu.memory_space<semaphore_mem>>) {add = true}
      %dma_wait3A_503 = arith.constant 0 : i32
      %dma_wait3A_504 = arith.constant 0 : i32
      %dma_wait3A_505 = tpu.memref_slice %arg2[%dma_wait3A_503, %dma_wait3A_504] : memref<10240x128xf32, #tpu.memory_space<hbm>> -> memref<64x128xf32, #tpu.memory_space<hbm>>
      %dma_wait3A_506 = arith.constant 0 : i32
      %dma_wait3A_507 = arith.constant 0 : i32
      %dma_wait3A_508 = tpu.memref_slice %arg2[%dma_wait3A_506, %dma_wait3A_507] : memref<10240x128xf32, #tpu.memory_space<hbm>> -> memref<64x128xf32, #tpu.memory_space<hbm>>
      tpu.wait_dma2 semaphore(%arg17 : memref<!tpu.dma_semaphore, #tpu.memory_space<semaphore_mem>>) src(%dma_wait3A_508 : memref<64x128xf32, #tpu.memory_space<hbm>>) dst(%arg13 : memref<64x128xf32, #tpu.memory_space<vmem>>)
      %add3A_509 = arith.constant 3 : i32
      %add3A_510 = arith.addi %mul3A_460, %add3A_509 : i32
      %dma_start3A_511 = arith.constant 0 : i32
      %dma_start3A_512 = tpu.memref_slice %arg9[%add3A_510, %dma_start3A_511] : memref<40x64xi32, #tpu.memory_space<vmem>> -> memref<1x64xi32, #tpu.memory_space<vmem>>
      %dma_start3A_513 = tpu.memref_squeeze %dma_start3A_512 : memref<1x64xi32, #tpu.memory_space<vmem>> -> memref<64xi32, #tpu.memory_space<vmem>>
      %dma_start3A_514 = arith.constant 0 : i32
      %dma_start3A_515 = arith.constant 0 : i32
      %dma_start3A_516 = tpu.memref_slice %arg7[%dma_start3A_514, %dma_start3A_515] : memref<10240x128xf32, #tpu.memory_space<vmem_shared>> -> memref<10240x128xf32, #tpu.memory_space<vmem_shared>>
      tpu.enqueue_indirect_dma source(%arg13 : memref<64x128xf32, #tpu.memory_space<vmem>>) target(%dma_start3A_516 : memref<10240x128xf32, #tpu.memory_space<vmem_shared>>) offsets(%dma_start3A_513 : memref<64xi32, #tpu.memory_space<vmem>>) semaphore(%arg21 : memref<!tpu.dma_semaphore, #tpu.memory_space<semaphore_mem>>) {add = true}
      %dma_wait3A_517 = arith.constant 0 : i32
      %dma_wait3A_518 = arith.constant 0 : i32
      %dma_wait3A_519 = tpu.memref_slice %arg7[%dma_wait3A_517, %dma_wait3A_518] : memref<10240x128xf32, #tpu.memory_space<vmem_shared>> -> memref<64x128xf32, #tpu.memory_space<vmem_shared>>
      %dma_wait3A_520 = arith.constant 0 : i32
      %dma_wait3A_521 = arith.constant 0 : i32
      %dma_wait3A_522 = tpu.memref_slice %arg7[%dma_wait3A_520, %dma_wait3A_521] : memref<10240x128xf32, #tpu.memory_space<vmem_shared>> -> memref<64x128xf32, #tpu.memory_space<vmem_shared>>
      tpu.wait_dma2 semaphore(%arg18 : memref<!tpu.dma_semaphore, #tpu.memory_space<semaphore_mem>>) src(%arg10 : memref<64x128xf32, #tpu.memory_space<vmem>>) dst(%dma_wait3A_522 : memref<64x128xf32, #tpu.memory_space<vmem_shared>>)
      %add3A_523 = arith.constant 4 : i32
      %add3A_524 = arith.addi %mul3A_460, %add3A_523 : i32
      %add3A_525 = arith.constant 0 : i32
      %add3A_526 = arith.addi %add3A_524, %add3A_525 : i32
      %dma_start3A_527 = arith.constant 0 : i32
      %dma_start3A_528 = tpu.memref_slice %arg8[%add3A_526, %dma_start3A_527] : memref<40x64xi32, #tpu.memory_space<vmem>> -> memref<1x64xi32, #tpu.memory_space<vmem>>
      %dma_start3A_529 = tpu.memref_squeeze %dma_start3A_528 : memref<1x64xi32, #tpu.memory_space<vmem>> -> memref<64xi32, #tpu.memory_space<vmem>>
      %dma_start3A_530 = arith.constant 0 : i32
      %dma_start3A_531 = arith.constant 0 : i32
      %dma_start3A_532 = tpu.memref_slice %arg2[%dma_start3A_530, %dma_start3A_531] : memref<10240x128xf32, #tpu.memory_space<hbm>> -> memref<10240x128xf32, #tpu.memory_space<hbm>>
      tpu.enqueue_indirect_dma source(%dma_start3A_532 : memref<10240x128xf32, #tpu.memory_space<hbm>>) target(%arg10 : memref<64x128xf32, #tpu.memory_space<vmem>>) offsets(%dma_start3A_529 : memref<64xi32, #tpu.memory_space<vmem>>) semaphore(%arg14 : memref<!tpu.dma_semaphore, #tpu.memory_space<semaphore_mem>>)
      %dma_wait3A_533 = arith.constant 0 : i32
      %dma_wait3A_534 = arith.constant 0 : i32
      %dma_wait3A_535 = tpu.memref_slice %arg7[%dma_wait3A_533, %dma_wait3A_534] : memref<10240x128xf32, #tpu.memory_space<vmem_shared>> -> memref<64x128xf32, #tpu.memory_space<vmem_shared>>
      %dma_wait3A_536 = arith.constant 0 : i32
      %dma_wait3A_537 = arith.constant 0 : i32
      %dma_wait3A_538 = tpu.memref_slice %arg7[%dma_wait3A_536, %dma_wait3A_537] : memref<10240x128xf32, #tpu.memory_space<vmem_shared>> -> memref<64x128xf32, #tpu.memory_space<vmem_shared>>
      tpu.wait_dma2 semaphore(%arg19 : memref<!tpu.dma_semaphore, #tpu.memory_space<semaphore_mem>>) src(%arg11 : memref<64x128xf32, #tpu.memory_space<vmem>>) dst(%dma_wait3A_538 : memref<64x128xf32, #tpu.memory_space<vmem_shared>>)
      %add3A_539 = arith.constant 4 : i32
      %add3A_540 = arith.addi %mul3A_460, %add3A_539 : i32
      %add3A_541 = arith.constant 1 : i32
      %add3A_542 = arith.addi %add3A_540, %add3A_541 : i32
      %dma_start3A_543 = arith.constant 0 : i32
      %dma_start3A_544 = tpu.memref_slice %arg8[%add3A_542, %dma_start3A_543] : memref<40x64xi32, #tpu.memory_space<vmem>> -> memref<1x64xi32, #tpu.memory_space<vmem>>
      %dma_start3A_545 = tpu.memref_squeeze %dma_start3A_544 : memref<1x64xi32, #tpu.memory_space<vmem>> -> memref<64xi32, #tpu.memory_space<vmem>>
      %dma_start3A_546 = arith.constant 0 : i32
      %dma_start3A_547 = arith.constant 0 : i32
      %dma_start3A_548 = tpu.memref_slice %arg2[%dma_start3A_546, %dma_start3A_547] : memref<10240x128xf32, #tpu.memory_space<hbm>> -> memref<10240x128xf32, #tpu.memory_space<hbm>>
      tpu.enqueue_indirect_dma source(%dma_start3A_548 : memref<10240x128xf32, #tpu.memory_space<hbm>>) target(%arg11 : memref<64x128xf32, #tpu.memory_space<vmem>>) offsets(%dma_start3A_545 : memref<64xi32, #tpu.memory_space<vmem>>) semaphore(%arg15 : memref<!tpu.dma_semaphore, #tpu.memory_space<semaphore_mem>>)
      %dma_wait3A_549 = arith.constant 0 : i32
      %dma_wait3A_550 = arith.constant 0 : i32
      %dma_wait3A_551 = tpu.memref_slice %arg7[%dma_wait3A_549, %dma_wait3A_550] : memref<10240x128xf32, #tpu.memory_space<vmem_shared>> -> memref<64x128xf32, #tpu.memory_space<vmem_shared>>
      %dma_wait3A_552 = arith.constant 0 : i32
      %dma_wait3A_553 = arith.constant 0 : i32
      %dma_wait3A_554 = tpu.memref_slice %arg7[%dma_wait3A_552, %dma_wait3A_553] : memref<10240x128xf32, #tpu.memory_space<vmem_shared>> -> memref<64x128xf32, #tpu.memory_space<vmem_shared>>
      tpu.wait_dma2 semaphore(%arg20 : memref<!tpu.dma_semaphore, #tpu.memory_space<semaphore_mem>>) src(%arg12 : memref<64x128xf32, #tpu.memory_space<vmem>>) dst(%dma_wait3A_554 : memref<64x128xf32, #tpu.memory_space<vmem_shared>>)
      %add3A_555 = arith.constant 4 : i32
      %add3A_556 = arith.addi %mul3A_460, %add3A_555 : i32
      %add3A_557 = arith.constant 2 : i32
      %add3A_558 = arith.addi %add3A_556, %add3A_557 : i32
      %dma_start3A_559 = arith.constant 0 : i32
      %dma_start3A_560 = tpu.memref_slice %arg8[%add3A_558, %dma_start3A_559] : memref<40x64xi32, #tpu.memory_space<vmem>> -> memref<1x64xi32, #tpu.memory_space<vmem>>
      %dma_start3A_561 = tpu.memref_squeeze %dma_start3A_560 : memref<1x64xi32, #tpu.memory_space<vmem>> -> memref<64xi32, #tpu.memory_space<vmem>>
      %dma_start3A_562 = arith.constant 0 : i32
      %dma_start3A_563 = arith.constant 0 : i32
      %dma_start3A_564 = tpu.memref_slice %arg2[%dma_start3A_562, %dma_start3A_563] : memref<10240x128xf32, #tpu.memory_space<hbm>> -> memref<10240x128xf32, #tpu.memory_space<hbm>>
      tpu.enqueue_indirect_dma source(%dma_start3A_564 : memref<10240x128xf32, #tpu.memory_space<hbm>>) target(%arg12 : memref<64x128xf32, #tpu.memory_space<vmem>>) offsets(%dma_start3A_561 : memref<64xi32, #tpu.memory_space<vmem>>) semaphore(%arg16 : memref<!tpu.dma_semaphore, #tpu.memory_space<semaphore_mem>>)
      %dma_wait3A_565 = arith.constant 0 : i32
      %dma_wait3A_566 = arith.constant 0 : i32
      %dma_wait3A_567 = tpu.memref_slice %arg7[%dma_wait3A_565, %dma_wait3A_566] : memref<10240x128xf32, #tpu.memory_space<vmem_shared>> -> memref<64x128xf32, #tpu.memory_space<vmem_shared>>
      %dma_wait3A_568 = arith.constant 0 : i32
      %dma_wait3A_569 = arith.constant 0 : i32
      %dma_wait3A_570 = tpu.memref_slice %arg7[%dma_wait3A_568, %dma_wait3A_569] : memref<10240x128xf32, #tpu.memory_space<vmem_shared>> -> memref<64x128xf32, #tpu.memory_space<vmem_shared>>
      tpu.wait_dma2 semaphore(%arg21 : memref<!tpu.dma_semaphore, #tpu.memory_space<semaphore_mem>>) src(%arg13 : memref<64x128xf32, #tpu.memory_space<vmem>>) dst(%dma_wait3A_570 : memref<64x128xf32, #tpu.memory_space<vmem_shared>>)
      %add3A_571 = arith.constant 4 : i32
      %add3A_572 = arith.addi %mul3A_460, %add3A_571 : i32
      %add3A_573 = arith.constant 3 : i32
      %add3A_574 = arith.addi %add3A_572, %add3A_573 : i32
      %dma_start3A_575 = arith.constant 0 : i32
      %dma_start3A_576 = tpu.memref_slice %arg8[%add3A_574, %dma_start3A_575] : memref<40x64xi32, #tpu.memory_space<vmem>> -> memref<1x64xi32, #tpu.memory_space<vmem>>
      %dma_start3A_577 = tpu.memref_squeeze %dma_start3A_576 : memref<1x64xi32, #tpu.memory_space<vmem>> -> memref<64xi32, #tpu.memory_space<vmem>>
      %dma_start3A_578 = arith.constant 0 : i32
      %dma_start3A_579 = arith.constant 0 : i32
      %dma_start3A_580 = tpu.memref_slice %arg2[%dma_start3A_578, %dma_start3A_579] : memref<10240x128xf32, #tpu.memory_space<hbm>> -> memref<10240x128xf32, #tpu.memory_space<hbm>>
      tpu.enqueue_indirect_dma source(%dma_start3A_580 : memref<10240x128xf32, #tpu.memory_space<hbm>>) target(%arg13 : memref<64x128xf32, #tpu.memory_space<vmem>>) offsets(%dma_start3A_577 : memref<64xi32, #tpu.memory_space<vmem>>) semaphore(%arg17 : memref<!tpu.dma_semaphore, #tpu.memory_space<semaphore_mem>>)
    }
    %scan3A_149 = arith.constant 9 : i32
    %dma_wait3A_150 = arith.constant 0 : i32
    %dma_wait3A_151 = arith.constant 0 : i32
    %dma_wait3A_152 = tpu.memref_slice %arg2[%dma_wait3A_150, %dma_wait3A_151] : memref<10240x128xf32, #tpu.memory_space<hbm>> -> memref<64x128xf32, #tpu.memory_space<hbm>>
    %dma_wait3A_153 = arith.constant 0 : i32
    %dma_wait3A_154 = arith.constant 0 : i32
    %dma_wait3A_155 = tpu.memref_slice %arg2[%dma_wait3A_153, %dma_wait3A_154] : memref<10240x128xf32, #tpu.memory_space<hbm>> -> memref<64x128xf32, #tpu.memory_space<hbm>>
    tpu.wait_dma2 semaphore(%arg14 : memref<!tpu.dma_semaphore, #tpu.memory_space<semaphore_mem>>) src(%dma_wait3A_155 : memref<64x128xf32, #tpu.memory_space<hbm>>) dst(%arg10 : memref<64x128xf32, #tpu.memory_space<vmem>>)
    %dma_start3A_156 = arith.constant 36 : i32
    %dma_start3A_157 = arith.constant 0 : i32
    %dma_start3A_158 = tpu.memref_slice %arg9[%dma_start3A_156, %dma_start3A_157] : memref<40x64xi32, #tpu.memory_space<vmem>> -> memref<1x64xi32, #tpu.memory_space<vmem>>
    %dma_start3A_159 = tpu.memref_squeeze %dma_start3A_158 : memref<1x64xi32, #tpu.memory_space<vmem>> -> memref<64xi32, #tpu.memory_space<vmem>>
    %dma_start3A_160 = arith.constant 0 : i32
    %dma_start3A_161 = arith.constant 0 : i32
    %dma_start3A_162 = tpu.memref_slice %arg7[%dma_start3A_160, %dma_start3A_161] : memref<10240x128xf32, #tpu.memory_space<vmem_shared>> -> memref<10240x128xf32, #tpu.memory_space<vmem_shared>>
    tpu.enqueue_indirect_dma source(%arg10 : memref<64x128xf32, #tpu.memory_space<vmem>>) target(%dma_start3A_162 : memref<10240x128xf32, #tpu.memory_space<vmem_shared>>) offsets(%dma_start3A_159 : memref<64xi32, #tpu.memory_space<vmem>>) semaphore(%arg18 : memref<!tpu.dma_semaphore, #tpu.memory_space<semaphore_mem>>) {add = true}
    %dma_wait3A_163 = arith.constant 0 : i32
    %dma_wait3A_164 = arith.constant 0 : i32
    %dma_wait3A_165 = tpu.memref_slice %arg2[%dma_wait3A_163, %dma_wait3A_164] : memref<10240x128xf32, #tpu.memory_space<hbm>> -> memref<64x128xf32, #tpu.memory_space<hbm>>
    %dma_wait3A_166 = arith.constant 0 : i32
    %dma_wait3A_167 = arith.constant 0 : i32
    %dma_wait3A_168 = tpu.memref_slice %arg2[%dma_wait3A_166, %dma_wait3A_167] : memref<10240x128xf32, #tpu.memory_space<hbm>> -> memref<64x128xf32, #tpu.memory_space<hbm>>
    tpu.wait_dma2 semaphore(%arg15 : memref<!tpu.dma_semaphore, #tpu.memory_space<semaphore_mem>>) src(%dma_wait3A_168 : memref<64x128xf32, #tpu.memory_space<hbm>>) dst(%arg11 : memref<64x128xf32, #tpu.memory_space<vmem>>)
    %dma_start3A_169 = arith.constant 37 : i32
    %dma_start3A_170 = arith.constant 0 : i32
    %dma_start3A_171 = tpu.memref_slice %arg9[%dma_start3A_169, %dma_start3A_170] : memref<40x64xi32, #tpu.memory_space<vmem>> -> memref<1x64xi32, #tpu.memory_space<vmem>>
    %dma_start3A_172 = tpu.memref_squeeze %dma_start3A_171 : memref<1x64xi32, #tpu.memory_space<vmem>> -> memref<64xi32, #tpu.memory_space<vmem>>
    %dma_start3A_173 = arith.constant 0 : i32
    %dma_start3A_174 = arith.constant 0 : i32
    %dma_start3A_175 = tpu.memref_slice %arg7[%dma_start3A_173, %dma_start3A_174] : memref<10240x128xf32, #tpu.memory_space<vmem_shared>> -> memref<10240x128xf32, #tpu.memory_space<vmem_shared>>
    tpu.enqueue_indirect_dma source(%arg11 : memref<64x128xf32, #tpu.memory_space<vmem>>) target(%dma_start3A_175 : memref<10240x128xf32, #tpu.memory_space<vmem_shared>>) offsets(%dma_start3A_172 : memref<64xi32, #tpu.memory_space<vmem>>) semaphore(%arg19 : memref<!tpu.dma_semaphore, #tpu.memory_space<semaphore_mem>>) {add = true}
    %dma_wait3A_176 = arith.constant 0 : i32
    %dma_wait3A_177 = arith.constant 0 : i32
    %dma_wait3A_178 = tpu.memref_slice %arg2[%dma_wait3A_176, %dma_wait3A_177] : memref<10240x128xf32, #tpu.memory_space<hbm>> -> memref<64x128xf32, #tpu.memory_space<hbm>>
    %dma_wait3A_179 = arith.constant 0 : i32
    %dma_wait3A_180 = arith.constant 0 : i32
    %dma_wait3A_181 = tpu.memref_slice %arg2[%dma_wait3A_179, %dma_wait3A_180] : memref<10240x128xf32, #tpu.memory_space<hbm>> -> memref<64x128xf32, #tpu.memory_space<hbm>>
    tpu.wait_dma2 semaphore(%arg16 : memref<!tpu.dma_semaphore, #tpu.memory_space<semaphore_mem>>) src(%dma_wait3A_181 : memref<64x128xf32, #tpu.memory_space<hbm>>) dst(%arg12 : memref<64x128xf32, #tpu.memory_space<vmem>>)
    %dma_start3A_182 = arith.constant 38 : i32
    %dma_start3A_183 = arith.constant 0 : i32
    %dma_start3A_184 = tpu.memref_slice %arg9[%dma_start3A_182, %dma_start3A_183] : memref<40x64xi32, #tpu.memory_space<vmem>> -> memref<1x64xi32, #tpu.memory_space<vmem>>
    %dma_start3A_185 = tpu.memref_squeeze %dma_start3A_184 : memref<1x64xi32, #tpu.memory_space<vmem>> -> memref<64xi32, #tpu.memory_space<vmem>>
    %dma_start3A_186 = arith.constant 0 : i32
    %dma_start3A_187 = arith.constant 0 : i32
    %dma_start3A_188 = tpu.memref_slice %arg7[%dma_start3A_186, %dma_start3A_187] : memref<10240x128xf32, #tpu.memory_space<vmem_shared>> -> memref<10240x128xf32, #tpu.memory_space<vmem_shared>>
    tpu.enqueue_indirect_dma source(%arg12 : memref<64x128xf32, #tpu.memory_space<vmem>>) target(%dma_start3A_188 : memref<10240x128xf32, #tpu.memory_space<vmem_shared>>) offsets(%dma_start3A_185 : memref<64xi32, #tpu.memory_space<vmem>>) semaphore(%arg20 : memref<!tpu.dma_semaphore, #tpu.memory_space<semaphore_mem>>) {add = true}
    %dma_wait3A_189 = arith.constant 0 : i32
    %dma_wait3A_190 = arith.constant 0 : i32
    %dma_wait3A_191 = tpu.memref_slice %arg2[%dma_wait3A_189, %dma_wait3A_190] : memref<10240x128xf32, #tpu.memory_space<hbm>> -> memref<64x128xf32, #tpu.memory_space<hbm>>
    %dma_wait3A_192 = arith.constant 0 : i32
    %dma_wait3A_193 = arith.constant 0 : i32
    %dma_wait3A_194 = tpu.memref_slice %arg2[%dma_wait3A_192, %dma_wait3A_193] : memref<10240x128xf32, #tpu.memory_space<hbm>> -> memref<64x128xf32, #tpu.memory_space<hbm>>
    tpu.wait_dma2 semaphore(%arg17 : memref<!tpu.dma_semaphore, #tpu.memory_space<semaphore_mem>>) src(%dma_wait3A_194 : memref<64x128xf32, #tpu.memory_space<hbm>>) dst(%arg13 : memref<64x128xf32, #tpu.memory_space<vmem>>)
    %dma_start3A_195 = arith.constant 39 : i32
    %dma_start3A_196 = arith.constant 0 : i32
    %dma_start3A_197 = tpu.memref_slice %arg9[%dma_start3A_195, %dma_start3A_196] : memref<40x64xi32, #tpu.memory_space<vmem>> -> memref<1x64xi32, #tpu.memory_space<vmem>>
    %dma_start3A_198 = tpu.memref_squeeze %dma_start3A_197 : memref<1x64xi32, #tpu.memory_space<vmem>> -> memref<64xi32, #tpu.memory_space<vmem>>
    %dma_start3A_199 = arith.constant 0 : i32
    %dma_start3A_200 = arith.constant 0 : i32
    %dma_start3A_201 = tpu.memref_slice %arg7[%dma_start3A_199, %dma_start3A_200] : memref<10240x128xf32, #tpu.memory_space<vmem_shared>> -> memref<10240x128xf32, #tpu.memory_space<vmem_shared>>
    tpu.enqueue_indirect_dma source(%arg13 : memref<64x128xf32, #tpu.memory_space<vmem>>) target(%dma_start3A_201 : memref<10240x128xf32, #tpu.memory_space<vmem_shared>>) offsets(%dma_start3A_198 : memref<64xi32, #tpu.memory_space<vmem>>) semaphore(%arg21 : memref<!tpu.dma_semaphore, #tpu.memory_space<semaphore_mem>>) {add = true}
    %dma_wait3A_202 = arith.constant 0 : i32
    %dma_wait3A_203 = arith.constant 0 : i32
    %dma_wait3A_204 = tpu.memref_slice %arg7[%dma_wait3A_202, %dma_wait3A_203] : memref<10240x128xf32, #tpu.memory_space<vmem_shared>> -> memref<64x128xf32, #tpu.memory_space<vmem_shared>>
    %dma_wait3A_205 = arith.constant 0 : i32
    %dma_wait3A_206 = arith.constant 0 : i32
    %dma_wait3A_207 = tpu.memref_slice %arg7[%dma_wait3A_205, %dma_wait3A_206] : memref<10240x128xf32, #tpu.memory_space<vmem_shared>> -> memref<64x128xf32, #tpu.memory_space<vmem_shared>>
    tpu.wait_dma2 semaphore(%arg18 : memref<!tpu.dma_semaphore, #tpu.memory_space<semaphore_mem>>) src(%arg10 : memref<64x128xf32, #tpu.memory_space<vmem>>) dst(%dma_wait3A_207 : memref<64x128xf32, #tpu.memory_space<vmem_shared>>)
    %dma_wait3A_208 = arith.constant 0 : i32
    %dma_wait3A_209 = arith.constant 0 : i32
    %dma_wait3A_210 = tpu.memref_slice %arg7[%dma_wait3A_208, %dma_wait3A_209] : memref<10240x128xf32, #tpu.memory_space<vmem_shared>> -> memref<64x128xf32, #tpu.memory_space<vmem_shared>>
    %dma_wait3A_211 = arith.constant 0 : i32
    %dma_wait3A_212 = arith.constant 0 : i32
    %dma_wait3A_213 = tpu.memref_slice %arg7[%dma_wait3A_211, %dma_wait3A_212] : memref<10240x128xf32, #tpu.memory_space<vmem_shared>> -> memref<64x128xf32, #tpu.memory_space<vmem_shared>>
    tpu.wait_dma2 semaphore(%arg19 : memref<!tpu.dma_semaphore, #tpu.memory_space<semaphore_mem>>) src(%arg11 : memref<64x128xf32, #tpu.memory_space<vmem>>) dst(%dma_wait3A_213 : memref<64x128xf32, #tpu.memory_space<vmem_shared>>)
    %dma_wait3A_214 = arith.constant 0 : i32
    %dma_wait3A_215 = arith.constant 0 : i32
    %dma_wait3A_216 = tpu.memref_slice %arg7[%dma_wait3A_214, %dma_wait3A_215] : memref<10240x128xf32, #tpu.memory_space<vmem_shared>> -> memref<64x128xf32, #tpu.memory_space<vmem_shared>>
    %dma_wait3A_217 = arith.constant 0 : i32
    %dma_wait3A_218 = arith.constant 0 : i32
    %dma_wait3A_219 = tpu.memref_slice %arg7[%dma_wait3A_217, %dma_wait3A_218] : memref<10240x128xf32, #tpu.memory_space<vmem_shared>> -> memref<64x128xf32, #tpu.memory_space<vmem_shared>>
    tpu.wait_dma2 semaphore(%arg20 : memref<!tpu.dma_semaphore, #tpu.memory_space<semaphore_mem>>) src(%arg12 : memref<64x128xf32, #tpu.memory_space<vmem>>) dst(%dma_wait3A_219 : memref<64x128xf32, #tpu.memory_space<vmem_shared>>)
    %dma_wait3A_220 = arith.constant 0 : i32
    %dma_wait3A_221 = arith.constant 0 : i32
    %dma_wait3A_222 = tpu.memref_slice %arg7[%dma_wait3A_220, %dma_wait3A_221] : memref<10240x128xf32, #tpu.memory_space<vmem_shared>> -> memref<64x128xf32, #tpu.memory_space<vmem_shared>>
    %dma_wait3A_223 = arith.constant 0 : i32
    %dma_wait3A_224 = arith.constant 0 : i32
    %dma_wait3A_225 = tpu.memref_slice %arg7[%dma_wait3A_223, %dma_wait3A_224] : memref<10240x128xf32, #tpu.memory_space<vmem_shared>> -> memref<64x128xf32, #tpu.memory_space<vmem_shared>>
    tpu.wait_dma2 semaphore(%arg21 : memref<!tpu.dma_semaphore, #tpu.memory_space<semaphore_mem>>) src(%arg13 : memref<64x128xf32, #tpu.memory_space<vmem>>) dst(%dma_wait3A_225 : memref<64x128xf32, #tpu.memory_space<vmem_shared>>)
    %add3A_226 = arith.constant 80 : i32
    %add3A_227 = arith.addi %mul3A_4, %add3A_226 : i32
    "tpu.region"() ({
      %run_scoped3A = tpu.sem_alloc : memref<!tpu.dma_semaphore, #tpu.memory_space<semaphore_mem>>
      %dma_start3A_458 = arith.constant 0 : i32
      %dma_start3A_459 = tpu.memref_slice %arg3[%add3A_227, %dma_start3A_458] : memref<5120x64xi32, #tpu.memory_space<hbm>> -> memref<40x64xi32, #tpu.memory_space<hbm>>
      %dma_start3A_460 = arith.constant 0 : i32
      %dma_start3A_461 = tpu.memref_slice %arg3[%add3A_227, %dma_start3A_460] : memref<5120x64xi32, #tpu.memory_space<hbm>> -> memref<40x64xi32, #tpu.memory_space<hbm>>
      tpu.enqueue_dma source(%dma_start3A_461 : memref<40x64xi32, #tpu.memory_space<hbm>>) target(%arg8 : memref<40x64xi32, #tpu.memory_space<vmem>>) target_semaphore(%run_scoped3A : memref<!tpu.dma_semaphore, #tpu.memory_space<semaphore_mem>>)
      %dma_wait3A_462 = arith.constant 0 : i32
      %dma_wait3A_463 = tpu.memref_slice %arg3[%add3A_227, %dma_wait3A_462] : memref<5120x64xi32, #tpu.memory_space<hbm>> -> memref<40x64xi32, #tpu.memory_space<hbm>>
      %dma_wait3A_464 = arith.constant 0 : i32
      %dma_wait3A_465 = tpu.memref_slice %arg3[%add3A_227, %dma_wait3A_464] : memref<5120x64xi32, #tpu.memory_space<hbm>> -> memref<40x64xi32, #tpu.memory_space<hbm>>
      tpu.wait_dma2 semaphore(%run_scoped3A : memref<!tpu.dma_semaphore, #tpu.memory_space<semaphore_mem>>) src(%dma_wait3A_465 : memref<40x64xi32, #tpu.memory_space<hbm>>) dst(%arg8 : memref<40x64xi32, #tpu.memory_space<vmem>>)
      tpu.yield
    }) : () -> ()
    "tpu.region"() ({
      %run_scoped3A = tpu.sem_alloc : memref<!tpu.dma_semaphore, #tpu.memory_space<semaphore_mem>>
      %dma_start3A_458 = arith.constant 0 : i32
      %dma_start3A_459 = tpu.memref_slice %arg4[%add3A_227, %dma_start3A_458] : memref<5120x64xi32, #tpu.memory_space<hbm>> -> memref<40x64xi32, #tpu.memory_space<hbm>>
      %dma_start3A_460 = arith.constant 0 : i32
      %dma_start3A_461 = tpu.memref_slice %arg4[%add3A_227, %dma_start3A_460] : memref<5120x64xi32, #tpu.memory_space<hbm>> -> memref<40x64xi32, #tpu.memory_space<hbm>>
      tpu.enqueue_dma source(%dma_start3A_461 : memref<40x64xi32, #tpu.memory_space<hbm>>) target(%arg9 : memref<40x64xi32, #tpu.memory_space<vmem>>) target_semaphore(%run_scoped3A : memref<!tpu.dma_semaphore, #tpu.memory_space<semaphore_mem>>)
      %dma_wait3A_462 = arith.constant 0 : i32
      %dma_wait3A_463 = tpu.memref_slice %arg4[%add3A_227, %dma_wait3A_462] : memref<5120x64xi32, #tpu.memory_space<hbm>> -> memref<40x64xi32, #tpu.memory_space<hbm>>
      %dma_wait3A_464 = arith.constant 0 : i32
      %dma_wait3A_465 = tpu.memref_slice %arg4[%add3A_227, %dma_wait3A_464] : memref<5120x64xi32, #tpu.memory_space<hbm>> -> memref<40x64xi32, #tpu.memory_space<hbm>>
      tpu.wait_dma2 semaphore(%run_scoped3A : memref<!tpu.dma_semaphore, #tpu.memory_space<semaphore_mem>>) src(%dma_wait3A_465 : memref<40x64xi32, #tpu.memory_space<hbm>>) dst(%arg9 : memref<40x64xi32, #tpu.memory_space<vmem>>)
      tpu.yield
    }) : () -> ()
    %dma_start3A_228 = arith.constant 0 : i32
    %dma_start3A_229 = arith.constant 0 : i32
    %dma_start3A_230 = tpu.memref_slice %arg8[%dma_start3A_228, %dma_start3A_229] : memref<40x64xi32, #tpu.memory_space<vmem>> -> memref<1x64xi32, #tpu.memory_space<vmem>>
    %dma_start3A_231 = tpu.memref_squeeze %dma_start3A_230 : memref<1x64xi32, #tpu.memory_space<vmem>> -> memref<64xi32, #tpu.memory_space<vmem>>
    %dma_start3A_232 = arith.constant 0 : i32
    %dma_start3A_233 = arith.constant 0 : i32
    %dma_start3A_234 = tpu.memref_slice %arg2[%dma_start3A_232, %dma_start3A_233] : memref<10240x128xf32, #tpu.memory_space<hbm>> -> memref<10240x128xf32, #tpu.memory_space<hbm>>
    tpu.enqueue_indirect_dma source(%dma_start3A_234 : memref<10240x128xf32, #tpu.memory_space<hbm>>) target(%arg10 : memref<64x128xf32, #tpu.memory_space<vmem>>) offsets(%dma_start3A_231 : memref<64xi32, #tpu.memory_space<vmem>>) semaphore(%arg14 : memref<!tpu.dma_semaphore, #tpu.memory_space<semaphore_mem>>)
    %dma_start3A_235 = arith.constant 1 : i32
    %dma_start3A_236 = arith.constant 0 : i32
    %dma_start3A_237 = tpu.memref_slice %arg8[%dma_start3A_235, %dma_start3A_236] : memref<40x64xi32, #tpu.memory_space<vmem>> -> memref<1x64xi32, #tpu.memory_space<vmem>>
    %dma_start3A_238 = tpu.memref_squeeze %dma_start3A_237 : memref<1x64xi32, #tpu.memory_space<vmem>> -> memref<64xi32, #tpu.memory_space<vmem>>
    %dma_start3A_239 = arith.constant 0 : i32
    %dma_start3A_240 = arith.constant 0 : i32
    %dma_start3A_241 = tpu.memref_slice %arg2[%dma_start3A_239, %dma_start3A_240] : memref<10240x128xf32, #tpu.memory_space<hbm>> -> memref<10240x128xf32, #tpu.memory_space<hbm>>
    tpu.enqueue_indirect_dma source(%dma_start3A_241 : memref<10240x128xf32, #tpu.memory_space<hbm>>) target(%arg11 : memref<64x128xf32, #tpu.memory_space<vmem>>) offsets(%dma_start3A_238 : memref<64xi32, #tpu.memory_space<vmem>>) semaphore(%arg15 : memref<!tpu.dma_semaphore, #tpu.memory_space<semaphore_mem>>)
    %dma_start3A_242 = arith.constant 2 : i32
    %dma_start3A_243 = arith.constant 0 : i32
    %dma_start3A_244 = tpu.memref_slice %arg8[%dma_start3A_242, %dma_start3A_243] : memref<40x64xi32, #tpu.memory_space<vmem>> -> memref<1x64xi32, #tpu.memory_space<vmem>>
    %dma_start3A_245 = tpu.memref_squeeze %dma_start3A_244 : memref<1x64xi32, #tpu.memory_space<vmem>> -> memref<64xi32, #tpu.memory_space<vmem>>
    %dma_start3A_246 = arith.constant 0 : i32
    %dma_start3A_247 = arith.constant 0 : i32
    %dma_start3A_248 = tpu.memref_slice %arg2[%dma_start3A_246, %dma_start3A_247] : memref<10240x128xf32, #tpu.memory_space<hbm>> -> memref<10240x128xf32, #tpu.memory_space<hbm>>
    tpu.enqueue_indirect_dma source(%dma_start3A_248 : memref<10240x128xf32, #tpu.memory_space<hbm>>) target(%arg12 : memref<64x128xf32, #tpu.memory_space<vmem>>) offsets(%dma_start3A_245 : memref<64xi32, #tpu.memory_space<vmem>>) semaphore(%arg16 : memref<!tpu.dma_semaphore, #tpu.memory_space<semaphore_mem>>)
    %dma_start3A_249 = arith.constant 3 : i32
    %dma_start3A_250 = arith.constant 0 : i32
    %dma_start3A_251 = tpu.memref_slice %arg8[%dma_start3A_249, %dma_start3A_250] : memref<40x64xi32, #tpu.memory_space<vmem>> -> memref<1x64xi32, #tpu.memory_space<vmem>>
    %dma_start3A_252 = tpu.memref_squeeze %dma_start3A_251 : memref<1x64xi32, #tpu.memory_space<vmem>> -> memref<64xi32, #tpu.memory_space<vmem>>
    %dma_start3A_253 = arith.constant 0 : i32
    %dma_start3A_254 = arith.constant 0 : i32
    %dma_start3A_255 = tpu.memref_slice %arg2[%dma_start3A_253, %dma_start3A_254] : memref<10240x128xf32, #tpu.memory_space<hbm>> -> memref<10240x128xf32, #tpu.memory_space<hbm>>
    tpu.enqueue_indirect_dma source(%dma_start3A_255 : memref<10240x128xf32, #tpu.memory_space<hbm>>) target(%arg13 : memref<64x128xf32, #tpu.memory_space<vmem>>) offsets(%dma_start3A_252 : memref<64xi32, #tpu.memory_space<vmem>>) semaphore(%arg17 : memref<!tpu.dma_semaphore, #tpu.memory_space<semaphore_mem>>)
    %scan3A_256 = arith.constant 0 : i32
    %scan3A_257 = arith.constant 0 : i32
    %scan3A_258 = arith.constant 9 : i32
    %scan3A_259 = arith.addi %scan3A_257, %scan3A_258 : i32
    %scan3A_260 = arith.constant 1 : i32
    scf.for %scan3A_458 = %scan3A_257 to %scan3A_259 step %scan3A_260  : i32 {
      %mul3A_459 = arith.constant 4 : i32
      %mul3A_460 = arith.muli %scan3A_458, %mul3A_459 : i32
      %dma_wait3A_461 = arith.constant 0 : i32
      %dma_wait3A_462 = arith.constant 0 : i32
      %dma_wait3A_463 = tpu.memref_slice %arg2[%dma_wait3A_461, %dma_wait3A_462] : memref<10240x128xf32, #tpu.memory_space<hbm>> -> memref<64x128xf32, #tpu.memory_space<hbm>>
      %dma_wait3A_464 = arith.constant 0 : i32
      %dma_wait3A_465 = arith.constant 0 : i32
      %dma_wait3A_466 = tpu.memref_slice %arg2[%dma_wait3A_464, %dma_wait3A_465] : memref<10240x128xf32, #tpu.memory_space<hbm>> -> memref<64x128xf32, #tpu.memory_space<hbm>>
      tpu.wait_dma2 semaphore(%arg14 : memref<!tpu.dma_semaphore, #tpu.memory_space<semaphore_mem>>) src(%dma_wait3A_466 : memref<64x128xf32, #tpu.memory_space<hbm>>) dst(%arg10 : memref<64x128xf32, #tpu.memory_space<vmem>>)
      %add3A_467 = arith.constant 0 : i32
      %add3A_468 = arith.addi %mul3A_460, %add3A_467 : i32
      %dma_start3A_469 = arith.constant 0 : i32
      %dma_start3A_470 = tpu.memref_slice %arg9[%add3A_468, %dma_start3A_469] : memref<40x64xi32, #tpu.memory_space<vmem>> -> memref<1x64xi32, #tpu.memory_space<vmem>>
      %dma_start3A_471 = tpu.memref_squeeze %dma_start3A_470 : memref<1x64xi32, #tpu.memory_space<vmem>> -> memref<64xi32, #tpu.memory_space<vmem>>
      %dma_start3A_472 = arith.constant 0 : i32
      %dma_start3A_473 = arith.constant 0 : i32
      %dma_start3A_474 = tpu.memref_slice %arg7[%dma_start3A_472, %dma_start3A_473] : memref<10240x128xf32, #tpu.memory_space<vmem_shared>> -> memref<10240x128xf32, #tpu.memory_space<vmem_shared>>
      tpu.enqueue_indirect_dma source(%arg10 : memref<64x128xf32, #tpu.memory_space<vmem>>) target(%dma_start3A_474 : memref<10240x128xf32, #tpu.memory_space<vmem_shared>>) offsets(%dma_start3A_471 : memref<64xi32, #tpu.memory_space<vmem>>) semaphore(%arg18 : memref<!tpu.dma_semaphore, #tpu.memory_space<semaphore_mem>>) {add = true}
      %dma_wait3A_475 = arith.constant 0 : i32
      %dma_wait3A_476 = arith.constant 0 : i32
      %dma_wait3A_477 = tpu.memref_slice %arg2[%dma_wait3A_475, %dma_wait3A_476] : memref<10240x128xf32, #tpu.memory_space<hbm>> -> memref<64x128xf32, #tpu.memory_space<hbm>>
      %dma_wait3A_478 = arith.constant 0 : i32
      %dma_wait3A_479 = arith.constant 0 : i32
      %dma_wait3A_480 = tpu.memref_slice %arg2[%dma_wait3A_478, %dma_wait3A_479] : memref<10240x128xf32, #tpu.memory_space<hbm>> -> memref<64x128xf32, #tpu.memory_space<hbm>>
      tpu.wait_dma2 semaphore(%arg15 : memref<!tpu.dma_semaphore, #tpu.memory_space<semaphore_mem>>) src(%dma_wait3A_480 : memref<64x128xf32, #tpu.memory_space<hbm>>) dst(%arg11 : memref<64x128xf32, #tpu.memory_space<vmem>>)
      %add3A_481 = arith.constant 1 : i32
      %add3A_482 = arith.addi %mul3A_460, %add3A_481 : i32
      %dma_start3A_483 = arith.constant 0 : i32
      %dma_start3A_484 = tpu.memref_slice %arg9[%add3A_482, %dma_start3A_483] : memref<40x64xi32, #tpu.memory_space<vmem>> -> memref<1x64xi32, #tpu.memory_space<vmem>>
      %dma_start3A_485 = tpu.memref_squeeze %dma_start3A_484 : memref<1x64xi32, #tpu.memory_space<vmem>> -> memref<64xi32, #tpu.memory_space<vmem>>
      %dma_start3A_486 = arith.constant 0 : i32
      %dma_start3A_487 = arith.constant 0 : i32
      %dma_start3A_488 = tpu.memref_slice %arg7[%dma_start3A_486, %dma_start3A_487] : memref<10240x128xf32, #tpu.memory_space<vmem_shared>> -> memref<10240x128xf32, #tpu.memory_space<vmem_shared>>
      tpu.enqueue_indirect_dma source(%arg11 : memref<64x128xf32, #tpu.memory_space<vmem>>) target(%dma_start3A_488 : memref<10240x128xf32, #tpu.memory_space<vmem_shared>>) offsets(%dma_start3A_485 : memref<64xi32, #tpu.memory_space<vmem>>) semaphore(%arg19 : memref<!tpu.dma_semaphore, #tpu.memory_space<semaphore_mem>>) {add = true}
      %dma_wait3A_489 = arith.constant 0 : i32
      %dma_wait3A_490 = arith.constant 0 : i32
      %dma_wait3A_491 = tpu.memref_slice %arg2[%dma_wait3A_489, %dma_wait3A_490] : memref<10240x128xf32, #tpu.memory_space<hbm>> -> memref<64x128xf32, #tpu.memory_space<hbm>>
      %dma_wait3A_492 = arith.constant 0 : i32
      %dma_wait3A_493 = arith.constant 0 : i32
      %dma_wait3A_494 = tpu.memref_slice %arg2[%dma_wait3A_492, %dma_wait3A_493] : memref<10240x128xf32, #tpu.memory_space<hbm>> -> memref<64x128xf32, #tpu.memory_space<hbm>>
      tpu.wait_dma2 semaphore(%arg16 : memref<!tpu.dma_semaphore, #tpu.memory_space<semaphore_mem>>) src(%dma_wait3A_494 : memref<64x128xf32, #tpu.memory_space<hbm>>) dst(%arg12 : memref<64x128xf32, #tpu.memory_space<vmem>>)
      %add3A_495 = arith.constant 2 : i32
      %add3A_496 = arith.addi %mul3A_460, %add3A_495 : i32
      %dma_start3A_497 = arith.constant 0 : i32
      %dma_start3A_498 = tpu.memref_slice %arg9[%add3A_496, %dma_start3A_497] : memref<40x64xi32, #tpu.memory_space<vmem>> -> memref<1x64xi32, #tpu.memory_space<vmem>>
      %dma_start3A_499 = tpu.memref_squeeze %dma_start3A_498 : memref<1x64xi32, #tpu.memory_space<vmem>> -> memref<64xi32, #tpu.memory_space<vmem>>
      %dma_start3A_500 = arith.constant 0 : i32
      %dma_start3A_501 = arith.constant 0 : i32
      %dma_start3A_502 = tpu.memref_slice %arg7[%dma_start3A_500, %dma_start3A_501] : memref<10240x128xf32, #tpu.memory_space<vmem_shared>> -> memref<10240x128xf32, #tpu.memory_space<vmem_shared>>
      tpu.enqueue_indirect_dma source(%arg12 : memref<64x128xf32, #tpu.memory_space<vmem>>) target(%dma_start3A_502 : memref<10240x128xf32, #tpu.memory_space<vmem_shared>>) offsets(%dma_start3A_499 : memref<64xi32, #tpu.memory_space<vmem>>) semaphore(%arg20 : memref<!tpu.dma_semaphore, #tpu.memory_space<semaphore_mem>>) {add = true}
      %dma_wait3A_503 = arith.constant 0 : i32
      %dma_wait3A_504 = arith.constant 0 : i32
      %dma_wait3A_505 = tpu.memref_slice %arg2[%dma_wait3A_503, %dma_wait3A_504] : memref<10240x128xf32, #tpu.memory_space<hbm>> -> memref<64x128xf32, #tpu.memory_space<hbm>>
      %dma_wait3A_506 = arith.constant 0 : i32
      %dma_wait3A_507 = arith.constant 0 : i32
      %dma_wait3A_508 = tpu.memref_slice %arg2[%dma_wait3A_506, %dma_wait3A_507] : memref<10240x128xf32, #tpu.memory_space<hbm>> -> memref<64x128xf32, #tpu.memory_space<hbm>>
      tpu.wait_dma2 semaphore(%arg17 : memref<!tpu.dma_semaphore, #tpu.memory_space<semaphore_mem>>) src(%dma_wait3A_508 : memref<64x128xf32, #tpu.memory_space<hbm>>) dst(%arg13 : memref<64x128xf32, #tpu.memory_space<vmem>>)
      %add3A_509 = arith.constant 3 : i32
      %add3A_510 = arith.addi %mul3A_460, %add3A_509 : i32
      %dma_start3A_511 = arith.constant 0 : i32
      %dma_start3A_512 = tpu.memref_slice %arg9[%add3A_510, %dma_start3A_511] : memref<40x64xi32, #tpu.memory_space<vmem>> -> memref<1x64xi32, #tpu.memory_space<vmem>>
      %dma_start3A_513 = tpu.memref_squeeze %dma_start3A_512 : memref<1x64xi32, #tpu.memory_space<vmem>> -> memref<64xi32, #tpu.memory_space<vmem>>
      %dma_start3A_514 = arith.constant 0 : i32
      %dma_start3A_515 = arith.constant 0 : i32
      %dma_start3A_516 = tpu.memref_slice %arg7[%dma_start3A_514, %dma_start3A_515] : memref<10240x128xf32, #tpu.memory_space<vmem_shared>> -> memref<10240x128xf32, #tpu.memory_space<vmem_shared>>
      tpu.enqueue_indirect_dma source(%arg13 : memref<64x128xf32, #tpu.memory_space<vmem>>) target(%dma_start3A_516 : memref<10240x128xf32, #tpu.memory_space<vmem_shared>>) offsets(%dma_start3A_513 : memref<64xi32, #tpu.memory_space<vmem>>) semaphore(%arg21 : memref<!tpu.dma_semaphore, #tpu.memory_space<semaphore_mem>>) {add = true}
      %dma_wait3A_517 = arith.constant 0 : i32
      %dma_wait3A_518 = arith.constant 0 : i32
      %dma_wait3A_519 = tpu.memref_slice %arg7[%dma_wait3A_517, %dma_wait3A_518] : memref<10240x128xf32, #tpu.memory_space<vmem_shared>> -> memref<64x128xf32, #tpu.memory_space<vmem_shared>>
      %dma_wait3A_520 = arith.constant 0 : i32
      %dma_wait3A_521 = arith.constant 0 : i32
      %dma_wait3A_522 = tpu.memref_slice %arg7[%dma_wait3A_520, %dma_wait3A_521] : memref<10240x128xf32, #tpu.memory_space<vmem_shared>> -> memref<64x128xf32, #tpu.memory_space<vmem_shared>>
      tpu.wait_dma2 semaphore(%arg18 : memref<!tpu.dma_semaphore, #tpu.memory_space<semaphore_mem>>) src(%arg10 : memref<64x128xf32, #tpu.memory_space<vmem>>) dst(%dma_wait3A_522 : memref<64x128xf32, #tpu.memory_space<vmem_shared>>)
      %add3A_523 = arith.constant 4 : i32
      %add3A_524 = arith.addi %mul3A_460, %add3A_523 : i32
      %add3A_525 = arith.constant 0 : i32
      %add3A_526 = arith.addi %add3A_524, %add3A_525 : i32
      %dma_start3A_527 = arith.constant 0 : i32
      %dma_start3A_528 = tpu.memref_slice %arg8[%add3A_526, %dma_start3A_527] : memref<40x64xi32, #tpu.memory_space<vmem>> -> memref<1x64xi32, #tpu.memory_space<vmem>>
      %dma_start3A_529 = tpu.memref_squeeze %dma_start3A_528 : memref<1x64xi32, #tpu.memory_space<vmem>> -> memref<64xi32, #tpu.memory_space<vmem>>
      %dma_start3A_530 = arith.constant 0 : i32
      %dma_start3A_531 = arith.constant 0 : i32
      %dma_start3A_532 = tpu.memref_slice %arg2[%dma_start3A_530, %dma_start3A_531] : memref<10240x128xf32, #tpu.memory_space<hbm>> -> memref<10240x128xf32, #tpu.memory_space<hbm>>
      tpu.enqueue_indirect_dma source(%dma_start3A_532 : memref<10240x128xf32, #tpu.memory_space<hbm>>) target(%arg10 : memref<64x128xf32, #tpu.memory_space<vmem>>) offsets(%dma_start3A_529 : memref<64xi32, #tpu.memory_space<vmem>>) semaphore(%arg14 : memref<!tpu.dma_semaphore, #tpu.memory_space<semaphore_mem>>)
      %dma_wait3A_533 = arith.constant 0 : i32
      %dma_wait3A_534 = arith.constant 0 : i32
      %dma_wait3A_535 = tpu.memref_slice %arg7[%dma_wait3A_533, %dma_wait3A_534] : memref<10240x128xf32, #tpu.memory_space<vmem_shared>> -> memref<64x128xf32, #tpu.memory_space<vmem_shared>>
      %dma_wait3A_536 = arith.constant 0 : i32
      %dma_wait3A_537 = arith.constant 0 : i32
      %dma_wait3A_538 = tpu.memref_slice %arg7[%dma_wait3A_536, %dma_wait3A_537] : memref<10240x128xf32, #tpu.memory_space<vmem_shared>> -> memref<64x128xf32, #tpu.memory_space<vmem_shared>>
      tpu.wait_dma2 semaphore(%arg19 : memref<!tpu.dma_semaphore, #tpu.memory_space<semaphore_mem>>) src(%arg11 : memref<64x128xf32, #tpu.memory_space<vmem>>) dst(%dma_wait3A_538 : memref<64x128xf32, #tpu.memory_space<vmem_shared>>)
      %add3A_539 = arith.constant 4 : i32
      %add3A_540 = arith.addi %mul3A_460, %add3A_539 : i32
      %add3A_541 = arith.constant 1 : i32
      %add3A_542 = arith.addi %add3A_540, %add3A_541 : i32
      %dma_start3A_543 = arith.constant 0 : i32
      %dma_start3A_544 = tpu.memref_slice %arg8[%add3A_542, %dma_start3A_543] : memref<40x64xi32, #tpu.memory_space<vmem>> -> memref<1x64xi32, #tpu.memory_space<vmem>>
      %dma_start3A_545 = tpu.memref_squeeze %dma_start3A_544 : memref<1x64xi32, #tpu.memory_space<vmem>> -> memref<64xi32, #tpu.memory_space<vmem>>
      %dma_start3A_546 = arith.constant 0 : i32
      %dma_start3A_547 = arith.constant 0 : i32
      %dma_start3A_548 = tpu.memref_slice %arg2[%dma_start3A_546, %dma_start3A_547] : memref<10240x128xf32, #tpu.memory_space<hbm>> -> memref<10240x128xf32, #tpu.memory_space<hbm>>
      tpu.enqueue_indirect_dma source(%dma_start3A_548 : memref<10240x128xf32, #tpu.memory_space<hbm>>) target(%arg11 : memref<64x128xf32, #tpu.memory_space<vmem>>) offsets(%dma_start3A_545 : memref<64xi32, #tpu.memory_space<vmem>>) semaphore(%arg15 : memref<!tpu.dma_semaphore, #tpu.memory_space<semaphore_mem>>)
      %dma_wait3A_549 = arith.constant 0 : i32
      %dma_wait3A_550 = arith.constant 0 : i32
      %dma_wait3A_551 = tpu.memref_slice %arg7[%dma_wait3A_549, %dma_wait3A_550] : memref<10240x128xf32, #tpu.memory_space<vmem_shared>> -> memref<64x128xf32, #tpu.memory_space<vmem_shared>>
      %dma_wait3A_552 = arith.constant 0 : i32
      %dma_wait3A_553 = arith.constant 0 : i32
      %dma_wait3A_554 = tpu.memref_slice %arg7[%dma_wait3A_552, %dma_wait3A_553] : memref<10240x128xf32, #tpu.memory_space<vmem_shared>> -> memref<64x128xf32, #tpu.memory_space<vmem_shared>>
      tpu.wait_dma2 semaphore(%arg20 : memref<!tpu.dma_semaphore, #tpu.memory_space<semaphore_mem>>) src(%arg12 : memref<64x128xf32, #tpu.memory_space<vmem>>) dst(%dma_wait3A_554 : memref<64x128xf32, #tpu.memory_space<vmem_shared>>)
      %add3A_555 = arith.constant 4 : i32
      %add3A_556 = arith.addi %mul3A_460, %add3A_555 : i32
      %add3A_557 = arith.constant 2 : i32
      %add3A_558 = arith.addi %add3A_556, %add3A_557 : i32
      %dma_start3A_559 = arith.constant 0 : i32
      %dma_start3A_560 = tpu.memref_slice %arg8[%add3A_558, %dma_start3A_559] : memref<40x64xi32, #tpu.memory_space<vmem>> -> memref<1x64xi32, #tpu.memory_space<vmem>>
      %dma_start3A_561 = tpu.memref_squeeze %dma_start3A_560 : memref<1x64xi32, #tpu.memory_space<vmem>> -> memref<64xi32, #tpu.memory_space<vmem>>
      %dma_start3A_562 = arith.constant 0 : i32
      %dma_start3A_563 = arith.constant 0 : i32
      %dma_start3A_564 = tpu.memref_slice %arg2[%dma_start3A_562, %dma_start3A_563] : memref<10240x128xf32, #tpu.memory_space<hbm>> -> memref<10240x128xf32, #tpu.memory_space<hbm>>
      tpu.enqueue_indirect_dma source(%dma_start3A_564 : memref<10240x128xf32, #tpu.memory_space<hbm>>) target(%arg12 : memref<64x128xf32, #tpu.memory_space<vmem>>) offsets(%dma_start3A_561 : memref<64xi32, #tpu.memory_space<vmem>>) semaphore(%arg16 : memref<!tpu.dma_semaphore, #tpu.memory_space<semaphore_mem>>)
      %dma_wait3A_565 = arith.constant 0 : i32
      %dma_wait3A_566 = arith.constant 0 : i32
      %dma_wait3A_567 = tpu.memref_slice %arg7[%dma_wait3A_565, %dma_wait3A_566] : memref<10240x128xf32, #tpu.memory_space<vmem_shared>> -> memref<64x128xf32, #tpu.memory_space<vmem_shared>>
      %dma_wait3A_568 = arith.constant 0 : i32
      %dma_wait3A_569 = arith.constant 0 : i32
      %dma_wait3A_570 = tpu.memref_slice %arg7[%dma_wait3A_568, %dma_wait3A_569] : memref<10240x128xf32, #tpu.memory_space<vmem_shared>> -> memref<64x128xf32, #tpu.memory_space<vmem_shared>>
      tpu.wait_dma2 semaphore(%arg21 : memref<!tpu.dma_semaphore, #tpu.memory_space<semaphore_mem>>) src(%arg13 : memref<64x128xf32, #tpu.memory_space<vmem>>) dst(%dma_wait3A_570 : memref<64x128xf32, #tpu.memory_space<vmem_shared>>)
      %add3A_571 = arith.constant 4 : i32
      %add3A_572 = arith.addi %mul3A_460, %add3A_571 : i32
      %add3A_573 = arith.constant 3 : i32
      %add3A_574 = arith.addi %add3A_572, %add3A_573 : i32
      %dma_start3A_575 = arith.constant 0 : i32
      %dma_start3A_576 = tpu.memref_slice %arg8[%add3A_574, %dma_start3A_575] : memref<40x64xi32, #tpu.memory_space<vmem>> -> memref<1x64xi32, #tpu.memory_space<vmem>>
      %dma_start3A_577 = tpu.memref_squeeze %dma_start3A_576 : memref<1x64xi32, #tpu.memory_space<vmem>> -> memref<64xi32, #tpu.memory_space<vmem>>
      %dma_start3A_578 = arith.constant 0 : i32
      %dma_start3A_579 = arith.constant 0 : i32
      %dma_start3A_580 = tpu.memref_slice %arg2[%dma_start3A_578, %dma_start3A_579] : memref<10240x128xf32, #tpu.memory_space<hbm>> -> memref<10240x128xf32, #tpu.memory_space<hbm>>
      tpu.enqueue_indirect_dma source(%dma_start3A_580 : memref<10240x128xf32, #tpu.memory_space<hbm>>) target(%arg13 : memref<64x128xf32, #tpu.memory_space<vmem>>) offsets(%dma_start3A_577 : memref<64xi32, #tpu.memory_space<vmem>>) semaphore(%arg17 : memref<!tpu.dma_semaphore, #tpu.memory_space<semaphore_mem>>)
    }
    %scan3A_261 = arith.constant 9 : i32
    %dma_wait3A_262 = arith.constant 0 : i32
    %dma_wait3A_263 = arith.constant 0 : i32
    %dma_wait3A_264 = tpu.memref_slice %arg2[%dma_wait3A_262, %dma_wait3A_263] : memref<10240x128xf32, #tpu.memory_space<hbm>> -> memref<64x128xf32, #tpu.memory_space<hbm>>
    %dma_wait3A_265 = arith.constant 0 : i32
    %dma_wait3A_266 = arith.constant 0 : i32
    %dma_wait3A_267 = tpu.memref_slice %arg2[%dma_wait3A_265, %dma_wait3A_266] : memref<10240x128xf32, #tpu.memory_space<hbm>> -> memref<64x128xf32, #tpu.memory_space<hbm>>
    tpu.wait_dma2 semaphore(%arg14 : memref<!tpu.dma_semaphore, #tpu.memory_space<semaphore_mem>>) src(%dma_wait3A_267 : memref<64x128xf32, #tpu.memory_space<hbm>>) dst(%arg10 : memref<64x128xf32, #tpu.memory_space<vmem>>)
    %dma_start3A_268 = arith.constant 36 : i32
    %dma_start3A_269 = arith.constant 0 : i32
    %dma_start3A_270 = tpu.memref_slice %arg9[%dma_start3A_268, %dma_start3A_269] : memref<40x64xi32, #tpu.memory_space<vmem>> -> memref<1x64xi32, #tpu.memory_space<vmem>>
    %dma_start3A_271 = tpu.memref_squeeze %dma_start3A_270 : memref<1x64xi32, #tpu.memory_space<vmem>> -> memref<64xi32, #tpu.memory_space<vmem>>
    %dma_start3A_272 = arith.constant 0 : i32
    %dma_start3A_273 = arith.constant 0 : i32
    %dma_start3A_274 = tpu.memref_slice %arg7[%dma_start3A_272, %dma_start3A_273] : memref<10240x128xf32, #tpu.memory_space<vmem_shared>> -> memref<10240x128xf32, #tpu.memory_space<vmem_shared>>
    tpu.enqueue_indirect_dma source(%arg10 : memref<64x128xf32, #tpu.memory_space<vmem>>) target(%dma_start3A_274 : memref<10240x128xf32, #tpu.memory_space<vmem_shared>>) offsets(%dma_start3A_271 : memref<64xi32, #tpu.memory_space<vmem>>) semaphore(%arg18 : memref<!tpu.dma_semaphore, #tpu.memory_space<semaphore_mem>>) {add = true}
    %dma_wait3A_275 = arith.constant 0 : i32
    %dma_wait3A_276 = arith.constant 0 : i32
    %dma_wait3A_277 = tpu.memref_slice %arg2[%dma_wait3A_275, %dma_wait3A_276] : memref<10240x128xf32, #tpu.memory_space<hbm>> -> memref<64x128xf32, #tpu.memory_space<hbm>>
    %dma_wait3A_278 = arith.constant 0 : i32
    %dma_wait3A_279 = arith.constant 0 : i32
    %dma_wait3A_280 = tpu.memref_slice %arg2[%dma_wait3A_278, %dma_wait3A_279] : memref<10240x128xf32, #tpu.memory_space<hbm>> -> memref<64x128xf32, #tpu.memory_space<hbm>>
    tpu.wait_dma2 semaphore(%arg15 : memref<!tpu.dma_semaphore, #tpu.memory_space<semaphore_mem>>) src(%dma_wait3A_280 : memref<64x128xf32, #tpu.memory_space<hbm>>) dst(%arg11 : memref<64x128xf32, #tpu.memory_space<vmem>>)
    %dma_start3A_281 = arith.constant 37 : i32
    %dma_start3A_282 = arith.constant 0 : i32
    %dma_start3A_283 = tpu.memref_slice %arg9[%dma_start3A_281, %dma_start3A_282] : memref<40x64xi32, #tpu.memory_space<vmem>> -> memref<1x64xi32, #tpu.memory_space<vmem>>
    %dma_start3A_284 = tpu.memref_squeeze %dma_start3A_283 : memref<1x64xi32, #tpu.memory_space<vmem>> -> memref<64xi32, #tpu.memory_space<vmem>>
    %dma_start3A_285 = arith.constant 0 : i32
    %dma_start3A_286 = arith.constant 0 : i32
    %dma_start3A_287 = tpu.memref_slice %arg7[%dma_start3A_285, %dma_start3A_286] : memref<10240x128xf32, #tpu.memory_space<vmem_shared>> -> memref<10240x128xf32, #tpu.memory_space<vmem_shared>>
    tpu.enqueue_indirect_dma source(%arg11 : memref<64x128xf32, #tpu.memory_space<vmem>>) target(%dma_start3A_287 : memref<10240x128xf32, #tpu.memory_space<vmem_shared>>) offsets(%dma_start3A_284 : memref<64xi32, #tpu.memory_space<vmem>>) semaphore(%arg19 : memref<!tpu.dma_semaphore, #tpu.memory_space<semaphore_mem>>) {add = true}
    %dma_wait3A_288 = arith.constant 0 : i32
    %dma_wait3A_289 = arith.constant 0 : i32
    %dma_wait3A_290 = tpu.memref_slice %arg2[%dma_wait3A_288, %dma_wait3A_289] : memref<10240x128xf32, #tpu.memory_space<hbm>> -> memref<64x128xf32, #tpu.memory_space<hbm>>
    %dma_wait3A_291 = arith.constant 0 : i32
    %dma_wait3A_292 = arith.constant 0 : i32
    %dma_wait3A_293 = tpu.memref_slice %arg2[%dma_wait3A_291, %dma_wait3A_292] : memref<10240x128xf32, #tpu.memory_space<hbm>> -> memref<64x128xf32, #tpu.memory_space<hbm>>
    tpu.wait_dma2 semaphore(%arg16 : memref<!tpu.dma_semaphore, #tpu.memory_space<semaphore_mem>>) src(%dma_wait3A_293 : memref<64x128xf32, #tpu.memory_space<hbm>>) dst(%arg12 : memref<64x128xf32, #tpu.memory_space<vmem>>)
    %dma_start3A_294 = arith.constant 38 : i32
    %dma_start3A_295 = arith.constant 0 : i32
    %dma_start3A_296 = tpu.memref_slice %arg9[%dma_start3A_294, %dma_start3A_295] : memref<40x64xi32, #tpu.memory_space<vmem>> -> memref<1x64xi32, #tpu.memory_space<vmem>>
    %dma_start3A_297 = tpu.memref_squeeze %dma_start3A_296 : memref<1x64xi32, #tpu.memory_space<vmem>> -> memref<64xi32, #tpu.memory_space<vmem>>
    %dma_start3A_298 = arith.constant 0 : i32
    %dma_start3A_299 = arith.constant 0 : i32
    %dma_start3A_300 = tpu.memref_slice %arg7[%dma_start3A_298, %dma_start3A_299] : memref<10240x128xf32, #tpu.memory_space<vmem_shared>> -> memref<10240x128xf32, #tpu.memory_space<vmem_shared>>
    tpu.enqueue_indirect_dma source(%arg12 : memref<64x128xf32, #tpu.memory_space<vmem>>) target(%dma_start3A_300 : memref<10240x128xf32, #tpu.memory_space<vmem_shared>>) offsets(%dma_start3A_297 : memref<64xi32, #tpu.memory_space<vmem>>) semaphore(%arg20 : memref<!tpu.dma_semaphore, #tpu.memory_space<semaphore_mem>>) {add = true}
    %dma_wait3A_301 = arith.constant 0 : i32
    %dma_wait3A_302 = arith.constant 0 : i32
    %dma_wait3A_303 = tpu.memref_slice %arg2[%dma_wait3A_301, %dma_wait3A_302] : memref<10240x128xf32, #tpu.memory_space<hbm>> -> memref<64x128xf32, #tpu.memory_space<hbm>>
    %dma_wait3A_304 = arith.constant 0 : i32
    %dma_wait3A_305 = arith.constant 0 : i32
    %dma_wait3A_306 = tpu.memref_slice %arg2[%dma_wait3A_304, %dma_wait3A_305] : memref<10240x128xf32, #tpu.memory_space<hbm>> -> memref<64x128xf32, #tpu.memory_space<hbm>>
    tpu.wait_dma2 semaphore(%arg17 : memref<!tpu.dma_semaphore, #tpu.memory_space<semaphore_mem>>) src(%dma_wait3A_306 : memref<64x128xf32, #tpu.memory_space<hbm>>) dst(%arg13 : memref<64x128xf32, #tpu.memory_space<vmem>>)
    %dma_start3A_307 = arith.constant 39 : i32
    %dma_start3A_308 = arith.constant 0 : i32
    %dma_start3A_309 = tpu.memref_slice %arg9[%dma_start3A_307, %dma_start3A_308] : memref<40x64xi32, #tpu.memory_space<vmem>> -> memref<1x64xi32, #tpu.memory_space<vmem>>
    %dma_start3A_310 = tpu.memref_squeeze %dma_start3A_309 : memref<1x64xi32, #tpu.memory_space<vmem>> -> memref<64xi32, #tpu.memory_space<vmem>>
    %dma_start3A_311 = arith.constant 0 : i32
    %dma_start3A_312 = arith.constant 0 : i32
    %dma_start3A_313 = tpu.memref_slice %arg7[%dma_start3A_311, %dma_start3A_312] : memref<10240x128xf32, #tpu.memory_space<vmem_shared>> -> memref<10240x128xf32, #tpu.memory_space<vmem_shared>>
    tpu.enqueue_indirect_dma source(%arg13 : memref<64x128xf32, #tpu.memory_space<vmem>>) target(%dma_start3A_313 : memref<10240x128xf32, #tpu.memory_space<vmem_shared>>) offsets(%dma_start3A_310 : memref<64xi32, #tpu.memory_space<vmem>>) semaphore(%arg21 : memref<!tpu.dma_semaphore, #tpu.memory_space<semaphore_mem>>) {add = true}
    %dma_wait3A_314 = arith.constant 0 : i32
    %dma_wait3A_315 = arith.constant 0 : i32
    %dma_wait3A_316 = tpu.memref_slice %arg7[%dma_wait3A_314, %dma_wait3A_315] : memref<10240x128xf32, #tpu.memory_space<vmem_shared>> -> memref<64x128xf32, #tpu.memory_space<vmem_shared>>
    %dma_wait3A_317 = arith.constant 0 : i32
    %dma_wait3A_318 = arith.constant 0 : i32
    %dma_wait3A_319 = tpu.memref_slice %arg7[%dma_wait3A_317, %dma_wait3A_318] : memref<10240x128xf32, #tpu.memory_space<vmem_shared>> -> memref<64x128xf32, #tpu.memory_space<vmem_shared>>
    tpu.wait_dma2 semaphore(%arg18 : memref<!tpu.dma_semaphore, #tpu.memory_space<semaphore_mem>>) src(%arg10 : memref<64x128xf32, #tpu.memory_space<vmem>>) dst(%dma_wait3A_319 : memref<64x128xf32, #tpu.memory_space<vmem_shared>>)
    %dma_wait3A_320 = arith.constant 0 : i32
    %dma_wait3A_321 = arith.constant 0 : i32
    %dma_wait3A_322 = tpu.memref_slice %arg7[%dma_wait3A_320, %dma_wait3A_321] : memref<10240x128xf32, #tpu.memory_space<vmem_shared>> -> memref<64x128xf32, #tpu.memory_space<vmem_shared>>
    %dma_wait3A_323 = arith.constant 0 : i32
    %dma_wait3A_324 = arith.constant 0 : i32
    %dma_wait3A_325 = tpu.memref_slice %arg7[%dma_wait3A_323, %dma_wait3A_324] : memref<10240x128xf32, #tpu.memory_space<vmem_shared>> -> memref<64x128xf32, #tpu.memory_space<vmem_shared>>
    tpu.wait_dma2 semaphore(%arg19 : memref<!tpu.dma_semaphore, #tpu.memory_space<semaphore_mem>>) src(%arg11 : memref<64x128xf32, #tpu.memory_space<vmem>>) dst(%dma_wait3A_325 : memref<64x128xf32, #tpu.memory_space<vmem_shared>>)
    %dma_wait3A_326 = arith.constant 0 : i32
    %dma_wait3A_327 = arith.constant 0 : i32
    %dma_wait3A_328 = tpu.memref_slice %arg7[%dma_wait3A_326, %dma_wait3A_327] : memref<10240x128xf32, #tpu.memory_space<vmem_shared>> -> memref<64x128xf32, #tpu.memory_space<vmem_shared>>
    %dma_wait3A_329 = arith.constant 0 : i32
    %dma_wait3A_330 = arith.constant 0 : i32
    %dma_wait3A_331 = tpu.memref_slice %arg7[%dma_wait3A_329, %dma_wait3A_330] : memref<10240x128xf32, #tpu.memory_space<vmem_shared>> -> memref<64x128xf32, #tpu.memory_space<vmem_shared>>
    tpu.wait_dma2 semaphore(%arg20 : memref<!tpu.dma_semaphore, #tpu.memory_space<semaphore_mem>>) src(%arg12 : memref<64x128xf32, #tpu.memory_space<vmem>>) dst(%dma_wait3A_331 : memref<64x128xf32, #tpu.memory_space<vmem_shared>>)
    %dma_wait3A_332 = arith.constant 0 : i32
    %dma_wait3A_333 = arith.constant 0 : i32
    %dma_wait3A_334 = tpu.memref_slice %arg7[%dma_wait3A_332, %dma_wait3A_333] : memref<10240x128xf32, #tpu.memory_space<vmem_shared>> -> memref<64x128xf32, #tpu.memory_space<vmem_shared>>
    %dma_wait3A_335 = arith.constant 0 : i32
    %dma_wait3A_336 = arith.constant 0 : i32
    %dma_wait3A_337 = tpu.memref_slice %arg7[%dma_wait3A_335, %dma_wait3A_336] : memref<10240x128xf32, #tpu.memory_space<vmem_shared>> -> memref<64x128xf32, #tpu.memory_space<vmem_shared>>
    tpu.wait_dma2 semaphore(%arg21 : memref<!tpu.dma_semaphore, #tpu.memory_space<semaphore_mem>>) src(%arg13 : memref<64x128xf32, #tpu.memory_space<vmem>>) dst(%dma_wait3A_337 : memref<64x128xf32, #tpu.memory_space<vmem_shared>>)
    %add3A_338 = arith.constant 120 : i32
    %add3A_339 = arith.addi %mul3A_4, %add3A_338 : i32
    "tpu.region"() ({
      %run_scoped3A = tpu.sem_alloc : memref<!tpu.dma_semaphore, #tpu.memory_space<semaphore_mem>>
      %dma_start3A_458 = arith.constant 0 : i32
      %dma_start3A_459 = tpu.memref_slice %arg3[%add3A_339, %dma_start3A_458] : memref<5120x64xi32, #tpu.memory_space<hbm>> -> memref<40x64xi32, #tpu.memory_space<hbm>>
      %dma_start3A_460 = arith.constant 0 : i32
      %dma_start3A_461 = tpu.memref_slice %arg3[%add3A_339, %dma_start3A_460] : memref<5120x64xi32, #tpu.memory_space<hbm>> -> memref<40x64xi32, #tpu.memory_space<hbm>>
      tpu.enqueue_dma source(%dma_start3A_461 : memref<40x64xi32, #tpu.memory_space<hbm>>) target(%arg8 : memref<40x64xi32, #tpu.memory_space<vmem>>) target_semaphore(%run_scoped3A : memref<!tpu.dma_semaphore, #tpu.memory_space<semaphore_mem>>)
      %dma_wait3A_462 = arith.constant 0 : i32
      %dma_wait3A_463 = tpu.memref_slice %arg3[%add3A_339, %dma_wait3A_462] : memref<5120x64xi32, #tpu.memory_space<hbm>> -> memref<40x64xi32, #tpu.memory_space<hbm>>
      %dma_wait3A_464 = arith.constant 0 : i32
      %dma_wait3A_465 = tpu.memref_slice %arg3[%add3A_339, %dma_wait3A_464] : memref<5120x64xi32, #tpu.memory_space<hbm>> -> memref<40x64xi32, #tpu.memory_space<hbm>>
      tpu.wait_dma2 semaphore(%run_scoped3A : memref<!tpu.dma_semaphore, #tpu.memory_space<semaphore_mem>>) src(%dma_wait3A_465 : memref<40x64xi32, #tpu.memory_space<hbm>>) dst(%arg8 : memref<40x64xi32, #tpu.memory_space<vmem>>)
      tpu.yield
    }) : () -> ()
    "tpu.region"() ({
      %run_scoped3A = tpu.sem_alloc : memref<!tpu.dma_semaphore, #tpu.memory_space<semaphore_mem>>
      %dma_start3A_458 = arith.constant 0 : i32
      %dma_start3A_459 = tpu.memref_slice %arg4[%add3A_339, %dma_start3A_458] : memref<5120x64xi32, #tpu.memory_space<hbm>> -> memref<40x64xi32, #tpu.memory_space<hbm>>
      %dma_start3A_460 = arith.constant 0 : i32
      %dma_start3A_461 = tpu.memref_slice %arg4[%add3A_339, %dma_start3A_460] : memref<5120x64xi32, #tpu.memory_space<hbm>> -> memref<40x64xi32, #tpu.memory_space<hbm>>
      tpu.enqueue_dma source(%dma_start3A_461 : memref<40x64xi32, #tpu.memory_space<hbm>>) target(%arg9 : memref<40x64xi32, #tpu.memory_space<vmem>>) target_semaphore(%run_scoped3A : memref<!tpu.dma_semaphore, #tpu.memory_space<semaphore_mem>>)
      %dma_wait3A_462 = arith.constant 0 : i32
      %dma_wait3A_463 = tpu.memref_slice %arg4[%add3A_339, %dma_wait3A_462] : memref<5120x64xi32, #tpu.memory_space<hbm>> -> memref<40x64xi32, #tpu.memory_space<hbm>>
      %dma_wait3A_464 = arith.constant 0 : i32
      %dma_wait3A_465 = tpu.memref_slice %arg4[%add3A_339, %dma_wait3A_464] : memref<5120x64xi32, #tpu.memory_space<hbm>> -> memref<40x64xi32, #tpu.memory_space<hbm>>
      tpu.wait_dma2 semaphore(%run_scoped3A : memref<!tpu.dma_semaphore, #tpu.memory_space<semaphore_mem>>) src(%dma_wait3A_465 : memref<40x64xi32, #tpu.memory_space<hbm>>) dst(%arg9 : memref<40x64xi32, #tpu.memory_space<vmem>>)
      tpu.yield
    }) : () -> ()
    %dma_start3A_340 = arith.constant 0 : i32
    %dma_start3A_341 = arith.constant 0 : i32
    %dma_start3A_342 = tpu.memref_slice %arg8[%dma_start3A_340, %dma_start3A_341] : memref<40x64xi32, #tpu.memory_space<vmem>> -> memref<1x64xi32, #tpu.memory_space<vmem>>
    %dma_start3A_343 = tpu.memref_squeeze %dma_start3A_342 : memref<1x64xi32, #tpu.memory_space<vmem>> -> memref<64xi32, #tpu.memory_space<vmem>>
    %dma_start3A_344 = arith.constant 0 : i32
    %dma_start3A_345 = arith.constant 0 : i32
    %dma_start3A_346 = tpu.memref_slice %arg2[%dma_start3A_344, %dma_start3A_345] : memref<10240x128xf32, #tpu.memory_space<hbm>> -> memref<10240x128xf32, #tpu.memory_space<hbm>>
    tpu.enqueue_indirect_dma source(%dma_start3A_346 : memref<10240x128xf32, #tpu.memory_space<hbm>>) target(%arg10 : memref<64x128xf32, #tpu.memory_space<vmem>>) offsets(%dma_start3A_343 : memref<64xi32, #tpu.memory_space<vmem>>) semaphore(%arg14 : memref<!tpu.dma_semaphore, #tpu.memory_space<semaphore_mem>>)
    %dma_start3A_347 = arith.constant 1 : i32
    %dma_start3A_348 = arith.constant 0 : i32
    %dma_start3A_349 = tpu.memref_slice %arg8[%dma_start3A_347, %dma_start3A_348] : memref<40x64xi32, #tpu.memory_space<vmem>> -> memref<1x64xi32, #tpu.memory_space<vmem>>
    %dma_start3A_350 = tpu.memref_squeeze %dma_start3A_349 : memref<1x64xi32, #tpu.memory_space<vmem>> -> memref<64xi32, #tpu.memory_space<vmem>>
    %dma_start3A_351 = arith.constant 0 : i32
    %dma_start3A_352 = arith.constant 0 : i32
    %dma_start3A_353 = tpu.memref_slice %arg2[%dma_start3A_351, %dma_start3A_352] : memref<10240x128xf32, #tpu.memory_space<hbm>> -> memref<10240x128xf32, #tpu.memory_space<hbm>>
    tpu.enqueue_indirect_dma source(%dma_start3A_353 : memref<10240x128xf32, #tpu.memory_space<hbm>>) target(%arg11 : memref<64x128xf32, #tpu.memory_space<vmem>>) offsets(%dma_start3A_350 : memref<64xi32, #tpu.memory_space<vmem>>) semaphore(%arg15 : memref<!tpu.dma_semaphore, #tpu.memory_space<semaphore_mem>>)
    %dma_start3A_354 = arith.constant 2 : i32
    %dma_start3A_355 = arith.constant 0 : i32
    %dma_start3A_356 = tpu.memref_slice %arg8[%dma_start3A_354, %dma_start3A_355] : memref<40x64xi32, #tpu.memory_space<vmem>> -> memref<1x64xi32, #tpu.memory_space<vmem>>
    %dma_start3A_357 = tpu.memref_squeeze %dma_start3A_356 : memref<1x64xi32, #tpu.memory_space<vmem>> -> memref<64xi32, #tpu.memory_space<vmem>>
    %dma_start3A_358 = arith.constant 0 : i32
    %dma_start3A_359 = arith.constant 0 : i32
    %dma_start3A_360 = tpu.memref_slice %arg2[%dma_start3A_358, %dma_start3A_359] : memref<10240x128xf32, #tpu.memory_space<hbm>> -> memref<10240x128xf32, #tpu.memory_space<hbm>>
    tpu.enqueue_indirect_dma source(%dma_start3A_360 : memref<10240x128xf32, #tpu.memory_space<hbm>>) target(%arg12 : memref<64x128xf32, #tpu.memory_space<vmem>>) offsets(%dma_start3A_357 : memref<64xi32, #tpu.memory_space<vmem>>) semaphore(%arg16 : memref<!tpu.dma_semaphore, #tpu.memory_space<semaphore_mem>>)
    %dma_start3A_361 = arith.constant 3 : i32
    %dma_start3A_362 = arith.constant 0 : i32
    %dma_start3A_363 = tpu.memref_slice %arg8[%dma_start3A_361, %dma_start3A_362] : memref<40x64xi32, #tpu.memory_space<vmem>> -> memref<1x64xi32, #tpu.memory_space<vmem>>
    %dma_start3A_364 = tpu.memref_squeeze %dma_start3A_363 : memref<1x64xi32, #tpu.memory_space<vmem>> -> memref<64xi32, #tpu.memory_space<vmem>>
    %dma_start3A_365 = arith.constant 0 : i32
    %dma_start3A_366 = arith.constant 0 : i32
    %dma_start3A_367 = tpu.memref_slice %arg2[%dma_start3A_365, %dma_start3A_366] : memref<10240x128xf32, #tpu.memory_space<hbm>> -> memref<10240x128xf32, #tpu.memory_space<hbm>>
    tpu.enqueue_indirect_dma source(%dma_start3A_367 : memref<10240x128xf32, #tpu.memory_space<hbm>>) target(%arg13 : memref<64x128xf32, #tpu.memory_space<vmem>>) offsets(%dma_start3A_364 : memref<64xi32, #tpu.memory_space<vmem>>) semaphore(%arg17 : memref<!tpu.dma_semaphore, #tpu.memory_space<semaphore_mem>>)
    %scan3A_368 = arith.constant 0 : i32
    %scan3A_369 = arith.constant 0 : i32
    %scan3A_370 = arith.constant 9 : i32
    %scan3A_371 = arith.addi %scan3A_369, %scan3A_370 : i32
    %scan3A_372 = arith.constant 1 : i32
    scf.for %scan3A_458 = %scan3A_369 to %scan3A_371 step %scan3A_372  : i32 {
      %mul3A_459 = arith.constant 4 : i32
      %mul3A_460 = arith.muli %scan3A_458, %mul3A_459 : i32
      %dma_wait3A_461 = arith.constant 0 : i32
      %dma_wait3A_462 = arith.constant 0 : i32
      %dma_wait3A_463 = tpu.memref_slice %arg2[%dma_wait3A_461, %dma_wait3A_462] : memref<10240x128xf32, #tpu.memory_space<hbm>> -> memref<64x128xf32, #tpu.memory_space<hbm>>
      %dma_wait3A_464 = arith.constant 0 : i32
      %dma_wait3A_465 = arith.constant 0 : i32
      %dma_wait3A_466 = tpu.memref_slice %arg2[%dma_wait3A_464, %dma_wait3A_465] : memref<10240x128xf32, #tpu.memory_space<hbm>> -> memref<64x128xf32, #tpu.memory_space<hbm>>
      tpu.wait_dma2 semaphore(%arg14 : memref<!tpu.dma_semaphore, #tpu.memory_space<semaphore_mem>>) src(%dma_wait3A_466 : memref<64x128xf32, #tpu.memory_space<hbm>>) dst(%arg10 : memref<64x128xf32, #tpu.memory_space<vmem>>)
      %add3A_467 = arith.constant 0 : i32
      %add3A_468 = arith.addi %mul3A_460, %add3A_467 : i32
      %dma_start3A_469 = arith.constant 0 : i32
      %dma_start3A_470 = tpu.memref_slice %arg9[%add3A_468, %dma_start3A_469] : memref<40x64xi32, #tpu.memory_space<vmem>> -> memref<1x64xi32, #tpu.memory_space<vmem>>
      %dma_start3A_471 = tpu.memref_squeeze %dma_start3A_470 : memref<1x64xi32, #tpu.memory_space<vmem>> -> memref<64xi32, #tpu.memory_space<vmem>>
      %dma_start3A_472 = arith.constant 0 : i32
      %dma_start3A_473 = arith.constant 0 : i32
      %dma_start3A_474 = tpu.memref_slice %arg7[%dma_start3A_472, %dma_start3A_473] : memref<10240x128xf32, #tpu.memory_space<vmem_shared>> -> memref<10240x128xf32, #tpu.memory_space<vmem_shared>>
      tpu.enqueue_indirect_dma source(%arg10 : memref<64x128xf32, #tpu.memory_space<vmem>>) target(%dma_start3A_474 : memref<10240x128xf32, #tpu.memory_space<vmem_shared>>) offsets(%dma_start3A_471 : memref<64xi32, #tpu.memory_space<vmem>>) semaphore(%arg18 : memref<!tpu.dma_semaphore, #tpu.memory_space<semaphore_mem>>) {add = true}
      %dma_wait3A_475 = arith.constant 0 : i32
      %dma_wait3A_476 = arith.constant 0 : i32
      %dma_wait3A_477 = tpu.memref_slice %arg2[%dma_wait3A_475, %dma_wait3A_476] : memref<10240x128xf32, #tpu.memory_space<hbm>> -> memref<64x128xf32, #tpu.memory_space<hbm>>
      %dma_wait3A_478 = arith.constant 0 : i32
      %dma_wait3A_479 = arith.constant 0 : i32
      %dma_wait3A_480 = tpu.memref_slice %arg2[%dma_wait3A_478, %dma_wait3A_479] : memref<10240x128xf32, #tpu.memory_space<hbm>> -> memref<64x128xf32, #tpu.memory_space<hbm>>
      tpu.wait_dma2 semaphore(%arg15 : memref<!tpu.dma_semaphore, #tpu.memory_space<semaphore_mem>>) src(%dma_wait3A_480 : memref<64x128xf32, #tpu.memory_space<hbm>>) dst(%arg11 : memref<64x128xf32, #tpu.memory_space<vmem>>)
      %add3A_481 = arith.constant 1 : i32
      %add3A_482 = arith.addi %mul3A_460, %add3A_481 : i32
      %dma_start3A_483 = arith.constant 0 : i32
      %dma_start3A_484 = tpu.memref_slice %arg9[%add3A_482, %dma_start3A_483] : memref<40x64xi32, #tpu.memory_space<vmem>> -> memref<1x64xi32, #tpu.memory_space<vmem>>
      %dma_start3A_485 = tpu.memref_squeeze %dma_start3A_484 : memref<1x64xi32, #tpu.memory_space<vmem>> -> memref<64xi32, #tpu.memory_space<vmem>>
      %dma_start3A_486 = arith.constant 0 : i32
      %dma_start3A_487 = arith.constant 0 : i32
      %dma_start3A_488 = tpu.memref_slice %arg7[%dma_start3A_486, %dma_start3A_487] : memref<10240x128xf32, #tpu.memory_space<vmem_shared>> -> memref<10240x128xf32, #tpu.memory_space<vmem_shared>>
      tpu.enqueue_indirect_dma source(%arg11 : memref<64x128xf32, #tpu.memory_space<vmem>>) target(%dma_start3A_488 : memref<10240x128xf32, #tpu.memory_space<vmem_shared>>) offsets(%dma_start3A_485 : memref<64xi32, #tpu.memory_space<vmem>>) semaphore(%arg19 : memref<!tpu.dma_semaphore, #tpu.memory_space<semaphore_mem>>) {add = true}
      %dma_wait3A_489 = arith.constant 0 : i32
      %dma_wait3A_490 = arith.constant 0 : i32
      %dma_wait3A_491 = tpu.memref_slice %arg2[%dma_wait3A_489, %dma_wait3A_490] : memref<10240x128xf32, #tpu.memory_space<hbm>> -> memref<64x128xf32, #tpu.memory_space<hbm>>
      %dma_wait3A_492 = arith.constant 0 : i32
      %dma_wait3A_493 = arith.constant 0 : i32
      %dma_wait3A_494 = tpu.memref_slice %arg2[%dma_wait3A_492, %dma_wait3A_493] : memref<10240x128xf32, #tpu.memory_space<hbm>> -> memref<64x128xf32, #tpu.memory_space<hbm>>
      tpu.wait_dma2 semaphore(%arg16 : memref<!tpu.dma_semaphore, #tpu.memory_space<semaphore_mem>>) src(%dma_wait3A_494 : memref<64x128xf32, #tpu.memory_space<hbm>>) dst(%arg12 : memref<64x128xf32, #tpu.memory_space<vmem>>)
      %add3A_495 = arith.constant 2 : i32
      %add3A_496 = arith.addi %mul3A_460, %add3A_495 : i32
      %dma_start3A_497 = arith.constant 0 : i32
      %dma_start3A_498 = tpu.memref_slice %arg9[%add3A_496, %dma_start3A_497] : memref<40x64xi32, #tpu.memory_space<vmem>> -> memref<1x64xi32, #tpu.memory_space<vmem>>
      %dma_start3A_499 = tpu.memref_squeeze %dma_start3A_498 : memref<1x64xi32, #tpu.memory_space<vmem>> -> memref<64xi32, #tpu.memory_space<vmem>>
      %dma_start3A_500 = arith.constant 0 : i32
      %dma_start3A_501 = arith.constant 0 : i32
      %dma_start3A_502 = tpu.memref_slice %arg7[%dma_start3A_500, %dma_start3A_501] : memref<10240x128xf32, #tpu.memory_space<vmem_shared>> -> memref<10240x128xf32, #tpu.memory_space<vmem_shared>>
      tpu.enqueue_indirect_dma source(%arg12 : memref<64x128xf32, #tpu.memory_space<vmem>>) target(%dma_start3A_502 : memref<10240x128xf32, #tpu.memory_space<vmem_shared>>) offsets(%dma_start3A_499 : memref<64xi32, #tpu.memory_space<vmem>>) semaphore(%arg20 : memref<!tpu.dma_semaphore, #tpu.memory_space<semaphore_mem>>) {add = true}
      %dma_wait3A_503 = arith.constant 0 : i32
      %dma_wait3A_504 = arith.constant 0 : i32
      %dma_wait3A_505 = tpu.memref_slice %arg2[%dma_wait3A_503, %dma_wait3A_504] : memref<10240x128xf32, #tpu.memory_space<hbm>> -> memref<64x128xf32, #tpu.memory_space<hbm>>
      %dma_wait3A_506 = arith.constant 0 : i32
      %dma_wait3A_507 = arith.constant 0 : i32
      %dma_wait3A_508 = tpu.memref_slice %arg2[%dma_wait3A_506, %dma_wait3A_507] : memref<10240x128xf32, #tpu.memory_space<hbm>> -> memref<64x128xf32, #tpu.memory_space<hbm>>
      tpu.wait_dma2 semaphore(%arg17 : memref<!tpu.dma_semaphore, #tpu.memory_space<semaphore_mem>>) src(%dma_wait3A_508 : memref<64x128xf32, #tpu.memory_space<hbm>>) dst(%arg13 : memref<64x128xf32, #tpu.memory_space<vmem>>)
      %add3A_509 = arith.constant 3 : i32
      %add3A_510 = arith.addi %mul3A_460, %add3A_509 : i32
      %dma_start3A_511 = arith.constant 0 : i32
      %dma_start3A_512 = tpu.memref_slice %arg9[%add3A_510, %dma_start3A_511] : memref<40x64xi32, #tpu.memory_space<vmem>> -> memref<1x64xi32, #tpu.memory_space<vmem>>
      %dma_start3A_513 = tpu.memref_squeeze %dma_start3A_512 : memref<1x64xi32, #tpu.memory_space<vmem>> -> memref<64xi32, #tpu.memory_space<vmem>>
      %dma_start3A_514 = arith.constant 0 : i32
      %dma_start3A_515 = arith.constant 0 : i32
      %dma_start3A_516 = tpu.memref_slice %arg7[%dma_start3A_514, %dma_start3A_515] : memref<10240x128xf32, #tpu.memory_space<vmem_shared>> -> memref<10240x128xf32, #tpu.memory_space<vmem_shared>>
      tpu.enqueue_indirect_dma source(%arg13 : memref<64x128xf32, #tpu.memory_space<vmem>>) target(%dma_start3A_516 : memref<10240x128xf32, #tpu.memory_space<vmem_shared>>) offsets(%dma_start3A_513 : memref<64xi32, #tpu.memory_space<vmem>>) semaphore(%arg21 : memref<!tpu.dma_semaphore, #tpu.memory_space<semaphore_mem>>) {add = true}
      %dma_wait3A_517 = arith.constant 0 : i32
      %dma_wait3A_518 = arith.constant 0 : i32
      %dma_wait3A_519 = tpu.memref_slice %arg7[%dma_wait3A_517, %dma_wait3A_518] : memref<10240x128xf32, #tpu.memory_space<vmem_shared>> -> memref<64x128xf32, #tpu.memory_space<vmem_shared>>
      %dma_wait3A_520 = arith.constant 0 : i32
      %dma_wait3A_521 = arith.constant 0 : i32
      %dma_wait3A_522 = tpu.memref_slice %arg7[%dma_wait3A_520, %dma_wait3A_521] : memref<10240x128xf32, #tpu.memory_space<vmem_shared>> -> memref<64x128xf32, #tpu.memory_space<vmem_shared>>
      tpu.wait_dma2 semaphore(%arg18 : memref<!tpu.dma_semaphore, #tpu.memory_space<semaphore_mem>>) src(%arg10 : memref<64x128xf32, #tpu.memory_space<vmem>>) dst(%dma_wait3A_522 : memref<64x128xf32, #tpu.memory_space<vmem_shared>>)
      %add3A_523 = arith.constant 4 : i32
      %add3A_524 = arith.addi %mul3A_460, %add3A_523 : i32
      %add3A_525 = arith.constant 0 : i32
      %add3A_526 = arith.addi %add3A_524, %add3A_525 : i32
      %dma_start3A_527 = arith.constant 0 : i32
      %dma_start3A_528 = tpu.memref_slice %arg8[%add3A_526, %dma_start3A_527] : memref<40x64xi32, #tpu.memory_space<vmem>> -> memref<1x64xi32, #tpu.memory_space<vmem>>
      %dma_start3A_529 = tpu.memref_squeeze %dma_start3A_528 : memref<1x64xi32, #tpu.memory_space<vmem>> -> memref<64xi32, #tpu.memory_space<vmem>>
      %dma_start3A_530 = arith.constant 0 : i32
      %dma_start3A_531 = arith.constant 0 : i32
      %dma_start3A_532 = tpu.memref_slice %arg2[%dma_start3A_530, %dma_start3A_531] : memref<10240x128xf32, #tpu.memory_space<hbm>> -> memref<10240x128xf32, #tpu.memory_space<hbm>>
      tpu.enqueue_indirect_dma source(%dma_start3A_532 : memref<10240x128xf32, #tpu.memory_space<hbm>>) target(%arg10 : memref<64x128xf32, #tpu.memory_space<vmem>>) offsets(%dma_start3A_529 : memref<64xi32, #tpu.memory_space<vmem>>) semaphore(%arg14 : memref<!tpu.dma_semaphore, #tpu.memory_space<semaphore_mem>>)
      %dma_wait3A_533 = arith.constant 0 : i32
      %dma_wait3A_534 = arith.constant 0 : i32
      %dma_wait3A_535 = tpu.memref_slice %arg7[%dma_wait3A_533, %dma_wait3A_534] : memref<10240x128xf32, #tpu.memory_space<vmem_shared>> -> memref<64x128xf32, #tpu.memory_space<vmem_shared>>
      %dma_wait3A_536 = arith.constant 0 : i32
      %dma_wait3A_537 = arith.constant 0 : i32
      %dma_wait3A_538 = tpu.memref_slice %arg7[%dma_wait3A_536, %dma_wait3A_537] : memref<10240x128xf32, #tpu.memory_space<vmem_shared>> -> memref<64x128xf32, #tpu.memory_space<vmem_shared>>
      tpu.wait_dma2 semaphore(%arg19 : memref<!tpu.dma_semaphore, #tpu.memory_space<semaphore_mem>>) src(%arg11 : memref<64x128xf32, #tpu.memory_space<vmem>>) dst(%dma_wait3A_538 : memref<64x128xf32, #tpu.memory_space<vmem_shared>>)
      %add3A_539 = arith.constant 4 : i32
      %add3A_540 = arith.addi %mul3A_460, %add3A_539 : i32
      %add3A_541 = arith.constant 1 : i32
      %add3A_542 = arith.addi %add3A_540, %add3A_541 : i32
      %dma_start3A_543 = arith.constant 0 : i32
      %dma_start3A_544 = tpu.memref_slice %arg8[%add3A_542, %dma_start3A_543] : memref<40x64xi32, #tpu.memory_space<vmem>> -> memref<1x64xi32, #tpu.memory_space<vmem>>
      %dma_start3A_545 = tpu.memref_squeeze %dma_start3A_544 : memref<1x64xi32, #tpu.memory_space<vmem>> -> memref<64xi32, #tpu.memory_space<vmem>>
      %dma_start3A_546 = arith.constant 0 : i32
      %dma_start3A_547 = arith.constant 0 : i32
      %dma_start3A_548 = tpu.memref_slice %arg2[%dma_start3A_546, %dma_start3A_547] : memref<10240x128xf32, #tpu.memory_space<hbm>> -> memref<10240x128xf32, #tpu.memory_space<hbm>>
      tpu.enqueue_indirect_dma source(%dma_start3A_548 : memref<10240x128xf32, #tpu.memory_space<hbm>>) target(%arg11 : memref<64x128xf32, #tpu.memory_space<vmem>>) offsets(%dma_start3A_545 : memref<64xi32, #tpu.memory_space<vmem>>) semaphore(%arg15 : memref<!tpu.dma_semaphore, #tpu.memory_space<semaphore_mem>>)
      %dma_wait3A_549 = arith.constant 0 : i32
      %dma_wait3A_550 = arith.constant 0 : i32
      %dma_wait3A_551 = tpu.memref_slice %arg7[%dma_wait3A_549, %dma_wait3A_550] : memref<10240x128xf32, #tpu.memory_space<vmem_shared>> -> memref<64x128xf32, #tpu.memory_space<vmem_shared>>
      %dma_wait3A_552 = arith.constant 0 : i32
      %dma_wait3A_553 = arith.constant 0 : i32
      %dma_wait3A_554 = tpu.memref_slice %arg7[%dma_wait3A_552, %dma_wait3A_553] : memref<10240x128xf32, #tpu.memory_space<vmem_shared>> -> memref<64x128xf32, #tpu.memory_space<vmem_shared>>
      tpu.wait_dma2 semaphore(%arg20 : memref<!tpu.dma_semaphore, #tpu.memory_space<semaphore_mem>>) src(%arg12 : memref<64x128xf32, #tpu.memory_space<vmem>>) dst(%dma_wait3A_554 : memref<64x128xf32, #tpu.memory_space<vmem_shared>>)
      %add3A_555 = arith.constant 4 : i32
      %add3A_556 = arith.addi %mul3A_460, %add3A_555 : i32
      %add3A_557 = arith.constant 2 : i32
      %add3A_558 = arith.addi %add3A_556, %add3A_557 : i32
      %dma_start3A_559 = arith.constant 0 : i32
      %dma_start3A_560 = tpu.memref_slice %arg8[%add3A_558, %dma_start3A_559] : memref<40x64xi32, #tpu.memory_space<vmem>> -> memref<1x64xi32, #tpu.memory_space<vmem>>
      %dma_start3A_561 = tpu.memref_squeeze %dma_start3A_560 : memref<1x64xi32, #tpu.memory_space<vmem>> -> memref<64xi32, #tpu.memory_space<vmem>>
      %dma_start3A_562 = arith.constant 0 : i32
      %dma_start3A_563 = arith.constant 0 : i32
      %dma_start3A_564 = tpu.memref_slice %arg2[%dma_start3A_562, %dma_start3A_563] : memref<10240x128xf32, #tpu.memory_space<hbm>> -> memref<10240x128xf32, #tpu.memory_space<hbm>>
      tpu.enqueue_indirect_dma source(%dma_start3A_564 : memref<10240x128xf32, #tpu.memory_space<hbm>>) target(%arg12 : memref<64x128xf32, #tpu.memory_space<vmem>>) offsets(%dma_start3A_561 : memref<64xi32, #tpu.memory_space<vmem>>) semaphore(%arg16 : memref<!tpu.dma_semaphore, #tpu.memory_space<semaphore_mem>>)
      %dma_wait3A_565 = arith.constant 0 : i32
      %dma_wait3A_566 = arith.constant 0 : i32
      %dma_wait3A_567 = tpu.memref_slice %arg7[%dma_wait3A_565, %dma_wait3A_566] : memref<10240x128xf32, #tpu.memory_space<vmem_shared>> -> memref<64x128xf32, #tpu.memory_space<vmem_shared>>
      %dma_wait3A_568 = arith.constant 0 : i32
      %dma_wait3A_569 = arith.constant 0 : i32
      %dma_wait3A_570 = tpu.memref_slice %arg7[%dma_wait3A_568, %dma_wait3A_569] : memref<10240x128xf32, #tpu.memory_space<vmem_shared>> -> memref<64x128xf32, #tpu.memory_space<vmem_shared>>
      tpu.wait_dma2 semaphore(%arg21 : memref<!tpu.dma_semaphore, #tpu.memory_space<semaphore_mem>>) src(%arg13 : memref<64x128xf32, #tpu.memory_space<vmem>>) dst(%dma_wait3A_570 : memref<64x128xf32, #tpu.memory_space<vmem_shared>>)
      %add3A_571 = arith.constant 4 : i32
      %add3A_572 = arith.addi %mul3A_460, %add3A_571 : i32
      %add3A_573 = arith.constant 3 : i32
      %add3A_574 = arith.addi %add3A_572, %add3A_573 : i32
      %dma_start3A_575 = arith.constant 0 : i32
      %dma_start3A_576 = tpu.memref_slice %arg8[%add3A_574, %dma_start3A_575] : memref<40x64xi32, #tpu.memory_space<vmem>> -> memref<1x64xi32, #tpu.memory_space<vmem>>
      %dma_start3A_577 = tpu.memref_squeeze %dma_start3A_576 : memref<1x64xi32, #tpu.memory_space<vmem>> -> memref<64xi32, #tpu.memory_space<vmem>>
      %dma_start3A_578 = arith.constant 0 : i32
      %dma_start3A_579 = arith.constant 0 : i32
      %dma_start3A_580 = tpu.memref_slice %arg2[%dma_start3A_578, %dma_start3A_579] : memref<10240x128xf32, #tpu.memory_space<hbm>> -> memref<10240x128xf32, #tpu.memory_space<hbm>>
      tpu.enqueue_indirect_dma source(%dma_start3A_580 : memref<10240x128xf32, #tpu.memory_space<hbm>>) target(%arg13 : memref<64x128xf32, #tpu.memory_space<vmem>>) offsets(%dma_start3A_577 : memref<64xi32, #tpu.memory_space<vmem>>) semaphore(%arg17 : memref<!tpu.dma_semaphore, #tpu.memory_space<semaphore_mem>>)
    }
    %scan3A_373 = arith.constant 9 : i32
    %dma_wait3A_374 = arith.constant 0 : i32
    %dma_wait3A_375 = arith.constant 0 : i32
    %dma_wait3A_376 = tpu.memref_slice %arg2[%dma_wait3A_374, %dma_wait3A_375] : memref<10240x128xf32, #tpu.memory_space<hbm>> -> memref<64x128xf32, #tpu.memory_space<hbm>>
    %dma_wait3A_377 = arith.constant 0 : i32
    %dma_wait3A_378 = arith.constant 0 : i32
    %dma_wait3A_379 = tpu.memref_slice %arg2[%dma_wait3A_377, %dma_wait3A_378] : memref<10240x128xf32, #tpu.memory_space<hbm>> -> memref<64x128xf32, #tpu.memory_space<hbm>>
    tpu.wait_dma2 semaphore(%arg14 : memref<!tpu.dma_semaphore, #tpu.memory_space<semaphore_mem>>) src(%dma_wait3A_379 : memref<64x128xf32, #tpu.memory_space<hbm>>) dst(%arg10 : memref<64x128xf32, #tpu.memory_space<vmem>>)
    %dma_start3A_380 = arith.constant 36 : i32
    %dma_start3A_381 = arith.constant 0 : i32
    %dma_start3A_382 = tpu.memref_slice %arg9[%dma_start3A_380, %dma_start3A_381] : memref<40x64xi32, #tpu.memory_space<vmem>> -> memref<1x64xi32, #tpu.memory_space<vmem>>
    %dma_start3A_383 = tpu.memref_squeeze %dma_start3A_382 : memref<1x64xi32, #tpu.memory_space<vmem>> -> memref<64xi32, #tpu.memory_space<vmem>>
    %dma_start3A_384 = arith.constant 0 : i32
    %dma_start3A_385 = arith.constant 0 : i32
    %dma_start3A_386 = tpu.memref_slice %arg7[%dma_start3A_384, %dma_start3A_385] : memref<10240x128xf32, #tpu.memory_space<vmem_shared>> -> memref<10240x128xf32, #tpu.memory_space<vmem_shared>>
    tpu.enqueue_indirect_dma source(%arg10 : memref<64x128xf32, #tpu.memory_space<vmem>>) target(%dma_start3A_386 : memref<10240x128xf32, #tpu.memory_space<vmem_shared>>) offsets(%dma_start3A_383 : memref<64xi32, #tpu.memory_space<vmem>>) semaphore(%arg18 : memref<!tpu.dma_semaphore, #tpu.memory_space<semaphore_mem>>) {add = true}
    %dma_wait3A_387 = arith.constant 0 : i32
    %dma_wait3A_388 = arith.constant 0 : i32
    %dma_wait3A_389 = tpu.memref_slice %arg2[%dma_wait3A_387, %dma_wait3A_388] : memref<10240x128xf32, #tpu.memory_space<hbm>> -> memref<64x128xf32, #tpu.memory_space<hbm>>
    %dma_wait3A_390 = arith.constant 0 : i32
    %dma_wait3A_391 = arith.constant 0 : i32
    %dma_wait3A_392 = tpu.memref_slice %arg2[%dma_wait3A_390, %dma_wait3A_391] : memref<10240x128xf32, #tpu.memory_space<hbm>> -> memref<64x128xf32, #tpu.memory_space<hbm>>
    tpu.wait_dma2 semaphore(%arg15 : memref<!tpu.dma_semaphore, #tpu.memory_space<semaphore_mem>>) src(%dma_wait3A_392 : memref<64x128xf32, #tpu.memory_space<hbm>>) dst(%arg11 : memref<64x128xf32, #tpu.memory_space<vmem>>)
    %dma_start3A_393 = arith.constant 37 : i32
    %dma_start3A_394 = arith.constant 0 : i32
    %dma_start3A_395 = tpu.memref_slice %arg9[%dma_start3A_393, %dma_start3A_394] : memref<40x64xi32, #tpu.memory_space<vmem>> -> memref<1x64xi32, #tpu.memory_space<vmem>>
    %dma_start3A_396 = tpu.memref_squeeze %dma_start3A_395 : memref<1x64xi32, #tpu.memory_space<vmem>> -> memref<64xi32, #tpu.memory_space<vmem>>
    %dma_start3A_397 = arith.constant 0 : i32
    %dma_start3A_398 = arith.constant 0 : i32
    %dma_start3A_399 = tpu.memref_slice %arg7[%dma_start3A_397, %dma_start3A_398] : memref<10240x128xf32, #tpu.memory_space<vmem_shared>> -> memref<10240x128xf32, #tpu.memory_space<vmem_shared>>
    tpu.enqueue_indirect_dma source(%arg11 : memref<64x128xf32, #tpu.memory_space<vmem>>) target(%dma_start3A_399 : memref<10240x128xf32, #tpu.memory_space<vmem_shared>>) offsets(%dma_start3A_396 : memref<64xi32, #tpu.memory_space<vmem>>) semaphore(%arg19 : memref<!tpu.dma_semaphore, #tpu.memory_space<semaphore_mem>>) {add = true}
    %dma_wait3A_400 = arith.constant 0 : i32
    %dma_wait3A_401 = arith.constant 0 : i32
    %dma_wait3A_402 = tpu.memref_slice %arg2[%dma_wait3A_400, %dma_wait3A_401] : memref<10240x128xf32, #tpu.memory_space<hbm>> -> memref<64x128xf32, #tpu.memory_space<hbm>>
    %dma_wait3A_403 = arith.constant 0 : i32
    %dma_wait3A_404 = arith.constant 0 : i32
    %dma_wait3A_405 = tpu.memref_slice %arg2[%dma_wait3A_403, %dma_wait3A_404] : memref<10240x128xf32, #tpu.memory_space<hbm>> -> memref<64x128xf32, #tpu.memory_space<hbm>>
    tpu.wait_dma2 semaphore(%arg16 : memref<!tpu.dma_semaphore, #tpu.memory_space<semaphore_mem>>) src(%dma_wait3A_405 : memref<64x128xf32, #tpu.memory_space<hbm>>) dst(%arg12 : memref<64x128xf32, #tpu.memory_space<vmem>>)
    %dma_start3A_406 = arith.constant 38 : i32
    %dma_start3A_407 = arith.constant 0 : i32
    %dma_start3A_408 = tpu.memref_slice %arg9[%dma_start3A_406, %dma_start3A_407] : memref<40x64xi32, #tpu.memory_space<vmem>> -> memref<1x64xi32, #tpu.memory_space<vmem>>
    %dma_start3A_409 = tpu.memref_squeeze %dma_start3A_408 : memref<1x64xi32, #tpu.memory_space<vmem>> -> memref<64xi32, #tpu.memory_space<vmem>>
    %dma_start3A_410 = arith.constant 0 : i32
    %dma_start3A_411 = arith.constant 0 : i32
    %dma_start3A_412 = tpu.memref_slice %arg7[%dma_start3A_410, %dma_start3A_411] : memref<10240x128xf32, #tpu.memory_space<vmem_shared>> -> memref<10240x128xf32, #tpu.memory_space<vmem_shared>>
    tpu.enqueue_indirect_dma source(%arg12 : memref<64x128xf32, #tpu.memory_space<vmem>>) target(%dma_start3A_412 : memref<10240x128xf32, #tpu.memory_space<vmem_shared>>) offsets(%dma_start3A_409 : memref<64xi32, #tpu.memory_space<vmem>>) semaphore(%arg20 : memref<!tpu.dma_semaphore, #tpu.memory_space<semaphore_mem>>) {add = true}
    %dma_wait3A_413 = arith.constant 0 : i32
    %dma_wait3A_414 = arith.constant 0 : i32
    %dma_wait3A_415 = tpu.memref_slice %arg2[%dma_wait3A_413, %dma_wait3A_414] : memref<10240x128xf32, #tpu.memory_space<hbm>> -> memref<64x128xf32, #tpu.memory_space<hbm>>
    %dma_wait3A_416 = arith.constant 0 : i32
    %dma_wait3A_417 = arith.constant 0 : i32
    %dma_wait3A_418 = tpu.memref_slice %arg2[%dma_wait3A_416, %dma_wait3A_417] : memref<10240x128xf32, #tpu.memory_space<hbm>> -> memref<64x128xf32, #tpu.memory_space<hbm>>
    tpu.wait_dma2 semaphore(%arg17 : memref<!tpu.dma_semaphore, #tpu.memory_space<semaphore_mem>>) src(%dma_wait3A_418 : memref<64x128xf32, #tpu.memory_space<hbm>>) dst(%arg13 : memref<64x128xf32, #tpu.memory_space<vmem>>)
    %dma_start3A_419 = arith.constant 39 : i32
    %dma_start3A_420 = arith.constant 0 : i32
    %dma_start3A_421 = tpu.memref_slice %arg9[%dma_start3A_419, %dma_start3A_420] : memref<40x64xi32, #tpu.memory_space<vmem>> -> memref<1x64xi32, #tpu.memory_space<vmem>>
    %dma_start3A_422 = tpu.memref_squeeze %dma_start3A_421 : memref<1x64xi32, #tpu.memory_space<vmem>> -> memref<64xi32, #tpu.memory_space<vmem>>
    %dma_start3A_423 = arith.constant 0 : i32
    %dma_start3A_424 = arith.constant 0 : i32
    %dma_start3A_425 = tpu.memref_slice %arg7[%dma_start3A_423, %dma_start3A_424] : memref<10240x128xf32, #tpu.memory_space<vmem_shared>> -> memref<10240x128xf32, #tpu.memory_space<vmem_shared>>
    tpu.enqueue_indirect_dma source(%arg13 : memref<64x128xf32, #tpu.memory_space<vmem>>) target(%dma_start3A_425 : memref<10240x128xf32, #tpu.memory_space<vmem_shared>>) offsets(%dma_start3A_422 : memref<64xi32, #tpu.memory_space<vmem>>) semaphore(%arg21 : memref<!tpu.dma_semaphore, #tpu.memory_space<semaphore_mem>>) {add = true}
    %dma_wait3A_426 = arith.constant 0 : i32
    %dma_wait3A_427 = arith.constant 0 : i32
    %dma_wait3A_428 = tpu.memref_slice %arg7[%dma_wait3A_426, %dma_wait3A_427] : memref<10240x128xf32, #tpu.memory_space<vmem_shared>> -> memref<64x128xf32, #tpu.memory_space<vmem_shared>>
    %dma_wait3A_429 = arith.constant 0 : i32
    %dma_wait3A_430 = arith.constant 0 : i32
    %dma_wait3A_431 = tpu.memref_slice %arg7[%dma_wait3A_429, %dma_wait3A_430] : memref<10240x128xf32, #tpu.memory_space<vmem_shared>> -> memref<64x128xf32, #tpu.memory_space<vmem_shared>>
    tpu.wait_dma2 semaphore(%arg18 : memref<!tpu.dma_semaphore, #tpu.memory_space<semaphore_mem>>) src(%arg10 : memref<64x128xf32, #tpu.memory_space<vmem>>) dst(%dma_wait3A_431 : memref<64x128xf32, #tpu.memory_space<vmem_shared>>)
    %dma_wait3A_432 = arith.constant 0 : i32
    %dma_wait3A_433 = arith.constant 0 : i32
    %dma_wait3A_434 = tpu.memref_slice %arg7[%dma_wait3A_432, %dma_wait3A_433] : memref<10240x128xf32, #tpu.memory_space<vmem_shared>> -> memref<64x128xf32, #tpu.memory_space<vmem_shared>>
    %dma_wait3A_435 = arith.constant 0 : i32
    %dma_wait3A_436 = arith.constant 0 : i32
    %dma_wait3A_437 = tpu.memref_slice %arg7[%dma_wait3A_435, %dma_wait3A_436] : memref<10240x128xf32, #tpu.memory_space<vmem_shared>> -> memref<64x128xf32, #tpu.memory_space<vmem_shared>>
    tpu.wait_dma2 semaphore(%arg19 : memref<!tpu.dma_semaphore, #tpu.memory_space<semaphore_mem>>) src(%arg11 : memref<64x128xf32, #tpu.memory_space<vmem>>) dst(%dma_wait3A_437 : memref<64x128xf32, #tpu.memory_space<vmem_shared>>)
    %dma_wait3A_438 = arith.constant 0 : i32
    %dma_wait3A_439 = arith.constant 0 : i32
    %dma_wait3A_440 = tpu.memref_slice %arg7[%dma_wait3A_438, %dma_wait3A_439] : memref<10240x128xf32, #tpu.memory_space<vmem_shared>> -> memref<64x128xf32, #tpu.memory_space<vmem_shared>>
    %dma_wait3A_441 = arith.constant 0 : i32
    %dma_wait3A_442 = arith.constant 0 : i32
    %dma_wait3A_443 = tpu.memref_slice %arg7[%dma_wait3A_441, %dma_wait3A_442] : memref<10240x128xf32, #tpu.memory_space<vmem_shared>> -> memref<64x128xf32, #tpu.memory_space<vmem_shared>>
    tpu.wait_dma2 semaphore(%arg20 : memref<!tpu.dma_semaphore, #tpu.memory_space<semaphore_mem>>) src(%arg12 : memref<64x128xf32, #tpu.memory_space<vmem>>) dst(%dma_wait3A_443 : memref<64x128xf32, #tpu.memory_space<vmem_shared>>)
    %dma_wait3A_444 = arith.constant 0 : i32
    %dma_wait3A_445 = arith.constant 0 : i32
    %dma_wait3A_446 = tpu.memref_slice %arg7[%dma_wait3A_444, %dma_wait3A_445] : memref<10240x128xf32, #tpu.memory_space<vmem_shared>> -> memref<64x128xf32, #tpu.memory_space<vmem_shared>>
    %dma_wait3A_447 = arith.constant 0 : i32
    %dma_wait3A_448 = arith.constant 0 : i32
    %dma_wait3A_449 = tpu.memref_slice %arg7[%dma_wait3A_447, %dma_wait3A_448] : memref<10240x128xf32, #tpu.memory_space<vmem_shared>> -> memref<64x128xf32, #tpu.memory_space<vmem_shared>>
    tpu.wait_dma2 semaphore(%arg21 : memref<!tpu.dma_semaphore, #tpu.memory_space<semaphore_mem>>) src(%arg13 : memref<64x128xf32, #tpu.memory_space<vmem>>) dst(%dma_wait3A_449 : memref<64x128xf32, #tpu.memory_space<vmem_shared>>)
    %barrier3A_450 = arith.constant 0 : index
    tpu.barrier barrier_id(%barrier3A_450)
    %mul3A_451 = arith.constant 640 : i32
    %mul3A_452 = arith.muli %arg1, %mul3A_451 : i32
    %mul3A_453 = arith.constant 16 : i32
    %mul3A_454 = arith.muli %arg0, %mul3A_453 : i32
    %add3A_455 = arith.addi %mul3A_454, %arg1 : i32
    %mul3A_456 = arith.constant 640 : i32
    %mul3A_457 = arith.muli %add3A_455, %mul3A_456 : i32
    "tpu.region"() ({
      %run_scoped3A = tpu.sem_alloc : memref<!tpu.dma_semaphore, #tpu.memory_space<semaphore_mem>>
      %dma_start3A_458 = arith.constant 0 : i32
      %dma_start3A_459 = tpu.memref_slice %arg6[%mul3A_457, %dma_start3A_458] : memref<20480x128xf32, #tpu.memory_space<hbm>> -> memref<640x128xf32, #tpu.memory_space<hbm>>
      %dma_start3A_460 = arith.constant 0 : i32
      %dma_start3A_461 = tpu.memref_slice %arg7[%mul3A_452, %dma_start3A_460] : memref<10240x128xf32, #tpu.memory_space<vmem_shared>> -> memref<640x128xf32, #tpu.memory_space<vmem_shared>>
      tpu.enqueue_dma source(%dma_start3A_461 : memref<640x128xf32, #tpu.memory_space<vmem_shared>>) target(%dma_start3A_459 : memref<640x128xf32, #tpu.memory_space<hbm>>) target_semaphore(%run_scoped3A : memref<!tpu.dma_semaphore, #tpu.memory_space<semaphore_mem>>)
      %dma_wait3A_462 = arith.constant 0 : i32
      %dma_wait3A_463 = tpu.memref_slice %arg6[%mul3A_457, %dma_wait3A_462] : memref<20480x128xf32, #tpu.memory_space<hbm>> -> memref<640x128xf32, #tpu.memory_space<hbm>>
      %dma_wait3A_464 = arith.constant 0 : i32
      %dma_wait3A_465 = tpu.memref_slice %arg7[%mul3A_452, %dma_wait3A_464] : memref<10240x128xf32, #tpu.memory_space<vmem_shared>> -> memref<640x128xf32, #tpu.memory_space<vmem_shared>>
      tpu.wait_dma2 semaphore(%run_scoped3A : memref<!tpu.dma_semaphore, #tpu.memory_space<semaphore_mem>>) src(%dma_wait3A_465 : memref<640x128xf32, #tpu.memory_space<vmem_shared>>) dst(%dma_wait3A_463 : memref<640x128xf32, #tpu.memory_space<hbm>>)
      tpu.yield
    }) : () -> ()
    return
  }
}

#map = affine_map<(d0, d1) -> (0, 0)>
#map1 = affine_map<(d0, d1) -> (0)>
module attributes {stable_mosaic.version = 14 : i64} {
  func.func @_sc_deg_emb_body(%arg0: i32, %arg1: i32, %arg2: memref<2560x128xi32, #tpu.memory_space<hbm>>, %arg3: memref<128x80xi32, #tpu.memory_space<hbm>>, %arg4: memref<50000x128xf32, #tpu.memory_space<hbm>>, %arg5: memref<10240xf32, #tpu.memory_space<hbm>>, %arg6: memref<10240x128xf32, #tpu.memory_space<hbm>>, %arg7: memref<10240xf32, #tpu.memory_space<vmem_shared>>, %arg8: memref<160x128xi32, #tpu.memory_space<vmem>>, %arg9: memref<128xf32, #tpu.memory_space<vmem>>, %arg10: memref<640xf32, #tpu.memory_space<vmem>>, %arg11: memref<8x80xi32, #tpu.memory_space<vmem>>, %arg12: memref<80x128xf32, #tpu.memory_space<vmem>>, %arg13: memref<80x128xf32, #tpu.memory_space<vmem>>, %arg14: memref<!tpu.dma_semaphore, #tpu.memory_space<semaphore_mem>>, %arg15: memref<!tpu.dma_semaphore, #tpu.memory_space<semaphore_mem>>) attributes {dimension_semantics = [#tpu.dimension_semantics<core_parallel>, #tpu.dimension_semantics<subcore_parallel>], iteration_bounds = array<i64: 2, 16>, scalar_prefetch = 0 : i64, scratch_operands = 9 : i64, tpu.core_type = #tpu.core_type<sc_vector_subcore>, window_params = [{transform_indices = #map}, {transform_indices = #map}, {transform_indices = #map}, {transform_indices = #map1}, {transform_indices = #map}]} {
    %eq3A = arith.constant 0 : i32
    %eq3A_0 = arith.cmpi eq, %arg0, %eq3A : i32
    %convert_element_type3A = arith.extui %eq3A_0 : i1 to i32
    %cond3A = arith.constant 0 : i32
    %cond3A_1 = arith.cmpi ne, %convert_element_type3A, %cond3A : i32
    scf.if %cond3A_1 {
      %broadcast_in_dim3A = arith.constant 0.000000e+00 : f32
      %broadcast_in_dim3A_18 = vector.broadcast %broadcast_in_dim3A : f32 to vector<16xf32>
      %broadcast_in_dim3A_19 = arith.constant 1.000000e+00 : f32
      %broadcast_in_dim3A_20 = vector.broadcast %broadcast_in_dim3A_19 : f32 to vector<16xf32>
      %scan3A = arith.constant 0 : i32
      %scan3A_21 = arith.constant 0 : i32
      %scan3A_22 = arith.constant 40 : i32
      %scan3A_23 = arith.addi %scan3A_21, %scan3A_22 : i32
      %scan3A_24 = arith.constant 1 : i32
      scf.for %scan3A_33 = %scan3A_21 to %scan3A_23 step %scan3A_24  : i32 {
        %mul3A_34 = arith.constant 16 : i32
        %mul3A_35 = arith.muli %scan3A_33, %mul3A_34 : i32
        %swap3A = arith.index_cast %mul3A_35 : i32 to index
        %swap3A_36 = tpu.vector_load %arg10[%swap3A] {strides = array<i32>} : memref<640xf32, #tpu.memory_space<vmem>>, vector<16xf32>,
        %swap3A_37 = vector.shape_cast %swap3A_36 : vector<16xf32> to vector<16xf32>
        %swap3A_38 = vector.shape_cast %broadcast_in_dim3A_18 : vector<16xf32> to vector<16xf32>
        tpu.vector_store %arg10[%swap3A], %swap3A_38 {strides = array<i32>} : memref<640xf32, #tpu.memory_space<vmem>>, vector<16xf32>,
      }
      %scan3A_25 = arith.constant 40 : i32
      %scan3A_26 = arith.constant 0 : i32
      %scan3A_27 = arith.constant 0 : i32
      %scan3A_28 = arith.constant 8 : i32
      %scan3A_29 = arith.addi %scan3A_27, %scan3A_28 : i32
      %scan3A_30 = arith.constant 1 : i32
      scf.for %scan3A_33 = %scan3A_27 to %scan3A_29 step %scan3A_30  : i32 {
        %mul3A_34 = arith.constant 16 : i32
        %mul3A_35 = arith.muli %scan3A_33, %mul3A_34 : i32
        %swap3A = arith.index_cast %mul3A_35 : i32 to index
        %swap3A_36 = tpu.vector_load %arg9[%swap3A] {strides = array<i32>} : memref<128xf32, #tpu.memory_space<vmem>>, vector<16xf32>,
        %swap3A_37 = vector.shape_cast %swap3A_36 : vector<16xf32> to vector<16xf32>
        %swap3A_38 = vector.shape_cast %broadcast_in_dim3A_20 : vector<16xf32> to vector<16xf32>
        tpu.vector_store %arg9[%swap3A], %swap3A_38 {strides = array<i32>} : memref<128xf32, #tpu.memory_space<vmem>>, vector<16xf32>,
      }
      %scan3A_31 = arith.constant 8 : i32
      %mul3A = arith.constant 640 : i32
      %mul3A_32 = arith.muli %arg1, %mul3A : i32
      "tpu.region"() ({
        %run_scoped3A = tpu.sem_alloc : memref<!tpu.dma_semaphore, #tpu.memory_space<semaphore_mem>>
        %dma_start3A = tpu.memref_slice %arg7[%mul3A_32] : memref<10240xf32, #tpu.memory_space<vmem_shared>> -> memref<640xf32, #tpu.memory_space<vmem_shared>>
        %dma_start3A_33 = tpu.memref_slice %arg7[%mul3A_32] : memref<10240xf32, #tpu.memory_space<vmem_shared>> -> memref<640xf32, #tpu.memory_space<vmem_shared>>
        tpu.enqueue_dma source(%arg10 : memref<640xf32, #tpu.memory_space<vmem>>) target(%dma_start3A_33 : memref<640xf32, #tpu.memory_space<vmem_shared>>) target_semaphore(%run_scoped3A : memref<!tpu.dma_semaphore, #tpu.memory_space<semaphore_mem>>)
        %dma_wait3A = tpu.memref_slice %arg7[%mul3A_32] : memref<10240xf32, #tpu.memory_space<vmem_shared>> -> memref<640xf32, #tpu.memory_space<vmem_shared>>
        %dma_wait3A_34 = tpu.memref_slice %arg7[%mul3A_32] : memref<10240xf32, #tpu.memory_space<vmem_shared>> -> memref<640xf32, #tpu.memory_space<vmem_shared>>
        tpu.wait_dma2 semaphore(%run_scoped3A : memref<!tpu.dma_semaphore, #tpu.memory_space<semaphore_mem>>) src(%arg10 : memref<640xf32, #tpu.memory_space<vmem>>) dst(%dma_wait3A_34 : memref<640xf32, #tpu.memory_space<vmem_shared>>)
        tpu.yield
      }) : () -> ()
    } else {
    }
    %barrier3A = arith.constant 0 : index
    tpu.barrier barrier_id(%barrier3A)
    %eq3A_2 = arith.constant 0 : i32
    %eq3A_3 = arith.cmpi eq, %arg0, %eq3A_2 : i32
    %convert_element_type3A_4 = arith.extui %eq3A_3 : i1 to i32
    %cond3A_5 = arith.constant 0 : i32
    %cond3A_6 = arith.cmpi ne, %convert_element_type3A_4, %cond3A_5 : i32
    scf.if %cond3A_6 {
      %mul3A = arith.constant 160 : i32
      %mul3A_18 = arith.muli %arg1, %mul3A : i32
      "tpu.region"() ({
        %run_scoped3A = tpu.sem_alloc : memref<!tpu.dma_semaphore, #tpu.memory_space<semaphore_mem>>
        %dma_start3A = arith.constant 0 : i32
        %dma_start3A_24 = tpu.memref_slice %arg2[%mul3A_18, %dma_start3A] : memref<2560x128xi32, #tpu.memory_space<hbm>> -> memref<160x128xi32, #tpu.memory_space<hbm>>
        %dma_start3A_25 = arith.constant 0 : i32
        %dma_start3A_26 = tpu.memref_slice %arg2[%mul3A_18, %dma_start3A_25] : memref<2560x128xi32, #tpu.memory_space<hbm>> -> memref<160x128xi32, #tpu.memory_space<hbm>>
        tpu.enqueue_dma source(%dma_start3A_26 : memref<160x128xi32, #tpu.memory_space<hbm>>) target(%arg8 : memref<160x128xi32, #tpu.memory_space<vmem>>) target_semaphore(%run_scoped3A : memref<!tpu.dma_semaphore, #tpu.memory_space<semaphore_mem>>)
        %dma_wait3A = arith.constant 0 : i32
        %dma_wait3A_27 = tpu.memref_slice %arg2[%mul3A_18, %dma_wait3A] : memref<2560x128xi32, #tpu.memory_space<hbm>> -> memref<160x128xi32, #tpu.memory_space<hbm>>
        %dma_wait3A_28 = arith.constant 0 : i32
        %dma_wait3A_29 = tpu.memref_slice %arg2[%mul3A_18, %dma_wait3A_28] : memref<2560x128xi32, #tpu.memory_space<hbm>> -> memref<160x128xi32, #tpu.memory_space<hbm>>
        tpu.wait_dma2 semaphore(%run_scoped3A : memref<!tpu.dma_semaphore, #tpu.memory_space<semaphore_mem>>) src(%dma_wait3A_29 : memref<160x128xi32, #tpu.memory_space<hbm>>) dst(%arg8 : memref<160x128xi32, #tpu.memory_space<vmem>>)
        tpu.yield
      }) : () -> ()
      %scan3A = arith.constant 0 : i32
      %scan3A_19 = arith.constant 0 : i32
      %scan3A_20 = arith.constant 160 : i32
      %scan3A_21 = arith.addi %scan3A_19, %scan3A_20 : i32
      %scan3A_22 = arith.constant 1 : i32
      scf.for %scan3A_24 = %scan3A_19 to %scan3A_21 step %scan3A_22  : i32 {
        "tpu.region"() ({
          %run_scoped3A = tpu.sem_alloc : memref<!tpu.dma_semaphore, #tpu.memory_space<semaphore_mem>>
          %dma_start3A = arith.constant 0 : i32
          %dma_start3A_25 = tpu.memref_slice %arg8[%scan3A_24, %dma_start3A] : memref<160x128xi32, #tpu.memory_space<vmem>> -> memref<1x128xi32, #tpu.memory_space<vmem>>
          %dma_start3A_26 = tpu.memref_squeeze %dma_start3A_25 : memref<1x128xi32, #tpu.memory_space<vmem>> -> memref<128xi32, #tpu.memory_space<vmem>>
          %dma_start3A_27 = arith.constant 0 : i32
          %dma_start3A_28 = tpu.memref_slice %arg7[%dma_start3A_27] : memref<10240xf32, #tpu.memory_space<vmem_shared>> -> memref<10240xf32, #tpu.memory_space<vmem_shared>>
          tpu.enqueue_indirect_dma source(%arg9 : memref<128xf32, #tpu.memory_space<vmem>>) target(%dma_start3A_28 : memref<10240xf32, #tpu.memory_space<vmem_shared>>) offsets(%dma_start3A_26 : memref<128xi32, #tpu.memory_space<vmem>>) semaphore(%run_scoped3A : memref<!tpu.dma_semaphore, #tpu.memory_space<semaphore_mem>>) {add = true}
          %dma_wait3A = arith.constant 0 : i32
          %dma_wait3A_29 = tpu.memref_slice %arg8[%scan3A_24, %dma_wait3A] : memref<160x128xi32, #tpu.memory_space<vmem>> -> memref<1x128xi32, #tpu.memory_space<vmem>>
          %dma_wait3A_30 = tpu.memref_squeeze %dma_wait3A_29 : memref<1x128xi32, #tpu.memory_space<vmem>> -> memref<128xi32, #tpu.memory_space<vmem>>
          %dma_wait3A_31 = arith.constant 0 : i32
          %dma_wait3A_32 = tpu.memref_slice %arg7[%dma_wait3A_31] : memref<10240xf32, #tpu.memory_space<vmem_shared>> -> memref<10240xf32, #tpu.memory_space<vmem_shared>>
          tpu.wait_indirect_dma semaphore(%run_scoped3A : memref<!tpu.dma_semaphore, #tpu.memory_space<semaphore_mem>>) src(%arg9 : memref<128xf32, #tpu.memory_space<vmem>>) dst(%dma_wait3A_32 : memref<10240xf32, #tpu.memory_space<vmem_shared>>)
          tpu.yield
        }) : () -> ()
      }
      %scan3A_23 = arith.constant 160 : i32
    } else {
    }
    %eq3A_7 = arith.constant 1 : i32
    %eq3A_8 = arith.cmpi eq, %arg0, %eq3A_7 : i32
    %convert_element_type3A_9 = arith.extui %eq3A_8 : i1 to i32
    %cond3A_10 = arith.constant 0 : i32
    %cond3A_11 = arith.cmpi ne, %convert_element_type3A_9, %cond3A_10 : i32
    scf.if %cond3A_11 {
      %mul3A = arith.constant 8 : i32
      %mul3A_18 = arith.muli %arg1, %mul3A : i32
      "tpu.region"() ({
        %run_scoped3A = tpu.sem_alloc : memref<!tpu.dma_semaphore, #tpu.memory_space<semaphore_mem>>
        %dma_start3A_37 = arith.constant 0 : i32
        %dma_start3A_38 = tpu.memref_slice %arg3[%mul3A_18, %dma_start3A_37] : memref<128x80xi32, #tpu.memory_space<hbm>> -> memref<8x80xi32, #tpu.memory_space<hbm>>
        %dma_start3A_39 = arith.constant 0 : i32
        %dma_start3A_40 = tpu.memref_slice %arg3[%mul3A_18, %dma_start3A_39] : memref<128x80xi32, #tpu.memory_space<hbm>> -> memref<8x80xi32, #tpu.memory_space<hbm>>
        tpu.enqueue_dma source(%dma_start3A_40 : memref<8x80xi32, #tpu.memory_space<hbm>>) target(%arg11 : memref<8x80xi32, #tpu.memory_space<vmem>>) target_semaphore(%run_scoped3A : memref<!tpu.dma_semaphore, #tpu.memory_space<semaphore_mem>>)
        %dma_wait3A = arith.constant 0 : i32
        %dma_wait3A_41 = tpu.memref_slice %arg3[%mul3A_18, %dma_wait3A] : memref<128x80xi32, #tpu.memory_space<hbm>> -> memref<8x80xi32, #tpu.memory_space<hbm>>
        %dma_wait3A_42 = arith.constant 0 : i32
        %dma_wait3A_43 = tpu.memref_slice %arg3[%mul3A_18, %dma_wait3A_42] : memref<128x80xi32, #tpu.memory_space<hbm>> -> memref<8x80xi32, #tpu.memory_space<hbm>>
        tpu.wait_dma2 semaphore(%run_scoped3A : memref<!tpu.dma_semaphore, #tpu.memory_space<semaphore_mem>>) src(%dma_wait3A_43 : memref<8x80xi32, #tpu.memory_space<hbm>>) dst(%arg11 : memref<8x80xi32, #tpu.memory_space<vmem>>)
        tpu.yield
      }) : () -> ()
      %dma_start3A = arith.constant 0 : i32
      %dma_start3A_19 = arith.constant 0 : i32
      %dma_start3A_20 = tpu.memref_slice %arg11[%dma_start3A, %dma_start3A_19] : memref<8x80xi32, #tpu.memory_space<vmem>> -> memref<1x80xi32, #tpu.memory_space<vmem>>
      %dma_start3A_21 = tpu.memref_squeeze %dma_start3A_20 : memref<1x80xi32, #tpu.memory_space<vmem>> -> memref<80xi32, #tpu.memory_space<vmem>>
      %dma_start3A_22 = arith.constant 0 : i32
      %dma_start3A_23 = arith.constant 0 : i32
      %dma_start3A_24 = tpu.memref_slice %arg4[%dma_start3A_22, %dma_start3A_23] : memref<50000x128xf32, #tpu.memory_space<hbm>> -> memref<50000x128xf32, #tpu.memory_space<hbm>>
      tpu.enqueue_indirect_dma source(%dma_start3A_24 : memref<50000x128xf32, #tpu.memory_space<hbm>>) target(%arg12 : memref<80x128xf32, #tpu.memory_space<vmem>>) offsets(%dma_start3A_21 : memref<80xi32, #tpu.memory_space<vmem>>) semaphore(%arg14 : memref<!tpu.dma_semaphore, #tpu.memory_space<semaphore_mem>>)
      %dma_start3A_25 = arith.constant 1 : i32
      %dma_start3A_26 = arith.constant 0 : i32
      %dma_start3A_27 = tpu.memref_slice %arg11[%dma_start3A_25, %dma_start3A_26] : memref<8x80xi32, #tpu.memory_space<vmem>> -> memref<1x80xi32, #tpu.memory_space<vmem>>
      %dma_start3A_28 = tpu.memref_squeeze %dma_start3A_27 : memref<1x80xi32, #tpu.memory_space<vmem>> -> memref<80xi32, #tpu.memory_space<vmem>>
      %dma_start3A_29 = arith.constant 0 : i32
      %dma_start3A_30 = arith.constant 0 : i32
      %dma_start3A_31 = tpu.memref_slice %arg4[%dma_start3A_29, %dma_start3A_30] : memref<50000x128xf32, #tpu.memory_space<hbm>> -> memref<50000x128xf32, #tpu.memory_space<hbm>>
      tpu.enqueue_indirect_dma source(%dma_start3A_31 : memref<50000x128xf32, #tpu.memory_space<hbm>>) target(%arg13 : memref<80x128xf32, #tpu.memory_space<vmem>>) offsets(%dma_start3A_28 : memref<80xi32, #tpu.memory_space<vmem>>) semaphore(%arg15 : memref<!tpu.dma_semaphore, #tpu.memory_space<semaphore_mem>>)
      %scan3A = arith.constant 0 : i32
      %scan3A_32 = arith.constant 0 : i32
      %scan3A_33 = arith.constant 4 : i32
      %scan3A_34 = arith.addi %scan3A_32, %scan3A_33 : i32
      %scan3A_35 = arith.constant 1 : i32
      scf.for %scan3A_37 = %scan3A_32 to %scan3A_34 step %scan3A_35  : i32 {
        %mul3A_38 = arith.constant 2 : i32
        %mul3A_39 = arith.muli %scan3A_37, %mul3A_38 : i32
        %dma_wait3A = arith.constant 0 : i32
        %dma_wait3A_40 = arith.constant 0 : i32
        %dma_wait3A_41 = tpu.memref_slice %arg4[%dma_wait3A, %dma_wait3A_40] : memref<50000x128xf32, #tpu.memory_space<hbm>> -> memref<80x128xf32, #tpu.memory_space<hbm>>
        %dma_wait3A_42 = arith.constant 0 : i32
        %dma_wait3A_43 = arith.constant 0 : i32
        %dma_wait3A_44 = tpu.memref_slice %arg4[%dma_wait3A_42, %dma_wait3A_43] : memref<50000x128xf32, #tpu.memory_space<hbm>> -> memref<80x128xf32, #tpu.memory_space<hbm>>
        tpu.wait_dma2 semaphore(%arg14 : memref<!tpu.dma_semaphore, #tpu.memory_space<semaphore_mem>>) src(%dma_wait3A_44 : memref<80x128xf32, #tpu.memory_space<hbm>>) dst(%arg12 : memref<80x128xf32, #tpu.memory_space<vmem>>)
        %mul3A_45 = arith.constant 640 : i32
        %mul3A_46 = arith.muli %arg1, %mul3A_45 : i32
        %mul3A_47 = arith.constant 80 : i32
        %mul3A_48 = arith.muli %mul3A_39, %mul3A_47 : i32
        %add3A = arith.addi %mul3A_46, %mul3A_48 : i32
        "tpu.region"() ({
          %run_scoped3A = tpu.sem_alloc : memref<!tpu.dma_semaphore, #tpu.memory_space<semaphore_mem>>
          %dma_start3A_75 = arith.constant 0 : i32
          %dma_start3A_76 = tpu.memref_slice %arg6[%add3A, %dma_start3A_75] : memref<10240x128xf32, #tpu.memory_space<hbm>> -> memref<80x128xf32, #tpu.memory_space<hbm>>
          %dma_start3A_77 = arith.constant 0 : i32
          %dma_start3A_78 = tpu.memref_slice %arg6[%add3A, %dma_start3A_77] : memref<10240x128xf32, #tpu.memory_space<hbm>> -> memref<80x128xf32, #tpu.memory_space<hbm>>
          tpu.enqueue_dma source(%arg12 : memref<80x128xf32, #tpu.memory_space<vmem>>) target(%dma_start3A_78 : memref<80x128xf32, #tpu.memory_space<hbm>>) target_semaphore(%run_scoped3A : memref<!tpu.dma_semaphore, #tpu.memory_space<semaphore_mem>>)
          %dma_wait3A_79 = arith.constant 0 : i32
          %dma_wait3A_80 = tpu.memref_slice %arg6[%add3A, %dma_wait3A_79] : memref<10240x128xf32, #tpu.memory_space<hbm>> -> memref<80x128xf32, #tpu.memory_space<hbm>>
          %dma_wait3A_81 = arith.constant 0 : i32
          %dma_wait3A_82 = tpu.memref_slice %arg6[%add3A, %dma_wait3A_81] : memref<10240x128xf32, #tpu.memory_space<hbm>> -> memref<80x128xf32, #tpu.memory_space<hbm>>
          tpu.wait_dma2 semaphore(%run_scoped3A : memref<!tpu.dma_semaphore, #tpu.memory_space<semaphore_mem>>) src(%arg12 : memref<80x128xf32, #tpu.memory_space<vmem>>) dst(%dma_wait3A_82 : memref<80x128xf32, #tpu.memory_space<hbm>>)
          tpu.yield
        }) : () -> ()
        %add3A_49 = arith.constant 2 : i32
        %add3A_50 = arith.addi %mul3A_39, %add3A_49 : i32
        %lt3A = arith.constant 8 : i32
        %lt3A_51 = arith.cmpi slt, %add3A_50, %lt3A : i32
        %convert_element_type3A_52 = arith.extui %lt3A_51 : i1 to i32
        %cond3A_53 = arith.constant 0 : i32
        %cond3A_54 = arith.cmpi ne, %convert_element_type3A_52, %cond3A_53 : i32
        scf.if %cond3A_54 {
          %add3A_75 = arith.constant 2 : i32
          %add3A_76 = arith.addi %mul3A_39, %add3A_75 : i32
          %dma_start3A_77 = arith.constant 0 : i32
          %dma_start3A_78 = tpu.memref_slice %arg11[%add3A_76, %dma_start3A_77] : memref<8x80xi32, #tpu.memory_space<vmem>> -> memref<1x80xi32, #tpu.memory_space<vmem>>
          %dma_start3A_79 = tpu.memref_squeeze %dma_start3A_78 : memref<1x80xi32, #tpu.memory_space<vmem>> -> memref<80xi32, #tpu.memory_space<vmem>>
          %dma_start3A_80 = arith.constant 0 : i32
          %dma_start3A_81 = arith.constant 0 : i32
          %dma_start3A_82 = tpu.memref_slice %arg4[%dma_start3A_80, %dma_start3A_81] : memref<50000x128xf32, #tpu.memory_space<hbm>> -> memref<50000x128xf32, #tpu.memory_space<hbm>>
          tpu.enqueue_indirect_dma source(%dma_start3A_82 : memref<50000x128xf32, #tpu.memory_space<hbm>>) target(%arg12 : memref<80x128xf32, #tpu.memory_space<vmem>>) offsets(%dma_start3A_79 : memref<80xi32, #tpu.memory_space<vmem>>) semaphore(%arg14 : memref<!tpu.dma_semaphore, #tpu.memory_space<semaphore_mem>>)
        } else {
        }
        %dma_wait3A_55 = arith.constant 0 : i32
        %dma_wait3A_56 = arith.constant 0 : i32
        %dma_wait3A_57 = tpu.memref_slice %arg4[%dma_wait3A_55, %dma_wait3A_56] : memref<50000x128xf32, #tpu.memory_space<hbm>> -> memref<80x128xf32, #tpu.memory_space<hbm>>
        %dma_wait3A_58 = arith.constant 0 : i32
        %dma_wait3A_59 = arith.constant 0 : i32
        %dma_wait3A_60 = tpu.memref_slice %arg4[%dma_wait3A_58, %dma_wait3A_59] : memref<50000x128xf32, #tpu.memory_space<hbm>> -> memref<80x128xf32, #tpu.memory_space<hbm>>
        tpu.wait_dma2 semaphore(%arg15 : memref<!tpu.dma_semaphore, #tpu.memory_space<semaphore_mem>>) src(%dma_wait3A_60 : memref<80x128xf32, #tpu.memory_space<hbm>>) dst(%arg13 : memref<80x128xf32, #tpu.memory_space<vmem>>)
        %mul3A_61 = arith.constant 640 : i32
        %mul3A_62 = arith.muli %arg1, %mul3A_61 : i32
        %add3A_63 = arith.constant 1 : i32
        %add3A_64 = arith.addi %mul3A_39, %add3A_63 : i32
        %mul3A_65 = arith.constant 80 : i32
        %mul3A_66 = arith.muli %add3A_64, %mul3A_65 : i32
        %add3A_67 = arith.addi %mul3A_62, %mul3A_66 : i32
        "tpu.region"() ({
          %run_scoped3A = tpu.sem_alloc : memref<!tpu.dma_semaphore, #tpu.memory_space<semaphore_mem>>
          %dma_start3A_75 = arith.constant 0 : i32
          %dma_start3A_76 = tpu.memref_slice %arg6[%add3A_67, %dma_start3A_75] : memref<10240x128xf32, #tpu.memory_space<hbm>> -> memref<80x128xf32, #tpu.memory_space<hbm>>
          %dma_start3A_77 = arith.constant 0 : i32
          %dma_start3A_78 = tpu.memref_slice %arg6[%add3A_67, %dma_start3A_77] : memref<10240x128xf32, #tpu.memory_space<hbm>> -> memref<80x128xf32, #tpu.memory_space<hbm>>
          tpu.enqueue_dma source(%arg13 : memref<80x128xf32, #tpu.memory_space<vmem>>) target(%dma_start3A_78 : memref<80x128xf32, #tpu.memory_space<hbm>>) target_semaphore(%run_scoped3A : memref<!tpu.dma_semaphore, #tpu.memory_space<semaphore_mem>>)
          %dma_wait3A_79 = arith.constant 0 : i32
          %dma_wait3A_80 = tpu.memref_slice %arg6[%add3A_67, %dma_wait3A_79] : memref<10240x128xf32, #tpu.memory_space<hbm>> -> memref<80x128xf32, #tpu.memory_space<hbm>>
          %dma_wait3A_81 = arith.constant 0 : i32
          %dma_wait3A_82 = tpu.memref_slice %arg6[%add3A_67, %dma_wait3A_81] : memref<10240x128xf32, #tpu.memory_space<hbm>> -> memref<80x128xf32, #tpu.memory_space<hbm>>
          tpu.wait_dma2 semaphore(%run_scoped3A : memref<!tpu.dma_semaphore, #tpu.memory_space<semaphore_mem>>) src(%arg13 : memref<80x128xf32, #tpu.memory_space<vmem>>) dst(%dma_wait3A_82 : memref<80x128xf32, #tpu.memory_space<hbm>>)
          tpu.yield
        }) : () -> ()
        %add3A_68 = arith.constant 3 : i32
        %add3A_69 = arith.addi %mul3A_39, %add3A_68 : i32
        %lt3A_70 = arith.constant 8 : i32
        %lt3A_71 = arith.cmpi slt, %add3A_69, %lt3A_70 : i32
        %convert_element_type3A_72 = arith.extui %lt3A_71 : i1 to i32
        %cond3A_73 = arith.constant 0 : i32
        %cond3A_74 = arith.cmpi ne, %convert_element_type3A_72, %cond3A_73 : i32
        scf.if %cond3A_74 {
          %add3A_75 = arith.constant 3 : i32
          %add3A_76 = arith.addi %mul3A_39, %add3A_75 : i32
          %dma_start3A_77 = arith.constant 0 : i32
          %dma_start3A_78 = tpu.memref_slice %arg11[%add3A_76, %dma_start3A_77] : memref<8x80xi32, #tpu.memory_space<vmem>> -> memref<1x80xi32, #tpu.memory_space<vmem>>
          %dma_start3A_79 = tpu.memref_squeeze %dma_start3A_78 : memref<1x80xi32, #tpu.memory_space<vmem>> -> memref<80xi32, #tpu.memory_space<vmem>>
          %dma_start3A_80 = arith.constant 0 : i32
          %dma_start3A_81 = arith.constant 0 : i32
          %dma_start3A_82 = tpu.memref_slice %arg4[%dma_start3A_80, %dma_start3A_81] : memref<50000x128xf32, #tpu.memory_space<hbm>> -> memref<50000x128xf32, #tpu.memory_space<hbm>>
          tpu.enqueue_indirect_dma source(%dma_start3A_82 : memref<50000x128xf32, #tpu.memory_space<hbm>>) target(%arg13 : memref<80x128xf32, #tpu.memory_space<vmem>>) offsets(%dma_start3A_79 : memref<80xi32, #tpu.memory_space<vmem>>) semaphore(%arg15 : memref<!tpu.dma_semaphore, #tpu.memory_space<semaphore_mem>>)
        } else {
        }
      }
      %scan3A_36 = arith.constant 4 : i32
    } else {
    }
    %barrier3A_12 = arith.constant 0 : index
    tpu.barrier barrier_id(%barrier3A_12)
    %eq3A_13 = arith.constant 0 : i32
    %eq3A_14 = arith.cmpi eq, %arg0, %eq3A_13 : i32
    %convert_element_type3A_15 = arith.extui %eq3A_14 : i1 to i32
    %cond3A_16 = arith.constant 0 : i32
    %cond3A_17 = arith.cmpi ne, %convert_element_type3A_15, %cond3A_16 : i32
    scf.if %cond3A_17 {
      %mul3A = arith.constant 640 : i32
      %mul3A_18 = arith.muli %arg1, %mul3A : i32
      "tpu.region"() ({
        %run_scoped3A = tpu.sem_alloc : memref<!tpu.dma_semaphore, #tpu.memory_space<semaphore_mem>>
        %dma_start3A = tpu.memref_slice %arg7[%mul3A_18] : memref<10240xf32, #tpu.memory_space<vmem_shared>> -> memref<640xf32, #tpu.memory_space<vmem_shared>>
        %dma_start3A_21 = tpu.memref_slice %arg7[%mul3A_18] : memref<10240xf32, #tpu.memory_space<vmem_shared>> -> memref<640xf32, #tpu.memory_space<vmem_shared>>
        tpu.enqueue_dma source(%dma_start3A_21 : memref<640xf32, #tpu.memory_space<vmem_shared>>) target(%arg10 : memref<640xf32, #tpu.memory_space<vmem>>) target_semaphore(%run_scoped3A : memref<!tpu.dma_semaphore, #tpu.memory_space<semaphore_mem>>)
        %dma_wait3A = tpu.memref_slice %arg7[%mul3A_18] : memref<10240xf32, #tpu.memory_space<vmem_shared>> -> memref<640xf32, #tpu.memory_space<vmem_shared>>
        %dma_wait3A_22 = tpu.memref_slice %arg7[%mul3A_18] : memref<10240xf32, #tpu.memory_space<vmem_shared>> -> memref<640xf32, #tpu.memory_space<vmem_shared>>
        tpu.wait_dma2 semaphore(%run_scoped3A : memref<!tpu.dma_semaphore, #tpu.memory_space<semaphore_mem>>) src(%dma_wait3A_22 : memref<640xf32, #tpu.memory_space<vmem_shared>>) dst(%arg10 : memref<640xf32, #tpu.memory_space<vmem>>)
        tpu.yield
      }) : () -> ()
      %mul3A_19 = arith.constant 640 : i32
      %mul3A_20 = arith.muli %arg1, %mul3A_19 : i32
      "tpu.region"() ({
        %run_scoped3A = tpu.sem_alloc : memref<!tpu.dma_semaphore, #tpu.memory_space<semaphore_mem>>
        %dma_start3A = tpu.memref_slice %arg5[%mul3A_20] : memref<10240xf32, #tpu.memory_space<hbm>> -> memref<640xf32, #tpu.memory_space<hbm>>
        %dma_start3A_21 = tpu.memref_slice %arg5[%mul3A_20] : memref<10240xf32, #tpu.memory_space<hbm>> -> memref<640xf32, #tpu.memory_space<hbm>>
        tpu.enqueue_dma source(%arg10 : memref<640xf32, #tpu.memory_space<vmem>>) target(%dma_start3A_21 : memref<640xf32, #tpu.memory_space<hbm>>) target_semaphore(%run_scoped3A : memref<!tpu.dma_semaphore, #tpu.memory_space<semaphore_mem>>)
        %dma_wait3A = tpu.memref_slice %arg5[%mul3A_20] : memref<10240xf32, #tpu.memory_space<hbm>> -> memref<640xf32, #tpu.memory_space<hbm>>
        %dma_wait3A_22 = tpu.memref_slice %arg5[%mul3A_20] : memref<10240xf32, #tpu.memory_space<hbm>> -> memref<640xf32, #tpu.memory_space<hbm>>
        tpu.wait_dma2 semaphore(%run_scoped3A : memref<!tpu.dma_semaphore, #tpu.memory_space<semaphore_mem>>) src(%arg10 : memref<640xf32, #tpu.memory_space<vmem>>) dst(%dma_wait3A_22 : memref<640xf32, #tpu.memory_space<hbm>>)
        tpu.yield
      }) : () -> ()
    } else {
    }
    return
  }
}

module attributes {stable_mosaic.version = 14 : i64} {
  func.func @_tc_lin1_body(%arg0: i32, %arg1: memref<1280x128xf32, #tpu.memory_space<vmem>>, %arg2: memref<1280x1xi32, #tpu.memory_space<vmem>>, %arg3: memref<1280x1xf32, #tpu.memory_space<vmem>>, %arg4: memref<128x128xf32, #tpu.memory_space<vmem>>, %arg5: memref<1280x128xf32, #tpu.memory_space<vmem>>, %arg6: memref<1280x1xf32, #tpu.memory_space<vmem>>) attributes {dimension_semantics = [#tpu.dimension_semantics<arbitrary>], iteration_bounds = array<i64: 8>, scalar_prefetch = 0 : i64, scratch_operands = 0 : i64, tpu.core_type = #tpu.core_type<tc>, window_params = [{transform_indices = @transform_0, window_bounds = array<i64: 1280, 128>}, {transform_indices = @transform_1, window_bounds = array<i64: 1280, 1>}, {transform_indices = @transform_2, window_bounds = array<i64: 1280, 1>}, {pipeline_mode = #tpu.pipeline_mode<synchronous>, transform_indices = @transform_3, window_bounds = array<i64: 128, 128>}, {transform_indices = @transform_4, window_bounds = array<i64: 1280, 128>}, {transform_indices = @transform_5, window_bounds = array<i64: 1280, 1>}]} {
    %iota3A = tpu.iota {dimensions = array<i32: 1>} : vector<1280x128xi32>
    %lt3A = arith.constant 64 : i32
    %lt3A_0 = vector.broadcast %lt3A : i32 to vector<1280x128xi32>
    %lt3A_1 = arith.cmpi slt, %iota3A, %lt3A_0 : vector<1280x128xi32>
    %get3A = arith.constant 0 : index
    %get3A_2 = arith.constant 0 : index
    %get3A_3 = vector.load %arg2[%get3A, %get3A_2] : memref<1280x1xi32, #tpu.memory_space<vmem>>, vector<1280x1xi32>
    %eq3A = arith.constant 0 : i32
    %eq3A_4 = vector.broadcast %eq3A : i32 to vector<1280x1xi32>
    %eq3A_5 = arith.cmpi eq, %get3A_3, %eq3A_4 : vector<1280x1xi32>
    %eq3A_6 = vector.broadcast %eq3A_5 : vector<1280x1xi1> to vector<1280x128xi1>
    %eq3A_7 = vector.broadcast %eq3A_6 : vector<1280x128xi1> to vector<1280x128xi1>
    %eq3A_8 = arith.xori %lt3A_1, %eq3A_7 : vector<1280x128xi1>
    %eq3A_9 = arith.constant dense<true> : vector<1280x128xi1>
    %eq3A_10 = arith.xori %eq3A_8, %eq3A_9 : vector<1280x128xi1>
    %jit3A = arith.constant 1.000000e+00 : f32
    %jit3A_11 = arith.constant 0.000000e+00 : f32
    %broadcast_in_dim3A = vector.broadcast %jit3A : f32 to vector<1280x128xf32>
    %broadcast_in_dim3A_12 = vector.broadcast %jit3A_11 : f32 to vector<1280x128xf32>
    %select_n3A = arith.select %eq3A_10, %broadcast_in_dim3A, %broadcast_in_dim3A_12 : vector<1280x128xi1>, vector<1280x128xf32>
    %get3A_13 = arith.constant 0 : index
    %get3A_14 = arith.constant 0 : index
    %get3A_15 = vector.load %arg3[%get3A_13, %get3A_14] : memref<1280x1xf32, #tpu.memory_space<vmem>>, vector<1280x1xf32>
    %add3A = arith.constant 1.000000e+00 : f32
    %add3A_16 = vector.broadcast %add3A : f32 to vector<1280x1xf32>
    %add3A_17 = arith.addf %get3A_15, %add3A_16 : vector<1280x1xf32>
    %rsqrt3A = math.rsqrt %add3A_17 : vector<1280x1xf32>
    %get3A_18 = arith.constant 0 : index
    %get3A_19 = arith.constant 0 : index
    %get3A_20 = vector.load %arg1[%get3A_18, %get3A_19] : memref<1280x128xf32, #tpu.memory_space<vmem>>, vector<1280x128xf32>
    %mul3A = arith.mulf %get3A_20, %select_n3A : vector<1280x128xf32>
    %get3A_21 = arith.constant 0 : index
    %get3A_22 = arith.constant 0 : index
    %get3A_23 = vector.load %arg4[%get3A_21, %get3A_22] : memref<128x128xf32, #tpu.memory_space<vmem>>, vector<128x128xf32>
    %dot_general3A = arith.constant dense<0.000000e+00> : vector<1280x128xf32>
    %dot_general3A_24 = tpu.matmul %mul3A, %get3A_23, %dot_general3A {dimension_numbers = #tpu.dot_dimension_numbers<[1], [0], [0], [1], [0, 0, 1, 1], [], []>, transpose_lhs_hint = false} : vector<1280x128xf32>, vector<128x128xf32>, vector<1280x128xf32> -> vector<1280x128xf32>
    %mul3A_25 = vector.broadcast %rsqrt3A : vector<1280x1xf32> to vector<1280x128xf32>
    %mul3A_26 = arith.mulf %dot_general3A_24, %mul3A_25 : vector<1280x128xf32>
    %swap3A = arith.constant 0 : index
    %swap3A_27 = arith.constant 0 : index
    %swap3A_28 = vector.load %arg5[%swap3A, %swap3A_27] : memref<1280x128xf32, #tpu.memory_space<vmem>>, vector<1280x128xf32>
    tpu.vector_store %arg5[%swap3A, %swap3A_27], %mul3A_26 {strides = array<i32>} : memref<1280x128xf32, #tpu.memory_space<vmem>>, vector<1280x128xf32>,
    %swap3A_29 = arith.constant 0 : index
    %swap3A_30 = arith.constant 0 : index
    %swap3A_31 = vector.load %arg6[%swap3A_29, %swap3A_30] : memref<1280x1xf32, #tpu.memory_space<vmem>>, vector<1280x1xf32>
    tpu.vector_store %arg6[%swap3A_29, %swap3A_30], %rsqrt3A {strides = array<i32>} : memref<1280x1xf32, #tpu.memory_space<vmem>>, vector<1280x1xf32>,
    return
  }
  func.func @transform_0(%arg0: i32) -> (i32, i32) {
    %c0_i32 = arith.constant 0 : i32
    %c0_i32_0 = arith.constant 0 : i32
    return %arg0, %c0_i32 : i32, i32
  }
  func.func @transform_1(%arg0: i32) -> (i32, i32) {
    %c0_i32 = arith.constant 0 : i32
    %c0_i32_0 = arith.constant 0 : i32
    return %arg0, %c0_i32 : i32, i32
  }
  func.func @transform_2(%arg0: i32) -> (i32, i32) {
    %c0_i32 = arith.constant 0 : i32
    %c0_i32_0 = arith.constant 0 : i32
    return %arg0, %c0_i32 : i32, i32
  }
  func.func @transform_3(%arg0: i32) -> (i32, i32) {
    %c0_i32 = arith.constant 0 : i32
    %c0_i32_0 = arith.constant 0 : i32
    %c0_i32_1 = arith.constant 0 : i32
    return %c0_i32, %c0_i32_0 : i32, i32
  }
  func.func @transform_4(%arg0: i32) -> (i32, i32) {
    %c0_i32 = arith.constant 0 : i32
    %c0_i32_0 = arith.constant 0 : i32
    return %arg0, %c0_i32 : i32, i32
  }
  func.func @transform_5(%arg0: i32) -> (i32, i32) {
    %c0_i32 = arith.constant 0 : i32
    %c0_i32_0 = arith.constant 0 : i32
    return %arg0, %c0_i32 : i32, i32
  }
}

module attributes {stable_mosaic.version = 14 : i64} {
  func.func @_tc_mid_body(%arg0: i32, %arg1: memref<2x1280x128xf32, #tpu.memory_space<vmem>>, %arg2: memref<1280x128xf32, #tpu.memory_space<vmem>>, %arg3: memref<1280x1xf32, #tpu.memory_space<vmem>>, %arg4: memref<128x128xf32, #tpu.memory_space<vmem>>, %arg5: memref<1x128xf32, #tpu.memory_space<vmem>>, %arg6: memref<1280x128xf32, #tpu.memory_space<vmem>>) attributes {dimension_semantics = [#tpu.dimension_semantics<arbitrary>], iteration_bounds = array<i64: 8>, scalar_prefetch = 0 : i64, scratch_operands = 0 : i64, tpu.core_type = #tpu.core_type<tc>, window_params = [{transform_indices = @transform_0, window_bounds = array<i64: 2, 1280, 128>}, {transform_indices = @transform_1, window_bounds = array<i64: 1280, 128>}, {transform_indices = @transform_2, window_bounds = array<i64: 1280, 1>}, {pipeline_mode = #tpu.pipeline_mode<synchronous>, transform_indices = @transform_3, window_bounds = array<i64: 128, 128>}, {pipeline_mode = #tpu.pipeline_mode<synchronous>, transform_indices = @transform_4, window_bounds = array<i64: 1, 128>}, {transform_indices = @transform_5, window_bounds = array<i64: 1280, 128>}]} {
    %get3A = arith.constant 0 : index
    %get3A_0 = arith.constant 0 : index
    %get3A_1 = arith.constant 0 : index
    %get3A_2 = vector.load %arg1[%get3A, %get3A_0, %get3A_1] : memref<2x1280x128xf32, #tpu.memory_space<vmem>>, vector<1x1280x128xf32>
    %get3A_3 = vector.shape_cast %get3A_2 : vector<1x1280x128xf32> to vector<1280x128xf32>
    %get3A_4 = arith.constant 1 : index
    %get3A_5 = arith.constant 0 : index
    %get3A_6 = arith.constant 0 : index
    %get3A_7 = vector.load %arg1[%get3A_4, %get3A_5, %get3A_6] : memref<2x1280x128xf32, #tpu.memory_space<vmem>>, vector<1x1280x128xf32>
    %get3A_8 = vector.shape_cast %get3A_7 : vector<1x1280x128xf32> to vector<1280x128xf32>
    %add3A = arith.addf %get3A_3, %get3A_8 : vector<1280x128xf32>
    %get3A_9 = arith.constant 0 : index
    %get3A_10 = arith.constant 0 : index
    %get3A_11 = vector.load %arg2[%get3A_9, %get3A_10] : memref<1280x128xf32, #tpu.memory_space<vmem>>, vector<1280x128xf32>
    %add3A_12 = arith.addf %add3A, %get3A_11 : vector<1280x128xf32>
    %get3A_13 = arith.constant 0 : index
    %get3A_14 = arith.constant 0 : index
    %get3A_15 = vector.load %arg3[%get3A_13, %get3A_14] : memref<1280x1xf32, #tpu.memory_space<vmem>>, vector<1280x1xf32>
    %mul3A = vector.broadcast %get3A_15 : vector<1280x1xf32> to vector<1280x128xf32>
    %mul3A_16 = arith.mulf %add3A_12, %mul3A : vector<1280x128xf32>
    %get3A_17 = arith.constant 0 : index
    %get3A_18 = arith.constant 0 : index
    %get3A_19 = vector.load %arg5[%get3A_17, %get3A_18] : memref<1x128xf32, #tpu.memory_space<vmem>>, vector<1x128xf32>
    %add3A_20 = vector.broadcast %get3A_19 : vector<1x128xf32> to vector<1280x128xf32>
    %add3A_21 = arith.addf %mul3A_16, %add3A_20 : vector<1280x128xf32>
    %max3A = arith.constant 0.000000e+00 : f32
    %max3A_22 = vector.broadcast %max3A : f32 to vector<1280x128xf32>
    %max3A_23 = arith.maximumf %add3A_21, %max3A_22 : vector<1280x128xf32>
    %get3A_24 = arith.constant 0 : index
    %get3A_25 = arith.constant 0 : index
    %get3A_26 = vector.load %arg4[%get3A_24, %get3A_25] : memref<128x128xf32, #tpu.memory_space<vmem>>, vector<128x128xf32>
    %dot_general3A = arith.constant dense<0.000000e+00> : vector<1280x128xf32>
    %dot_general3A_27 = tpu.matmul %max3A_23, %get3A_26, %dot_general3A {dimension_numbers = #tpu.dot_dimension_numbers<[1], [0], [0], [1], [0, 0, 1, 1], [], []>, transpose_lhs_hint = false} : vector<1280x128xf32>, vector<128x128xf32>, vector<1280x128xf32> -> vector<1280x128xf32>
    %get3A_28 = arith.constant 0 : index
    %get3A_29 = arith.constant 0 : index
    %get3A_30 = vector.load %arg3[%get3A_28, %get3A_29] : memref<1280x1xf32, #tpu.memory_space<vmem>>, vector<1280x1xf32>
    %mul3A_31 = vector.broadcast %get3A_30 : vector<1280x1xf32> to vector<1280x128xf32>
    %mul3A_32 = arith.mulf %dot_general3A_27, %mul3A_31 : vector<1280x128xf32>
    %swap3A = arith.constant 0 : index
    %swap3A_33 = arith.constant 0 : index
    %swap3A_34 = vector.load %arg6[%swap3A, %swap3A_33] : memref<1280x128xf32, #tpu.memory_space<vmem>>, vector<1280x128xf32>
    tpu.vector_store %arg6[%swap3A, %swap3A_33], %mul3A_32 {strides = array<i32>} : memref<1280x128xf32, #tpu.memory_space<vmem>>, vector<1280x128xf32>,
    return
  }
  func.func @transform_0(%arg0: i32) -> (i32, i32, i32) {
    %c0_i32 = arith.constant 0 : i32
    %c0_i32_0 = arith.constant 0 : i32
    %c0_i32_1 = arith.constant 0 : i32
    return %c0_i32, %arg0, %c0_i32_0 : i32, i32, i32
  }
  func.func @transform_1(%arg0: i32) -> (i32, i32) {
    %c0_i32 = arith.constant 0 : i32
    %c0_i32_0 = arith.constant 0 : i32
    return %arg0, %c0_i32 : i32, i32
  }
  func.func @transform_2(%arg0: i32) -> (i32, i32) {
    %c0_i32 = arith.constant 0 : i32
    %c0_i32_0 = arith.constant 0 : i32
    return %arg0, %c0_i32 : i32, i32
  }
  func.func @transform_3(%arg0: i32) -> (i32, i32) {
    %c0_i32 = arith.constant 0 : i32
    %c0_i32_0 = arith.constant 0 : i32
    %c0_i32_1 = arith.constant 0 : i32
    return %c0_i32, %c0_i32_0 : i32, i32
  }
  func.func @transform_4(%arg0: i32) -> (i32, i32) {
    %c0_i32 = arith.constant 0 : i32
    %c0_i32_0 = arith.constant 0 : i32
    %c0_i32_1 = arith.constant 0 : i32
    return %c0_i32, %c0_i32_0 : i32, i32
  }
  func.func @transform_5(%arg0: i32) -> (i32, i32) {
    %c0_i32 = arith.constant 0 : i32
    %c0_i32_0 = arith.constant 0 : i32
    return %arg0, %c0_i32 : i32, i32
  }
}

module attributes {stable_mosaic.version = 14 : i64} {
  func.func @_tc_fin_body(%arg0: memref<2x10240x128xf32, #tpu.memory_space<vmem>>, %arg1: memref<10240x128xf32, #tpu.memory_space<vmem>>, %arg2: memref<10240x1xf32, #tpu.memory_space<vmem>>, %arg3: memref<1x128xf32, #tpu.memory_space<vmem>>, %arg4: memref<1x10240xi32, #tpu.memory_space<vmem>>, %arg5: memref<128x32xf32, #tpu.memory_space<vmem>>, %arg6: memref<1x32xf32, #tpu.memory_space<vmem>>, %arg7: memref<16x32xf32, #tpu.memory_space<vmem>>) attributes {dimension_semantics = [], scalar_prefetch = 0 : i64, scratch_operands = 0 : i64, tpu.core_type = #tpu.core_type<tc>} {
    %get3A = arith.constant 0 : index
    %get3A_0 = arith.constant 0 : index
    %get3A_1 = arith.constant 0 : index
    %get3A_2 = vector.load %arg0[%get3A, %get3A_0, %get3A_1] : memref<2x10240x128xf32, #tpu.memory_space<vmem>>, vector<1x10240x128xf32>
    %get3A_3 = vector.shape_cast %get3A_2 : vector<1x10240x128xf32> to vector<10240x128xf32>
    %get3A_4 = arith.constant 1 : index
    %get3A_5 = arith.constant 0 : index
    %get3A_6 = arith.constant 0 : index
    %get3A_7 = vector.load %arg0[%get3A_4, %get3A_5, %get3A_6] : memref<2x10240x128xf32, #tpu.memory_space<vmem>>, vector<1x10240x128xf32>
    %get3A_8 = vector.shape_cast %get3A_7 : vector<1x10240x128xf32> to vector<10240x128xf32>
    %add3A = arith.addf %get3A_3, %get3A_8 : vector<10240x128xf32>
    %get3A_9 = arith.constant 0 : index
    %get3A_10 = arith.constant 0 : index
    %get3A_11 = vector.load %arg1[%get3A_9, %get3A_10] : memref<10240x128xf32, #tpu.memory_space<vmem>>, vector<10240x128xf32>
    %add3A_12 = arith.addf %add3A, %get3A_11 : vector<10240x128xf32>
    %get3A_13 = arith.constant 0 : index
    %get3A_14 = arith.constant 0 : index
    %get3A_15 = vector.load %arg2[%get3A_13, %get3A_14] : memref<10240x1xf32, #tpu.memory_space<vmem>>, vector<10240x1xf32>
    %mul3A = vector.broadcast %get3A_15 : vector<10240x1xf32> to vector<10240x128xf32>
    %mul3A_16 = arith.mulf %add3A_12, %mul3A : vector<10240x128xf32>
    %get3A_17 = arith.constant 0 : index
    %get3A_18 = arith.constant 0 : index
    %get3A_19 = vector.load %arg3[%get3A_17, %get3A_18] : memref<1x128xf32, #tpu.memory_space<vmem>>, vector<1x128xf32>
    %add3A_20 = vector.broadcast %get3A_19 : vector<1x128xf32> to vector<10240x128xf32>
    %add3A_21 = arith.addf %mul3A_16, %add3A_20 : vector<10240x128xf32>
    %max3A = arith.constant 0.000000e+00 : f32
    %max3A_22 = vector.broadcast %max3A : f32 to vector<10240x128xf32>
    %max3A_23 = arith.maximumf %add3A_21, %max3A_22 : vector<10240x128xf32>
    %iota3A = tpu.iota {dimensions = array<i32: 0>} : vector<16x10240xi32>
    %get3A_24 = arith.constant 0 : index
    %get3A_25 = arith.constant 0 : index
    %get3A_26 = vector.load %arg4[%get3A_24, %get3A_25] : memref<1x10240xi32, #tpu.memory_space<vmem>>, vector<1x10240xi32>
    %eq3A = vector.broadcast %get3A_26 : vector<1x10240xi32> to vector<16x10240xi32>
    %eq3A_27 = arith.cmpi eq, %eq3A, %iota3A : vector<16x10240xi32>
    %convert_element_type3A = arith.extui %eq3A_27 : vector<16x10240xi1> to vector<16x10240xi32>
    %convert_element_type3A_28 = arith.sitofp %convert_element_type3A : vector<16x10240xi32> to vector<16x10240xf32>
    %dot_general3A = arith.constant dense<0.000000e+00> : vector<16x128xf32>
    %dot_general3A_29 = tpu.matmul %convert_element_type3A_28, %max3A_23, %dot_general3A {dimension_numbers = #tpu.dot_dimension_numbers<[1], [0], [0], [1], [0, 0, 1, 1], [], []>, transpose_lhs_hint = false} : vector<16x10240xf32>, vector<10240x128xf32>, vector<16x128xf32> -> vector<16x128xf32>
    %reduce_sum3A = arith.constant dense<0.000000e+00> : vector<16xf32>
    %reduce_sum3A_30 = vector.multi_reduction <add>, %convert_element_type3A_28, %reduce_sum3A [1] : vector<16x10240xf32> to vector<16xf32>
    %broadcast_in_dim3A = vector.shape_cast %reduce_sum3A_30 : vector<16xf32> to vector<16x1xf32>
    %max3A_31 = arith.constant 1.000000e+00 : f32
    %max3A_32 = vector.broadcast %max3A_31 : f32 to vector<16x1xf32>
    %max3A_33 = arith.maximumf %broadcast_in_dim3A, %max3A_32 : vector<16x1xf32>
    %div3A = vector.broadcast %max3A_33 : vector<16x1xf32> to vector<16x128xf32>
    %div3A_34 = arith.divf %dot_general3A_29, %div3A : vector<16x128xf32>
    %get3A_35 = arith.constant 0 : index
    %get3A_36 = arith.constant 0 : index
    %get3A_37 = vector.load %arg5[%get3A_35, %get3A_36] : memref<128x32xf32, #tpu.memory_space<vmem>>, vector<128x32xf32>
    %dot_general3A_38 = arith.constant dense<0.000000e+00> : vector<16x32xf32>
    %dot_general3A_39 = tpu.matmul %div3A_34, %get3A_37, %dot_general3A_38 {dimension_numbers = #tpu.dot_dimension_numbers<[1], [0], [0], [1], [0, 0, 1, 1], [], []>, transpose_lhs_hint = false} : vector<16x128xf32>, vector<128x32xf32>, vector<16x32xf32> -> vector<16x32xf32>
    %get3A_40 = arith.constant 0 : index
    %get3A_41 = arith.constant 0 : index
    %get3A_42 = vector.load %arg6[%get3A_40, %get3A_41] : memref<1x32xf32, #tpu.memory_space<vmem>>, vector<1x32xf32>
    %add3A_43 = vector.broadcast %get3A_42 : vector<1x32xf32> to vector<16x32xf32>
    %add3A_44 = arith.addf %dot_general3A_39, %add3A_43 : vector<16x32xf32>
    %swap3A = arith.constant 0 : index
    %swap3A_45 = arith.constant 0 : index
    %swap3A_46 = vector.load %arg7[%swap3A, %swap3A_45] : memref<16x32xf32, #tpu.memory_space<vmem>>, vector<16x32xf32>
    tpu.vector_store %arg7[%swap3A, %swap3A_45], %add3A_44 {strides = array<i32>} : memref<16x32xf32, #tpu.memory_space<vmem>>, vector<16x32xf32>,
    return
  }
}

</mosaic_0001>

<sc_bundles>
// kernel: kernel.11.cloned.1.call-start
scs
__scs_entry_jumppad:
0x0: {  	(pc) =	sbr.rel $0x88, $3  }
0x1: {  	(tag) =	ssettag $0x0;
	lr =	simm.s32 $0x1  }
0x2: {  	[smem:$0x3F97] =	sst lr;
	_ =	strace $0xD0000000  }
0x3: {  	_ = 	snop  }
0x4: {  	_ = 	snop  }
0x5: {  	_ = 	snop  }
0x6: {  	_ = 	snop  }
0x7: {  	_ = 	snop  }
__scs_overlays_trampoline_lowered:
0x8: {  	[smem:$0x3FA6] =	sst s0  }
0x9: {  	[smem:$0x3FA7] =	sst s1  }
0xa: {  	[smem:$0x3FA8] =	sst s2  }
0xb: {  	[smem:$0x3FA9] =	sst s3  }
0xc: {  	[smem:$0x3FAA] =	sst s4  }
0xd: {  	[smem:$0x3FAB] =	sst s5  }
0xe: {  	[smem:$0x3FAC] =	sst s6  }
0xf: {  	[smem:$0x3FAD] =	sst s7  }
0x10: {  	[smem:$0x3FAE] =	sst s8  }
0x11: {  	[smem:$0x3FAF] =	sst s9;
	s0 =	simm.s32 @!p0 $0x0  }
0x12: {  	s1 =	sld [smem:$0x3F95];
	s0 =	simm.s32 @p0 $0x1  }
0x13: {  	[smem:$0x3FB0] =	sst s0;
	s0 =	simm.s32 @!p1 $0x0  }
0x14: {  	s2 =	sld [smem:$0x3F94];
	s0 =	simm.s32 @p1 $0x1  }
0x15: {  	[smem:$0x3FB1] =	sst s0;
	s0 =	simm.s32 @!p2 $0x0  }
0x16: {  	s3 =	sld [smem:$0x3FDB];
	s0 =	simm.s32 @p2 $0x1  }
0x17: {  	s4 =	simm.s32 $0x1BF5;
	[smem:$0x3FB3] =	sst s0  }
0x18: {  	s0 =	sld [smem:$0x3F96];
	_ =	swait.ge [sflag:s4], $0x0  }
0x19: {  	s7 =	sld [smem:$0x3F97]  }
0x1a: {  	s8 =	sadd.s32 $0xFFFFE003, lr  }
0x1b: {  	s9 =	sadd.s32 $0xFFFFFEF7, lr;
	s5 =	simm.s32 $0xFFFFFFFF;
	p2 =	slt.u32 s8, $0xFFFFF086  }
0x1c: {  	p1 =	slt.u32 s9, $0xF7A;
	s5 =	simm.s32 @!p2 $0x0  }
0x1d: {  	s5 =	simm.s32 @p1 $0x1;
	p0 =	seq.s32 s7, s2  }
0x1e: {  	s7 =	smul.u32 @!p0 $0xF7A, s2;
	p2 =	seq.s32 @!p0 s5, $0x0  }
0x1f: {  	s9 =	smul.u32 $0xF7A, s1;
	s8 =	simm.s32 @!p0 $0x1BF5;
	p2 =	por !p2, p0  }
0x20: {  	[sflag:s8] =	ssyncset.s32 @!p0 $0xFFFFF086;
	s6 =	sadd.s32 @!p0 s3, s7;
	s7 =	simm.s32 @!p0 $0x108  }
0x21: {  	s3 =	sadd.s32 s3, s9;
	s6 =	sadd.s32 @!p0 $0x88, s6;
	s7 =	simm.s32 @p2 $0x1082  }
0x22: {  	[simem:s7], [sflag:s8] =	dma.local @!p0 [hbm:s6], $0xF7A  }
0x23: {  	s9 =	sor.u32 $0xD0000000, s2;
	s6 =	simm.s32 $0x108;
	_ =	swait.ge @!p0 [sflag:s8], $0x0  }
0x24: {  	s3 =	sadd.s32 $0x88, s3;
	s6 =	simm.s32 @!p1 $0x1082;
	[sflag:s4] =	ssyncset.s32 $0xFFFFF086  }
0x25: {  	[simem:s6], [sflag:s4] =	dma.local [hbm:s3], $0xF7A  }
0x26: {  	[smem:$0x3F97] =	sst s1;
	(tag) =	ssettag s2;
	_ =	strace s9  }
0x27: {  	s1 =	sld [smem:$0x3FA7]  }
0x28: {  	s2 =	sld [smem:$0x3FA8]  }
0x29: {  	s4 =	sld [smem:$0x3FAA]  }
0x2a: {  	p0 =	seq.s32 s5, $0x0;
	s5 =	sld [smem:$0x3FAB]  }
0x2b: {  	s6 =	sld [smem:$0x3FAC]  }
0x2c: {  	s7 =	sld [smem:$0x3FAD]  }
0x2d: {  	s3 =	simm.s32 $0x108;
	s8 =	sld [smem:$0x3FAE]  }
0x2e: {  	s3 =	simm.s32 @!p0 $0x1082;
	s9 =	sld [smem:$0x3FAF]  }
0x2f: {  	lr =	sadd.s32 s0, s3;
	s0 =	sld [smem:$0x3FA6]  }
0x30: {  	s3 =	sld [smem:$0x3FA9]  }
0x31: {  	[smem:$0x3FB2] =	sst s10  }
0x32: {  	s10 =	sld [smem:$0x3FB0];
	_ =	sdelay $0x3  }
0x33: {  	p0 =	seq.s32 s10, $0x1;
	s10 =	sld [smem:$0x3FB2];
	_ =	sdelay $0x3  }
0x34: {  	[smem:$0x3FB2] =	sst s10  }
0x35: {  	s10 =	sld [smem:$0x3FB1];
	_ =	sdelay $0x3  }
0x36: {  	p1 =	seq.s32 s10, $0x1;
	s10 =	sld [smem:$0x3FB2];
	_ =	sdelay $0x3  }
0x37: {  	[smem:$0x3FB2] =	sst s10  }
0x38: {  	s10 =	sld [smem:$0x3FB3]  }
0x39: {  	_ = 	snop;
	(pc) =	sbr.ind lr, $3  }
0x3a: {  	_ = 	snop  }
0x3b: {  	_ = 	snop  }
0x3c: {  	p2 =	seq.s32 s10, $0x1;
	s10 =	sld [smem:$0x3FB2]  }
0x3d: {  	_ =	shalt  }
0x3e: {  	_ =	shalt  }
0x3f: {  	_ =	shalt  }
0x40: {  	_ =	shalt  }
0x41: {  	_ =	shalt  }
0x42: {  	_ =	shalt  }
0x43: {  	_ =	shalt  }
0x44: {  	_ =	shalt  }
0x45: {  	_ =	shalt  }
0x46: {  	_ =	shalt  }
0x47: {  	_ =	shalt  }
0x48: {  	_ =	shalt  }
0x49: {  	_ =	shalt  }
0x4a: {  	_ =	shalt  }
0x4b: {  	_ =	shalt  }
0x4c: {  	_ =	shalt  }
0x4d: {  	_ =	shalt  }
0x4e: {  	_ =	shalt  }
0x4f: {  	_ =	shalt  }
0x50: {  	_ =	shalt  }
0x51: {  	_ =	shalt  }
0x52: {  	_ =	shalt  }
0x53: {  	_ =	shalt  }
0x54: {  	_ =	shalt  }
0x55: {  	_ =	shalt  }
0x56: {  	_ =	shalt  }
0x57: {  	_ =	shalt  }
0x58: {  	_ =	shalt  }
0x59: {  	_ =	shalt  }
0x5a: {  	_ =	shalt  }
0x5b: {  	_ =	shalt  }
0x5c: {  	_ =	shalt  }
0x5d: {  	_ =	shalt  }
0x5e: {  	_ =	shalt  }
0x5f: {  	_ =	shalt  }
0x60: {  	_ =	shalt  }
0x61: {  	_ =	shalt  }
0x62: {  	_ =	shalt  }
0x63: {  	_ =	shalt  }
0x64: {  	_ =	shalt  }
0x65: {  	_ =	shalt  }
0x66: {  	_ =	shalt  }
0x67: {  	_ =	shalt  }
0x68: {  	_ =	shalt  }
0x69: {  	_ =	shalt  }
0x6a: {  	_ =	shalt  }
0x6b: {  	_ =	shalt  }
0x6c: {  	_ =	shalt  }
0x6d: {  	_ =	shalt  }
0x6e: {  	_ =	shalt  }
0x6f: {  	_ =	shalt  }
0x70: {  	_ =	shalt  }
0x71: {  	_ =	shalt  }
0x72: {  	_ =	shalt  }
0x73: {  	_ =	shalt  }
0x74: {  	_ =	shalt  }
0x75: {  	_ =	shalt  }
0x76: {  	_ =	shalt  }
0x77: {  	_ =	shalt  }
0x78: {  	_ =	shalt  }
0x79: {  	_ =	shalt  }
0x7a: {  	_ =	shalt  }
0x7b: {  	_ =	shalt  }
0x7c: {  	_ =	shalt  }
0x7d: {  	_ =	shalt  }
0x7e: {  	_ =	shalt  }
0x7f: {  	_ =	shalt  }
0x80: {  	_ =	shalt  }
0x81: {  	_ =	shalt  }
0x82: {  	_ =	shalt  }
0x83: {  	_ =	shalt  }
0x84: {  	_ =	shalt  }
0x85: {  	_ =	shalt  }
0x86: {  	_ =	shalt  }
0x87: {  	_ =	shalt  }
.Lfunc_end0:
.L_simem_size_0:
called_computation.1_lowered:
.L_overlay_start_0:
0x88: {  	s2 =	sld [smem:$0x3FD9]  }
0x89: {  	s3 =	sld [smem:$0x3FFE];
	_ =	sdelay $0x1  }
0x8a: {  	s1 =	srdreg.scid  }
0x8b: {  	s0 =	sand.u32 $0x1, s1  }
0x8c: {  	s16 =	sshll.u32 s0, $0xA;
	s2 =	sadd.s32 s3, s2  }
0x8d: {  	s2 =	sadd.s32 s2, s16  }
0x8e: {  	[smem:$0x3FBE] =	sst s2  }
0x8f: {  	_ = 	snop  }
0x90: {  	(tm) =	ssettm $0x1  }
0x91: {  	s17 =	sld [smem:$0x3FFB];
	_ =	sdelay $0x3  }
0x92: {  	_ =	strace s17  }
0x93: {  	s2 =	sld [smem:$0x3FFC];
	_ =	sdelay $0x3  }
0x94: {  	_ =	strace s2  }
0x95: {  	s2 =	sld [smem:$0x3FFD];
	_ =	sdelay $0x3  }
0x96: {  	_ =	strace s2  }
0x97: {  	_ =	strace $0x8FFFFFFF  }
0x98: {  	s18 =	sld [smem:$0x3FDB];
	_ =	sdelay $0x1  }
0x99: {  	s19 =	simm.s32 $_scs_section_size  }
0x9a: {  	s4 =	simm.s32 $_size__tile_overlayer_lowered;
	s5 =	simm.s32 $_tile_overlayer_lowered  }
0x9b: {  	s22 =	simm.s32 $0x1BFF;
	s21 =	sshll.u32 s5, $0x1;
	s2 =	sadd.s32 s19, s18  }
0x9c: {  	s6 =	simm.s32 $0x0;
	s20 =	sshll.u32 s4, $0x1;
	s4 =	sadd.s32 s21, s2  }
0x9d: {  	[timem:s6], [sflag:s22] =	dma.local [hbm:s4], s20  }
0x9e: {  	_ =	swait.ge [sflag:s22], s20  }
0x9f: {  	s3 =	ssub.s32 $0x0, s20;
	[sflag:s22] =	ssyncset.done $0x0  }
0xa0: {  	[sflag:s22] =	ssyncadd.s32 s3;
	_ =	sdelay $0x1  }
0xa1: {  	s23 =	simm.s32 $0x1B8B  }
0xa2: {  	_ =	swait.ge [sflag:s23], $0x1  }
0xa3: {  	[sflag:s23] =	ssyncset.done $0x0  }
0xa4: {  	s25 =	simm.s32 $0x1B8E;
	s24 =	sld [smem:$0x3FFE];
	[sflag:s23] =	ssyncadd.s32 $0xFFFFFFFF  }
0xa5: {  	s26 =	simm.s32 $execute0_lowered;
	[smem:$0x3FD2] =	sst s25  }
0xa6: {  	s4 =	sshll.u32 s26, $0x1;
	_ =	strace $0x80000049;
	[dreg:$0x1] =	wrdreg $0xFFFFFFFF  }
0xa7: {  	s28 =	simm.s32 $_size_execute0_lowered;
	s2 =	sadd.s32 s2, s4;
	[dreg:$0x0] =	wrdreg $0x0  }
0xa8: {  	s4 =	sshll.u32 s28, $0x1;
	[dreg:$0x2] =	wrdreg s2  }
0xa9: {  	[dreg:$0x3] =	wrdreg s4  }
0xaa: {  	[dreg:$0x4] =	wrdreg $0xC0  }
0xab: {  	_ =	task [dreg:s6], $0x5FFFF  }
0xac: {  	[dreg:$0x1] =	wrdreg $0xFFFFFFFF  }
0xad: {  	[dreg:$0x0] =	wrdreg $0x60  }
0xae: {  	[dreg:$0x2] =	wrdreg s24  }
0xaf: {  	[dreg:$0x3] =	wrdreg $0x0  }
0xb0: {  	[dreg:$0x4] =	wrdreg $0x9  }
0xb1: {  	_ =	task.clear_ibuf [dreg:s6], $0x5FFFF;
	_ =	strace $0x90000049  }
0xb2: {  	s29 =	simm.s32 $0x9;
	_ =	strace $0x8000004B  }
0xb3: {  	_ =	swait.ge [sflag:s29], $0x1  }
0xb4: {  	[sflag:s29] =	ssyncadd.s32 $0xFFFFFFFF  }
0xb5: {  	_ =	strace $0x9000004B  }
0xb6: {  	_ =	sfence  }
0xb7: {  	s30 =	sld [smem:$0x0];
	_ =	sdelay $0x2  }
0xb8: {  	s31 =	sshll.u32 s1, $0xD;
	s1 =	sshrl.u32 s1, $0x2  }
0xb9: {  	s3 =	sand.u32 $0x4000, s31;
	s1 =	sadd.s32 s1, s30  }
0xba: {  	s0 =	sor.u32 s3, s0;
	s1 =	sshll.u32 s1, $0x11  }
0xbb: {  	s0 =	sor.u32 s1, s0  }
0xbc: {  	s0 =	sadd.s32 $0x8F2B, s0  }
0xbd: {  	[sflag:s0] =	ssyncadd.remote.s32 $0x1  }
0xbe: {  	_ =	sfence.sel $0xFFFF  }
0xbf: {  	[dreg:$0x0] =	wrdreg $0xFFFFFFFF;
	(pc) =	sbr.abs _section_cstart, $3  }
0xc0: {  	[dreg:$0x1] =	wrdreg $0xFFFFFFFF  }
0xc1: {  	_ =	task.clear_ibuf [dreg:s6], $0x2FFFF;
	_ =	strace $0x9FFFFFFF  }
0xc2: {  	(tm) =	ssettm $0x7FFFFFFF  }
0xc3: {  	_ =	shalt  }
tec
execute0_lowered:
.L_overlay_start_1:
0x0: {  	(tag) =	ssettag $0x1  }
0x1: {  	s0 =	rddreg [dreg:$0x0]  }
0x2: {  	s1 =	rddreg [dreg:$0x1];
	s2 =	srdreg.scid;
	s3 =	simm.s32 $0x0  }
0x3: {  	s10 =	stileid.u32;
	s28 =	simm.s32 $0x14180;
	s29 =	simm.s32 $0x1C800  }
0x4: {  	s30 =	simm.s32 $0x1;
	s31 =	simm.s32 $0x2;
	s11 =	simm.s32 $0x16700  }
0x5: {  	s12 =	simm.s32 $0x16780;
	s13 =	simm.s32 $0x0;
	s2 =	sand.u32 $0x1, s2  }
0x6: {  	[smem:$0x7FF] =	sst s3;
	s4 =	sadd.s32 $0x2E00, s0;
	s5 =	sadd.s32 $0x49C00, s0  }
0x7: {  	s7 =	sadd.s32 $0x35C00, s0;
	s8 =	sadd.s32 $0x2AE00, s0;
	s15 =	smul.u32 $0x50000, s10  }
0x8: {  	s18 =	sshll.u32 s10, $0x6;
	s14 =	sshll.u32 s2, $0x4;
	_ =	strace $0x8000004A  }
0x9: {  	[dreg:$0x3] =	wrdreg s8;
	s2 =	ssub.s32 $0x2, s2;
	s3 =	sor.u32 s10, s14  }
0xa: {  	s16 =	sshrl.u32 s2, $0x1;
	s17 =	sshrl.u32 s15, $0x2;
	s6 =	smul.u32 $0x2800, s3  }
0xb: {  	s9 =	smul.u32 $0x5000, s3;
	s2 =	ssub.s32 s2, s16;
	s8 =	sadd.s32 s17, s1  }
0xc: {  	s3 =	smul.u32 $0xA00, s3;
	s26 =	smax.u32 s2, $0x1;
	s17 =	sshrl.u32 s8, $0x3  }
0xd: {  	s2 =	simm.s32 $0x4;
	s8 =	simm.s32 $0x8;
	s0 =	sadd.s32 s6, s0  }
0xe: {  	s9 =	sshrl.u32 s9, $0x3;
	s6 =	sor.u32 $0x1C09, s18;
	s19 =	sadd.s32 s5, s3  }
0xf: {  	s3 =	sadd.s32 s7, s3;
	[dreg:$0xd] =	wrdreg s26;
	s18 =	simm.s32 $0x9  }
0x10: {  	s26 =	simm.s32 $0x1A800;
	[dreg:$0x4] =	wrdreg s19;
	s20 =	sadd.s32 $0x280, s9  }
0x11: {  	[dreg:$0x5] =	wrdreg s3;
	s22 =	sadd.s32 $0x500, s9;
	s0 =	sadd.s32 $0x5DC00, s0  }
0x12: {  	s9 =	sadd.s32 $0x780, s9;
	s21 =	sadd.s32 s5, s20;
	[dreg:$0xc] =	wrdreg s0  }
0x13: {  	s19 =	simm.s32 $0x14000;
	s10 =	sadd.s32 s7, s20;
	[dreg:$0x6] =	wrdreg s21  }
0x14: {  	s23 =	sadd.s32 s5, s22;
	s3 =	sadd.s32 s7, s22;
	[dreg:$0x7] =	wrdreg s10  }
0x15: {  	s24 =	sadd.s32 s5, s9;
	s25 =	sadd.s32 s7, s9;
	[dreg:$0x8] =	wrdreg s23  }
0x16: {  	s20 =	simm.s32 $0x15400;
	s22 =	simm.s32 $0x16800;
	[dreg:$0x9] =	wrdreg s3  }
0x17: {  	s0 =	simm.s32 $0x3;
	s5 =	simm.s32 $0x6;
	[dreg:$0xa] =	wrdreg s24  }
0x18: {  	s7 =	simm.s32 $0x7;
	s9 =	simm.s32 $0x16600;
	[dreg:$0xb] =	wrdreg s25  }
0x19: {  	s21 =	simm.s32 $0x40;
	s23 =	simm.s32 $0x14080;
	s24 =	simm.s32 $0x18800  }
0x1a: {  	s25 =	simm.s32 $0x14100;
	s3 =	simm.s32 $0x5;
	s10 =	simm.s32 $0x16680  }
.LBB2_1:
0x1b: {  	s14 =	rddreg [dreg:$0x3]  }
0x1c: {  	[spmem:s17], [sflag:s6] =	dma.local [hbm:s14], $0x2800  }
0x1d: {  	_ =	swait.ge [sflag:s18], $0x2800  }
0x1e: {  	[sflag:s18] =	ssyncset.done $0x0  }
0x1f: {  	[sflag:s18] =	ssyncadd.s32 $0xFFFFD800  }
0x20: {  	[bflag:$0x0] =	sbarrier.arrive $0xFFFF  }
0x21: {  	s14 =	simm.s32 $0x0;
	s15 =	rddreg [dreg:$0x4]  }
0x22: {  	[tilespmem:s19], [sflag:$0x9] =	stream.linear.gather [hbm4b:s15+s14], $0x1400, $0x38;
	[tilespmem:$0x1E800] =	vst v63  }
0x23: {  	_ =	swait.ge [sflag:s18], $0x1400  }
0x24: {  	[sflag:s18] =	ssyncset.done $0x0  }
0x25: {  	s16 =	rddreg [dreg:$0x5];
	[sflag:s18] =	ssyncadd.s32 $0xFFFFEC00  }
0x26: {  	[tilespmem:s20], [sflag:$0x9] =	stream.linear.gather [hbm4b:s16+s14], $0x1400, $0x38;
	[tilespmem:$0x1E800] =	vst v63  }
0x27: {  	_ =	swait.ge [sflag:s18], $0x1400  }
0x28: {  	[sflag:s18] =	ssyncset.done $0x0  }
0x29: {  	[sflag:s18] =	ssyncadd.s32 $0xFFFFEC00  }
0x2a: {  	[tilespmem:s22], [sflag:$0x1] =	stream.indirect.gather [hbm4b:s4+s21], $0x80, s19, s21, $0xb8;
	[tilespmem:$0x1E800] =	vst v63  }
0x2b: {  	_ = 	snop  }
0x2c: {  	[tilespmem:s24], [sflag:$0x2] =	stream.indirect.gather [hbm4b:s4+s21], $0x80, s23, s21, $0xb8;
	[tilespmem:$0x1E800] =	vst v63  }
0x2d: {  	_ = 	snop  }
0x2e: {  	[tilespmem:s26], [sflag:$0x3] =	stream.indirect.gather [hbm4b:s4+s21], $0x80, s25, s21, $0xb8;
	[tilespmem:$0x1E800] =	vst v63  }
0x2f: {  	_ = 	snop  }
0x30: {  	[tilespmem:s29], [sflag:$0x4] =	stream.indirect.gather [hbm4b:s4+s21], $0x80, s28, s21, $0xb8;
	[tilespmem:$0x1E800] =	vst v63  }
0x31: {  	_ =	swait.ge [sflag:s30], $0x2000  }
0x32: {  	[sflag:s30] =	ssyncset.done $0x0  }
0x33: {  	s16 =	simm.s32 $0x15400;
	[sflag:s30] =	ssyncadd.s32 $0xFFFFE000  }
0x34: {  	[spmem:s1] =	stream.indirect.scatter.add.f32 [tilespmem:s22], [sflag:$0x5], $0x80, s16, s21, $0xb8;
	[tilespmem:$0x1E800] =	vst v63  }
0x35: {  	_ =	swait.ge [sflag:s31], $0x2000  }
0x36: {  	[sflag:s31] =	ssyncset.done $0x0  }
0x37: {  	s15 =	simm.s32 $0x15480;
	[sflag:s31] =	ssyncadd.s32 $0xFFFFE000  }
0x38: {  	[spmem:s1] =	stream.indirect.scatter.add.f32 [tilespmem:s24], [sflag:$0x6], $0x80, s15, s21, $0xb8;
	[tilespmem:$0x1E800] =	vst v63  }
0x39: {  	_ =	swait.ge [sflag:s0], $0x2000  }
0x3a: {  	[sflag:s0] =	ssyncset.done $0x0  }
0x3b: {  	s16 =	simm.s32 $0x15500;
	[sflag:s0] =	ssyncadd.s32 $0xFFFFE000  }
0x3c: {  	[spmem:s1] =	stream.indirect.scatter.add.f32 [tilespmem:s26], [sflag:$0x7], $0x80, s16, s21, $0xb8;
	[tilespmem:$0x1E800] =	vst v63  }
0x3d: {  	_ =	swait.ge [sflag:s2], $0x2000  }
0x3e: {  	[sflag:s2] =	ssyncset.done $0x0  }
0x3f: {  	s15 =	simm.s32 $0x15580;
	[sflag:s2] =	ssyncadd.s32 $0xFFFFE000  }
0x40: {  	[spmem:s1] =	stream.indirect.scatter.add.f32 [tilespmem:s29], [sflag:$0x8], $0x80, s15, s21, $0xb8;
	[tilespmem:$0x1E800] =	vst v63  }
0x41: {  	_ =	swait.ge [sflag:s3], $0x2000  }
0x42: {  	[sflag:s3] =	ssyncset.done $0x0  }
0x43: {  	s16 =	simm.s32 $0x14200;
	[sflag:s3] =	ssyncadd.s32 $0xFFFFE000  }
0x44: {  	[tilespmem:s22], [sflag:$0x1] =	stream.indirect.gather [hbm4b:s4+s21], $0x80, s16, s21, $0xb8;
	[tilespmem:$0x1E800] =	vst v63  }
0x45: {  	_ =	swait.ge [sflag:s5], $0x2000  }
0x46: {  	[sflag:s5] =	ssyncset.done $0x0  }
0x47: {  	s15 =	simm.s32 $0x14280;
	[sflag:s5] =	ssyncadd.s32 $0xFFFFE000  }
0x48: {  	[tilespmem:s24], [sflag:$0x2] =	stream.indirect.gather [hbm4b:s4+s21], $0x80, s15, s21, $0xb8;
	[tilespmem:$0x1E800] =	vst v63  }
0x49: {  	_ =	swait.ge [sflag:s7], $0x2000  }
0x4a: {  	[sflag:s7] =	ssyncset.done $0x0  }
0x4b: {  	s16 =	simm.s32 $0x14300;
	[sflag:s7] =	ssyncadd.s32 $0xFFFFE000  }
0x4c: {  	[tilespmem:s26], [sflag:$0x3] =	stream.indirect.gather [hbm4b:s4+s21], $0x80, s16, s21, $0xb8;
	[tilespmem:$0x1E800] =	vst v63  }
0x4d: {  	_ =	swait.ge [sflag:s8], $0x2000  }
0x4e: {  	[sflag:s8] =	ssyncset.done $0x0  }
0x4f: {  	s14 =	simm.s32 $0x800;
	s15 =	simm.s32 $0x14380;
	[sflag:s8] =	ssyncadd.s32 $0xFFFFE000  }
.LBB2_2:
0x50: {  	[tilespmem:s29], [sflag:$0x4] =	stream.indirect.gather [hbm4b:s4+s21], $0x80, s15, s21, $0xb8;
	[tilespmem:$0x1E800] =	vst v63  }
0x51: {  	s15 =	smov.u32 s14  }
0x52: {  	p0 =	sne.s32 s14, $0x4000;
	s14 =	sadd.s32 $0x800, s14;
	_ =	swait.ge [sflag:s30], $0x2000  }
0x53: {  	s15 =	sshra.s32 s15, $0x2;
	[sflag:s30] =	ssyncset.done $0x0  }
0x54: {  	s16 =	sadd.s32 $0x15400, s15;
	[sflag:s30] =	ssyncadd.s32 $0xFFFFE000  }
0x55: {  	[spmem:s1] =	stream.indirect.scatter.add.f32 [tilespmem:s22], [sflag:$0x5], $0x80, s16, s21, $0xb8;
	[tilespmem:$0x1E800] =	vst v63  }
0x56: {  	_ =	swait.ge [sflag:s31], $0x2000  }
0x57: {  	[sflag:s31] =	ssyncset.done $0x0  }
0x58: {  	s16 =	sadd.s32 $0x15480, s15;
	[sflag:s31] =	ssyncadd.s32 $0xFFFFE000  }
0x59: {  	[spmem:s1] =	stream.indirect.scatter.add.f32 [tilespmem:s24], [sflag:$0x6], $0x80, s16, s21, $0xb8;
	[tilespmem:$0x1E800] =	vst v63  }
0x5a: {  	_ =	swait.ge [sflag:s0], $0x2000  }
0x5b: {  	[sflag:s0] =	ssyncset.done $0x0  }
0x5c: {  	s16 =	sadd.s32 $0x15500, s15;
	[sflag:s0] =	ssyncadd.s32 $0xFFFFE000  }
0x5d: {  	[spmem:s1] =	stream.indirect.scatter.add.f32 [tilespmem:s26], [sflag:$0x7], $0x80, s16, s21, $0xb8;
	[tilespmem:$0x1E800] =	vst v63  }
0x5e: {  	_ =	swait.ge [sflag:s2], $0x2000  }
0x5f: {  	[sflag:s2] =	ssyncset.done $0x0  }
0x60: {  	s16 =	sadd.s32 $0x15580, s15;
	[sflag:s2] =	ssyncadd.s32 $0xFFFFE000  }
0x61: {  	[spmem:s1] =	stream.indirect.scatter.add.f32 [tilespmem:s29], [sflag:$0x8], $0x80, s16, s21, $0xb8;
	[tilespmem:$0x1E800] =	vst v63  }
0x62: {  	_ =	swait.ge [sflag:s3], $0x2000  }
0x63: {  	[sflag:s3] =	ssyncset.done $0x0  }
0x64: {  	s16 =	sadd.s32 $0x14200, s15;
	[sflag:s3] =	ssyncadd.s32 $0xFFFFE000  }
0x65: {  	[tilespmem:s22], [sflag:$0x1] =	stream.indirect.gather [hbm4b:s4+s21], $0x80, s16, s21, $0xb8;
	[tilespmem:$0x1E800] =	vst v63  }
0x66: {  	_ =	swait.ge [sflag:s5], $0x2000  }
0x67: {  	[sflag:s5] =	ssyncset.done $0x0  }
0x68: {  	s16 =	sadd.s32 $0x14280, s15;
	[sflag:s5] =	ssyncadd.s32 $0xFFFFE000  }
0x69: {  	[tilespmem:s24], [sflag:$0x2] =	stream.indirect.gather [hbm4b:s4+s21], $0x80, s16, s21, $0xb8;
	[tilespmem:$0x1E800] =	vst v63  }
0x6a: {  	_ =	swait.ge [sflag:s7], $0x2000  }
0x6b: {  	[sflag:s7] =	ssyncset.done $0x0  }
.Ltmp0:
0x6c: {  	s16 =	sadd.s32 $0x14300, s15;
	[sflag:s7] =	ssyncadd.s32 $0xFFFFE000;
	(pc) =	sbr.rel @p0 .LBB2_2-.Ltmp0, $4  }
0x6d: {  	[tilespmem:s26], [sflag:$0x3] =	stream.indirect.gather [hbm4b:s4+s21], $0x80, s16, s21, $0xb8;
	[tilespmem:$0x1E800] =	vst v63  }
0x6e: {  	_ =	swait.ge [sflag:s8], $0x2000  }
0x6f: {  	[sflag:s8] =	ssyncset.done $0x0  }
0x70: {  	s15 =	sadd.s32 $0x14380, s15;
	[sflag:s8] =	ssyncadd.s32 $0xFFFFE000  }
0x71: {  	[tilespmem:s29], [sflag:$0x4] =	stream.indirect.gather [hbm4b:s4+s21], $0x80, s15, s21, $0xb8;
	[tilespmem:$0x1E800] =	vst v63  }
0x72: {  	_ =	swait.ge [sflag:s30], $0x2000  }
0x73: {  	[sflag:s30] =	ssyncset.done $0x0  }
0x74: {  	[sflag:s30] =	ssyncadd.s32 $0xFFFFE000  }
0x75: {  	[spmem:s1] =	stream.indirect.scatter.add.f32 [tilespmem:s22], [sflag:$0x5], $0x80, s9, s21, $0xb8;
	[tilespmem:$0x1E800] =	vst v63  }
0x76: {  	_ =	swait.ge [sflag:s31], $0x2000  }
0x77: {  	[sflag:s31] =	ssyncset.done $0x0  }
0x78: {  	[sflag:s31] =	ssyncadd.s32 $0xFFFFE000  }
0x79: {  	[spmem:s1] =	stream.indirect.scatter.add.f32 [tilespmem:s24], [sflag:$0x6], $0x80, s10, s21, $0xb8;
	[tilespmem:$0x1E800] =	vst v63  }
0x7a: {  	_ =	swait.ge [sflag:s0], $0x2000  }
0x7b: {  	[sflag:s0] =	ssyncset.done $0x0  }
0x7c: {  	[sflag:s0] =	ssyncadd.s32 $0xFFFFE000  }
0x7d: {  	[spmem:s1] =	stream.indirect.scatter.add.f32 [tilespmem:s26], [sflag:$0x7], $0x80, s11, s21, $0xb8;
	[tilespmem:$0x1E800] =	vst v63  }
0x7e: {  	_ =	swait.ge [sflag:s2], $0x2000  }
0x7f: {  	[sflag:s2] =	ssyncset.done $0x0  }
0x80: {  	[sflag:s2] =	ssyncadd.s32 $0xFFFFE000  }
0x81: {  	[spmem:s1] =	stream.indirect.scatter.add.f32 [tilespmem:s29], [sflag:$0x8], $0x80, s12, s21, $0xb8;
	[tilespmem:$0x1E800] =	vst v63  }
0x82: {  	_ =	swait.ge [sflag:s3], $0x2000  }
0x83: {  	[sflag:s3] =	ssyncset.done $0x0  }
0x84: {  	[sflag:s3] =	ssyncadd.s32 $0xFFFFE000  }
0x85: {  	_ =	swait.ge [sflag:s5], $0x2000  }
0x86: {  	[sflag:s5] =	ssyncset.done $0x0  }
0x87: {  	[sflag:s5] =	ssyncadd.s32 $0xFFFFE000  }
0x88: {  	_ =	swait.ge [sflag:s7], $0x2000  }
0x89: {  	[sflag:s7] =	ssyncset.done $0x0  }
0x8a: {  	[sflag:s7] =	ssyncadd.s32 $0xFFFFE000  }
0x8b: {  	_ =	swait.ge [sflag:s8], $0x2000  }
0x8c: {  	[sflag:s8] =	ssyncset.done $0x0  }
0x8d: {  	s14 =	simm.s32 $0x0;
	s16 =	rddreg [dreg:$0x6];
	[sflag:s8] =	ssyncadd.s32 $0xFFFFE000  }
0x8e: {  	[tilespmem:s19], [sflag:$0x9] =	stream.linear.gather [hbm4b:s16+s14], $0x1400, $0x38;
	[tilespmem:$0x1E800] =	vst v63  }
0x8f: {  	_ =	swait.ge [sflag:s18], $0x1400  }
0x90: {  	[sflag:s18] =	ssyncset.done $0x0  }
0x91: {  	s16 =	rddreg [dreg:$0x7];
	[sflag:s18] =	ssyncadd.s32 $0xFFFFEC00  }
0x92: {  	[tilespmem:s20], [sflag:$0x9] =	stream.linear.gather [hbm4b:s16+s14], $0x1400, $0x38;
	[tilespmem:$0x1E800] =	vst v63  }
0x93: {  	_ =	swait.ge [sflag:s18], $0x1400  }
0x94: {  	[sflag:s18] =	ssyncset.done $0x0  }
0x95: {  	[sflag:s18] =	ssyncadd.s32 $0xFFFFEC00  }
0x96: {  	[tilespmem:s22], [sflag:$0x1] =	stream.indirect.gather [hbm4b:s4+s21], $0x80, s19, s21, $0xb8;
	[tilespmem:$0x1E800] =	vst v63  }
0x97: {  	_ = 	snop  }
0x98: {  	[tilespmem:s24], [sflag:$0x2] =	stream.indirect.gather [hbm4b:s4+s21], $0x80, s23, s21, $0xb8;
	[tilespmem:$0x1E800] =	vst v63  }
0x99: {  	_ = 	snop  }
0x9a: {  	[tilespmem:s26], [sflag:$0x3] =	stream.indirect.gather [hbm4b:s4+s21], $0x80, s25, s21, $0xb8;
	[tilespmem:$0x1E800] =	vst v63  }
0x9b: {  	_ = 	snop  }
0x9c: {  	[tilespmem:s29], [sflag:$0x4] =	stream.indirect.gather [hbm4b:s4+s21], $0x80, s28, s21, $0xb8;
	[tilespmem:$0x1E800] =	vst v63  }
0x9d: {  	_ =	swait.ge [sflag:s30], $0x2000  }
0x9e: {  	[sflag:s30] =	ssyncset.done $0x0  }
0x9f: {  	s16 =	simm.s32 $0x15400;
	[sflag:s30] =	ssyncadd.s32 $0xFFFFE000  }
0xa0: {  	[spmem:s1] =	stream.indirect.scatter.add.f32 [tilespmem:s22], [sflag:$0x5], $0x80, s16, s21, $0xb8;
	[tilespmem:$0x1E800] =	vst v63  }
0xa1: {  	_ =	swait.ge [sflag:s31], $0x2000  }
0xa2: {  	[sflag:s31] =	ssyncset.done $0x0  }
0xa3: {  	s15 =	simm.s32 $0x15480;
	[sflag:s31] =	ssyncadd.s32 $0xFFFFE000  }
0xa4: {  	[spmem:s1] =	stream.indirect.scatter.add.f32 [tilespmem:s24], [sflag:$0x6], $0x80, s15, s21, $0xb8;
	[tilespmem:$0x1E800] =	vst v63  }
0xa5: {  	_ =	swait.ge [sflag:s0], $0x2000  }
0xa6: {  	[sflag:s0] =	ssyncset.done $0x0  }
0xa7: {  	s16 =	simm.s32 $0x15500;
	[sflag:s0] =	ssyncadd.s32 $0xFFFFE000  }
0xa8: {  	[spmem:s1] =	stream.indirect.scatter.add.f32 [tilespmem:s26], [sflag:$0x7], $0x80, s16, s21, $0xb8;
	[tilespmem:$0x1E800] =	vst v63  }
0xa9: {  	_ =	swait.ge [sflag:s2], $0x2000  }
0xaa: {  	[sflag:s2] =	ssyncset.done $0x0  }
0xab: {  	s15 =	simm.s32 $0x15580;
	[sflag:s2] =	ssyncadd.s32 $0xFFFFE000  }
0xac: {  	[spmem:s1] =	stream.indirect.scatter.add.f32 [tilespmem:s29], [sflag:$0x8], $0x80, s15, s21, $0xb8;
	[tilespmem:$0x1E800] =	vst v63  }
0xad: {  	_ =	swait.ge [sflag:s3], $0x2000  }
0xae: {  	[sflag:s3] =	ssyncset.done $0x0  }
0xaf: {  	s16 =	simm.s32 $0x14200;
	[sflag:s3] =	ssyncadd.s32 $0xFFFFE000  }
0xb0: {  	[tilespmem:s22], [sflag:$0x1] =	stream.indirect.gather [hbm4b:s4+s21], $0x80, s16, s21, $0xb8;
	[tilespmem:$0x1E800] =	vst v63  }
0xb1: {  	_ =	swait.ge [sflag:s5], $0x2000  }
0xb2: {  	[sflag:s5] =	ssyncset.done $0x0  }
0xb3: {  	s15 =	simm.s32 $0x14280;
	[sflag:s5] =	ssyncadd.s32 $0xFFFFE000  }
0xb4: {  	[tilespmem:s24], [sflag:$0x2] =	stream.indirect.gather [hbm4b:s4+s21], $0x80, s15, s21, $0xb8;
	[tilespmem:$0x1E800] =	vst v63  }
0xb5: {  	_ =	swait.ge [sflag:s7], $0x2000  }
0xb6: {  	[sflag:s7] =	ssyncset.done $0x0  }
0xb7: {  	s16 =	simm.s32 $0x14300;
	[sflag:s7] =	ssyncadd.s32 $0xFFFFE000  }
0xb8: {  	[tilespmem:s26], [sflag:$0x3] =	stream.indirect.gather [hbm4b:s4+s21], $0x80, s16, s21, $0xb8;
	[tilespmem:$0x1E800] =	vst v63  }
0xb9: {  	_ =	swait.ge [sflag:s8], $0x2000  }
0xba: {  	[sflag:s8] =	ssyncset.done $0x0  }
0xbb: {  	s14 =	simm.s32 $0x800;
	s15 =	simm.s32 $0x14380;
	[sflag:s8] =	ssyncadd.s32 $0xFFFFE000  }
.LBB2_4:
0xbc: {  	[tilespmem:s29], [sflag:$0x4] =	stream.indirect.gather [hbm4b:s4+s21], $0x80, s15, s21, $0xb8;
	[tilespmem:$0x1E800] =	vst v63  }
0xbd: {  	s15 =	smov.u32 s14  }
0xbe: {  	p0 =	sne.s32 s14, $0x4000;
	s14 =	sadd.s32 $0x800, s14;
	_ =	swait.ge [sflag:s30], $0x2000  }
0xbf: {  	s15 =	sshra.s32 s15, $0x2;
	[sflag:s30] =	ssyncset.done $0x0  }
0xc0: {  	s16 =	sadd.s32 $0x15400, s15;
	[sflag:s30] =	ssyncadd.s32 $0xFFFFE000  }
0xc1: {  	[spmem:s1] =	stream.indirect.scatter.add.f32 [tilespmem:s22], [sflag:$0x5], $0x80, s16, s21, $0xb8;
	[tilespmem:$0x1E800] =	vst v63  }
0xc2: {  	_ =	swait.ge [sflag:s31], $0x2000  }
0xc3: {  	[sflag:s31] =	ssyncset.done $0x0  }
0xc4: {  	s16 =	sadd.s32 $0x15480, s15;
	[sflag:s31] =	ssyncadd.s32 $0xFFFFE000  }
0xc5: {  	[spmem:s1] =	stream.indirect.scatter.add.f32 [tilespmem:s24], [sflag:$0x6], $0x80, s16, s21, $0xb8;
	[tilespmem:$0x1E800] =	vst v63  }
0xc6: {  	_ =	swait.ge [sflag:s0], $0x2000  }
0xc7: {  	[sflag:s0] =	ssyncset.done $0x0  }
0xc8: {  	s16 =	sadd.s32 $0x15500, s15;
	[sflag:s0] =	ssyncadd.s32 $0xFFFFE000  }
0xc9: {  	[spmem:s1] =	stream.indirect.scatter.add.f32 [tilespmem:s26], [sflag:$0x7], $0x80, s16, s21, $0xb8;
	[tilespmem:$0x1E800] =	vst v63  }
0xca: {  	_ =	swait.ge [sflag:s2], $0x2000  }
0xcb: {  	[sflag:s2] =	ssyncset.done $0x0  }
0xcc: {  	s16 =	sadd.s32 $0x15580, s15;
	[sflag:s2] =	ssyncadd.s32 $0xFFFFE000  }
0xcd: {  	[spmem:s1] =	stream.indirect.scatter.add.f32 [tilespmem:s29], [sflag:$0x8], $0x80, s16, s21, $0xb8;
	[tilespmem:$0x1E800] =	vst v63  }
0xce: {  	_ =	swait.ge [sflag:s3], $0x2000  }
0xcf: {  	[sflag:s3] =	ssyncset.done $0x0  }
0xd0: {  	s16 =	sadd.s32 $0x14200, s15;
	[sflag:s3] =	ssyncadd.s32 $0xFFFFE000  }
0xd1: {  	[tilespmem:s22], [sflag:$0x1] =	stream.indirect.gather [hbm4b:s4+s21], $0x80, s16, s21, $0xb8;
	[tilespmem:$0x1E800] =	vst v63  }
0xd2: {  	_ =	swait.ge [sflag:s5], $0x2000  }
0xd3: {  	[sflag:s5] =	ssyncset.done $0x0  }
0xd4: {  	s16 =	sadd.s32 $0x14280, s15;
	[sflag:s5] =	ssyncadd.s32 $0xFFFFE000  }
0xd5: {  	[tilespmem:s24], [sflag:$0x2] =	stream.indirect.gather [hbm4b:s4+s21], $0x80, s16, s21, $0xb8;
	[tilespmem:$0x1E800] =	vst v63  }
0xd6: {  	_ =	swait.ge [sflag:s7], $0x2000  }
0xd7: {  	[sflag:s7] =	ssyncset.done $0x0  }
.Ltmp1:
0xd8: {  	s16 =	sadd.s32 $0x14300, s15;
	[sflag:s7] =	ssyncadd.s32 $0xFFFFE000;
	(pc) =	sbr.rel @p0 .LBB2_4-.Ltmp1, $4  }
0xd9: {  	[tilespmem:s26], [sflag:$0x3] =	stream.indirect.gather [hbm4b:s4+s21], $0x80, s16, s21, $0xb8;
	[tilespmem:$0x1E800] =	vst v63  }
0xda: {  	_ =	swait.ge [sflag:s8], $0x2000  }
0xdb: {  	[sflag:s8] =	ssyncset.done $0x0  }
0xdc: {  	s15 =	sadd.s32 $0x14380, s15;
	[sflag:s8] =	ssyncadd.s32 $0xFFFFE000  }
0xdd: {  	[tilespmem:s29], [sflag:$0x4] =	stream.indirect.gather [hbm4b:s4+s21], $0x80, s15, s21, $0xb8;
	[tilespmem:$0x1E800] =	vst v63  }
0xde: {  	_ =	swait.ge [sflag:s30], $0x2000  }
0xdf: {  	[sflag:s30] =	ssyncset.done $0x0  }
0xe0: {  	[sflag:s30] =	ssyncadd.s32 $0xFFFFE000  }
0xe1: {  	[spmem:s1] =	stream.indirect.scatter.add.f32 [tilespmem:s22], [sflag:$0x5], $0x80, s9, s21, $0xb8;
	[tilespmem:$0x1E800] =	vst v63  }
0xe2: {  	_ =	swait.ge [sflag:s31], $0x2000  }
0xe3: {  	[sflag:s31] =	ssyncset.done $0x0  }
0xe4: {  	[sflag:s31] =	ssyncadd.s32 $0xFFFFE000  }
0xe5: {  	[spmem:s1] =	stream.indirect.scatter.add.f32 [tilespmem:s24], [sflag:$0x6], $0x80, s10, s21, $0xb8;
	[tilespmem:$0x1E800] =	vst v63  }
0xe6: {  	_ =	swait.ge [sflag:s0], $0x2000  }
0xe7: {  	[sflag:s0] =	ssyncset.done $0x0  }
0xe8: {  	[sflag:s0] =	ssyncadd.s32 $0xFFFFE000  }
0xe9: {  	[spmem:s1] =	stream.indirect.scatter.add.f32 [tilespmem:s26], [sflag:$0x7], $0x80, s11, s21, $0xb8;
	[tilespmem:$0x1E800] =	vst v63  }
0xea: {  	_ =	swait.ge [sflag:s2], $0x2000  }
0xeb: {  	[sflag:s2] =	ssyncset.done $0x0  }
0xec: {  	[sflag:s2] =	ssyncadd.s32 $0xFFFFE000  }
0xed: {  	[spmem:s1] =	stream.indirect.scatter.add.f32 [tilespmem:s29], [sflag:$0x8], $0x80, s12, s21, $0xb8;
	[tilespmem:$0x1E800] =	vst v63  }
0xee: {  	_ =	swait.ge [sflag:s3], $0x2000  }
0xef: {  	[sflag:s3] =	ssyncset.done $0x0  }
0xf0: {  	[sflag:s3] =	ssyncadd.s32 $0xFFFFE000  }
0xf1: {  	_ =	swait.ge [sflag:s5], $0x2000  }
0xf2: {  	[sflag:s5] =	ssyncset.done $0x0  }
0xf3: {  	[sflag:s5] =	ssyncadd.s32 $0xFFFFE000  }
0xf4: {  	_ =	swait.ge [sflag:s7], $0x2000  }
0xf5: {  	[sflag:s7] =	ssyncset.done $0x0  }
0xf6: {  	[sflag:s7] =	ssyncadd.s32 $0xFFFFE000  }
0xf7: {  	_ =	swait.ge [sflag:s8], $0x2000  }
0xf8: {  	[sflag:s8] =	ssyncset.done $0x0  }
0xf9: {  	s14 =	simm.s32 $0x0;
	s16 =	rddreg [dreg:$0x8];
	[sflag:s8] =	ssyncadd.s32 $0xFFFFE000  }
0xfa: {  	[tilespmem:s19], [sflag:$0x9] =	stream.linear.gather [hbm4b:s16+s14], $0x1400, $0x38;
	[tilespmem:$0x1E800] =	vst v63  }
0xfb: {  	_ =	swait.ge [sflag:s18], $0x1400  }
0xfc: {  	[sflag:s18] =	ssyncset.done $0x0  }
0xfd: {  	s16 =	rddreg [dreg:$0x9];
	[sflag:s18] =	ssyncadd.s32 $0xFFFFEC00  }
0xfe: {  	[tilespmem:s20], [sflag:$0x9] =	stream.linear.gather [hbm4b:s16+s14], $0x1400, $0x38;
	[tilespmem:$0x1E800] =	vst v63  }
0xff: {  	_ =	swait.ge [sflag:s18], $0x1400  }
0x100: {  	[sflag:s18] =	ssyncset.done $0x0  }
0x101: {  	[sflag:s18] =	ssyncadd.s32 $0xFFFFEC00  }
0x102: {  	[tilespmem:s22], [sflag:$0x1] =	stream.indirect.gather [hbm4b:s4+s21], $0x80, s19, s21, $0xb8;
	[tilespmem:$0x1E800] =	vst v63  }
0x103: {  	_ = 	snop  }
0x104: {  	[tilespmem:s24], [sflag:$0x2] =	stream.indirect.gather [hbm4b:s4+s21], $0x80, s23, s21, $0xb8;
	[tilespmem:$0x1E800] =	vst v63  }
0x105: {  	_ = 	snop  }
0x106: {  	[tilespmem:s26], [sflag:$0x3] =	stream.indirect.gather [hbm4b:s4+s21], $0x80, s25, s21, $0xb8;
	[tilespmem:$0x1E800] =	vst v63  }
0x107: {  	_ = 	snop  }
0x108: {  	[tilespmem:s29], [sflag:$0x4] =	stream.indirect.gather [hbm4b:s4+s21], $0x80, s28, s21, $0xb8;
	[tilespmem:$0x1E800] =	vst v63  }
0x109: {  	_ =	swait.ge [sflag:s30], $0x2000  }
0x10a: {  	[sflag:s30] =	ssyncset.done $0x0  }
0x10b: {  	s16 =	simm.s32 $0x15400;
	[sflag:s30] =	ssyncadd.s32 $0xFFFFE000  }
0x10c: {  	[spmem:s1] =	stream.indirect.scatter.add.f32 [tilespmem:s22], [sflag:$0x5], $0x80, s16, s21, $0xb8;
	[tilespmem:$0x1E800] =	vst v63  }
0x10d: {  	_ =	swait.ge [sflag:s31], $0x2000  }
0x10e: {  	[sflag:s31] =	ssyncset.done $0x0  }
0x10f: {  	s15 =	simm.s32 $0x15480;
	[sflag:s31] =	ssyncadd.s32 $0xFFFFE000  }
0x110: {  	[spmem:s1] =	stream.indirect.scatter.add.f32 [tilespmem:s24], [sflag:$0x6], $0x80, s15, s21, $0xb8;
	[tilespmem:$0x1E800] =	vst v63  }
0x111: {  	_ =	swait.ge [sflag:s0], $0x2000  }
0x112: {  	[sflag:s0] =	ssyncset.done $0x0  }
0x113: {  	s16 =	simm.s32 $0x15500;
	[sflag:s0] =	ssyncadd.s32 $0xFFFFE000  }
0x114: {  	[spmem:s1] =	stream.indirect.scatter.add.f32 [tilespmem:s26], [sflag:$0x7], $0x80, s16, s21, $0xb8;
	[tilespmem:$0x1E800] =	vst v63  }
0x115: {  	_ =	swait.ge [sflag:s2], $0x2000  }
0x116: {  	[sflag:s2] =	ssyncset.done $0x0  }
0x117: {  	s15 =	simm.s32 $0x15580;
	[sflag:s2] =	ssyncadd.s32 $0xFFFFE000  }
0x118: {  	[spmem:s1] =	stream.indirect.scatter.add.f32 [tilespmem:s29], [sflag:$0x8], $0x80, s15, s21, $0xb8;
	[tilespmem:$0x1E800] =	vst v63  }
0x119: {  	_ =	swait.ge [sflag:s3], $0x2000  }
0x11a: {  	[sflag:s3] =	ssyncset.done $0x0  }
0x11b: {  	s16 =	simm.s32 $0x14200;
	[sflag:s3] =	ssyncadd.s32 $0xFFFFE000  }
0x11c: {  	[tilespmem:s22], [sflag:$0x1] =	stream.indirect.gather [hbm4b:s4+s21], $0x80, s16, s21, $0xb8;
	[tilespmem:$0x1E800] =	vst v63  }
0x11d: {  	_ =	swait.ge [sflag:s5], $0x2000  }
0x11e: {  	[sflag:s5] =	ssyncset.done $0x0  }
0x11f: {  	s15 =	simm.s32 $0x14280;
	[sflag:s5] =	ssyncadd.s32 $0xFFFFE000  }
0x120: {  	[tilespmem:s24], [sflag:$0x2] =	stream.indirect.gather [hbm4b:s4+s21], $0x80, s15, s21, $0xb8;
	[tilespmem:$0x1E800] =	vst v63  }
0x121: {  	_ =	swait.ge [sflag:s7], $0x2000  }
0x122: {  	[sflag:s7] =	ssyncset.done $0x0  }
0x123: {  	s16 =	simm.s32 $0x14300;
	[sflag:s7] =	ssyncadd.s32 $0xFFFFE000  }
0x124: {  	[tilespmem:s26], [sflag:$0x3] =	stream.indirect.gather [hbm4b:s4+s21], $0x80, s16, s21, $0xb8;
	[tilespmem:$0x1E800] =	vst v63  }
0x125: {  	_ =	swait.ge [sflag:s8], $0x2000  }
0x126: {  	[sflag:s8] =	ssyncset.done $0x0  }
0x127: {  	s14 =	simm.s32 $0x800;
	s15 =	simm.s32 $0x14380;
	[sflag:s8] =	ssyncadd.s32 $0xFFFFE000  }
.LBB2_6:
0x128: {  	[tilespmem:s29], [sflag:$0x4] =	stream.indirect.gather [hbm4b:s4+s21], $0x80, s15, s21, $0xb8;
	[tilespmem:$0x1E800] =	vst v63  }
0x129: {  	s15 =	smov.u32 s14  }
0x12a: {  	p0 =	sne.s32 s14, $0x4000;
	s14 =	sadd.s32 $0x800, s14;
	_ =	swait.ge [sflag:s30], $0x2000  }
0x12b: {  	s15 =	sshra.s32 s15, $0x2;
	[sflag:s30] =	ssyncset.done $0x0  }
0x12c: {  	s16 =	sadd.s32 $0x15400, s15;
	[sflag:s30] =	ssyncadd.s32 $0xFFFFE000  }
0x12d: {  	[spmem:s1] =	stream.indirect.scatter.add.f32 [tilespmem:s22], [sflag:$0x5], $0x80, s16, s21, $0xb8;
	[tilespmem:$0x1E800] =	vst v63  }
0x12e: {  	_ =	swait.ge [sflag:s31], $0x2000  }
0x12f: {  	[sflag:s31] =	ssyncset.done $0x0  }
0x130: {  	s16 =	sadd.s32 $0x15480, s15;
	[sflag:s31] =	ssyncadd.s32 $0xFFFFE000  }
0x131: {  	[spmem:s1] =	stream.indirect.scatter.add.f32 [tilespmem:s24], [sflag:$0x6], $0x80, s16, s21, $0xb8;
	[tilespmem:$0x1E800] =	vst v63  }
0x132: {  	_ =	swait.ge [sflag:s0], $0x2000  }
0x133: {  	[sflag:s0] =	ssyncset.done $0x0  }
0x134: {  	s16 =	sadd.s32 $0x15500, s15;
	[sflag:s0] =	ssyncadd.s32 $0xFFFFE000  }
0x135: {  	[spmem:s1] =	stream.indirect.scatter.add.f32 [tilespmem:s26], [sflag:$0x7], $0x80, s16, s21, $0xb8;
	[tilespmem:$0x1E800] =	vst v63  }
0x136: {  	_ =	swait.ge [sflag:s2], $0x2000  }
0x137: {  	[sflag:s2] =	ssyncset.done $0x0  }
0x138: {  	s16 =	sadd.s32 $0x15580, s15;
	[sflag:s2] =	ssyncadd.s32 $0xFFFFE000  }
0x139: {  	[spmem:s1] =	stream.indirect.scatter.add.f32 [tilespmem:s29], [sflag:$0x8], $0x80, s16, s21, $0xb8;
	[tilespmem:$0x1E800] =	vst v63  }
0x13a: {  	_ =	swait.ge [sflag:s3], $0x2000  }
0x13b: {  	[sflag:s3] =	ssyncset.done $0x0  }
0x13c: {  	s16 =	sadd.s32 $0x14200, s15;
	[sflag:s3] =	ssyncadd.s32 $0xFFFFE000  }
0x13d: {  	[tilespmem:s22], [sflag:$0x1] =	stream.indirect.gather [hbm4b:s4+s21], $0x80, s16, s21, $0xb8;
	[tilespmem:$0x1E800] =	vst v63  }
0x13e: {  	_ =	swait.ge [sflag:s5], $0x2000  }
0x13f: {  	[sflag:s5] =	ssyncset.done $0x0  }
0x140: {  	s16 =	sadd.s32 $0x14280, s15;
	[sflag:s5] =	ssyncadd.s32 $0xFFFFE000  }
0x141: {  	[tilespmem:s24], [sflag:$0x2] =	stream.indirect.gather [hbm4b:s4+s21], $0x80, s16, s21, $0xb8;
	[tilespmem:$0x1E800] =	vst v63  }
0x142: {  	_ =	swait.ge [sflag:s7], $0x2000  }
0x143: {  	[sflag:s7] =	ssyncset.done $0x0  }
.Ltmp2:
0x144: {  	s16 =	sadd.s32 $0x14300, s15;
	[sflag:s7] =	ssyncadd.s32 $0xFFFFE000;
	(pc) =	sbr.rel @p0 .LBB2_6-.Ltmp2, $4  }
0x145: {  	[tilespmem:s26], [sflag:$0x3] =	stream.indirect.gather [hbm4b:s4+s21], $0x80, s16, s21, $0xb8;
	[tilespmem:$0x1E800] =	vst v63  }
0x146: {  	_ =	swait.ge [sflag:s8], $0x2000  }
0x147: {  	[sflag:s8] =	ssyncset.done $0x0  }
0x148: {  	s15 =	sadd.s32 $0x14380, s15;
	[sflag:s8] =	ssyncadd.s32 $0xFFFFE000  }
0x149: {  	[tilespmem:s29], [sflag:$0x4] =	stream.indirect.gather [hbm4b:s4+s21], $0x80, s15, s21, $0xb8;
	[tilespmem:$0x1E800] =	vst v63  }
0x14a: {  	_ =	swait.ge [sflag:s30], $0x2000  }
0x14b: {  	[sflag:s30] =	ssyncset.done $0x0  }
0x14c: {  	[sflag:s30] =	ssyncadd.s32 $0xFFFFE000  }
0x14d: {  	[spmem:s1] =	stream.indirect.scatter.add.f32 [tilespmem:s22], [sflag:$0x5], $0x80, s9, s21, $0xb8;
	[tilespmem:$0x1E800] =	vst v63  }
0x14e: {  	_ =	swait.ge [sflag:s31], $0x2000  }
0x14f: {  	[sflag:s31] =	ssyncset.done $0x0  }
0x150: {  	[sflag:s31] =	ssyncadd.s32 $0xFFFFE000  }
0x151: {  	[spmem:s1] =	stream.indirect.scatter.add.f32 [tilespmem:s24], [sflag:$0x6], $0x80, s10, s21, $0xb8;
	[tilespmem:$0x1E800] =	vst v63  }
0x152: {  	_ =	swait.ge [sflag:s0], $0x2000  }
0x153: {  	[sflag:s0] =	ssyncset.done $0x0  }
0x154: {  	[sflag:s0] =	ssyncadd.s32 $0xFFFFE000  }
0x155: {  	[spmem:s1] =	stream.indirect.scatter.add.f32 [tilespmem:s26], [sflag:$0x7], $0x80, s11, s21, $0xb8;
	[tilespmem:$0x1E800] =	vst v63  }
0x156: {  	_ =	swait.ge [sflag:s2], $0x2000  }
0x157: {  	[sflag:s2] =	ssyncset.done $0x0  }
0x158: {  	[sflag:s2] =	ssyncadd.s32 $0xFFFFE000  }
0x159: {  	[spmem:s1] =	stream.indirect.scatter.add.f32 [tilespmem:s29], [sflag:$0x8], $0x80, s12, s21, $0xb8;
	[tilespmem:$0x1E800] =	vst v63  }
0x15a: {  	_ =	swait.ge [sflag:s3], $0x2000  }
0x15b: {  	[sflag:s3] =	ssyncset.done $0x0  }
0x15c: {  	[sflag:s3] =	ssyncadd.s32 $0xFFFFE000  }
0x15d: {  	_ =	swait.ge [sflag:s5], $0x2000  }
0x15e: {  	[sflag:s5] =	ssyncset.done $0x0  }
0x15f: {  	[sflag:s5] =	ssyncadd.s32 $0xFFFFE000  }
0x160: {  	_ =	swait.ge [sflag:s7], $0x2000  }
0x161: {  	[sflag:s7] =	ssyncset.done $0x0  }
0x162: {  	[sflag:s7] =	ssyncadd.s32 $0xFFFFE000  }
0x163: {  	_ =	swait.ge [sflag:s8], $0x2000  }
0x164: {  	[sflag:s8] =	ssyncset.done $0x0  }
0x165: {  	s14 =	simm.s32 $0x0;
	s16 =	rddreg [dreg:$0xa];
	[sflag:s8] =	ssyncadd.s32 $0xFFFFE000  }
0x166: {  	[tilespmem:s19], [sflag:$0x9] =	stream.linear.gather [hbm4b:s16+s14], $0x1400, $0x38;
	[tilespmem:$0x1E800] =	vst v63  }
0x167: {  	_ =	swait.ge [sflag:s18], $0x1400  }
0x168: {  	[sflag:s18] =	ssyncset.done $0x0  }
0x169: {  	s16 =	rddreg [dreg:$0xb];
	[sflag:s18] =	ssyncadd.s32 $0xFFFFEC00  }
0x16a: {  	[tilespmem:s20], [sflag:$0x9] =	stream.linear.gather [hbm4b:s16+s14], $0x1400, $0x38;
	[tilespmem:$0x1E800] =	vst v63  }
0x16b: {  	_ =	swait.ge [sflag:s18], $0x1400  }
0x16c: {  	[sflag:s18] =	ssyncset.done $0x0  }
0x16d: {  	[sflag:s18] =	ssyncadd.s32 $0xFFFFEC00  }
0x16e: {  	[tilespmem:s22], [sflag:$0x1] =	stream.indirect.gather [hbm4b:s4+s21], $0x80, s19, s21, $0xb8;
	[tilespmem:$0x1E800] =	vst v63  }
0x16f: {  	_ = 	snop  }
0x170: {  	[tilespmem:s24], [sflag:$0x2] =	stream.indirect.gather [hbm4b:s4+s21], $0x80, s23, s21, $0xb8;
	[tilespmem:$0x1E800] =	vst v63  }
0x171: {  	_ = 	snop  }
0x172: {  	[tilespmem:s26], [sflag:$0x3] =	stream.indirect.gather [hbm4b:s4+s21], $0x80, s25, s21, $0xb8;
	[tilespmem:$0x1E800] =	vst v63  }
0x173: {  	_ = 	snop  }
0x174: {  	[tilespmem:s29], [sflag:$0x4] =	stream.indirect.gather [hbm4b:s4+s21], $0x80, s28, s21, $0xb8;
	[tilespmem:$0x1E800] =	vst v63  }
0x175: {  	_ =	swait.ge [sflag:s30], $0x2000  }
0x176: {  	[sflag:s30] =	ssyncset.done $0x0  }
0x177: {  	s16 =	simm.s32 $0x15400;
	[sflag:s30] =	ssyncadd.s32 $0xFFFFE000  }
0x178: {  	[spmem:s1] =	stream.indirect.scatter.add.f32 [tilespmem:s22], [sflag:$0x5], $0x80, s16, s21, $0xb8;
	[tilespmem:$0x1E800] =	vst v63  }
0x179: {  	_ =	swait.ge [sflag:s31], $0x2000  }
0x17a: {  	[sflag:s31] =	ssyncset.done $0x0  }
0x17b: {  	s15 =	simm.s32 $0x15480;
	[sflag:s31] =	ssyncadd.s32 $0xFFFFE000  }
0x17c: {  	[spmem:s1] =	stream.indirect.scatter.add.f32 [tilespmem:s24], [sflag:$0x6], $0x80, s15, s21, $0xb8;
	[tilespmem:$0x1E800] =	vst v63  }
0x17d: {  	_ =	swait.ge [sflag:s0], $0x2000  }
0x17e: {  	[sflag:s0] =	ssyncset.done $0x0  }
0x17f: {  	s16 =	simm.s32 $0x15500;
	[sflag:s0] =	ssyncadd.s32 $0xFFFFE000  }
0x180: {  	[spmem:s1] =	stream.indirect.scatter.add.f32 [tilespmem:s26], [sflag:$0x7], $0x80, s16, s21, $0xb8;
	[tilespmem:$0x1E800] =	vst v63  }
0x181: {  	_ =	swait.ge [sflag:s2], $0x2000  }
0x182: {  	[sflag:s2] =	ssyncset.done $0x0  }
0x183: {  	s15 =	simm.s32 $0x15580;
	[sflag:s2] =	ssyncadd.s32 $0xFFFFE000  }
0x184: {  	[spmem:s1] =	stream.indirect.scatter.add.f32 [tilespmem:s29], [sflag:$0x8], $0x80, s15, s21, $0xb8;
	[tilespmem:$0x1E800] =	vst v63  }
0x185: {  	_ =	swait.ge [sflag:s3], $0x2000  }
0x186: {  	[sflag:s3] =	ssyncset.done $0x0  }
0x187: {  	s16 =	simm.s32 $0x14200;
	[sflag:s3] =	ssyncadd.s32 $0xFFFFE000  }
0x188: {  	[tilespmem:s22], [sflag:$0x1] =	stream.indirect.gather [hbm4b:s4+s21], $0x80, s16, s21, $0xb8;
	[tilespmem:$0x1E800] =	vst v63  }
0x189: {  	_ =	swait.ge [sflag:s5], $0x2000  }
0x18a: {  	[sflag:s5] =	ssyncset.done $0x0  }
0x18b: {  	s15 =	simm.s32 $0x14280;
	[sflag:s5] =	ssyncadd.s32 $0xFFFFE000  }
0x18c: {  	[tilespmem:s24], [sflag:$0x2] =	stream.indirect.gather [hbm4b:s4+s21], $0x80, s15, s21, $0xb8;
	[tilespmem:$0x1E800] =	vst v63  }
0x18d: {  	_ =	swait.ge [sflag:s7], $0x2000  }
0x18e: {  	[sflag:s7] =	ssyncset.done $0x0  }
0x18f: {  	s16 =	simm.s32 $0x14300;
	[sflag:s7] =	ssyncadd.s32 $0xFFFFE000  }
0x190: {  	[tilespmem:s26], [sflag:$0x3] =	stream.indirect.gather [hbm4b:s4+s21], $0x80, s16, s21, $0xb8;
	[tilespmem:$0x1E800] =	vst v63  }
0x191: {  	_ =	swait.ge [sflag:s8], $0x2000  }
0x192: {  	[sflag:s8] =	ssyncset.done $0x0  }
0x193: {  	s14 =	simm.s32 $0x800;
	s15 =	simm.s32 $0x14380;
	[sflag:s8] =	ssyncadd.s32 $0xFFFFE000  }
.LBB2_8:
0x194: {  	[tilespmem:s29], [sflag:$0x4] =	stream.indirect.gather [hbm4b:s4+s21], $0x80, s15, s21, $0xb8;
	[tilespmem:$0x1E800] =	vst v63  }
0x195: {  	s15 =	smov.u32 s14  }
0x196: {  	p0 =	sne.s32 s14, $0x4000;
	s14 =	sadd.s32 $0x800, s14;
	_ =	swait.ge [sflag:s30], $0x2000  }
0x197: {  	s15 =	sshra.s32 s15, $0x2;
	[sflag:s30] =	ssyncset.done $0x0  }
0x198: {  	s16 =	sadd.s32 $0x15400, s15;
	[sflag:s30] =	ssyncadd.s32 $0xFFFFE000  }
0x199: {  	[spmem:s1] =	stream.indirect.scatter.add.f32 [tilespmem:s22], [sflag:$0x5], $0x80, s16, s21, $0xb8;
	[tilespmem:$0x1E800] =	vst v63  }
0x19a: {  	_ =	swait.ge [sflag:s31], $0x2000  }
0x19b: {  	[sflag:s31] =	ssyncset.done $0x0  }
0x19c: {  	s16 =	sadd.s32 $0x15480, s15;
	[sflag:s31] =	ssyncadd.s32 $0xFFFFE000  }
0x19d: {  	[spmem:s1] =	stream.indirect.scatter.add.f32 [tilespmem:s24], [sflag:$0x6], $0x80, s16, s21, $0xb8;
	[tilespmem:$0x1E800] =	vst v63  }
0x19e: {  	_ =	swait.ge [sflag:s0], $0x2000  }
0x19f: {  	[sflag:s0] =	ssyncset.done $0x0  }
0x1a0: {  	s16 =	sadd.s32 $0x15500, s15;
	[sflag:s0] =	ssyncadd.s32 $0xFFFFE000  }
0x1a1: {  	[spmem:s1] =	stream.indirect.scatter.add.f32 [tilespmem:s26], [sflag:$0x7], $0x80, s16, s21, $0xb8;
	[tilespmem:$0x1E800] =	vst v63  }
0x1a2: {  	_ =	swait.ge [sflag:s2], $0x2000  }
0x1a3: {  	[sflag:s2] =	ssyncset.done $0x0  }
0x1a4: {  	s16 =	sadd.s32 $0x15580, s15;
	[sflag:s2] =	ssyncadd.s32 $0xFFFFE000  }
0x1a5: {  	[spmem:s1] =	stream.indirect.scatter.add.f32 [tilespmem:s29], [sflag:$0x8], $0x80, s16, s21, $0xb8;
	[tilespmem:$0x1E800] =	vst v63  }
0x1a6: {  	_ =	swait.ge [sflag:s3], $0x2000  }
0x1a7: {  	[sflag:s3] =	ssyncset.done $0x0  }
0x1a8: {  	s16 =	sadd.s32 $0x14200, s15;
	[sflag:s3] =	ssyncadd.s32 $0xFFFFE000  }
0x1a9: {  	[tilespmem:s22], [sflag:$0x1] =	stream.indirect.gather [hbm4b:s4+s21], $0x80, s16, s21, $0xb8;
	[tilespmem:$0x1E800] =	vst v63  }
0x1aa: {  	_ =	swait.ge [sflag:s5], $0x2000  }
0x1ab: {  	[sflag:s5] =	ssyncset.done $0x0  }
0x1ac: {  	s16 =	sadd.s32 $0x14280, s15;
	[sflag:s5] =	ssyncadd.s32 $0xFFFFE000  }
0x1ad: {  	[tilespmem:s24], [sflag:$0x2] =	stream.indirect.gather [hbm4b:s4+s21], $0x80, s16, s21, $0xb8;
	[tilespmem:$0x1E800] =	vst v63  }
0x1ae: {  	_ =	swait.ge [sflag:s7], $0x2000  }
0x1af: {  	[sflag:s7] =	ssyncset.done $0x0  }
.Ltmp3:
0x1b0: {  	s16 =	sadd.s32 $0x14300, s15;
	[sflag:s7] =	ssyncadd.s32 $0xFFFFE000;
	(pc) =	sbr.rel @p0 .LBB2_8-.Ltmp3, $4  }
0x1b1: {  	[tilespmem:s26], [sflag:$0x3] =	stream.indirect.gather [hbm4b:s4+s21], $0x80, s16, s21, $0xb8;
	[tilespmem:$0x1E800] =	vst v63  }
0x1b2: {  	_ =	swait.ge [sflag:s8], $0x2000  }
0x1b3: {  	[sflag:s8] =	ssyncset.done $0x0  }
0x1b4: {  	s15 =	sadd.s32 $0x14380, s15;
	[sflag:s8] =	ssyncadd.s32 $0xFFFFE000  }
0x1b5: {  	[tilespmem:s29], [sflag:$0x4] =	stream.indirect.gather [hbm4b:s4+s21], $0x80, s15, s21, $0xb8;
	[tilespmem:$0x1E800] =	vst v63  }
0x1b6: {  	_ =	swait.ge [sflag:s30], $0x2000  }
0x1b7: {  	[sflag:s30] =	ssyncset.done $0x0  }
0x1b8: {  	[sflag:s30] =	ssyncadd.s32 $0xFFFFE000  }
0x1b9: {  	[spmem:s1] =	stream.indirect.scatter.add.f32 [tilespmem:s22], [sflag:$0x5], $0x80, s9, s21, $0xb8;
	[tilespmem:$0x1E800] =	vst v63  }
0x1ba: {  	_ =	swait.ge [sflag:s31], $0x2000  }
0x1bb: {  	[sflag:s31] =	ssyncset.done $0x0  }
0x1bc: {  	[sflag:s31] =	ssyncadd.s32 $0xFFFFE000  }
0x1bd: {  	[spmem:s1] =	stream.indirect.scatter.add.f32 [tilespmem:s24], [sflag:$0x6], $0x80, s10, s21, $0xb8;
	[tilespmem:$0x1E800] =	vst v63  }
0x1be: {  	_ =	swait.ge [sflag:s0], $0x2000  }
0x1bf: {  	[sflag:s0] =	ssyncset.done $0x0  }
0x1c0: {  	[sflag:s0] =	ssyncadd.s32 $0xFFFFE000  }
0x1c1: {  	[spmem:s1] =	stream.indirect.scatter.add.f32 [tilespmem:s26], [sflag:$0x7], $0x80, s11, s21, $0xb8;
	[tilespmem:$0x1E800] =	vst v63  }
0x1c2: {  	_ =	swait.ge [sflag:s2], $0x2000  }
0x1c3: {  	[sflag:s2] =	ssyncset.done $0x0  }
0x1c4: {  	[sflag:s2] =	ssyncadd.s32 $0xFFFFE000  }
0x1c5: {  	[spmem:s1] =	stream.indirect.scatter.add.f32 [tilespmem:s29], [sflag:$0x8], $0x80, s12, s21, $0xb8;
	[tilespmem:$0x1E800] =	vst v63  }
0x1c6: {  	_ =	swait.ge [sflag:s3], $0x2000  }
0x1c7: {  	[sflag:s3] =	ssyncset.done $0x0  }
0x1c8: {  	[sflag:s3] =	ssyncadd.s32 $0xFFFFE000  }
0x1c9: {  	_ =	swait.ge [sflag:s5], $0x2000  }
0x1ca: {  	[sflag:s5] =	ssyncset.done $0x0  }
0x1cb: {  	[sflag:s5] =	ssyncadd.s32 $0xFFFFE000  }
0x1cc: {  	_ =	swait.ge [sflag:s7], $0x2000  }
0x1cd: {  	[sflag:s7] =	ssyncset.done $0x0  }
0x1ce: {  	[sflag:s7] =	ssyncadd.s32 $0xFFFFE000  }
0x1cf: {  	_ =	swait.ge [sflag:s8], $0x2000  }
0x1d0: {  	[sflag:s8] =	ssyncset.done $0x0  }
0x1d1: {  	[sflag:s8] =	ssyncadd.s32 $0xFFFFE000  }
0x1d2: {  	[bflag:$0x0] =	sbarrier.arrive $0xFFFF  }
0x1d3: {  	s14 =	rddreg [dreg:$0xc]  }
0x1d4: {  	[hbm:s14], [sflag:s6] =	dma.local [spmem:s17], $0x2800  }
0x1d5: {  	_ =	swait.ge [sflag:s18], $0x2800  }
0x1d6: {  	s13 =	sadd.s32 $0x1, s13;
	s16 =	rddreg [dreg:$0xd]  }
0x1d7: {  	p0 =	sne.s32 s13, s16  }
.Ltmp4:
0x1d8: {  	_ = 	snop;
	(pc) =	sbr.rel @p0 .LBB2_1-.Ltmp4, $3  }
0x1d9: {  	_ =	sdelay $0x1  }
0x1da: {  	[sflag:s18] =	ssyncset.done $0x0  }
0x1db: {  	[sflag:s18] =	ssyncadd.s32 $0xFFFFD800  }
0x1dc: {  	_ =	sfence.sel $0x180000  }
0x1dd: {  	[bflag:$0x0] =	sbarrier.arrive $0xFFFF  }
0x1de: {  	_ =	strace $0x9000004A  }
0x1df: {  	s0 =	stileid.u32;
	[bflag:$0x2] =	sbarrier.arrive $0xFFFF  }
0x1e0: {  	p0 =	sne.s32 s0, $0x0;
	s0 =	rddreg [dreg:$0x2]  }
0x1e1: {  	s0 =	sadd.s32 @!p0 $0x100000, s0  }
0x1e2: {  	[sflag:s0] =	ssyncadd.tile.s32 @!p0 $0x1;
	_ =	shalt  }
.Lfunc_end2:
_tile_overlayer_lowered:
.L_overlay_start_2:
0x1e3: {  	(tag) =	ssettag $0x2  }
0x1e4: {  	s0 =	rddreg [dreg:$0x0];
	s2 =	stileid.u32  }
0x1e5: {  	s1 =	rddreg [dreg:$0x1];
	p0 =	sne.s32 s2, $0x0  }
0x1e6: {  	s3 =	rddreg [dreg:$0x2];
	[bflag:$0x3] =	sbarrier.arrive $0xFFFF;
	s2 =	simm.s32 @!p0 $0x1C09  }
0x1e7: {  	[timem:s3], [sflag:s2] =	dma.local @!p0 [hbm:s0], s1  }
0x1e8: {  	s0 =	simm.s32 @!p0 $0x9  }
0x1e9: {  	_ =	swait.ge @!p0 [sflag:s0], s1  }
0x1ea: {  	s1 =	ssub.s32 @!p0 $0x0, s1;
	[sflag:s0] =	ssyncset.done @!p0 $0x0  }
0x1eb: {  	[sflag:s0] =	ssyncadd.s32 @!p0 s1  }
0x1ec: {  	[bflag:$0x3] =	sbarrier.arrive $0xFFFF  }
0x1ed: {  	_ =	shalt  }

// kernel: kernel.14.cloned.1.call-start
scs
__scs_entry_jumppad:
0x0: {  	(pc) =	sbr.rel $0x88, $3  }
0x1: {  	(tag) =	ssettag $0x0;
	lr =	simm.s32 $0x1  }
0x2: {  	[smem:$0x3F97] =	sst lr;
	_ =	strace $0xD0000000  }
0x3: {  	_ = 	snop  }
0x4: {  	_ = 	snop  }
0x5: {  	_ = 	snop  }
0x6: {  	_ = 	snop  }
0x7: {  	_ = 	snop  }
__scs_overlays_trampoline_lowered:
0x8: {  	[smem:$0x3FA6] =	sst s0  }
0x9: {  	[smem:$0x3FA7] =	sst s1  }
0xa: {  	[smem:$0x3FA8] =	sst s2  }
0xb: {  	[smem:$0x3FA9] =	sst s3  }
0xc: {  	[smem:$0x3FAA] =	sst s4  }
0xd: {  	[smem:$0x3FAB] =	sst s5  }
0xe: {  	[smem:$0x3FAC] =	sst s6  }
0xf: {  	[smem:$0x3FAD] =	sst s7  }
0x10: {  	[smem:$0x3FAE] =	sst s8  }
0x11: {  	[smem:$0x3FAF] =	sst s9;
	s0 =	simm.s32 @!p0 $0x0  }
0x12: {  	s1 =	sld [smem:$0x3F95];
	s0 =	simm.s32 @p0 $0x1  }
0x13: {  	[smem:$0x3FB0] =	sst s0;
	s0 =	simm.s32 @!p1 $0x0  }
0x14: {  	s2 =	sld [smem:$0x3F94];
	s0 =	simm.s32 @p1 $0x1  }
0x15: {  	[smem:$0x3FB1] =	sst s0;
	s0 =	simm.s32 @!p2 $0x0  }
0x16: {  	s3 =	sld [smem:$0x3FDB];
	s0 =	simm.s32 @p2 $0x1  }
0x17: {  	s4 =	simm.s32 $0x1BF5;
	[smem:$0x3FB3] =	sst s0  }
0x18: {  	s0 =	sld [smem:$0x3F96];
	_ =	swait.ge [sflag:s4], $0x0  }
0x19: {  	s7 =	sld [smem:$0x3F97]  }
0x1a: {  	s8 =	sadd.s32 $0xFFFFE003, lr  }
0x1b: {  	s9 =	sadd.s32 $0xFFFFFEF7, lr;
	s5 =	simm.s32 $0xFFFFFFFF;
	p2 =	slt.u32 s8, $0xFFFFF086  }
0x1c: {  	p1 =	slt.u32 s9, $0xF7A;
	s5 =	simm.s32 @!p2 $0x0  }
0x1d: {  	s5 =	simm.s32 @p1 $0x1;
	p0 =	seq.s32 s7, s2  }
0x1e: {  	s7 =	smul.u32 @!p0 $0xF7A, s2;
	p2 =	seq.s32 @!p0 s5, $0x0  }
0x1f: {  	s9 =	smul.u32 $0xF7A, s1;
	s8 =	simm.s32 @!p0 $0x1BF5;
	p2 =	por !p2, p0  }
0x20: {  	[sflag:s8] =	ssyncset.s32 @!p0 $0xFFFFF086;
	s6 =	sadd.s32 @!p0 s3, s7;
	s7 =	simm.s32 @!p0 $0x108  }
0x21: {  	s3 =	sadd.s32 s3, s9;
	s6 =	sadd.s32 @!p0 $0x88, s6;
	s7 =	simm.s32 @p2 $0x1082  }
0x22: {  	[simem:s7], [sflag:s8] =	dma.local @!p0 [hbm:s6], $0xF7A  }
0x23: {  	s9 =	sor.u32 $0xD0000000, s2;
	s6 =	simm.s32 $0x108;
	_ =	swait.ge @!p0 [sflag:s8], $0x0  }
0x24: {  	s3 =	sadd.s32 $0x88, s3;
	s6 =	simm.s32 @!p1 $0x1082;
	[sflag:s4] =	ssyncset.s32 $0xFFFFF086  }
0x25: {  	[simem:s6], [sflag:s4] =	dma.local [hbm:s3], $0xF7A  }
0x26: {  	[smem:$0x3F97] =	sst s1;
	(tag) =	ssettag s2;
	_ =	strace s9  }
0x27: {  	s1 =	sld [smem:$0x3FA7]  }
0x28: {  	s2 =	sld [smem:$0x3FA8]  }
0x29: {  	s4 =	sld [smem:$0x3FAA]  }
0x2a: {  	p0 =	seq.s32 s5, $0x0;
	s5 =	sld [smem:$0x3FAB]  }
0x2b: {  	s6 =	sld [smem:$0x3FAC]  }
0x2c: {  	s7 =	sld [smem:$0x3FAD]  }
0x2d: {  	s3 =	simm.s32 $0x108;
	s8 =	sld [smem:$0x3FAE]  }
0x2e: {  	s3 =	simm.s32 @!p0 $0x1082;
	s9 =	sld [smem:$0x3FAF]  }
0x2f: {  	lr =	sadd.s32 s0, s3;
	s0 =	sld [smem:$0x3FA6]  }
0x30: {  	s3 =	sld [smem:$0x3FA9]  }
0x31: {  	[smem:$0x3FB2] =	sst s10  }
0x32: {  	s10 =	sld [smem:$0x3FB0];
	_ =	sdelay $0x3  }
0x33: {  	p0 =	seq.s32 s10, $0x1;
	s10 =	sld [smem:$0x3FB2];
	_ =	sdelay $0x3  }
0x34: {  	[smem:$0x3FB2] =	sst s10  }
0x35: {  	s10 =	sld [smem:$0x3FB1];
	_ =	sdelay $0x3  }
0x36: {  	p1 =	seq.s32 s10, $0x1;
	s10 =	sld [smem:$0x3FB2];
	_ =	sdelay $0x3  }
0x37: {  	[smem:$0x3FB2] =	sst s10  }
0x38: {  	s10 =	sld [smem:$0x3FB3]  }
0x39: {  	_ = 	snop;
	(pc) =	sbr.ind lr, $3  }
0x3a: {  	_ = 	snop  }
0x3b: {  	_ = 	snop  }
0x3c: {  	p2 =	seq.s32 s10, $0x1;
	s10 =	sld [smem:$0x3FB2]  }
0x3d: {  	_ =	shalt  }
0x3e: {  	_ =	shalt  }
0x3f: {  	_ =	shalt  }
0x40: {  	_ =	shalt  }
0x41: {  	_ =	shalt  }
0x42: {  	_ =	shalt  }
0x43: {  	_ =	shalt  }
0x44: {  	_ =	shalt  }
0x45: {  	_ =	shalt  }
0x46: {  	_ =	shalt  }
0x47: {  	_ =	shalt  }
0x48: {  	_ =	shalt  }
0x49: {  	_ =	shalt  }
0x4a: {  	_ =	shalt  }
0x4b: {  	_ =	shalt  }
0x4c: {  	_ =	shalt  }
0x4d: {  	_ =	shalt  }
0x4e: {  	_ =	shalt  }
0x4f: {  	_ =	shalt  }
0x50: {  	_ =	shalt  }
0x51: {  	_ =	shalt  }
0x52: {  	_ =	shalt  }
0x53: {  	_ =	shalt  }
0x54: {  	_ =	shalt  }
0x55: {  	_ =	shalt  }
0x56: {  	_ =	shalt  }
0x57: {  	_ =	shalt  }
0x58: {  	_ =	shalt  }
0x59: {  	_ =	shalt  }
0x5a: {  	_ =	shalt  }
0x5b: {  	_ =	shalt  }
0x5c: {  	_ =	shalt  }
0x5d: {  	_ =	shalt  }
0x5e: {  	_ =	shalt  }
0x5f: {  	_ =	shalt  }
0x60: {  	_ =	shalt  }
0x61: {  	_ =	shalt  }
0x62: {  	_ =	shalt  }
0x63: {  	_ =	shalt  }
0x64: {  	_ =	shalt  }
0x65: {  	_ =	shalt  }
0x66: {  	_ =	shalt  }
0x67: {  	_ =	shalt  }
0x68: {  	_ =	shalt  }
0x69: {  	_ =	shalt  }
0x6a: {  	_ =	shalt  }
0x6b: {  	_ =	shalt  }
0x6c: {  	_ =	shalt  }
0x6d: {  	_ =	shalt  }
0x6e: {  	_ =	shalt  }
0x6f: {  	_ =	shalt  }
0x70: {  	_ =	shalt  }
0x71: {  	_ =	shalt  }
0x72: {  	_ =	shalt  }
0x73: {  	_ =	shalt  }
0x74: {  	_ =	shalt  }
0x75: {  	_ =	shalt  }
0x76: {  	_ =	shalt  }
0x77: {  	_ =	shalt  }
0x78: {  	_ =	shalt  }
0x79: {  	_ =	shalt  }
0x7a: {  	_ =	shalt  }
0x7b: {  	_ =	shalt  }
0x7c: {  	_ =	shalt  }
0x7d: {  	_ =	shalt  }
0x7e: {  	_ =	shalt  }
0x7f: {  	_ =	shalt  }
0x80: {  	_ =	shalt  }
0x81: {  	_ =	shalt  }
0x82: {  	_ =	shalt  }
0x83: {  	_ =	shalt  }
0x84: {  	_ =	shalt  }
0x85: {  	_ =	shalt  }
0x86: {  	_ =	shalt  }
0x87: {  	_ =	shalt  }
.Lfunc_end0:
.L_simem_size_0:
called_computation.2_lowered:
.L_overlay_start_0:
0x88: {  	s2 =	sld [smem:$0x3FD9]  }
0x89: {  	s3 =	sld [smem:$0x3FFE];
	_ =	sdelay $0x1  }
0x8a: {  	s1 =	srdreg.scid  }
0x8b: {  	s0 =	sand.u32 $0x1, s1  }
0x8c: {  	s16 =	sshll.u32 s0, $0xA;
	s2 =	sadd.s32 s3, s2  }
0x8d: {  	s2 =	sadd.s32 s2, s16  }
0x8e: {  	[smem:$0x3FBE] =	sst s2  }
0x8f: {  	_ = 	snop  }
0x90: {  	(tm) =	ssettm $0x1  }
0x91: {  	s17 =	sld [smem:$0x3FFB];
	_ =	sdelay $0x3  }
0x92: {  	_ =	strace s17  }
0x93: {  	s2 =	sld [smem:$0x3FFC];
	_ =	sdelay $0x3  }
0x94: {  	_ =	strace s2  }
0x95: {  	s2 =	sld [smem:$0x3FFD];
	_ =	sdelay $0x3  }
0x96: {  	_ =	strace s2  }
0x97: {  	_ =	strace $0x8FFFFFFF  }
0x98: {  	s18 =	sld [smem:$0x3FDB];
	_ =	sdelay $0x1  }
0x99: {  	s19 =	simm.s32 $_scs_section_size  }
0x9a: {  	s4 =	simm.s32 $_size__tile_overlayer_lowered;
	s5 =	simm.s32 $_tile_overlayer_lowered  }
0x9b: {  	s22 =	simm.s32 $0x1BFF;
	s21 =	sshll.u32 s5, $0x1;
	s2 =	sadd.s32 s19, s18  }
0x9c: {  	s6 =	simm.s32 $0x0;
	s20 =	sshll.u32 s4, $0x1;
	s4 =	sadd.s32 s21, s2  }
0x9d: {  	[timem:s6], [sflag:s22] =	dma.local [hbm:s4], s20  }
0x9e: {  	_ =	swait.ge [sflag:s22], s20  }
0x9f: {  	s3 =	ssub.s32 $0x0, s20;
	[sflag:s22] =	ssyncset.done $0x0  }
0xa0: {  	[sflag:s22] =	ssyncadd.s32 s3;
	_ =	sdelay $0x1  }
0xa1: {  	s23 =	simm.s32 $0x1B8B  }
0xa2: {  	_ =	swait.ge [sflag:s23], $0x1  }
0xa3: {  	[sflag:s23] =	ssyncset.done $0x0  }
0xa4: {  	s25 =	simm.s32 $0x1B8E;
	s24 =	sld [smem:$0x3FFE];
	[sflag:s23] =	ssyncadd.s32 $0xFFFFFFFF  }
0xa5: {  	s26 =	simm.s32 $execute0_lowered;
	[smem:$0x3FD2] =	sst s25  }
0xa6: {  	s4 =	sshll.u32 s26, $0x1;
	_ =	strace $0x8000004C;
	[dreg:$0x1] =	wrdreg $0xFFFFFFFF  }
0xa7: {  	s28 =	simm.s32 $_size_execute0_lowered;
	s2 =	sadd.s32 s2, s4;
	[dreg:$0x0] =	wrdreg $0x0  }
0xa8: {  	s4 =	sshll.u32 s28, $0x1;
	[dreg:$0x2] =	wrdreg s2  }
0xa9: {  	[dreg:$0x3] =	wrdreg s4  }
0xaa: {  	[dreg:$0x4] =	wrdreg $0xC0  }
0xab: {  	_ =	task [dreg:s6], $0x5FFFF  }
0xac: {  	[dreg:$0x1] =	wrdreg $0xFFFFFFFF  }
0xad: {  	[dreg:$0x0] =	wrdreg $0x60  }
0xae: {  	[dreg:$0x2] =	wrdreg s24  }
0xaf: {  	[dreg:$0x3] =	wrdreg $0x0  }
0xb0: {  	[dreg:$0x4] =	wrdreg $0x9  }
0xb1: {  	_ =	task.clear_ibuf [dreg:s6], $0x5FFFF;
	_ =	strace $0x9000004C  }
0xb2: {  	s29 =	simm.s32 $0x9;
	_ =	strace $0x8000004E  }
0xb3: {  	_ =	swait.ge [sflag:s29], $0x1  }
0xb4: {  	[sflag:s29] =	ssyncadd.s32 $0xFFFFFFFF  }
0xb5: {  	_ =	strace $0x9000004E  }
0xb6: {  	_ =	sfence  }
0xb7: {  	s30 =	sld [smem:$0x0];
	_ =	sdelay $0x2  }
0xb8: {  	s31 =	sshll.u32 s1, $0xD;
	s1 =	sshrl.u32 s1, $0x2  }
0xb9: {  	s3 =	sand.u32 $0x4000, s31;
	s1 =	sadd.s32 s1, s30  }
0xba: {  	s0 =	sor.u32 s3, s0;
	s1 =	sshll.u32 s1, $0x11  }
0xbb: {  	s0 =	sor.u32 s1, s0  }
0xbc: {  	s0 =	sadd.s32 $0x8F2B, s0  }
0xbd: {  	[sflag:s0] =	ssyncadd.remote.s32 $0x1  }
0xbe: {  	_ =	sfence.sel $0xFFFF  }
0xbf: {  	[dreg:$0x0] =	wrdreg $0xFFFFFFFF;
	(pc) =	sbr.abs _section_cstart, $3  }
0xc0: {  	[dreg:$0x1] =	wrdreg $0xFFFFFFFF  }
0xc1: {  	_ =	task.clear_ibuf [dreg:s6], $0x2FFFF;
	_ =	strace $0x9FFFFFFF  }
0xc2: {  	(tm) =	ssettm $0x7FFFFFFF  }
0xc3: {  	_ =	shalt  }
tec
execute0_lowered:
.L_overlay_start_1:
0x0: {  	(tag) =	ssettag $0x1  }
0x1: {  	s0 =	rddreg [dreg:$0x0]  }
0x2: {  	s1 =	rddreg [dreg:$0x1];
	s2 =	srdreg.scid;
	s3 =	simm.s32 $0x0  }
0x3: {  	s10 =	stileid.u32;
	s28 =	simm.s32 $0x14180;
	s29 =	simm.s32 $0x1C800  }
0x4: {  	s30 =	simm.s32 $0x1;
	s31 =	simm.s32 $0x2;
	s11 =	simm.s32 $0x16700  }
0x5: {  	s12 =	simm.s32 $0x16780;
	s13 =	simm.s32 $0x0;
	s2 =	sand.u32 $0x1, s2  }
0x6: {  	[smem:$0x7FF] =	sst s3;
	s4 =	sadd.s32 $0x2E00, s0;
	s5 =	sadd.s32 $0x49C00, s0  }
0x7: {  	s7 =	sadd.s32 $0x35C00, s0;
	s8 =	sadd.s32 $0x2AE00, s0;
	s15 =	smul.u32 $0x50000, s10  }
0x8: {  	s18 =	sshll.u32 s10, $0x6;
	s14 =	sshll.u32 s2, $0x4;
	_ =	strace $0x8000004D  }
0x9: {  	[dreg:$0x3] =	wrdreg s8;
	s2 =	ssub.s32 $0x2, s2;
	s3 =	sor.u32 s10, s14  }
0xa: {  	s16 =	sshrl.u32 s2, $0x1;
	s17 =	sshrl.u32 s15, $0x2;
	s6 =	smul.u32 $0x2800, s3  }
0xb: {  	s9 =	smul.u32 $0x5000, s3;
	s2 =	ssub.s32 s2, s16;
	s8 =	sadd.s32 s17, s1  }
0xc: {  	s3 =	smul.u32 $0xA00, s3;
	s26 =	smax.u32 s2, $0x1;
	s17 =	sshrl.u32 s8, $0x3  }
0xd: {  	s2 =	simm.s32 $0x4;
	s8 =	simm.s32 $0x8;
	s0 =	sadd.s32 s6, s0  }
0xe: {  	s9 =	sshrl.u32 s9, $0x3;
	s6 =	sor.u32 $0x1C09, s18;
	s19 =	sadd.s32 s5, s3  }
0xf: {  	s3 =	sadd.s32 s7, s3;
	[dreg:$0xd] =	wrdreg s26;
	s18 =	simm.s32 $0x9  }
0x10: {  	s26 =	simm.s32 $0x1A800;
	[dreg:$0x4] =	wrdreg s19;
	s20 =	sadd.s32 $0x280, s9  }
0x11: {  	[dreg:$0x5] =	wrdreg s3;
	s22 =	sadd.s32 $0x500, s9;
	s0 =	sadd.s32 $0x5DC00, s0  }
0x12: {  	s9 =	sadd.s32 $0x780, s9;
	s21 =	sadd.s32 s5, s20;
	[dreg:$0xc] =	wrdreg s0  }
0x13: {  	s19 =	simm.s32 $0x14000;
	s10 =	sadd.s32 s7, s20;
	[dreg:$0x6] =	wrdreg s21  }
0x14: {  	s23 =	sadd.s32 s5, s22;
	s3 =	sadd.s32 s7, s22;
	[dreg:$0x7] =	wrdreg s10  }
0x15: {  	s24 =	sadd.s32 s5, s9;
	s25 =	sadd.s32 s7, s9;
	[dreg:$0x8] =	wrdreg s23  }
0x16: {  	s20 =	simm.s32 $0x15400;
	s22 =	simm.s32 $0x16800;
	[dreg:$0x9] =	wrdreg s3  }
0x17: {  	s0 =	simm.s32 $0x3;
	s5 =	simm.s32 $0x6;
	[dreg:$0xa] =	wrdreg s24  }
0x18: {  	s7 =	simm.s32 $0x7;
	s9 =	simm.s32 $0x16600;
	[dreg:$0xb] =	wrdreg s25  }
0x19: {  	s21 =	simm.s32 $0x40;
	s23 =	simm.s32 $0x14080;
	s24 =	simm.s32 $0x18800  }
0x1a: {  	s25 =	simm.s32 $0x14100;
	s3 =	simm.s32 $0x5;
	s10 =	simm.s32 $0x16680  }
.LBB2_1:
0x1b: {  	s14 =	rddreg [dreg:$0x3]  }
0x1c: {  	[spmem:s17], [sflag:s6] =	dma.local [hbm:s14], $0x2800  }
0x1d: {  	_ =	swait.ge [sflag:s18], $0x2800  }
0x1e: {  	[sflag:s18] =	ssyncset.done $0x0  }
0x1f: {  	[sflag:s18] =	ssyncadd.s32 $0xFFFFD800  }
0x20: {  	[bflag:$0x0] =	sbarrier.arrive $0xFFFF  }
0x21: {  	s14 =	simm.s32 $0x0;
	s15 =	rddreg [dreg:$0x4]  }
0x22: {  	[tilespmem:s19], [sflag:$0x9] =	stream.linear.gather [hbm4b:s15+s14], $0x1400, $0x38;
	[tilespmem:$0x1E800] =	vst v63  }
0x23: {  	_ =	swait.ge [sflag:s18], $0x1400  }
0x24: {  	[sflag:s18] =	ssyncset.done $0x0  }
0x25: {  	s16 =	rddreg [dreg:$0x5];
	[sflag:s18] =	ssyncadd.s32 $0xFFFFEC00  }
0x26: {  	[tilespmem:s20], [sflag:$0x9] =	stream.linear.gather [hbm4b:s16+s14], $0x1400, $0x38;
	[tilespmem:$0x1E800] =	vst v63  }
0x27: {  	_ =	swait.ge [sflag:s18], $0x1400  }
0x28: {  	[sflag:s18] =	ssyncset.done $0x0  }
0x29: {  	[sflag:s18] =	ssyncadd.s32 $0xFFFFEC00  }
0x2a: {  	[tilespmem:s22], [sflag:$0x1] =	stream.indirect.gather [hbm4b:s4+s21], $0x80, s19, s21, $0xb8;
	[tilespmem:$0x1E800] =	vst v63  }
0x2b: {  	_ = 	snop  }
0x2c: {  	[tilespmem:s24], [sflag:$0x2] =	stream.indirect.gather [hbm4b:s4+s21], $0x80, s23, s21, $0xb8;
	[tilespmem:$0x1E800] =	vst v63  }
0x2d: {  	_ = 	snop  }
0x2e: {  	[tilespmem:s26], [sflag:$0x3] =	stream.indirect.gather [hbm4b:s4+s21], $0x80, s25, s21, $0xb8;
	[tilespmem:$0x1E800] =	vst v63  }
0x2f: {  	_ = 	snop  }
0x30: {  	[tilespmem:s29], [sflag:$0x4] =	stream.indirect.gather [hbm4b:s4+s21], $0x80, s28, s21, $0xb8;
	[tilespmem:$0x1E800] =	vst v63  }
0x31: {  	_ =	swait.ge [sflag:s30], $0x2000  }
0x32: {  	[sflag:s30] =	ssyncset.done $0x0  }
0x33: {  	s16 =	simm.s32 $0x15400;
	[sflag:s30] =	ssyncadd.s32 $0xFFFFE000  }
0x34: {  	[spmem:s1] =	stream.indirect.scatter.add.f32 [tilespmem:s22], [sflag:$0x5], $0x80, s16, s21, $0xb8;
	[tilespmem:$0x1E800] =	vst v63  }
0x35: {  	_ =	swait.ge [sflag:s31], $0x2000  }
0x36: {  	[sflag:s31] =	ssyncset.done $0x0  }
0x37: {  	s15 =	simm.s32 $0x15480;
	[sflag:s31] =	ssyncadd.s32 $0xFFFFE000  }
0x38: {  	[spmem:s1] =	stream.indirect.scatter.add.f32 [tilespmem:s24], [sflag:$0x6], $0x80, s15, s21, $0xb8;
	[tilespmem:$0x1E800] =	vst v63  }
0x39: {  	_ =	swait.ge [sflag:s0], $0x2000  }
0x3a: {  	[sflag:s0] =	ssyncset.done $0x0  }
0x3b: {  	s16 =	simm.s32 $0x15500;
	[sflag:s0] =	ssyncadd.s32 $0xFFFFE000  }
0x3c: {  	[spmem:s1] =	stream.indirect.scatter.add.f32 [tilespmem:s26], [sflag:$0x7], $0x80, s16, s21, $0xb8;
	[tilespmem:$0x1E800] =	vst v63  }
0x3d: {  	_ =	swait.ge [sflag:s2], $0x2000  }
0x3e: {  	[sflag:s2] =	ssyncset.done $0x0  }
0x3f: {  	s15 =	simm.s32 $0x15580;
	[sflag:s2] =	ssyncadd.s32 $0xFFFFE000  }
0x40: {  	[spmem:s1] =	stream.indirect.scatter.add.f32 [tilespmem:s29], [sflag:$0x8], $0x80, s15, s21, $0xb8;
	[tilespmem:$0x1E800] =	vst v63  }
0x41: {  	_ =	swait.ge [sflag:s3], $0x2000  }
0x42: {  	[sflag:s3] =	ssyncset.done $0x0  }
0x43: {  	s16 =	simm.s32 $0x14200;
	[sflag:s3] =	ssyncadd.s32 $0xFFFFE000  }
0x44: {  	[tilespmem:s22], [sflag:$0x1] =	stream.indirect.gather [hbm4b:s4+s21], $0x80, s16, s21, $0xb8;
	[tilespmem:$0x1E800] =	vst v63  }
0x45: {  	_ =	swait.ge [sflag:s5], $0x2000  }
0x46: {  	[sflag:s5] =	ssyncset.done $0x0  }
0x47: {  	s15 =	simm.s32 $0x14280;
	[sflag:s5] =	ssyncadd.s32 $0xFFFFE000  }
0x48: {  	[tilespmem:s24], [sflag:$0x2] =	stream.indirect.gather [hbm4b:s4+s21], $0x80, s15, s21, $0xb8;
	[tilespmem:$0x1E800] =	vst v63  }
0x49: {  	_ =	swait.ge [sflag:s7], $0x2000  }
0x4a: {  	[sflag:s7] =	ssyncset.done $0x0  }
0x4b: {  	s16 =	simm.s32 $0x14300;
	[sflag:s7] =	ssyncadd.s32 $0xFFFFE000  }
0x4c: {  	[tilespmem:s26], [sflag:$0x3] =	stream.indirect.gather [hbm4b:s4+s21], $0x80, s16, s21, $0xb8;
	[tilespmem:$0x1E800] =	vst v63  }
0x4d: {  	_ =	swait.ge [sflag:s8], $0x2000  }
0x4e: {  	[sflag:s8] =	ssyncset.done $0x0  }
0x4f: {  	s14 =	simm.s32 $0x800;
	s15 =	simm.s32 $0x14380;
	[sflag:s8] =	ssyncadd.s32 $0xFFFFE000  }
.LBB2_2:
0x50: {  	[tilespmem:s29], [sflag:$0x4] =	stream.indirect.gather [hbm4b:s4+s21], $0x80, s15, s21, $0xb8;
	[tilespmem:$0x1E800] =	vst v63  }
0x51: {  	s15 =	smov.u32 s14  }
0x52: {  	p0 =	sne.s32 s14, $0x4000;
	s14 =	sadd.s32 $0x800, s14;
	_ =	swait.ge [sflag:s30], $0x2000  }
0x53: {  	s15 =	sshra.s32 s15, $0x2;
	[sflag:s30] =	ssyncset.done $0x0  }
0x54: {  	s16 =	sadd.s32 $0x15400, s15;
	[sflag:s30] =	ssyncadd.s32 $0xFFFFE000  }
0x55: {  	[spmem:s1] =	stream.indirect.scatter.add.f32 [tilespmem:s22], [sflag:$0x5], $0x80, s16, s21, $0xb8;
	[tilespmem:$0x1E800] =	vst v63  }
0x56: {  	_ =	swait.ge [sflag:s31], $0x2000  }
0x57: {  	[sflag:s31] =	ssyncset.done $0x0  }
0x58: {  	s16 =	sadd.s32 $0x15480, s15;
	[sflag:s31] =	ssyncadd.s32 $0xFFFFE000  }
0x59: {  	[spmem:s1] =	stream.indirect.scatter.add.f32 [tilespmem:s24], [sflag:$0x6], $0x80, s16, s21, $0xb8;
	[tilespmem:$0x1E800] =	vst v63  }
0x5a: {  	_ =	swait.ge [sflag:s0], $0x2000  }
0x5b: {  	[sflag:s0] =	ssyncset.done $0x0  }
0x5c: {  	s16 =	sadd.s32 $0x15500, s15;
	[sflag:s0] =	ssyncadd.s32 $0xFFFFE000  }
0x5d: {  	[spmem:s1] =	stream.indirect.scatter.add.f32 [tilespmem:s26], [sflag:$0x7], $0x80, s16, s21, $0xb8;
	[tilespmem:$0x1E800] =	vst v63  }
0x5e: {  	_ =	swait.ge [sflag:s2], $0x2000  }
0x5f: {  	[sflag:s2] =	ssyncset.done $0x0  }
0x60: {  	s16 =	sadd.s32 $0x15580, s15;
	[sflag:s2] =	ssyncadd.s32 $0xFFFFE000  }
0x61: {  	[spmem:s1] =	stream.indirect.scatter.add.f32 [tilespmem:s29], [sflag:$0x8], $0x80, s16, s21, $0xb8;
	[tilespmem:$0x1E800] =	vst v63  }
0x62: {  	_ =	swait.ge [sflag:s3], $0x2000  }
0x63: {  	[sflag:s3] =	ssyncset.done $0x0  }
0x64: {  	s16 =	sadd.s32 $0x14200, s15;
	[sflag:s3] =	ssyncadd.s32 $0xFFFFE000  }
0x65: {  	[tilespmem:s22], [sflag:$0x1] =	stream.indirect.gather [hbm4b:s4+s21], $0x80, s16, s21, $0xb8;
	[tilespmem:$0x1E800] =	vst v63  }
0x66: {  	_ =	swait.ge [sflag:s5], $0x2000  }
0x67: {  	[sflag:s5] =	ssyncset.done $0x0  }
0x68: {  	s16 =	sadd.s32 $0x14280, s15;
	[sflag:s5] =	ssyncadd.s32 $0xFFFFE000  }
0x69: {  	[tilespmem:s24], [sflag:$0x2] =	stream.indirect.gather [hbm4b:s4+s21], $0x80, s16, s21, $0xb8;
	[tilespmem:$0x1E800] =	vst v63  }
0x6a: {  	_ =	swait.ge [sflag:s7], $0x2000  }
0x6b: {  	[sflag:s7] =	ssyncset.done $0x0  }
.Ltmp0:
0x6c: {  	s16 =	sadd.s32 $0x14300, s15;
	[sflag:s7] =	ssyncadd.s32 $0xFFFFE000;
	(pc) =	sbr.rel @p0 .LBB2_2-.Ltmp0, $4  }
0x6d: {  	[tilespmem:s26], [sflag:$0x3] =	stream.indirect.gather [hbm4b:s4+s21], $0x80, s16, s21, $0xb8;
	[tilespmem:$0x1E800] =	vst v63  }
0x6e: {  	_ =	swait.ge [sflag:s8], $0x2000  }
0x6f: {  	[sflag:s8] =	ssyncset.done $0x0  }
0x70: {  	s15 =	sadd.s32 $0x14380, s15;
	[sflag:s8] =	ssyncadd.s32 $0xFFFFE000  }
0x71: {  	[tilespmem:s29], [sflag:$0x4] =	stream.indirect.gather [hbm4b:s4+s21], $0x80, s15, s21, $0xb8;
	[tilespmem:$0x1E800] =	vst v63  }
0x72: {  	_ =	swait.ge [sflag:s30], $0x2000  }
0x73: {  	[sflag:s30] =	ssyncset.done $0x0  }
0x74: {  	[sflag:s30] =	ssyncadd.s32 $0xFFFFE000  }
0x75: {  	[spmem:s1] =	stream.indirect.scatter.add.f32 [tilespmem:s22], [sflag:$0x5], $0x80, s9, s21, $0xb8;
	[tilespmem:$0x1E800] =	vst v63  }
0x76: {  	_ =	swait.ge [sflag:s31], $0x2000  }
0x77: {  	[sflag:s31] =	ssyncset.done $0x0  }
0x78: {  	[sflag:s31] =	ssyncadd.s32 $0xFFFFE000  }
0x79: {  	[spmem:s1] =	stream.indirect.scatter.add.f32 [tilespmem:s24], [sflag:$0x6], $0x80, s10, s21, $0xb8;
	[tilespmem:$0x1E800] =	vst v63  }
0x7a: {  	_ =	swait.ge [sflag:s0], $0x2000  }
0x7b: {  	[sflag:s0] =	ssyncset.done $0x0  }
0x7c: {  	[sflag:s0] =	ssyncadd.s32 $0xFFFFE000  }
0x7d: {  	[spmem:s1] =	stream.indirect.scatter.add.f32 [tilespmem:s26], [sflag:$0x7], $0x80, s11, s21, $0xb8;
	[tilespmem:$0x1E800] =	vst v63  }
0x7e: {  	_ =	swait.ge [sflag:s2], $0x2000  }
0x7f: {  	[sflag:s2] =	ssyncset.done $0x0  }
0x80: {  	[sflag:s2] =	ssyncadd.s32 $0xFFFFE000  }
0x81: {  	[spmem:s1] =	stream.indirect.scatter.add.f32 [tilespmem:s29], [sflag:$0x8], $0x80, s12, s21, $0xb8;
	[tilespmem:$0x1E800] =	vst v63  }
0x82: {  	_ =	swait.ge [sflag:s3], $0x2000  }
0x83: {  	[sflag:s3] =	ssyncset.done $0x0  }
0x84: {  	[sflag:s3] =	ssyncadd.s32 $0xFFFFE000  }
0x85: {  	_ =	swait.ge [sflag:s5], $0x2000  }
0x86: {  	[sflag:s5] =	ssyncset.done $0x0  }
0x87: {  	[sflag:s5] =	ssyncadd.s32 $0xFFFFE000  }
0x88: {  	_ =	swait.ge [sflag:s7], $0x2000  }
0x89: {  	[sflag:s7] =	ssyncset.done $0x0  }
0x8a: {  	[sflag:s7] =	ssyncadd.s32 $0xFFFFE000  }
0x8b: {  	_ =	swait.ge [sflag:s8], $0x2000  }
0x8c: {  	[sflag:s8] =	ssyncset.done $0x0  }
0x8d: {  	s14 =	simm.s32 $0x0;
	s16 =	rddreg [dreg:$0x6];
	[sflag:s8] =	ssyncadd.s32 $0xFFFFE000  }
0x8e: {  	[tilespmem:s19], [sflag:$0x9] =	stream.linear.gather [hbm4b:s16+s14], $0x1400, $0x38;
	[tilespmem:$0x1E800] =	vst v63  }
0x8f: {  	_ =	swait.ge [sflag:s18], $0x1400  }
0x90: {  	[sflag:s18] =	ssyncset.done $0x0  }
0x91: {  	s16 =	rddreg [dreg:$0x7];
	[sflag:s18] =	ssyncadd.s32 $0xFFFFEC00  }
0x92: {  	[tilespmem:s20], [sflag:$0x9] =	stream.linear.gather [hbm4b:s16+s14], $0x1400, $0x38;
	[tilespmem:$0x1E800] =	vst v63  }
0x93: {  	_ =	swait.ge [sflag:s18], $0x1400  }
0x94: {  	[sflag:s18] =	ssyncset.done $0x0  }
0x95: {  	[sflag:s18] =	ssyncadd.s32 $0xFFFFEC00  }
0x96: {  	[tilespmem:s22], [sflag:$0x1] =	stream.indirect.gather [hbm4b:s4+s21], $0x80, s19, s21, $0xb8;
	[tilespmem:$0x1E800] =	vst v63  }
0x97: {  	_ = 	snop  }
0x98: {  	[tilespmem:s24], [sflag:$0x2] =	stream.indirect.gather [hbm4b:s4+s21], $0x80, s23, s21, $0xb8;
	[tilespmem:$0x1E800] =	vst v63  }
0x99: {  	_ = 	snop  }
0x9a: {  	[tilespmem:s26], [sflag:$0x3] =	stream.indirect.gather [hbm4b:s4+s21], $0x80, s25, s21, $0xb8;
	[tilespmem:$0x1E800] =	vst v63  }
0x9b: {  	_ = 	snop  }
0x9c: {  	[tilespmem:s29], [sflag:$0x4] =	stream.indirect.gather [hbm4b:s4+s21], $0x80, s28, s21, $0xb8;
	[tilespmem:$0x1E800] =	vst v63  }
0x9d: {  	_ =	swait.ge [sflag:s30], $0x2000  }
0x9e: {  	[sflag:s30] =	ssyncset.done $0x0  }
0x9f: {  	s16 =	simm.s32 $0x15400;
	[sflag:s30] =	ssyncadd.s32 $0xFFFFE000  }
0xa0: {  	[spmem:s1] =	stream.indirect.scatter.add.f32 [tilespmem:s22], [sflag:$0x5], $0x80, s16, s21, $0xb8;
	[tilespmem:$0x1E800] =	vst v63  }
0xa1: {  	_ =	swait.ge [sflag:s31], $0x2000  }
0xa2: {  	[sflag:s31] =	ssyncset.done $0x0  }
0xa3: {  	s15 =	simm.s32 $0x15480;
	[sflag:s31] =	ssyncadd.s32 $0xFFFFE000  }
0xa4: {  	[spmem:s1] =	stream.indirect.scatter.add.f32 [tilespmem:s24], [sflag:$0x6], $0x80, s15, s21, $0xb8;
	[tilespmem:$0x1E800] =	vst v63  }
0xa5: {  	_ =	swait.ge [sflag:s0], $0x2000  }
0xa6: {  	[sflag:s0] =	ssyncset.done $0x0  }
0xa7: {  	s16 =	simm.s32 $0x15500;
	[sflag:s0] =	ssyncadd.s32 $0xFFFFE000  }
0xa8: {  	[spmem:s1] =	stream.indirect.scatter.add.f32 [tilespmem:s26], [sflag:$0x7], $0x80, s16, s21, $0xb8;
	[tilespmem:$0x1E800] =	vst v63  }
0xa9: {  	_ =	swait.ge [sflag:s2], $0x2000  }
0xaa: {  	[sflag:s2] =	ssyncset.done $0x0  }
0xab: {  	s15 =	simm.s32 $0x15580;
	[sflag:s2] =	ssyncadd.s32 $0xFFFFE000  }
0xac: {  	[spmem:s1] =	stream.indirect.scatter.add.f32 [tilespmem:s29], [sflag:$0x8], $0x80, s15, s21, $0xb8;
	[tilespmem:$0x1E800] =	vst v63  }
0xad: {  	_ =	swait.ge [sflag:s3], $0x2000  }
0xae: {  	[sflag:s3] =	ssyncset.done $0x0  }
0xaf: {  	s16 =	simm.s32 $0x14200;
	[sflag:s3] =	ssyncadd.s32 $0xFFFFE000  }
0xb0: {  	[tilespmem:s22], [sflag:$0x1] =	stream.indirect.gather [hbm4b:s4+s21], $0x80, s16, s21, $0xb8;
	[tilespmem:$0x1E800] =	vst v63  }
0xb1: {  	_ =	swait.ge [sflag:s5], $0x2000  }
0xb2: {  	[sflag:s5] =	ssyncset.done $0x0  }
0xb3: {  	s15 =	simm.s32 $0x14280;
	[sflag:s5] =	ssyncadd.s32 $0xFFFFE000  }
0xb4: {  	[tilespmem:s24], [sflag:$0x2] =	stream.indirect.gather [hbm4b:s4+s21], $0x80, s15, s21, $0xb8;
	[tilespmem:$0x1E800] =	vst v63  }
0xb5: {  	_ =	swait.ge [sflag:s7], $0x2000  }
0xb6: {  	[sflag:s7] =	ssyncset.done $0x0  }
0xb7: {  	s16 =	simm.s32 $0x14300;
	[sflag:s7] =	ssyncadd.s32 $0xFFFFE000  }
0xb8: {  	[tilespmem:s26], [sflag:$0x3] =	stream.indirect.gather [hbm4b:s4+s21], $0x80, s16, s21, $0xb8;
	[tilespmem:$0x1E800] =	vst v63  }
0xb9: {  	_ =	swait.ge [sflag:s8], $0x2000  }
0xba: {  	[sflag:s8] =	ssyncset.done $0x0  }
0xbb: {  	s14 =	simm.s32 $0x800;
	s15 =	simm.s32 $0x14380;
	[sflag:s8] =	ssyncadd.s32 $0xFFFFE000  }
.LBB2_4:
0xbc: {  	[tilespmem:s29], [sflag:$0x4] =	stream.indirect.gather [hbm4b:s4+s21], $0x80, s15, s21, $0xb8;
	[tilespmem:$0x1E800] =	vst v63  }
0xbd: {  	s15 =	smov.u32 s14  }
0xbe: {  	p0 =	sne.s32 s14, $0x4000;
	s14 =	sadd.s32 $0x800, s14;
	_ =	swait.ge [sflag:s30], $0x2000  }
0xbf: {  	s15 =	sshra.s32 s15, $0x2;
	[sflag:s30] =	ssyncset.done $0x0  }
0xc0: {  	s16 =	sadd.s32 $0x15400, s15;
	[sflag:s30] =	ssyncadd.s32 $0xFFFFE000  }
0xc1: {  	[spmem:s1] =	stream.indirect.scatter.add.f32 [tilespmem:s22], [sflag:$0x5], $0x80, s16, s21, $0xb8;
	[tilespmem:$0x1E800] =	vst v63  }
0xc2: {  	_ =	swait.ge [sflag:s31], $0x2000  }
0xc3: {  	[sflag:s31] =	ssyncset.done $0x0  }
0xc4: {  	s16 =	sadd.s32 $0x15480, s15;
	[sflag:s31] =	ssyncadd.s32 $0xFFFFE000  }
0xc5: {  	[spmem:s1] =	stream.indirect.scatter.add.f32 [tilespmem:s24], [sflag:$0x6], $0x80, s16, s21, $0xb8;
	[tilespmem:$0x1E800] =	vst v63  }
0xc6: {  	_ =	swait.ge [sflag:s0], $0x2000  }
0xc7: {  	[sflag:s0] =	ssyncset.done $0x0  }
0xc8: {  	s16 =	sadd.s32 $0x15500, s15;
	[sflag:s0] =	ssyncadd.s32 $0xFFFFE000  }
0xc9: {  	[spmem:s1] =	stream.indirect.scatter.add.f32 [tilespmem:s26], [sflag:$0x7], $0x80, s16, s21, $0xb8;
	[tilespmem:$0x1E800] =	vst v63  }
0xca: {  	_ =	swait.ge [sflag:s2], $0x2000  }
0xcb: {  	[sflag:s2] =	ssyncset.done $0x0  }
0xcc: {  	s16 =	sadd.s32 $0x15580, s15;
	[sflag:s2] =	ssyncadd.s32 $0xFFFFE000  }
0xcd: {  	[spmem:s1] =	stream.indirect.scatter.add.f32 [tilespmem:s29], [sflag:$0x8], $0x80, s16, s21, $0xb8;
	[tilespmem:$0x1E800] =	vst v63  }
0xce: {  	_ =	swait.ge [sflag:s3], $0x2000  }
0xcf: {  	[sflag:s3] =	ssyncset.done $0x0  }
0xd0: {  	s16 =	sadd.s32 $0x14200, s15;
	[sflag:s3] =	ssyncadd.s32 $0xFFFFE000  }
0xd1: {  	[tilespmem:s22], [sflag:$0x1] =	stream.indirect.gather [hbm4b:s4+s21], $0x80, s16, s21, $0xb8;
	[tilespmem:$0x1E800] =	vst v63  }
0xd2: {  	_ =	swait.ge [sflag:s5], $0x2000  }
0xd3: {  	[sflag:s5] =	ssyncset.done $0x0  }
0xd4: {  	s16 =	sadd.s32 $0x14280, s15;
	[sflag:s5] =	ssyncadd.s32 $0xFFFFE000  }
0xd5: {  	[tilespmem:s24], [sflag:$0x2] =	stream.indirect.gather [hbm4b:s4+s21], $0x80, s16, s21, $0xb8;
	[tilespmem:$0x1E800] =	vst v63  }
0xd6: {  	_ =	swait.ge [sflag:s7], $0x2000  }
0xd7: {  	[sflag:s7] =	ssyncset.done $0x0  }
.Ltmp1:
0xd8: {  	s16 =	sadd.s32 $0x14300, s15;
	[sflag:s7] =	ssyncadd.s32 $0xFFFFE000;
	(pc) =	sbr.rel @p0 .LBB2_4-.Ltmp1, $4  }
0xd9: {  	[tilespmem:s26], [sflag:$0x3] =	stream.indirect.gather [hbm4b:s4+s21], $0x80, s16, s21, $0xb8;
	[tilespmem:$0x1E800] =	vst v63  }
0xda: {  	_ =	swait.ge [sflag:s8], $0x2000  }
0xdb: {  	[sflag:s8] =	ssyncset.done $0x0  }
0xdc: {  	s15 =	sadd.s32 $0x14380, s15;
	[sflag:s8] =	ssyncadd.s32 $0xFFFFE000  }
0xdd: {  	[tilespmem:s29], [sflag:$0x4] =	stream.indirect.gather [hbm4b:s4+s21], $0x80, s15, s21, $0xb8;
	[tilespmem:$0x1E800] =	vst v63  }
0xde: {  	_ =	swait.ge [sflag:s30], $0x2000  }
0xdf: {  	[sflag:s30] =	ssyncset.done $0x0  }
0xe0: {  	[sflag:s30] =	ssyncadd.s32 $0xFFFFE000  }
0xe1: {  	[spmem:s1] =	stream.indirect.scatter.add.f32 [tilespmem:s22], [sflag:$0x5], $0x80, s9, s21, $0xb8;
	[tilespmem:$0x1E800] =	vst v63  }
0xe2: {  	_ =	swait.ge [sflag:s31], $0x2000  }
0xe3: {  	[sflag:s31] =	ssyncset.done $0x0  }
0xe4: {  	[sflag:s31] =	ssyncadd.s32 $0xFFFFE000  }
0xe5: {  	[spmem:s1] =	stream.indirect.scatter.add.f32 [tilespmem:s24], [sflag:$0x6], $0x80, s10, s21, $0xb8;
	[tilespmem:$0x1E800] =	vst v63  }
0xe6: {  	_ =	swait.ge [sflag:s0], $0x2000  }
0xe7: {  	[sflag:s0] =	ssyncset.done $0x0  }
0xe8: {  	[sflag:s0] =	ssyncadd.s32 $0xFFFFE000  }
0xe9: {  	[spmem:s1] =	stream.indirect.scatter.add.f32 [tilespmem:s26], [sflag:$0x7], $0x80, s11, s21, $0xb8;
	[tilespmem:$0x1E800] =	vst v63  }
0xea: {  	_ =	swait.ge [sflag:s2], $0x2000  }
0xeb: {  	[sflag:s2] =	ssyncset.done $0x0  }
0xec: {  	[sflag:s2] =	ssyncadd.s32 $0xFFFFE000  }
0xed: {  	[spmem:s1] =	stream.indirect.scatter.add.f32 [tilespmem:s29], [sflag:$0x8], $0x80, s12, s21, $0xb8;
	[tilespmem:$0x1E800] =	vst v63  }
0xee: {  	_ =	swait.ge [sflag:s3], $0x2000  }
0xef: {  	[sflag:s3] =	ssyncset.done $0x0  }
0xf0: {  	[sflag:s3] =	ssyncadd.s32 $0xFFFFE000  }
0xf1: {  	_ =	swait.ge [sflag:s5], $0x2000  }
0xf2: {  	[sflag:s5] =	ssyncset.done $0x0  }
0xf3: {  	[sflag:s5] =	ssyncadd.s32 $0xFFFFE000  }
0xf4: {  	_ =	swait.ge [sflag:s7], $0x2000  }
0xf5: {  	[sflag:s7] =	ssyncset.done $0x0  }
0xf6: {  	[sflag:s7] =	ssyncadd.s32 $0xFFFFE000  }
0xf7: {  	_ =	swait.ge [sflag:s8], $0x2000  }
0xf8: {  	[sflag:s8] =	ssyncset.done $0x0  }
0xf9: {  	s14 =	simm.s32 $0x0;
	s16 =	rddreg [dreg:$0x8];
	[sflag:s8] =	ssyncadd.s32 $0xFFFFE000  }
0xfa: {  	[tilespmem:s19], [sflag:$0x9] =	stream.linear.gather [hbm4b:s16+s14], $0x1400, $0x38;
	[tilespmem:$0x1E800] =	vst v63  }
0xfb: {  	_ =	swait.ge [sflag:s18], $0x1400  }
0xfc: {  	[sflag:s18] =	ssyncset.done $0x0  }
0xfd: {  	s16 =	rddreg [dreg:$0x9];
	[sflag:s18] =	ssyncadd.s32 $0xFFFFEC00  }
0xfe: {  	[tilespmem:s20], [sflag:$0x9] =	stream.linear.gather [hbm4b:s16+s14], $0x1400, $0x38;
	[tilespmem:$0x1E800] =	vst v63  }
0xff: {  	_ =	swait.ge [sflag:s18], $0x1400  }
0x100: {  	[sflag:s18] =	ssyncset.done $0x0  }
0x101: {  	[sflag:s18] =	ssyncadd.s32 $0xFFFFEC00  }
0x102: {  	[tilespmem:s22], [sflag:$0x1] =	stream.indirect.gather [hbm4b:s4+s21], $0x80, s19, s21, $0xb8;
	[tilespmem:$0x1E800] =	vst v63  }
0x103: {  	_ = 	snop  }
0x104: {  	[tilespmem:s24], [sflag:$0x2] =	stream.indirect.gather [hbm4b:s4+s21], $0x80, s23, s21, $0xb8;
	[tilespmem:$0x1E800] =	vst v63  }
0x105: {  	_ = 	snop  }
0x106: {  	[tilespmem:s26], [sflag:$0x3] =	stream.indirect.gather [hbm4b:s4+s21], $0x80, s25, s21, $0xb8;
	[tilespmem:$0x1E800] =	vst v63  }
0x107: {  	_ = 	snop  }
0x108: {  	[tilespmem:s29], [sflag:$0x4] =	stream.indirect.gather [hbm4b:s4+s21], $0x80, s28, s21, $0xb8;
	[tilespmem:$0x1E800] =	vst v63  }
0x109: {  	_ =	swait.ge [sflag:s30], $0x2000  }
0x10a: {  	[sflag:s30] =	ssyncset.done $0x0  }
0x10b: {  	s16 =	simm.s32 $0x15400;
	[sflag:s30] =	ssyncadd.s32 $0xFFFFE000  }
0x10c: {  	[spmem:s1] =	stream.indirect.scatter.add.f32 [tilespmem:s22], [sflag:$0x5], $0x80, s16, s21, $0xb8;
	[tilespmem:$0x1E800] =	vst v63  }
0x10d: {  	_ =	swait.ge [sflag:s31], $0x2000  }
0x10e: {  	[sflag:s31] =	ssyncset.done $0x0  }
0x10f: {  	s15 =	simm.s32 $0x15480;
	[sflag:s31] =	ssyncadd.s32 $0xFFFFE000  }
0x110: {  	[spmem:s1] =	stream.indirect.scatter.add.f32 [tilespmem:s24], [sflag:$0x6], $0x80, s15, s21, $0xb8;
	[tilespmem:$0x1E800] =	vst v63  }
0x111: {  	_ =	swait.ge [sflag:s0], $0x2000  }
0x112: {  	[sflag:s0] =	ssyncset.done $0x0  }
0x113: {  	s16 =	simm.s32 $0x15500;
	[sflag:s0] =	ssyncadd.s32 $0xFFFFE000  }
0x114: {  	[spmem:s1] =	stream.indirect.scatter.add.f32 [tilespmem:s26], [sflag:$0x7], $0x80, s16, s21, $0xb8;
	[tilespmem:$0x1E800] =	vst v63  }
0x115: {  	_ =	swait.ge [sflag:s2], $0x2000  }
0x116: {  	[sflag:s2] =	ssyncset.done $0x0  }
0x117: {  	s15 =	simm.s32 $0x15580;
	[sflag:s2] =	ssyncadd.s32 $0xFFFFE000  }
0x118: {  	[spmem:s1] =	stream.indirect.scatter.add.f32 [tilespmem:s29], [sflag:$0x8], $0x80, s15, s21, $0xb8;
	[tilespmem:$0x1E800] =	vst v63  }
0x119: {  	_ =	swait.ge [sflag:s3], $0x2000  }
0x11a: {  	[sflag:s3] =	ssyncset.done $0x0  }
0x11b: {  	s16 =	simm.s32 $0x14200;
	[sflag:s3] =	ssyncadd.s32 $0xFFFFE000  }
0x11c: {  	[tilespmem:s22], [sflag:$0x1] =	stream.indirect.gather [hbm4b:s4+s21], $0x80, s16, s21, $0xb8;
	[tilespmem:$0x1E800] =	vst v63  }
0x11d: {  	_ =	swait.ge [sflag:s5], $0x2000  }
0x11e: {  	[sflag:s5] =	ssyncset.done $0x0  }
0x11f: {  	s15 =	simm.s32 $0x14280;
	[sflag:s5] =	ssyncadd.s32 $0xFFFFE000  }
0x120: {  	[tilespmem:s24], [sflag:$0x2] =	stream.indirect.gather [hbm4b:s4+s21], $0x80, s15, s21, $0xb8;
	[tilespmem:$0x1E800] =	vst v63  }
0x121: {  	_ =	swait.ge [sflag:s7], $0x2000  }
0x122: {  	[sflag:s7] =	ssyncset.done $0x0  }
0x123: {  	s16 =	simm.s32 $0x14300;
	[sflag:s7] =	ssyncadd.s32 $0xFFFFE000  }
0x124: {  	[tilespmem:s26], [sflag:$0x3] =	stream.indirect.gather [hbm4b:s4+s21], $0x80, s16, s21, $0xb8;
	[tilespmem:$0x1E800] =	vst v63  }
0x125: {  	_ =	swait.ge [sflag:s8], $0x2000  }
0x126: {  	[sflag:s8] =	ssyncset.done $0x0  }
0x127: {  	s14 =	simm.s32 $0x800;
	s15 =	simm.s32 $0x14380;
	[sflag:s8] =	ssyncadd.s32 $0xFFFFE000  }
.LBB2_6:
0x128: {  	[tilespmem:s29], [sflag:$0x4] =	stream.indirect.gather [hbm4b:s4+s21], $0x80, s15, s21, $0xb8;
	[tilespmem:$0x1E800] =	vst v63  }
0x129: {  	s15 =	smov.u32 s14  }
0x12a: {  	p0 =	sne.s32 s14, $0x4000;
	s14 =	sadd.s32 $0x800, s14;
	_ =	swait.ge [sflag:s30], $0x2000  }
0x12b: {  	s15 =	sshra.s32 s15, $0x2;
	[sflag:s30] =	ssyncset.done $0x0  }
0x12c: {  	s16 =	sadd.s32 $0x15400, s15;
	[sflag:s30] =	ssyncadd.s32 $0xFFFFE000  }
0x12d: {  	[spmem:s1] =	stream.indirect.scatter.add.f32 [tilespmem:s22], [sflag:$0x5], $0x80, s16, s21, $0xb8;
	[tilespmem:$0x1E800] =	vst v63  }
0x12e: {  	_ =	swait.ge [sflag:s31], $0x2000  }
0x12f: {  	[sflag:s31] =	ssyncset.done $0x0  }
0x130: {  	s16 =	sadd.s32 $0x15480, s15;
	[sflag:s31] =	ssyncadd.s32 $0xFFFFE000  }
0x131: {  	[spmem:s1] =	stream.indirect.scatter.add.f32 [tilespmem:s24], [sflag:$0x6], $0x80, s16, s21, $0xb8;
	[tilespmem:$0x1E800] =	vst v63  }
0x132: {  	_ =	swait.ge [sflag:s0], $0x2000  }
0x133: {  	[sflag:s0] =	ssyncset.done $0x0  }
0x134: {  	s16 =	sadd.s32 $0x15500, s15;
	[sflag:s0] =	ssyncadd.s32 $0xFFFFE000  }
0x135: {  	[spmem:s1] =	stream.indirect.scatter.add.f32 [tilespmem:s26], [sflag:$0x7], $0x80, s16, s21, $0xb8;
	[tilespmem:$0x1E800] =	vst v63  }
0x136: {  	_ =	swait.ge [sflag:s2], $0x2000  }
0x137: {  	[sflag:s2] =	ssyncset.done $0x0  }
0x138: {  	s16 =	sadd.s32 $0x15580, s15;
	[sflag:s2] =	ssyncadd.s32 $0xFFFFE000  }
0x139: {  	[spmem:s1] =	stream.indirect.scatter.add.f32 [tilespmem:s29], [sflag:$0x8], $0x80, s16, s21, $0xb8;
	[tilespmem:$0x1E800] =	vst v63  }
0x13a: {  	_ =	swait.ge [sflag:s3], $0x2000  }
0x13b: {  	[sflag:s3] =	ssyncset.done $0x0  }
0x13c: {  	s16 =	sadd.s32 $0x14200, s15;
	[sflag:s3] =	ssyncadd.s32 $0xFFFFE000  }
0x13d: {  	[tilespmem:s22], [sflag:$0x1] =	stream.indirect.gather [hbm4b:s4+s21], $0x80, s16, s21, $0xb8;
	[tilespmem:$0x1E800] =	vst v63  }
0x13e: {  	_ =	swait.ge [sflag:s5], $0x2000  }
0x13f: {  	[sflag:s5] =	ssyncset.done $0x0  }
0x140: {  	s16 =	sadd.s32 $0x14280, s15;
	[sflag:s5] =	ssyncadd.s32 $0xFFFFE000  }
0x141: {  	[tilespmem:s24], [sflag:$0x2] =	stream.indirect.gather [hbm4b:s4+s21], $0x80, s16, s21, $0xb8;
	[tilespmem:$0x1E800] =	vst v63  }
0x142: {  	_ =	swait.ge [sflag:s7], $0x2000  }
0x143: {  	[sflag:s7] =	ssyncset.done $0x0  }
.Ltmp2:
0x144: {  	s16 =	sadd.s32 $0x14300, s15;
	[sflag:s7] =	ssyncadd.s32 $0xFFFFE000;
	(pc) =	sbr.rel @p0 .LBB2_6-.Ltmp2, $4  }
0x145: {  	[tilespmem:s26], [sflag:$0x3] =	stream.indirect.gather [hbm4b:s4+s21], $0x80, s16, s21, $0xb8;
	[tilespmem:$0x1E800] =	vst v63  }
0x146: {  	_ =	swait.ge [sflag:s8], $0x2000  }
0x147: {  	[sflag:s8] =	ssyncset.done $0x0  }
0x148: {  	s15 =	sadd.s32 $0x14380, s15;
	[sflag:s8] =	ssyncadd.s32 $0xFFFFE000  }
0x149: {  	[tilespmem:s29], [sflag:$0x4] =	stream.indirect.gather [hbm4b:s4+s21], $0x80, s15, s21, $0xb8;
	[tilespmem:$0x1E800] =	vst v63  }
0x14a: {  	_ =	swait.ge [sflag:s30], $0x2000  }
0x14b: {  	[sflag:s30] =	ssyncset.done $0x0  }
0x14c: {  	[sflag:s30] =	ssyncadd.s32 $0xFFFFE000  }
0x14d: {  	[spmem:s1] =	stream.indirect.scatter.add.f32 [tilespmem:s22], [sflag:$0x5], $0x80, s9, s21, $0xb8;
	[tilespmem:$0x1E800] =	vst v63  }
0x14e: {  	_ =	swait.ge [sflag:s31], $0x2000  }
0x14f: {  	[sflag:s31] =	ssyncset.done $0x0  }
0x150: {  	[sflag:s31] =	ssyncadd.s32 $0xFFFFE000  }
0x151: {  	[spmem:s1] =	stream.indirect.scatter.add.f32 [tilespmem:s24], [sflag:$0x6], $0x80, s10, s21, $0xb8;
	[tilespmem:$0x1E800] =	vst v63  }
0x152: {  	_ =	swait.ge [sflag:s0], $0x2000  }
0x153: {  	[sflag:s0] =	ssyncset.done $0x0  }
0x154: {  	[sflag:s0] =	ssyncadd.s32 $0xFFFFE000  }
0x155: {  	[spmem:s1] =	stream.indirect.scatter.add.f32 [tilespmem:s26], [sflag:$0x7], $0x80, s11, s21, $0xb8;
	[tilespmem:$0x1E800] =	vst v63  }
0x156: {  	_ =	swait.ge [sflag:s2], $0x2000  }
0x157: {  	[sflag:s2] =	ssyncset.done $0x0  }
0x158: {  	[sflag:s2] =	ssyncadd.s32 $0xFFFFE000  }
0x159: {  	[spmem:s1] =	stream.indirect.scatter.add.f32 [tilespmem:s29], [sflag:$0x8], $0x80, s12, s21, $0xb8;
	[tilespmem:$0x1E800] =	vst v63  }
0x15a: {  	_ =	swait.ge [sflag:s3], $0x2000  }
0x15b: {  	[sflag:s3] =	ssyncset.done $0x0  }
0x15c: {  	[sflag:s3] =	ssyncadd.s32 $0xFFFFE000  }
0x15d: {  	_ =	swait.ge [sflag:s5], $0x2000  }
0x15e: {  	[sflag:s5] =	ssyncset.done $0x0  }
0x15f: {  	[sflag:s5] =	ssyncadd.s32 $0xFFFFE000  }
0x160: {  	_ =	swait.ge [sflag:s7], $0x2000  }
0x161: {  	[sflag:s7] =	ssyncset.done $0x0  }
0x162: {  	[sflag:s7] =	ssyncadd.s32 $0xFFFFE000  }
0x163: {  	_ =	swait.ge [sflag:s8], $0x2000  }
0x164: {  	[sflag:s8] =	ssyncset.done $0x0  }
0x165: {  	s14 =	simm.s32 $0x0;
	s16 =	rddreg [dreg:$0xa];
	[sflag:s8] =	ssyncadd.s32 $0xFFFFE000  }
0x166: {  	[tilespmem:s19], [sflag:$0x9] =	stream.linear.gather [hbm4b:s16+s14], $0x1400, $0x38;
	[tilespmem:$0x1E800] =	vst v63  }
0x167: {  	_ =	swait.ge [sflag:s18], $0x1400  }
0x168: {  	[sflag:s18] =	ssyncset.done $0x0  }
0x169: {  	s16 =	rddreg [dreg:$0xb];
	[sflag:s18] =	ssyncadd.s32 $0xFFFFEC00  }
0x16a: {  	[tilespmem:s20], [sflag:$0x9] =	stream.linear.gather [hbm4b:s16+s14], $0x1400, $0x38;
	[tilespmem:$0x1E800] =	vst v63  }
0x16b: {  	_ =	swait.ge [sflag:s18], $0x1400  }
0x16c: {  	[sflag:s18] =	ssyncset.done $0x0  }
0x16d: {  	[sflag:s18] =	ssyncadd.s32 $0xFFFFEC00  }
0x16e: {  	[tilespmem:s22], [sflag:$0x1] =	stream.indirect.gather [hbm4b:s4+s21], $0x80, s19, s21, $0xb8;
	[tilespmem:$0x1E800] =	vst v63  }
0x16f: {  	_ = 	snop  }
0x170: {  	[tilespmem:s24], [sflag:$0x2] =	stream.indirect.gather [hbm4b:s4+s21], $0x80, s23, s21, $0xb8;
	[tilespmem:$0x1E800] =	vst v63  }
0x171: {  	_ = 	snop  }
0x172: {  	[tilespmem:s26], [sflag:$0x3] =	stream.indirect.gather [hbm4b:s4+s21], $0x80, s25, s21, $0xb8;
	[tilespmem:$0x1E800] =	vst v63  }
0x173: {  	_ = 	snop  }
0x174: {  	[tilespmem:s29], [sflag:$0x4] =	stream.indirect.gather [hbm4b:s4+s21], $0x80, s28, s21, $0xb8;
	[tilespmem:$0x1E800] =	vst v63  }
0x175: {  	_ =	swait.ge [sflag:s30], $0x2000  }
0x176: {  	[sflag:s30] =	ssyncset.done $0x0  }
0x177: {  	s16 =	simm.s32 $0x15400;
	[sflag:s30] =	ssyncadd.s32 $0xFFFFE000  }
0x178: {  	[spmem:s1] =	stream.indirect.scatter.add.f32 [tilespmem:s22], [sflag:$0x5], $0x80, s16, s21, $0xb8;
	[tilespmem:$0x1E800] =	vst v63  }
0x179: {  	_ =	swait.ge [sflag:s31], $0x2000  }
0x17a: {  	[sflag:s31] =	ssyncset.done $0x0  }
0x17b: {  	s15 =	simm.s32 $0x15480;
	[sflag:s31] =	ssyncadd.s32 $0xFFFFE000  }
0x17c: {  	[spmem:s1] =	stream.indirect.scatter.add.f32 [tilespmem:s24], [sflag:$0x6], $0x80, s15, s21, $0xb8;
	[tilespmem:$0x1E800] =	vst v63  }
0x17d: {  	_ =	swait.ge [sflag:s0], $0x2000  }
0x17e: {  	[sflag:s0] =	ssyncset.done $0x0  }
0x17f: {  	s16 =	simm.s32 $0x15500;
	[sflag:s0] =	ssyncadd.s32 $0xFFFFE000  }
0x180: {  	[spmem:s1] =	stream.indirect.scatter.add.f32 [tilespmem:s26], [sflag:$0x7], $0x80, s16, s21, $0xb8;
	[tilespmem:$0x1E800] =	vst v63  }
0x181: {  	_ =	swait.ge [sflag:s2], $0x2000  }
0x182: {  	[sflag:s2] =	ssyncset.done $0x0  }
0x183: {  	s15 =	simm.s32 $0x15580;
	[sflag:s2] =	ssyncadd.s32 $0xFFFFE000  }
0x184: {  	[spmem:s1] =	stream.indirect.scatter.add.f32 [tilespmem:s29], [sflag:$0x8], $0x80, s15, s21, $0xb8;
	[tilespmem:$0x1E800] =	vst v63  }
0x185: {  	_ =	swait.ge [sflag:s3], $0x2000  }
0x186: {  	[sflag:s3] =	ssyncset.done $0x0  }
0x187: {  	s16 =	simm.s32 $0x14200;
	[sflag:s3] =	ssyncadd.s32 $0xFFFFE000  }
0x188: {  	[tilespmem:s22], [sflag:$0x1] =	stream.indirect.gather [hbm4b:s4+s21], $0x80, s16, s21, $0xb8;
	[tilespmem:$0x1E800] =	vst v63  }
0x189: {  	_ =	swait.ge [sflag:s5], $0x2000  }
0x18a: {  	[sflag:s5] =	ssyncset.done $0x0  }
0x18b: {  	s15 =	simm.s32 $0x14280;
	[sflag:s5] =	ssyncadd.s32 $0xFFFFE000  }
0x18c: {  	[tilespmem:s24], [sflag:$0x2] =	stream.indirect.gather [hbm4b:s4+s21], $0x80, s15, s21, $0xb8;
	[tilespmem:$0x1E800] =	vst v63  }
0x18d: {  	_ =	swait.ge [sflag:s7], $0x2000  }
0x18e: {  	[sflag:s7] =	ssyncset.done $0x0  }
0x18f: {  	s16 =	simm.s32 $0x14300;
	[sflag:s7] =	ssyncadd.s32 $0xFFFFE000  }
0x190: {  	[tilespmem:s26], [sflag:$0x3] =	stream.indirect.gather [hbm4b:s4+s21], $0x80, s16, s21, $0xb8;
	[tilespmem:$0x1E800] =	vst v63  }
0x191: {  	_ =	swait.ge [sflag:s8], $0x2000  }
0x192: {  	[sflag:s8] =	ssyncset.done $0x0  }
0x193: {  	s14 =	simm.s32 $0x800;
	s15 =	simm.s32 $0x14380;
	[sflag:s8] =	ssyncadd.s32 $0xFFFFE000  }
.LBB2_8:
0x194: {  	[tilespmem:s29], [sflag:$0x4] =	stream.indirect.gather [hbm4b:s4+s21], $0x80, s15, s21, $0xb8;
	[tilespmem:$0x1E800] =	vst v63  }
0x195: {  	s15 =	smov.u32 s14  }
0x196: {  	p0 =	sne.s32 s14, $0x4000;
	s14 =	sadd.s32 $0x800, s14;
	_ =	swait.ge [sflag:s30], $0x2000  }
0x197: {  	s15 =	sshra.s32 s15, $0x2;
	[sflag:s30] =	ssyncset.done $0x0  }
0x198: {  	s16 =	sadd.s32 $0x15400, s15;
	[sflag:s30] =	ssyncadd.s32 $0xFFFFE000  }
0x199: {  	[spmem:s1] =	stream.indirect.scatter.add.f32 [tilespmem:s22], [sflag:$0x5], $0x80, s16, s21, $0xb8;
	[tilespmem:$0x1E800] =	vst v63  }
0x19a: {  	_ =	swait.ge [sflag:s31], $0x2000  }
0x19b: {  	[sflag:s31] =	ssyncset.done $0x0  }
0x19c: {  	s16 =	sadd.s32 $0x15480, s15;
	[sflag:s31] =	ssyncadd.s32 $0xFFFFE000  }
0x19d: {  	[spmem:s1] =	stream.indirect.scatter.add.f32 [tilespmem:s24], [sflag:$0x6], $0x80, s16, s21, $0xb8;
	[tilespmem:$0x1E800] =	vst v63  }
0x19e: {  	_ =	swait.ge [sflag:s0], $0x2000  }
0x19f: {  	[sflag:s0] =	ssyncset.done $0x0  }
0x1a0: {  	s16 =	sadd.s32 $0x15500, s15;
	[sflag:s0] =	ssyncadd.s32 $0xFFFFE000  }
0x1a1: {  	[spmem:s1] =	stream.indirect.scatter.add.f32 [tilespmem:s26], [sflag:$0x7], $0x80, s16, s21, $0xb8;
	[tilespmem:$0x1E800] =	vst v63  }
0x1a2: {  	_ =	swait.ge [sflag:s2], $0x2000  }
0x1a3: {  	[sflag:s2] =	ssyncset.done $0x0  }
0x1a4: {  	s16 =	sadd.s32 $0x15580, s15;
	[sflag:s2] =	ssyncadd.s32 $0xFFFFE000  }
0x1a5: {  	[spmem:s1] =	stream.indirect.scatter.add.f32 [tilespmem:s29], [sflag:$0x8], $0x80, s16, s21, $0xb8;
	[tilespmem:$0x1E800] =	vst v63  }
0x1a6: {  	_ =	swait.ge [sflag:s3], $0x2000  }
0x1a7: {  	[sflag:s3] =	ssyncset.done $0x0  }
0x1a8: {  	s16 =	sadd.s32 $0x14200, s15;
	[sflag:s3] =	ssyncadd.s32 $0xFFFFE000  }
0x1a9: {  	[tilespmem:s22], [sflag:$0x1] =	stream.indirect.gather [hbm4b:s4+s21], $0x80, s16, s21, $0xb8;
	[tilespmem:$0x1E800] =	vst v63  }
0x1aa: {  	_ =	swait.ge [sflag:s5], $0x2000  }
0x1ab: {  	[sflag:s5] =	ssyncset.done $0x0  }
0x1ac: {  	s16 =	sadd.s32 $0x14280, s15;
	[sflag:s5] =	ssyncadd.s32 $0xFFFFE000  }
0x1ad: {  	[tilespmem:s24], [sflag:$0x2] =	stream.indirect.gather [hbm4b:s4+s21], $0x80, s16, s21, $0xb8;
	[tilespmem:$0x1E800] =	vst v63  }
0x1ae: {  	_ =	swait.ge [sflag:s7], $0x2000  }
0x1af: {  	[sflag:s7] =	ssyncset.done $0x0  }
.Ltmp3:
0x1b0: {  	s16 =	sadd.s32 $0x14300, s15;
	[sflag:s7] =	ssyncadd.s32 $0xFFFFE000;
	(pc) =	sbr.rel @p0 .LBB2_8-.Ltmp3, $4  }
0x1b1: {  	[tilespmem:s26], [sflag:$0x3] =	stream.indirect.gather [hbm4b:s4+s21], $0x80, s16, s21, $0xb8;
	[tilespmem:$0x1E800] =	vst v63  }
0x1b2: {  	_ =	swait.ge [sflag:s8], $0x2000  }
0x1b3: {  	[sflag:s8] =	ssyncset.done $0x0  }
0x1b4: {  	s15 =	sadd.s32 $0x14380, s15;
	[sflag:s8] =	ssyncadd.s32 $0xFFFFE000  }
0x1b5: {  	[tilespmem:s29], [sflag:$0x4] =	stream.indirect.gather [hbm4b:s4+s21], $0x80, s15, s21, $0xb8;
	[tilespmem:$0x1E800] =	vst v63  }
0x1b6: {  	_ =	swait.ge [sflag:s30], $0x2000  }
0x1b7: {  	[sflag:s30] =	ssyncset.done $0x0  }
0x1b8: {  	[sflag:s30] =	ssyncadd.s32 $0xFFFFE000  }
0x1b9: {  	[spmem:s1] =	stream.indirect.scatter.add.f32 [tilespmem:s22], [sflag:$0x5], $0x80, s9, s21, $0xb8;
	[tilespmem:$0x1E800] =	vst v63  }
0x1ba: {  	_ =	swait.ge [sflag:s31], $0x2000  }
0x1bb: {  	[sflag:s31] =	ssyncset.done $0x0  }
0x1bc: {  	[sflag:s31] =	ssyncadd.s32 $0xFFFFE000  }
0x1bd: {  	[spmem:s1] =	stream.indirect.scatter.add.f32 [tilespmem:s24], [sflag:$0x6], $0x80, s10, s21, $0xb8;
	[tilespmem:$0x1E800] =	vst v63  }
0x1be: {  	_ =	swait.ge [sflag:s0], $0x2000  }
0x1bf: {  	[sflag:s0] =	ssyncset.done $0x0  }
0x1c0: {  	[sflag:s0] =	ssyncadd.s32 $0xFFFFE000  }
0x1c1: {  	[spmem:s1] =	stream.indirect.scatter.add.f32 [tilespmem:s26], [sflag:$0x7], $0x80, s11, s21, $0xb8;
	[tilespmem:$0x1E800] =	vst v63  }
0x1c2: {  	_ =	swait.ge [sflag:s2], $0x2000  }
0x1c3: {  	[sflag:s2] =	ssyncset.done $0x0  }
0x1c4: {  	[sflag:s2] =	ssyncadd.s32 $0xFFFFE000  }
0x1c5: {  	[spmem:s1] =	stream.indirect.scatter.add.f32 [tilespmem:s29], [sflag:$0x8], $0x80, s12, s21, $0xb8;
	[tilespmem:$0x1E800] =	vst v63  }
0x1c6: {  	_ =	swait.ge [sflag:s3], $0x2000  }
0x1c7: {  	[sflag:s3] =	ssyncset.done $0x0  }
0x1c8: {  	[sflag:s3] =	ssyncadd.s32 $0xFFFFE000  }
0x1c9: {  	_ =	swait.ge [sflag:s5], $0x2000  }
0x1ca: {  	[sflag:s5] =	ssyncset.done $0x0  }
0x1cb: {  	[sflag:s5] =	ssyncadd.s32 $0xFFFFE000  }
0x1cc: {  	_ =	swait.ge [sflag:s7], $0x2000  }
0x1cd: {  	[sflag:s7] =	ssyncset.done $0x0  }
0x1ce: {  	[sflag:s7] =	ssyncadd.s32 $0xFFFFE000  }
0x1cf: {  	_ =	swait.ge [sflag:s8], $0x2000  }
0x1d0: {  	[sflag:s8] =	ssyncset.done $0x0  }
0x1d1: {  	[sflag:s8] =	ssyncadd.s32 $0xFFFFE000  }
0x1d2: {  	[bflag:$0x0] =	sbarrier.arrive $0xFFFF  }
0x1d3: {  	s14 =	rddreg [dreg:$0xc]  }
0x1d4: {  	[hbm:s14], [sflag:s6] =	dma.local [spmem:s17], $0x2800  }
0x1d5: {  	_ =	swait.ge [sflag:s18], $0x2800  }
0x1d6: {  	s13 =	sadd.s32 $0x1, s13;
	s16 =	rddreg [dreg:$0xd]  }
0x1d7: {  	p0 =	sne.s32 s13, s16  }
.Ltmp4:
0x1d8: {  	_ = 	snop;
	(pc) =	sbr.rel @p0 .LBB2_1-.Ltmp4, $3  }
0x1d9: {  	_ =	sdelay $0x1  }
0x1da: {  	[sflag:s18] =	ssyncset.done $0x0  }
0x1db: {  	[sflag:s18] =	ssyncadd.s32 $0xFFFFD800  }
0x1dc: {  	_ =	sfence.sel $0x180000  }
0x1dd: {  	[bflag:$0x0] =	sbarrier.arrive $0xFFFF  }
0x1de: {  	_ =	strace $0x9000004D  }
0x1df: {  	s0 =	stileid.u32;
	[bflag:$0x2] =	sbarrier.arrive $0xFFFF  }
0x1e0: {  	p0 =	sne.s32 s0, $0x0;
	s0 =	rddreg [dreg:$0x2]  }
0x1e1: {  	s0 =	sadd.s32 @!p0 $0x100000, s0  }
0x1e2: {  	[sflag:s0] =	ssyncadd.tile.s32 @!p0 $0x1;
	_ =	shalt  }
.Lfunc_end2:
_tile_overlayer_lowered:
.L_overlay_start_2:
0x1e3: {  	(tag) =	ssettag $0x2  }
0x1e4: {  	s0 =	rddreg [dreg:$0x0];
	s2 =	stileid.u32  }
0x1e5: {  	s1 =	rddreg [dreg:$0x1];
	p0 =	sne.s32 s2, $0x0  }
0x1e6: {  	s3 =	rddreg [dreg:$0x2];
	[bflag:$0x3] =	sbarrier.arrive $0xFFFF;
	s2 =	simm.s32 @!p0 $0x1C09  }
0x1e7: {  	[timem:s3], [sflag:s2] =	dma.local @!p0 [hbm:s0], s1  }
0x1e8: {  	s0 =	simm.s32 @!p0 $0x9  }
0x1e9: {  	_ =	swait.ge @!p0 [sflag:s0], s1  }
0x1ea: {  	s1 =	ssub.s32 @!p0 $0x0, s1;
	[sflag:s0] =	ssyncset.done @!p0 $0x0  }
0x1eb: {  	[sflag:s0] =	ssyncadd.s32 @!p0 s1  }
0x1ec: {  	[bflag:$0x3] =	sbarrier.arrive $0xFFFF  }
0x1ed: {  	_ =	shalt  }

// kernel: kernel.8.cloned.1.call-start
scs
__scs_entry_jumppad:
0x0: {  	(pc) =	sbr.rel $0x88, $3  }
0x1: {  	(tag) =	ssettag $0x0;
	lr =	simm.s32 $0x1  }
0x2: {  	[smem:$0x3F97] =	sst lr;
	_ =	strace $0xD0000000  }
0x3: {  	_ = 	snop  }
0x4: {  	_ = 	snop  }
0x5: {  	_ = 	snop  }
0x6: {  	_ = 	snop  }
0x7: {  	_ = 	snop  }
__scs_overlays_trampoline_lowered:
0x8: {  	[smem:$0x3FA6] =	sst s0  }
0x9: {  	[smem:$0x3FA7] =	sst s1  }
0xa: {  	[smem:$0x3FA8] =	sst s2  }
0xb: {  	[smem:$0x3FA9] =	sst s3  }
0xc: {  	[smem:$0x3FAA] =	sst s4  }
0xd: {  	[smem:$0x3FAB] =	sst s5  }
0xe: {  	[smem:$0x3FAC] =	sst s6  }
0xf: {  	[smem:$0x3FAD] =	sst s7  }
0x10: {  	[smem:$0x3FAE] =	sst s8  }
0x11: {  	[smem:$0x3FAF] =	sst s9;
	s0 =	simm.s32 @!p0 $0x0  }
0x12: {  	s1 =	sld [smem:$0x3F95];
	s0 =	simm.s32 @p0 $0x1  }
0x13: {  	[smem:$0x3FB0] =	sst s0;
	s0 =	simm.s32 @!p1 $0x0  }
0x14: {  	s2 =	sld [smem:$0x3F94];
	s0 =	simm.s32 @p1 $0x1  }
0x15: {  	[smem:$0x3FB1] =	sst s0;
	s0 =	simm.s32 @!p2 $0x0  }
0x16: {  	s3 =	sld [smem:$0x3FDB];
	s0 =	simm.s32 @p2 $0x1  }
0x17: {  	s4 =	simm.s32 $0x1BF5;
	[smem:$0x3FB3] =	sst s0  }
0x18: {  	s0 =	sld [smem:$0x3F96];
	_ =	swait.ge [sflag:s4], $0x0  }
0x19: {  	s7 =	sld [smem:$0x3F97]  }
0x1a: {  	s8 =	sadd.s32 $0xFFFFE003, lr  }
0x1b: {  	s9 =	sadd.s32 $0xFFFFFEF7, lr;
	s5 =	simm.s32 $0xFFFFFFFF;
	p2 =	slt.u32 s8, $0xFFFFF086  }
0x1c: {  	p1 =	slt.u32 s9, $0xF7A;
	s5 =	simm.s32 @!p2 $0x0  }
0x1d: {  	s5 =	simm.s32 @p1 $0x1;
	p0 =	seq.s32 s7, s2  }
0x1e: {  	s7 =	smul.u32 @!p0 $0xF7A, s2;
	p2 =	seq.s32 @!p0 s5, $0x0  }
0x1f: {  	s9 =	smul.u32 $0xF7A, s1;
	s8 =	simm.s32 @!p0 $0x1BF5;
	p2 =	por !p2, p0  }
0x20: {  	[sflag:s8] =	ssyncset.s32 @!p0 $0xFFFFF086;
	s6 =	sadd.s32 @!p0 s3, s7;
	s7 =	simm.s32 @!p0 $0x108  }
0x21: {  	s3 =	sadd.s32 s3, s9;
	s6 =	sadd.s32 @!p0 $0x88, s6;
	s7 =	simm.s32 @p2 $0x1082  }
0x22: {  	[simem:s7], [sflag:s8] =	dma.local @!p0 [hbm:s6], $0xF7A  }
0x23: {  	s9 =	sor.u32 $0xD0000000, s2;
	s6 =	simm.s32 $0x108;
	_ =	swait.ge @!p0 [sflag:s8], $0x0  }
0x24: {  	s3 =	sadd.s32 $0x88, s3;
	s6 =	simm.s32 @!p1 $0x1082;
	[sflag:s4] =	ssyncset.s32 $0xFFFFF086  }
0x25: {  	[simem:s6], [sflag:s4] =	dma.local [hbm:s3], $0xF7A  }
0x26: {  	[smem:$0x3F97] =	sst s1;
	(tag) =	ssettag s2;
	_ =	strace s9  }
0x27: {  	s1 =	sld [smem:$0x3FA7]  }
0x28: {  	s2 =	sld [smem:$0x3FA8]  }
0x29: {  	s4 =	sld [smem:$0x3FAA]  }
0x2a: {  	p0 =	seq.s32 s5, $0x0;
	s5 =	sld [smem:$0x3FAB]  }
0x2b: {  	s6 =	sld [smem:$0x3FAC]  }
0x2c: {  	s7 =	sld [smem:$0x3FAD]  }
0x2d: {  	s3 =	simm.s32 $0x108;
	s8 =	sld [smem:$0x3FAE]  }
0x2e: {  	s3 =	simm.s32 @!p0 $0x1082;
	s9 =	sld [smem:$0x3FAF]  }
0x2f: {  	lr =	sadd.s32 s0, s3;
	s0 =	sld [smem:$0x3FA6]  }
0x30: {  	s3 =	sld [smem:$0x3FA9]  }
0x31: {  	[smem:$0x3FB2] =	sst s10  }
0x32: {  	s10 =	sld [smem:$0x3FB0];
	_ =	sdelay $0x3  }
0x33: {  	p0 =	seq.s32 s10, $0x1;
	s10 =	sld [smem:$0x3FB2];
	_ =	sdelay $0x3  }
0x34: {  	[smem:$0x3FB2] =	sst s10  }
0x35: {  	s10 =	sld [smem:$0x3FB1];
	_ =	sdelay $0x3  }
0x36: {  	p1 =	seq.s32 s10, $0x1;
	s10 =	sld [smem:$0x3FB2];
	_ =	sdelay $0x3  }
0x37: {  	[smem:$0x3FB2] =	sst s10  }
0x38: {  	s10 =	sld [smem:$0x3FB3]  }
0x39: {  	_ = 	snop;
	(pc) =	sbr.ind lr, $3  }
0x3a: {  	_ = 	snop  }
0x3b: {  	_ = 	snop  }
0x3c: {  	p2 =	seq.s32 s10, $0x1;
	s10 =	sld [smem:$0x3FB2]  }
0x3d: {  	_ =	shalt  }
0x3e: {  	_ =	shalt  }
0x3f: {  	_ =	shalt  }
0x40: {  	_ =	shalt  }
0x41: {  	_ =	shalt  }
0x42: {  	_ =	shalt  }
0x43: {  	_ =	shalt  }
0x44: {  	_ =	shalt  }
0x45: {  	_ =	shalt  }
0x46: {  	_ =	shalt  }
0x47: {  	_ =	shalt  }
0x48: {  	_ =	shalt  }
0x49: {  	_ =	shalt  }
0x4a: {  	_ =	shalt  }
0x4b: {  	_ =	shalt  }
0x4c: {  	_ =	shalt  }
0x4d: {  	_ =	shalt  }
0x4e: {  	_ =	shalt  }
0x4f: {  	_ =	shalt  }
0x50: {  	_ =	shalt  }
0x51: {  	_ =	shalt  }
0x52: {  	_ =	shalt  }
0x53: {  	_ =	shalt  }
0x54: {  	_ =	shalt  }
0x55: {  	_ =	shalt  }
0x56: {  	_ =	shalt  }
0x57: {  	_ =	shalt  }
0x58: {  	_ =	shalt  }
0x59: {  	_ =	shalt  }
0x5a: {  	_ =	shalt  }
0x5b: {  	_ =	shalt  }
0x5c: {  	_ =	shalt  }
0x5d: {  	_ =	shalt  }
0x5e: {  	_ =	shalt  }
0x5f: {  	_ =	shalt  }
0x60: {  	_ =	shalt  }
0x61: {  	_ =	shalt  }
0x62: {  	_ =	shalt  }
0x63: {  	_ =	shalt  }
0x64: {  	_ =	shalt  }
0x65: {  	_ =	shalt  }
0x66: {  	_ =	shalt  }
0x67: {  	_ =	shalt  }
0x68: {  	_ =	shalt  }
0x69: {  	_ =	shalt  }
0x6a: {  	_ =	shalt  }
0x6b: {  	_ =	shalt  }
0x6c: {  	_ =	shalt  }
0x6d: {  	_ =	shalt  }
0x6e: {  	_ =	shalt  }
0x6f: {  	_ =	shalt  }
0x70: {  	_ =	shalt  }
0x71: {  	_ =	shalt  }
0x72: {  	_ =	shalt  }
0x73: {  	_ =	shalt  }
0x74: {  	_ =	shalt  }
0x75: {  	_ =	shalt  }
0x76: {  	_ =	shalt  }
0x77: {  	_ =	shalt  }
0x78: {  	_ =	shalt  }
0x79: {  	_ =	shalt  }
0x7a: {  	_ =	shalt  }
0x7b: {  	_ =	shalt  }
0x7c: {  	_ =	shalt  }
0x7d: {  	_ =	shalt  }
0x7e: {  	_ =	shalt  }
0x7f: {  	_ =	shalt  }
0x80: {  	_ =	shalt  }
0x81: {  	_ =	shalt  }
0x82: {  	_ =	shalt  }
0x83: {  	_ =	shalt  }
0x84: {  	_ =	shalt  }
0x85: {  	_ =	shalt  }
0x86: {  	_ =	shalt  }
0x87: {  	_ =	shalt  }
.Lfunc_end0:
.L_simem_size_0:
called_computation_lowered:
.L_overlay_start_0:
0x88: {  	s2 =	sld [smem:$0x3FD9]  }
0x89: {  	s3 =	sld [smem:$0x3FFE];
	_ =	sdelay $0x1  }
0x8a: {  	s1 =	srdreg.scid  }
0x8b: {  	s0 =	sand.u32 $0x1, s1  }
0x8c: {  	s16 =	sshll.u32 s0, $0xA;
	s2 =	sadd.s32 s3, s2  }
0x8d: {  	s2 =	sadd.s32 s2, s16  }
0x8e: {  	[smem:$0x3FBE] =	sst s2  }
0x8f: {  	_ = 	snop  }
0x90: {  	(tm) =	ssettm $0x1  }
0x91: {  	s17 =	sld [smem:$0x3FFB];
	_ =	sdelay $0x3  }
0x92: {  	_ =	strace s17  }
0x93: {  	s2 =	sld [smem:$0x3FFC];
	_ =	sdelay $0x3  }
0x94: {  	_ =	strace s2  }
0x95: {  	s2 =	sld [smem:$0x3FFD];
	_ =	sdelay $0x3  }
0x96: {  	_ =	strace s2  }
0x97: {  	_ =	strace $0x8FFFFFFF  }
0x98: {  	s18 =	sld [smem:$0x3FDB];
	_ =	sdelay $0x1  }
0x99: {  	s19 =	simm.s32 $_scs_section_size  }
0x9a: {  	s4 =	simm.s32 $_size__tile_overlayer_lowered;
	s5 =	simm.s32 $_tile_overlayer_lowered  }
0x9b: {  	s22 =	simm.s32 $0x1BFF;
	s21 =	sshll.u32 s5, $0x1;
	s2 =	sadd.s32 s19, s18  }
0x9c: {  	s6 =	simm.s32 $0x0;
	s20 =	sshll.u32 s4, $0x1;
	s4 =	sadd.s32 s21, s2  }
0x9d: {  	[timem:s6], [sflag:s22] =	dma.local [hbm:s4], s20  }
0x9e: {  	_ =	swait.ge [sflag:s22], s20  }
0x9f: {  	s3 =	ssub.s32 $0x0, s20;
	[sflag:s22] =	ssyncset.done $0x0  }
0xa0: {  	[sflag:s22] =	ssyncadd.s32 s3;
	_ =	sdelay $0x1  }
0xa1: {  	s23 =	simm.s32 $0x1B8B  }
0xa2: {  	_ =	swait.ge [sflag:s23], $0x1  }
0xa3: {  	[sflag:s23] =	ssyncset.done $0x0  }
0xa4: {  	s25 =	simm.s32 $0x1B8E;
	s24 =	sld [smem:$0x3FFE];
	[sflag:s23] =	ssyncadd.s32 $0xFFFFFFFF  }
0xa5: {  	s26 =	simm.s32 $execute0_lowered;
	[smem:$0x3FD2] =	sst s25  }
0xa6: {  	s4 =	sshll.u32 s26, $0x1;
	_ =	strace $0x80000046;
	[dreg:$0x1] =	wrdreg $0xFFFFFFFF  }
0xa7: {  	s28 =	simm.s32 $_size_execute0_lowered;
	s2 =	sadd.s32 s2, s4;
	[dreg:$0x0] =	wrdreg $0x0  }
0xa8: {  	s4 =	sshll.u32 s28, $0x1;
	[dreg:$0x2] =	wrdreg s2  }
0xa9: {  	[dreg:$0x3] =	wrdreg s4  }
0xaa: {  	[dreg:$0x4] =	wrdreg $0xC0  }
0xab: {  	_ =	task [dreg:s6], $0x5FFFF  }
0xac: {  	[dreg:$0x1] =	wrdreg $0xFFFFFFFF  }
0xad: {  	[dreg:$0x0] =	wrdreg $0x60  }
0xae: {  	[dreg:$0x2] =	wrdreg s24  }
0xaf: {  	[dreg:$0x3] =	wrdreg $0x0  }
0xb0: {  	[dreg:$0x4] =	wrdreg $0x9  }
0xb1: {  	_ =	task.clear_ibuf [dreg:s6], $0x5FFFF;
	_ =	strace $0x90000046  }
0xb2: {  	s29 =	simm.s32 $0x9;
	_ =	strace $0x80000048  }
0xb3: {  	_ =	swait.ge [sflag:s29], $0x1  }
0xb4: {  	[sflag:s29] =	ssyncadd.s32 $0xFFFFFFFF  }
0xb5: {  	_ =	strace $0x90000048  }
0xb6: {  	_ =	sfence  }
0xb7: {  	s30 =	sld [smem:$0x0];
	_ =	sdelay $0x2  }
0xb8: {  	s31 =	sshll.u32 s1, $0xD;
	s1 =	sshrl.u32 s1, $0x2  }
0xb9: {  	s3 =	sand.u32 $0x4000, s31;
	s1 =	sadd.s32 s1, s30  }
0xba: {  	s0 =	sor.u32 s3, s0;
	s1 =	sshll.u32 s1, $0x11  }
0xbb: {  	s0 =	sor.u32 s1, s0  }
0xbc: {  	s0 =	sadd.s32 $0x8F2B, s0  }
0xbd: {  	[sflag:s0] =	ssyncadd.remote.s32 $0x1  }
0xbe: {  	_ =	sfence.sel $0xFFFF  }
0xbf: {  	[dreg:$0x0] =	wrdreg $0xFFFFFFFF;
	(pc) =	sbr.abs _section_cstart, $3  }
0xc0: {  	[dreg:$0x1] =	wrdreg $0xFFFFFFFF  }
0xc1: {  	_ =	task.clear_ibuf [dreg:s6], $0x2FFFF;
	_ =	strace $0x9FFFFFFF  }
0xc2: {  	(tm) =	ssettm $0x7FFFFFFF  }
0xc3: {  	_ =	shalt  }
tec
execute0_lowered:
.L_overlay_start_1:
0x0: {  	(tag) =	ssettag $0x1  }
0x1: {  	s0 =	rddreg [dreg:$0x0]  }
0x2: {  	s2 =	rddreg [dreg:$0x1]  }
0x3: {  	s9 =	stileid.u32;
	s3 =	simm.s32 $0x0;
	s5 =	srdreg.scid  }
0x4: {  	s20 =	simm.s32 $0x3;
	s22 =	simm.s32 $0x80;
	s23 =	simm.s32 $0x5280  }
0x5: {  	s24 =	simm.s32 $0x5580;
	s25 =	simm.s32 $0x50;
	s26 =	simm.s32 $0x5980  }
0x6: {  	s29 =	simm.s32 $0x8180;
	s30 =	simm.s32 $0x1;
	s1 =	smul.u32 $0xA00, s9  }
0x7: {  	s21 =	simm.s32 $0x0;
	[smem:$0x7FF] =	sst s3;
	s8 =	smul.u32 $0x280, s9  }
0x8: {  	s4 =	sshll.u32 s9, $0x7;
	s9 =	smul.u32 $0x2800, s9;
	s19 =	sand.u32 $0x1, s5  }
0x9: {  	_ =	strace $0x80000047;
	s6 =	sadd.s32 s4, s0;
	s4 =	sadd.s32 $0x18A000, s0  }
0xa: {  	s10 =	ssub.s32 $0x2, s19;
	p0 =	sne.s32 s19, $0x0;
	s19 =	simm.s32 $0x5300  }
0xb: {  	s7 =	sadd.s32 s1, s0;
	s28 =	sshrl.u32 s8, $0x3;
	s31 =	sshrl.u32 s10, $0x1  }
0xc: {  	s5 =	sadd.s32 $0x2E00, s6;
	s1 =	sshrl.u32 s1, $0x2;
	s8 =	sadd.s32 s8, s2  }
0xd: {  	s11 =	sadd.s32 s28, s0;
	s0 =	sadd.s32 s9, s0;
	s10 =	ssub.s32 s10, s31  }
.Ltmp0:
0xe: {  	s6 =	sadd.s32 s1, s2;
	s7 =	sadd.s32 $0x3600, s7;
	(pc) =	sbr.rel .LBB2_1-.Ltmp0, $4  }
0xf: {  	s1 =	simm.s32 $0x5900;
	s9 =	sadd.s32 $0xD600, s11;
	s10 =	smax.u32 s10, $0x1  }
0x10: {  	s11 =	sadd.s32 $0xDC00, s0;
	s12 =	sadd.s32 $0xE100, s0;
	s13 =	sadd.s32 $0xE600, s0  }
0x11: {  	s14 =	sadd.s32 $0xEB00, s0;
	s15 =	sadd.s32 $0xF000, s0;
	s16 =	sadd.s32 $0xF500, s0  }
0x12: {  	v0 =	vimm.f32 $0.0e+00;
	v1 =	vimm.f32 $1.000000000e+00;
	s17 =	sadd.s32 $0xFA00, s0;
	s18 =	sadd.s32 $0xFF00, s0;
	s0 =	simm.s32 $0x2  }
.LBB2_5:
0x13: {  	[bflag:$0x0] =	sbarrier.arrive $0xFFFF  }
0x14: {  	[tilespmem:s24], [sflag:$0x3] =	stream.linear.gather [hbm4b:s5+s3], $0x400, $0x38;
	[tilespmem:$0xA980] =	vst v63  }
0x15: {  	_ =	swait.ge [sflag:s20], $0x400  }
0x16: {  	[sflag:s20] =	ssyncset.done $0x0  }
0x17: {  	[sflag:s20] =	ssyncadd.s32 $0xFFFFFC00  }
0x18: {  	[tilespmem:s26], [sflag:$0x1] =	stream.indirect.gather [hbm4b:s4+s25], $0x80, s24, s25, $0xb8;
	[tilespmem:$0xA980] =	vst v63  }
0x19: {  	s28 =	simm.s32 $0x5600  }
0x1a: {  	[tilespmem:s29], [sflag:$0x2] =	stream.indirect.gather [hbm4b:s4+s25], $0x80, s28, s25, $0xb8;
	[tilespmem:$0xA980] =	vst v63  }
0x1b: {  	_ =	swait.ge [sflag:s30], $0x2800  }
0x1c: {  	[sflag:s30] =	ssyncset.done $0x0  }
0x1d: {  	[sflag:s30] =	ssyncadd.s32 $0xFFFFD800  }
0x1e: {  	[hbm4b:s11+s3] =	stream.linear.scatter [tilespmem:s26], [sflag:$0x3], $0x2800, $0x38;
	[tilespmem:$0xA980] =	vst v63  }
0x1f: {  	_ =	swait.ge [sflag:s20], $0x2800  }
0x20: {  	[sflag:s20] =	ssyncset.done $0x0  }
0x21: {  	s31 =	simm.s32 $0x5680;
	[sflag:s20] =	ssyncadd.s32 $0xFFFFD800  }
0x22: {  	[tilespmem:s26], [sflag:$0x1] =	stream.indirect.gather [hbm4b:s4+s25], $0x80, s31, s25, $0xb8;
	[tilespmem:$0xA980] =	vst v63  }
0x23: {  	_ =	swait.ge [sflag:s0], $0x2800  }
0x24: {  	[sflag:s0] =	ssyncset.done $0x0  }
0x25: {  	[sflag:s0] =	ssyncadd.s32 $0xFFFFD800  }
0x26: {  	[hbm4b:s12+s3] =	stream.linear.scatter [tilespmem:s29], [sflag:$0x3], $0x2800, $0x38;
	[tilespmem:$0xA980] =	vst v63  }
0x27: {  	_ =	swait.ge [sflag:s20], $0x2800  }
0x28: {  	[sflag:s20] =	ssyncset.done $0x0  }
0x29: {  	s31 =	simm.s32 $0x5700;
	[sflag:s20] =	ssyncadd.s32 $0xFFFFD800  }
0x2a: {  	[tilespmem:s29], [sflag:$0x2] =	stream.indirect.gather [hbm4b:s4+s25], $0x80, s31, s25, $0xb8;
	[tilespmem:$0xA980] =	vst v63  }
0x2b: {  	_ =	swait.ge [sflag:s30], $0x2800  }
0x2c: {  	[sflag:s30] =	ssyncset.done $0x0  }
0x2d: {  	[sflag:s30] =	ssyncadd.s32 $0xFFFFD800  }
0x2e: {  	[hbm4b:s13+s3] =	stream.linear.scatter [tilespmem:s26], [sflag:$0x3], $0x2800, $0x38;
	[tilespmem:$0xA980] =	vst v63  }
0x2f: {  	_ =	swait.ge [sflag:s20], $0x2800  }
0x30: {  	[sflag:s20] =	ssyncset.done $0x0  }
0x31: {  	s31 =	simm.s32 $0x5780;
	[sflag:s20] =	ssyncadd.s32 $0xFFFFD800  }
0x32: {  	[tilespmem:s26], [sflag:$0x1] =	stream.indirect.gather [hbm4b:s4+s25], $0x80, s31, s25, $0xb8;
	[tilespmem:$0xA980] =	vst v63  }
0x33: {  	_ =	swait.ge [sflag:s0], $0x2800  }
0x34: {  	[sflag:s0] =	ssyncset.done $0x0  }
0x35: {  	[sflag:s0] =	ssyncadd.s32 $0xFFFFD800  }
0x36: {  	[hbm4b:s14+s3] =	stream.linear.scatter [tilespmem:s29], [sflag:$0x3], $0x2800, $0x38;
	[tilespmem:$0xA980] =	vst v63  }
0x37: {  	_ =	swait.ge [sflag:s20], $0x2800  }
0x38: {  	[sflag:s20] =	ssyncset.done $0x0  }
0x39: {  	s31 =	simm.s32 $0x5800;
	[sflag:s20] =	ssyncadd.s32 $0xFFFFD800  }
0x3a: {  	[tilespmem:s29], [sflag:$0x2] =	stream.indirect.gather [hbm4b:s4+s25], $0x80, s31, s25, $0xb8;
	[tilespmem:$0xA980] =	vst v63  }
0x3b: {  	_ =	swait.ge [sflag:s30], $0x2800  }
0x3c: {  	[sflag:s30] =	ssyncset.done $0x0  }
0x3d: {  	[sflag:s30] =	ssyncadd.s32 $0xFFFFD800  }
0x3e: {  	[hbm4b:s15+s3] =	stream.linear.scatter [tilespmem:s26], [sflag:$0x3], $0x2800, $0x38;
	[tilespmem:$0xA980] =	vst v63  }
0x3f: {  	_ =	swait.ge [sflag:s20], $0x2800  }
0x40: {  	[sflag:s20] =	ssyncset.done $0x0  }
0x41: {  	s31 =	simm.s32 $0x5880;
	[sflag:s20] =	ssyncadd.s32 $0xFFFFD800  }
0x42: {  	[tilespmem:s26], [sflag:$0x1] =	stream.indirect.gather [hbm4b:s4+s25], $0x80, s31, s25, $0xb8;
	[tilespmem:$0xA980] =	vst v63  }
0x43: {  	_ =	swait.ge [sflag:s0], $0x2800  }
0x44: {  	[sflag:s0] =	ssyncset.done $0x0  }
0x45: {  	[sflag:s0] =	ssyncadd.s32 $0xFFFFD800  }
0x46: {  	[hbm4b:s16+s3] =	stream.linear.scatter [tilespmem:s29], [sflag:$0x3], $0x2800, $0x38;
	[tilespmem:$0xA980] =	vst v63  }
0x47: {  	_ =	swait.ge [sflag:s20], $0x2800  }
0x48: {  	[sflag:s20] =	ssyncset.done $0x0  }
0x49: {  	[sflag:s20] =	ssyncadd.s32 $0xFFFFD800  }
0x4a: {  	[tilespmem:s29], [sflag:$0x2] =	stream.indirect.gather [hbm4b:s4+s25], $0x80, s1, s25, $0xb8;
	[tilespmem:$0xA980] =	vst v63  }
0x4b: {  	_ =	swait.ge [sflag:s30], $0x2800  }
0x4c: {  	[sflag:s30] =	ssyncset.done $0x0  }
0x4d: {  	[sflag:s30] =	ssyncadd.s32 $0xFFFFD800  }
0x4e: {  	[hbm4b:s17+s3] =	stream.linear.scatter [tilespmem:s26], [sflag:$0x3], $0x2800, $0x38;
	[tilespmem:$0xA980] =	vst v63  }
0x4f: {  	_ =	swait.ge [sflag:s20], $0x2800  }
0x50: {  	[sflag:s20] =	ssyncset.done $0x0  }
0x51: {  	[sflag:s20] =	ssyncadd.s32 $0xFFFFD800  }
0x52: {  	_ =	swait.ge [sflag:s0], $0x2800  }
0x53: {  	[sflag:s0] =	ssyncset.done $0x0  }
0x54: {  	[sflag:s0] =	ssyncadd.s32 $0xFFFFD800  }
0x55: {  	[hbm4b:s18+s3] =	stream.linear.scatter [tilespmem:s29], [sflag:$0x3], $0x2800, $0x38;
	[tilespmem:$0xA980] =	vst v63  }
0x56: {  	_ =	swait.ge [sflag:s20], $0x2800  }
0x57: {  	[sflag:s20] =	ssyncset.done $0x0  }
0x58: {  	[sflag:s20] =	ssyncadd.s32 $0xFFFFD800  }
0x59: {  	[bflag:$0x0] =	sbarrier.arrive $0xFFFF  }
.LBB2_6:
0x5a: {  	s21 =	sadd.s32 $0x1, s21  }
0x5b: {  	p1 =	sne.s32 s21, s10  }
.Ltmp1:
0x5c: {  	_ = 	snop;
	(pc) =	sbr.rel @!p1 .LBB2_7-.Ltmp1, $1  }
0x5d: {  	_ =	sdelay $0x3  }
.LBB2_1:
.Ltmp2:
0x5e: {  	(pc) =	sbr.rel @p0 .LBB2_5-.Ltmp2, $1  }
0x5f: {  	_ =	sdelay $0x3  }
0x60: {  	[tilespmem:$0x5300] =	vst v0  }
0x61: {  	[tilespmem:$0x5310] =	vst v0  }
0x62: {  	[tilespmem:$0x5320] =	vst v0  }
0x63: {  	[tilespmem:$0x5330] =	vst v0  }
0x64: {  	[tilespmem:$0x5340] =	vst v0  }
0x65: {  	[tilespmem:$0x5350] =	vst v0  }
0x66: {  	[tilespmem:$0x5360] =	vst v0  }
0x67: {  	[tilespmem:$0x5370] =	vst v0  }
0x68: {  	[tilespmem:$0x5380] =	vst v0  }
0x69: {  	[tilespmem:$0x5390] =	vst v0  }
0x6a: {  	[tilespmem:$0x53A0] =	vst v0  }
0x6b: {  	[tilespmem:$0x53B0] =	vst v0  }
0x6c: {  	[tilespmem:$0x53C0] =	vst v0  }
0x6d: {  	[tilespmem:$0x53D0] =	vst v0  }
0x6e: {  	[tilespmem:$0x53E0] =	vst v0  }
0x6f: {  	[tilespmem:$0x53F0] =	vst v0  }
0x70: {  	[tilespmem:$0x5400] =	vst v0  }
0x71: {  	[tilespmem:$0x5410] =	vst v0  }
0x72: {  	[tilespmem:$0x5420] =	vst v0  }
0x73: {  	[tilespmem:$0x5430] =	vst v0  }
0x74: {  	[tilespmem:$0x5440] =	vst v0  }
0x75: {  	[tilespmem:$0x5450] =	vst v0  }
0x76: {  	[tilespmem:$0x5460] =	vst v0  }
0x77: {  	[tilespmem:$0x5470] =	vst v0  }
0x78: {  	[tilespmem:$0x5480] =	vst v0  }
0x79: {  	[tilespmem:$0x5490] =	vst v0  }
0x7a: {  	[tilespmem:$0x54A0] =	vst v0  }
0x7b: {  	[tilespmem:$0x54B0] =	vst v0  }
0x7c: {  	[tilespmem:$0x54C0] =	vst v0  }
0x7d: {  	[tilespmem:$0x54D0] =	vst v0  }
0x7e: {  	[tilespmem:$0x54E0] =	vst v0  }
0x7f: {  	[tilespmem:$0x54F0] =	vst v0  }
0x80: {  	[tilespmem:$0x5500] =	vst v0  }
0x81: {  	[tilespmem:$0x5510] =	vst v0  }
0x82: {  	[tilespmem:$0x5520] =	vst v0  }
0x83: {  	[tilespmem:$0x5530] =	vst v0  }
0x84: {  	[tilespmem:$0x5540] =	vst v0  }
0x85: {  	[tilespmem:$0x5550] =	vst v0  }
0x86: {  	[tilespmem:$0x5560] =	vst v0  }
0x87: {  	[tilespmem:$0x5570] =	vst v0  }
0x88: {  	[tilespmem:$0x5280] =	vst v1  }
0x89: {  	[tilespmem:$0x5290] =	vst v1  }
0x8a: {  	[tilespmem:$0x52A0] =	vst v1  }
0x8b: {  	[tilespmem:$0x52B0] =	vst v1  }
0x8c: {  	[tilespmem:$0x52C0] =	vst v1  }
0x8d: {  	[tilespmem:$0x52D0] =	vst v1  }
0x8e: {  	[tilespmem:$0x52E0] =	vst v1  }
0x8f: {  	[tilespmem:$0x52F0] =	vst v1  }
0x90: {  	[spmem:s6] =	stream.linear.scatter [tilespmem:s19], [sflag:$0x3], $0x280, $0x38;
	[tilespmem:$0xA980] =	vst v63  }
0x91: {  	_ =	swait.ge [sflag:s20], $0x280  }
0x92: {  	[sflag:s20] =	ssyncset.done $0x0  }
0x93: {  	[sflag:s20] =	ssyncadd.s32 $0xFFFFFD80  }
0x94: {  	s28 =	simm.s32 $0x0;
	s31 =	simm.s32 $0x280;
	[bflag:$0x0] =	sbarrier.arrive $0xFFFF  }
0x95: {  	[tilespmem:s31], [sflag:$0x3] =	stream.linear.gather [hbm4b:s7+s28], $0x5000, $0x38;
	[tilespmem:$0xA980] =	vst v63  }
0x96: {  	_ =	swait.ge [sflag:s20], $0x5000  }
0x97: {  	[sflag:s20] =	ssyncset.done $0x0  }
0x98: {  	s28 =	simm.s32 $0x280;
	[sflag:s20] =	ssyncadd.s32 $0xFFFFB000  }
0x99: {  	[spmem:s2] =	stream.indirect.scatter.add.f32 [tilespmem:s23], [sflag:$0x3], $0x1, s28, s22, $0xb8;
	[tilespmem:$0xA980] =	vst v63  }
0x9a: {  	s28 =	simm.s32 $0x200;
	_ =	swait.ge [sflag:s20], $0x80  }
.LBB2_3:
0x9b: {  	s31 =	sshra.s32 s28, $0x2;
	[sflag:s20] =	ssyncset.done $0x0;
	p1 =	sne.s32 s28, $0x13E00  }
.Ltmp3:
0x9c: {  	s31 =	sadd.s32 $0x280, s31;
	[sflag:s20] =	ssyncadd.s32 $0xFFFFFF80;
	(pc) =	sbr.rel @p1 .LBB2_3-.Ltmp3, $3  }
0x9d: {  	[spmem:s2] =	stream.indirect.scatter.add.f32 [tilespmem:s23], [sflag:$0x3], $0x1, s31, s22, $0xb8;
	[tilespmem:$0xA980] =	vst v63  }
0x9e: {  	s28 =	sadd.s32 $0x200, s28;
	_ =	sdelay $0x1  }
0x9f: {  	_ =	swait.ge [sflag:s20], $0x80  }
0xa0: {  	[sflag:s20] =	ssyncset.done $0x0  }
0xa1: {  	[sflag:s20] =	ssyncadd.s32 $0xFFFFFF80  }
0xa2: {  	[bflag:$0x0] =	sbarrier.arrive $0xFFFF  }
0xa3: {  	[tilespmem:s19], [sflag:$0x3] =	stream.linear.gather [spmem:s8], $0x280, $0x38;
	[tilespmem:$0xA980] =	vst v63  }
0xa4: {  	_ =	swait.ge [sflag:s20], $0x280  }
0xa5: {  	[sflag:s20] =	ssyncset.done $0x0  }
.Ltmp4:
0xa6: {  	[sflag:s20] =	ssyncadd.s32 $0xFFFFFD80;
	(pc) =	sbr.rel .LBB2_6-.Ltmp4, $4  }
0xa7: {  	[hbm4b:s9+s3] =	stream.linear.scatter [tilespmem:s19], [sflag:$0x3], $0x280, $0x38;
	[tilespmem:$0xA980] =	vst v63  }
0xa8: {  	_ =	swait.ge [sflag:s20], $0x280  }
0xa9: {  	[sflag:s20] =	ssyncset.done $0x0  }
0xaa: {  	[sflag:s20] =	ssyncadd.s32 $0xFFFFFD80  }
.LBB2_7:
0xab: {  	_ =	sfence.sel $0x180000  }
0xac: {  	[bflag:$0x0] =	sbarrier.arrive $0xFFFF  }
0xad: {  	_ =	strace $0x90000047  }
0xae: {  	s0 =	stileid.u32;
	[bflag:$0x2] =	sbarrier.arrive $0xFFFF  }
0xaf: {  	p0 =	sne.s32 s0, $0x0;
	s0 =	rddreg [dreg:$0x2]  }
0xb0: {  	s0 =	sadd.s32 @!p0 $0x100000, s0  }
0xb1: {  	[sflag:s0] =	ssyncadd.tile.s32 @!p0 $0x1;
	_ =	shalt  }
.Lfunc_end2:
_tile_overlayer_lowered:
.L_overlay_start_2:
0xb2: {  	(tag) =	ssettag $0x2  }
0xb3: {  	s0 =	rddreg [dreg:$0x0];
	s2 =	stileid.u32  }
0xb4: {  	s1 =	rddreg [dreg:$0x1];
	p0 =	sne.s32 s2, $0x0  }
0xb5: {  	s3 =	rddreg [dreg:$0x2];
	[bflag:$0x3] =	sbarrier.arrive $0xFFFF;
	s2 =	simm.s32 @!p0 $0x1C03  }
0xb6: {  	[timem:s3], [sflag:s2] =	dma.local @!p0 [hbm:s0], s1  }
0xb7: {  	s0 =	simm.s32 @!p0 $0x3  }
0xb8: {  	_ =	swait.ge @!p0 [sflag:s0], s1  }
0xb9: {  	s1 =	ssub.s32 @!p0 $0x0, s1;
	[sflag:s0] =	ssyncset.done @!p0 $0x0  }
0xba: {  	[sflag:s0] =	ssyncadd.s32 @!p0 s1  }
0xbb: {  	[bflag:$0x3] =	sbarrier.arrive $0xFFFF  }
0xbc: {  	_ =	shalt  }

</sc_bundles>
